<compile_context>
chip_gen: v7x
topology: tpu7x:2x2x1
jax: 0.10.2.dev20260603
libtpu: 0.0.44.dev20260713+nightly
codegen_flags: <defaults>
</compile_context>

<pallas_src>
import functools

import jax
import jax.numpy as jnp
from jax import lax
from jax.experimental import pallas as pl
from jax.experimental.pallas import tpu as pltpu
from jax.experimental.pallas import tpu_sc as plsc

_NUM_WORKERS = 32
_B = 256
_LANES = 16


@functools.lru_cache(maxsize=None)
def _build_sc_segment_max(E: int, D: int, C: int):
    segs_per_w = _B // _NUM_WORKERS
    vregs_per_row = D // _LANES

    mesh = plsc.VectorSubcoreMesh(core_axis_name="c", subcore_axis_name="s")

    @functools.partial(
        pl.kernel,
        mesh=mesh,
        out_type=jax.ShapeDtypeStruct((_B * D,), jnp.float32),
        scratch_types=[
            pltpu.VMEM((_LANES,), jnp.int32),
            pltpu.VMEM((C * D,), jnp.float32),
            pltpu.VMEM((segs_per_w * D,), jnp.float32),
        ],
    )
    def sc_kernel(feat_hbm, offs_hbm, out_hbm, offv, buf, accv):
        wid = lax.axis_index("s") * 2 + lax.axis_index("c")
        s0 = wid * segs_per_w

        pltpu.sync_copy(offs_hbm.at[pl.ds(s0, _LANES)], offv)
        ov = offv[...]
        o = [ov[i] for i in range(segs_per_w + 1)]
        r_lo, r_hi = o[0], o[segs_per_w]

        ninf = jnp.full((_LANES,), -jnp.inf, dtype=jnp.float32)
        for k in range(segs_per_w * vregs_per_row):
            accv[pl.ds(k * _LANES, _LANES)] = ninf

        assert C & (C - 1) == 0
        log2c = C.bit_length() - 1
        nchunks = lax.shift_right_logical(r_hi - r_lo + (C - 1), log2c)

        def chunk_body(ci, carry):
            pos = r_lo + ci * C
            hi = jnp.minimum(pos + C, r_hi)
            off = jnp.minimum(pos, E - C)
            pltpu.sync_copy(feat_hbm.at[pl.ds(off * D, C * D)], buf)
            for k in range(segs_per_w):
                p_lo = jnp.maximum(o[k], pos) - off
                p_hi = jnp.minimum(o[k + 1], hi) - off
                acc = tuple(
                    accv[pl.ds(k * D + j * _LANES, _LANES)]
                    for j in range(vregs_per_row)
                )

                def row_body(r, a):
                    base = r * D
                    return tuple(
                        jnp.maximum(a[j], buf[pl.ds(base + j * _LANES, _LANES)])
                        for j in range(vregs_per_row)
                    )

                acc = lax.fori_loop(p_lo, p_hi, row_body, acc)
                for j in range(vregs_per_row):
                    accv[pl.ds(k * D + j * _LANES, _LANES)] = acc[j]
            return carry

        lax.fori_loop(0, nchunks, chunk_body, 0)

        pltpu.sync_copy(
            accv, out_hbm.at[pl.ds(wid * segs_per_w * D, segs_per_w * D)]
        )

    return sc_kernel


def kernel(feat, segment_ids, num_segments):
    E, D = feat.shape
    ids = jnp.minimum(segment_ids.astype(jnp.int32), num_segments - 1)
    ids = ids.astype(jnp.int32)
    starts = jnp.searchsorted(
        ids, jnp.arange(_B, dtype=jnp.int32), side="left"
    ).astype(jnp.int32)
    offs = jnp.concatenate([starts, jnp.full((_LANES,), E, jnp.int32)])
    sc = _build_sc_segment_max(E, D, 512)
    out = sc(feat.reshape(E * D), offs)
    return out.reshape(_B, D)

# --- scband reference (transcript-rebuilt; emitter-appended) ---
"""Pipeline reference for scband-max-pooling-edges-33586644255164 (READ-ONLY COPY).

The authoritative reference and input builder live on the scoring server;
editing this copy changes nothing except your own understanding.
"""

import jax, jax.numpy as jnp
import numpy as np


def setup_inputs(seed: int = 0) -> dict:
    key = jax.random.key(seed)
    k1, k2 = jax.random.split(key)
    E = 320000
    d = 128
    B = 256
    feat = jax.random.normal(k1, (E, d), dtype=jnp.float32)
    segment_ids = jnp.sort(jax.random.randint(k2, (E,), 0, B, dtype=jnp.int64))
    return {"feat": feat, "segment_ids": segment_ids, "num_segments": B}


def reference(feat, segment_ids, num_segments):
    # dgl.max_edges(graph, 'e') on a batched graph == per-graph (segment) max over edge features.
    # segment_ids[e] = graph index of edge e (sorted, as DGL batches graphs contiguously).
    B = 256
    segment_ids = jnp.minimum(segment_ids, num_segments - 1)
    readout = jax.ops.segment_max(
        feat, segment_ids, num_segments=B, indices_are_sorted=True
    )
    return readout

if __name__ == "__main__":
    import jax
    _d = setup_inputs()
    print(jax.jit(kernel)(*tuple(_d.values())))

</pallas_src>

<mosaic_0001>
#map = affine_map<(d0, d1) -> (0)>
module attributes {stable_mosaic.version = 14 : i64} {
  func.func @sc_kernel(%arg0: i32, %arg1: i32, %arg2: memref<40960000xf32, #tpu.memory_space<hbm>>, %arg3: memref<272xi32, #tpu.memory_space<hbm>>, %arg4: memref<32768xf32, #tpu.memory_space<hbm>>, %arg5: memref<16xi32, #tpu.memory_space<vmem>>, %arg6: memref<65536xf32, #tpu.memory_space<vmem>>, %arg7: memref<1024xf32, #tpu.memory_space<vmem>>) attributes {dimension_semantics = [#tpu.dimension_semantics<core_parallel>, #tpu.dimension_semantics<subcore_parallel>], iteration_bounds = array<i64: 2, 16>, scalar_prefetch = 0 : i64, scratch_operands = 3 : i64, tpu.core_type = #tpu.core_type<sc_vector_subcore>, window_params = [{transform_indices = #map}, {transform_indices = #map}, {transform_indices = #map}]} {
    %mul3A = arith.constant 2 : i32
    %mul3A_0 = arith.muli %arg1, %mul3A : i32
    %add3A = arith.addi %mul3A_0, %arg0 : i32
    %mul3A_1 = arith.constant 8 : i32
    %mul3A_2 = arith.muli %add3A, %mul3A_1 : i32
    "tpu.region"() ({
      %run_scoped3A = tpu.sem_alloc : memref<!tpu.dma_semaphore, #tpu.memory_space<semaphore_mem>>
      %dma_start3A = tpu.memref_slice %arg3[%mul3A_2] : memref<272xi32, #tpu.memory_space<hbm>> -> memref<16xi32, #tpu.memory_space<hbm>>
      %dma_start3A_293 = tpu.memref_slice %arg3[%mul3A_2] : memref<272xi32, #tpu.memory_space<hbm>> -> memref<16xi32, #tpu.memory_space<hbm>>
      tpu.enqueue_dma source(%dma_start3A_293 : memref<16xi32, #tpu.memory_space<hbm>>) target(%arg5 : memref<16xi32, #tpu.memory_space<vmem>>) target_semaphore(%run_scoped3A : memref<!tpu.dma_semaphore, #tpu.memory_space<semaphore_mem>>)
      %dma_wait3A = tpu.memref_slice %arg3[%mul3A_2] : memref<272xi32, #tpu.memory_space<hbm>> -> memref<16xi32, #tpu.memory_space<hbm>>
      %dma_wait3A_294 = tpu.memref_slice %arg3[%mul3A_2] : memref<272xi32, #tpu.memory_space<hbm>> -> memref<16xi32, #tpu.memory_space<hbm>>
      tpu.wait_dma2 semaphore(%run_scoped3A : memref<!tpu.dma_semaphore, #tpu.memory_space<semaphore_mem>>) src(%dma_wait3A_294 : memref<16xi32, #tpu.memory_space<hbm>>) dst(%arg5 : memref<16xi32, #tpu.memory_space<vmem>>)
      tpu.yield
    }) : () -> ()
    %get3A = arith.constant 0 : index
    %get3A_3 = tpu.vector_load %arg5[%get3A] {strides = array<i32>} : memref<16xi32, #tpu.memory_space<vmem>>, vector<16xi32>,
    %get3A_4 = vector.shape_cast %get3A_3 : vector<16xi32> to vector<16xi32>
    %slice3A = vector.extract_strided_slice %get3A_4 {offsets = [0], sizes = [1], strides = [1]} : vector<16xi32> to vector<1xi32>
    %squeeze3A = vector.extract %slice3A[0] : i32 from vector<1xi32>
    %slice3A_5 = vector.extract_strided_slice %get3A_4 {offsets = [1], sizes = [1], strides = [1]} : vector<16xi32> to vector<1xi32>
    %squeeze3A_6 = vector.extract %slice3A_5[0] : i32 from vector<1xi32>
    %slice3A_7 = vector.extract_strided_slice %get3A_4 {offsets = [2], sizes = [1], strides = [1]} : vector<16xi32> to vector<1xi32>
    %squeeze3A_8 = vector.extract %slice3A_7[0] : i32 from vector<1xi32>
    %slice3A_9 = vector.extract_strided_slice %get3A_4 {offsets = [3], sizes = [1], strides = [1]} : vector<16xi32> to vector<1xi32>
    %squeeze3A_10 = vector.extract %slice3A_9[0] : i32 from vector<1xi32>
    %slice3A_11 = vector.extract_strided_slice %get3A_4 {offsets = [4], sizes = [1], strides = [1]} : vector<16xi32> to vector<1xi32>
    %squeeze3A_12 = vector.extract %slice3A_11[0] : i32 from vector<1xi32>
    %slice3A_13 = vector.extract_strided_slice %get3A_4 {offsets = [5], sizes = [1], strides = [1]} : vector<16xi32> to vector<1xi32>
    %squeeze3A_14 = vector.extract %slice3A_13[0] : i32 from vector<1xi32>
    %slice3A_15 = vector.extract_strided_slice %get3A_4 {offsets = [6], sizes = [1], strides = [1]} : vector<16xi32> to vector<1xi32>
    %squeeze3A_16 = vector.extract %slice3A_15[0] : i32 from vector<1xi32>
    %slice3A_17 = vector.extract_strided_slice %get3A_4 {offsets = [7], sizes = [1], strides = [1]} : vector<16xi32> to vector<1xi32>
    %squeeze3A_18 = vector.extract %slice3A_17[0] : i32 from vector<1xi32>
    %slice3A_19 = vector.extract_strided_slice %get3A_4 {offsets = [8], sizes = [1], strides = [1]} : vector<16xi32> to vector<1xi32>
    %squeeze3A_20 = vector.extract %slice3A_19[0] : i32 from vector<1xi32>
    %broadcast_in_dim3A = arith.constant 0xFF800000 : f32
    %broadcast_in_dim3A_21 = vector.broadcast %broadcast_in_dim3A : f32 to vector<16xf32>
    %swap3A = arith.constant 0 : index
    %swap3A_22 = tpu.vector_load %arg7[%swap3A] {strides = array<i32>} : memref<1024xf32, #tpu.memory_space<vmem>>, vector<16xf32>,
    %swap3A_23 = vector.shape_cast %swap3A_22 : vector<16xf32> to vector<16xf32>
    %swap3A_24 = vector.shape_cast %broadcast_in_dim3A_21 : vector<16xf32> to vector<16xf32>
    tpu.vector_store %arg7[%swap3A], %swap3A_24 {strides = array<i32>} : memref<1024xf32, #tpu.memory_space<vmem>>, vector<16xf32>,
    %swap3A_25 = arith.constant 16 : index
    %swap3A_26 = tpu.vector_load %arg7[%swap3A_25] {strides = array<i32>} : memref<1024xf32, #tpu.memory_space<vmem>>, vector<16xf32>,
    %swap3A_27 = vector.shape_cast %swap3A_26 : vector<16xf32> to vector<16xf32>
    %swap3A_28 = vector.shape_cast %broadcast_in_dim3A_21 : vector<16xf32> to vector<16xf32>
    tpu.vector_store %arg7[%swap3A_25], %swap3A_28 {strides = array<i32>} : memref<1024xf32, #tpu.memory_space<vmem>>, vector<16xf32>,
    %swap3A_29 = arith.constant 32 : index
    %swap3A_30 = tpu.vector_load %arg7[%swap3A_29] {strides = array<i32>} : memref<1024xf32, #tpu.memory_space<vmem>>, vector<16xf32>,
    %swap3A_31 = vector.shape_cast %swap3A_30 : vector<16xf32> to vector<16xf32>
    %swap3A_32 = vector.shape_cast %broadcast_in_dim3A_21 : vector<16xf32> to vector<16xf32>
    tpu.vector_store %arg7[%swap3A_29], %swap3A_32 {strides = array<i32>} : memref<1024xf32, #tpu.memory_space<vmem>>, vector<16xf32>,
    %swap3A_33 = arith.constant 48 : index
    %swap3A_34 = tpu.vector_load %arg7[%swap3A_33] {strides = array<i32>} : memref<1024xf32, #tpu.memory_space<vmem>>, vector<16xf32>,
    %swap3A_35 = vector.shape_cast %swap3A_34 : vector<16xf32> to vector<16xf32>
    %swap3A_36 = vector.shape_cast %broadcast_in_dim3A_21 : vector<16xf32> to vector<16xf32>
    tpu.vector_store %arg7[%swap3A_33], %swap3A_36 {strides = array<i32>} : memref<1024xf32, #tpu.memory_space<vmem>>, vector<16xf32>,
    %swap3A_37 = arith.constant 64 : index
    %swap3A_38 = tpu.vector_load %arg7[%swap3A_37] {strides = array<i32>} : memref<1024xf32, #tpu.memory_space<vmem>>, vector<16xf32>,
    %swap3A_39 = vector.shape_cast %swap3A_38 : vector<16xf32> to vector<16xf32>
    %swap3A_40 = vector.shape_cast %broadcast_in_dim3A_21 : vector<16xf32> to vector<16xf32>
    tpu.vector_store %arg7[%swap3A_37], %swap3A_40 {strides = array<i32>} : memref<1024xf32, #tpu.memory_space<vmem>>, vector<16xf32>,
    %swap3A_41 = arith.constant 80 : index
    %swap3A_42 = tpu.vector_load %arg7[%swap3A_41] {strides = array<i32>} : memref<1024xf32, #tpu.memory_space<vmem>>, vector<16xf32>,
    %swap3A_43 = vector.shape_cast %swap3A_42 : vector<16xf32> to vector<16xf32>
    %swap3A_44 = vector.shape_cast %broadcast_in_dim3A_21 : vector<16xf32> to vector<16xf32>
    tpu.vector_store %arg7[%swap3A_41], %swap3A_44 {strides = array<i32>} : memref<1024xf32, #tpu.memory_space<vmem>>, vector<16xf32>,
    %swap3A_45 = arith.constant 96 : index
    %swap3A_46 = tpu.vector_load %arg7[%swap3A_45] {strides = array<i32>} : memref<1024xf32, #tpu.memory_space<vmem>>, vector<16xf32>,
    %swap3A_47 = vector.shape_cast %swap3A_46 : vector<16xf32> to vector<16xf32>
    %swap3A_48 = vector.shape_cast %broadcast_in_dim3A_21 : vector<16xf32> to vector<16xf32>
    tpu.vector_store %arg7[%swap3A_45], %swap3A_48 {strides = array<i32>} : memref<1024xf32, #tpu.memory_space<vmem>>, vector<16xf32>,
    %swap3A_49 = arith.constant 112 : index
    %swap3A_50 = tpu.vector_load %arg7[%swap3A_49] {strides = array<i32>} : memref<1024xf32, #tpu.memory_space<vmem>>, vector<16xf32>,
    %swap3A_51 = vector.shape_cast %swap3A_50 : vector<16xf32> to vector<16xf32>
    %swap3A_52 = vector.shape_cast %broadcast_in_dim3A_21 : vector<16xf32> to vector<16xf32>
    tpu.vector_store %arg7[%swap3A_49], %swap3A_52 {strides = array<i32>} : memref<1024xf32, #tpu.memory_space<vmem>>, vector<16xf32>,
    %swap3A_53 = arith.constant 128 : index
    %swap3A_54 = tpu.vector_load %arg7[%swap3A_53] {strides = array<i32>} : memref<1024xf32, #tpu.memory_space<vmem>>, vector<16xf32>,
    %swap3A_55 = vector.shape_cast %swap3A_54 : vector<16xf32> to vector<16xf32>
    %swap3A_56 = vector.shape_cast %broadcast_in_dim3A_21 : vector<16xf32> to vector<16xf32>
    tpu.vector_store %arg7[%swap3A_53], %swap3A_56 {strides = array<i32>} : memref<1024xf32, #tpu.memory_space<vmem>>, vector<16xf32>,
    %swap3A_57 = arith.constant 144 : index
    %swap3A_58 = tpu.vector_load %arg7[%swap3A_57] {strides = array<i32>} : memref<1024xf32, #tpu.memory_space<vmem>>, vector<16xf32>,
    %swap3A_59 = vector.shape_cast %swap3A_58 : vector<16xf32> to vector<16xf32>
    %swap3A_60 = vector.shape_cast %broadcast_in_dim3A_21 : vector<16xf32> to vector<16xf32>
    tpu.vector_store %arg7[%swap3A_57], %swap3A_60 {strides = array<i32>} : memref<1024xf32, #tpu.memory_space<vmem>>, vector<16xf32>,
    %swap3A_61 = arith.constant 160 : index
    %swap3A_62 = tpu.vector_load %arg7[%swap3A_61] {strides = array<i32>} : memref<1024xf32, #tpu.memory_space<vmem>>, vector<16xf32>,
    %swap3A_63 = vector.shape_cast %swap3A_62 : vector<16xf32> to vector<16xf32>
    %swap3A_64 = vector.shape_cast %broadcast_in_dim3A_21 : vector<16xf32> to vector<16xf32>
    tpu.vector_store %arg7[%swap3A_61], %swap3A_64 {strides = array<i32>} : memref<1024xf32, #tpu.memory_space<vmem>>, vector<16xf32>,
    %swap3A_65 = arith.constant 176 : index
    %swap3A_66 = tpu.vector_load %arg7[%swap3A_65] {strides = array<i32>} : memref<1024xf32, #tpu.memory_space<vmem>>, vector<16xf32>,
    %swap3A_67 = vector.shape_cast %swap3A_66 : vector<16xf32> to vector<16xf32>
    %swap3A_68 = vector.shape_cast %broadcast_in_dim3A_21 : vector<16xf32> to vector<16xf32>
    tpu.vector_store %arg7[%swap3A_65], %swap3A_68 {strides = array<i32>} : memref<1024xf32, #tpu.memory_space<vmem>>, vector<16xf32>,
    %swap3A_69 = arith.constant 192 : index
    %swap3A_70 = tpu.vector_load %arg7[%swap3A_69] {strides = array<i32>} : memref<1024xf32, #tpu.memory_space<vmem>>, vector<16xf32>,
    %swap3A_71 = vector.shape_cast %swap3A_70 : vector<16xf32> to vector<16xf32>
    %swap3A_72 = vector.shape_cast %broadcast_in_dim3A_21 : vector<16xf32> to vector<16xf32>
    tpu.vector_store %arg7[%swap3A_69], %swap3A_72 {strides = array<i32>} : memref<1024xf32, #tpu.memory_space<vmem>>, vector<16xf32>,
    %swap3A_73 = arith.constant 208 : index
    %swap3A_74 = tpu.vector_load %arg7[%swap3A_73] {strides = array<i32>} : memref<1024xf32, #tpu.memory_space<vmem>>, vector<16xf32>,
    %swap3A_75 = vector.shape_cast %swap3A_74 : vector<16xf32> to vector<16xf32>
    %swap3A_76 = vector.shape_cast %broadcast_in_dim3A_21 : vector<16xf32> to vector<16xf32>
    tpu.vector_store %arg7[%swap3A_73], %swap3A_76 {strides = array<i32>} : memref<1024xf32, #tpu.memory_space<vmem>>, vector<16xf32>,
    %swap3A_77 = arith.constant 224 : index
    %swap3A_78 = tpu.vector_load %arg7[%swap3A_77] {strides = array<i32>} : memref<1024xf32, #tpu.memory_space<vmem>>, vector<16xf32>,
    %swap3A_79 = vector.shape_cast %swap3A_78 : vector<16xf32> to vector<16xf32>
    %swap3A_80 = vector.shape_cast %broadcast_in_dim3A_21 : vector<16xf32> to vector<16xf32>
    tpu.vector_store %arg7[%swap3A_77], %swap3A_80 {strides = array<i32>} : memref<1024xf32, #tpu.memory_space<vmem>>, vector<16xf32>,
    %swap3A_81 = arith.constant 240 : index
    %swap3A_82 = tpu.vector_load %arg7[%swap3A_81] {strides = array<i32>} : memref<1024xf32, #tpu.memory_space<vmem>>, vector<16xf32>,
    %swap3A_83 = vector.shape_cast %swap3A_82 : vector<16xf32> to vector<16xf32>
    %swap3A_84 = vector.shape_cast %broadcast_in_dim3A_21 : vector<16xf32> to vector<16xf32>
    tpu.vector_store %arg7[%swap3A_81], %swap3A_84 {strides = array<i32>} : memref<1024xf32, #tpu.memory_space<vmem>>, vector<16xf32>,
    %swap3A_85 = arith.constant 256 : index
    %swap3A_86 = tpu.vector_load %arg7[%swap3A_85] {strides = array<i32>} : memref<1024xf32, #tpu.memory_space<vmem>>, vector<16xf32>,
    %swap3A_87 = vector.shape_cast %swap3A_86 : vector<16xf32> to vector<16xf32>
    %swap3A_88 = vector.shape_cast %broadcast_in_dim3A_21 : vector<16xf32> to vector<16xf32>
    tpu.vector_store %arg7[%swap3A_85], %swap3A_88 {strides = array<i32>} : memref<1024xf32, #tpu.memory_space<vmem>>, vector<16xf32>,
    %swap3A_89 = arith.constant 272 : index
    %swap3A_90 = tpu.vector_load %arg7[%swap3A_89] {strides = array<i32>} : memref<1024xf32, #tpu.memory_space<vmem>>, vector<16xf32>,
    %swap3A_91 = vector.shape_cast %swap3A_90 : vector<16xf32> to vector<16xf32>
    %swap3A_92 = vector.shape_cast %broadcast_in_dim3A_21 : vector<16xf32> to vector<16xf32>
    tpu.vector_store %arg7[%swap3A_89], %swap3A_92 {strides = array<i32>} : memref<1024xf32, #tpu.memory_space<vmem>>, vector<16xf32>,
    %swap3A_93 = arith.constant 288 : index
    %swap3A_94 = tpu.vector_load %arg7[%swap3A_93] {strides = array<i32>} : memref<1024xf32, #tpu.memory_space<vmem>>, vector<16xf32>,
    %swap3A_95 = vector.shape_cast %swap3A_94 : vector<16xf32> to vector<16xf32>
    %swap3A_96 = vector.shape_cast %broadcast_in_dim3A_21 : vector<16xf32> to vector<16xf32>
    tpu.vector_store %arg7[%swap3A_93], %swap3A_96 {strides = array<i32>} : memref<1024xf32, #tpu.memory_space<vmem>>, vector<16xf32>,
    %swap3A_97 = arith.constant 304 : index
    %swap3A_98 = tpu.vector_load %arg7[%swap3A_97] {strides = array<i32>} : memref<1024xf32, #tpu.memory_space<vmem>>, vector<16xf32>,
    %swap3A_99 = vector.shape_cast %swap3A_98 : vector<16xf32> to vector<16xf32>
    %swap3A_100 = vector.shape_cast %broadcast_in_dim3A_21 : vector<16xf32> to vector<16xf32>
    tpu.vector_store %arg7[%swap3A_97], %swap3A_100 {strides = array<i32>} : memref<1024xf32, #tpu.memory_space<vmem>>, vector<16xf32>,
    %swap3A_101 = arith.constant 320 : index
    %swap3A_102 = tpu.vector_load %arg7[%swap3A_101] {strides = array<i32>} : memref<1024xf32, #tpu.memory_space<vmem>>, vector<16xf32>,
    %swap3A_103 = vector.shape_cast %swap3A_102 : vector<16xf32> to vector<16xf32>
    %swap3A_104 = vector.shape_cast %broadcast_in_dim3A_21 : vector<16xf32> to vector<16xf32>
    tpu.vector_store %arg7[%swap3A_101], %swap3A_104 {strides = array<i32>} : memref<1024xf32, #tpu.memory_space<vmem>>, vector<16xf32>,
    %swap3A_105 = arith.constant 336 : index
    %swap3A_106 = tpu.vector_load %arg7[%swap3A_105] {strides = array<i32>} : memref<1024xf32, #tpu.memory_space<vmem>>, vector<16xf32>,
    %swap3A_107 = vector.shape_cast %swap3A_106 : vector<16xf32> to vector<16xf32>
    %swap3A_108 = vector.shape_cast %broadcast_in_dim3A_21 : vector<16xf32> to vector<16xf32>
    tpu.vector_store %arg7[%swap3A_105], %swap3A_108 {strides = array<i32>} : memref<1024xf32, #tpu.memory_space<vmem>>, vector<16xf32>,
    %swap3A_109 = arith.constant 352 : index
    %swap3A_110 = tpu.vector_load %arg7[%swap3A_109] {strides = array<i32>} : memref<1024xf32, #tpu.memory_space<vmem>>, vector<16xf32>,
    %swap3A_111 = vector.shape_cast %swap3A_110 : vector<16xf32> to vector<16xf32>
    %swap3A_112 = vector.shape_cast %broadcast_in_dim3A_21 : vector<16xf32> to vector<16xf32>
    tpu.vector_store %arg7[%swap3A_109], %swap3A_112 {strides = array<i32>} : memref<1024xf32, #tpu.memory_space<vmem>>, vector<16xf32>,
    %swap3A_113 = arith.constant 368 : index
    %swap3A_114 = tpu.vector_load %arg7[%swap3A_113] {strides = array<i32>} : memref<1024xf32, #tpu.memory_space<vmem>>, vector<16xf32>,
    %swap3A_115 = vector.shape_cast %swap3A_114 : vector<16xf32> to vector<16xf32>
    %swap3A_116 = vector.shape_cast %broadcast_in_dim3A_21 : vector<16xf32> to vector<16xf32>
    tpu.vector_store %arg7[%swap3A_113], %swap3A_116 {strides = array<i32>} : memref<1024xf32, #tpu.memory_space<vmem>>, vector<16xf32>,
    %swap3A_117 = arith.constant 384 : index
    %swap3A_118 = tpu.vector_load %arg7[%swap3A_117] {strides = array<i32>} : memref<1024xf32, #tpu.memory_space<vmem>>, vector<16xf32>,
    %swap3A_119 = vector.shape_cast %swap3A_118 : vector<16xf32> to vector<16xf32>
    %swap3A_120 = vector.shape_cast %broadcast_in_dim3A_21 : vector<16xf32> to vector<16xf32>
    tpu.vector_store %arg7[%swap3A_117], %swap3A_120 {strides = array<i32>} : memref<1024xf32, #tpu.memory_space<vmem>>, vector<16xf32>,
    %swap3A_121 = arith.constant 400 : index
    %swap3A_122 = tpu.vector_load %arg7[%swap3A_121] {strides = array<i32>} : memref<1024xf32, #tpu.memory_space<vmem>>, vector<16xf32>,
    %swap3A_123 = vector.shape_cast %swap3A_122 : vector<16xf32> to vector<16xf32>
    %swap3A_124 = vector.shape_cast %broadcast_in_dim3A_21 : vector<16xf32> to vector<16xf32>
    tpu.vector_store %arg7[%swap3A_121], %swap3A_124 {strides = array<i32>} : memref<1024xf32, #tpu.memory_space<vmem>>, vector<16xf32>,
    %swap3A_125 = arith.constant 416 : index
    %swap3A_126 = tpu.vector_load %arg7[%swap3A_125] {strides = array<i32>} : memref<1024xf32, #tpu.memory_space<vmem>>, vector<16xf32>,
    %swap3A_127 = vector.shape_cast %swap3A_126 : vector<16xf32> to vector<16xf32>
    %swap3A_128 = vector.shape_cast %broadcast_in_dim3A_21 : vector<16xf32> to vector<16xf32>
    tpu.vector_store %arg7[%swap3A_125], %swap3A_128 {strides = array<i32>} : memref<1024xf32, #tpu.memory_space<vmem>>, vector<16xf32>,
    %swap3A_129 = arith.constant 432 : index
    %swap3A_130 = tpu.vector_load %arg7[%swap3A_129] {strides = array<i32>} : memref<1024xf32, #tpu.memory_space<vmem>>, vector<16xf32>,
    %swap3A_131 = vector.shape_cast %swap3A_130 : vector<16xf32> to vector<16xf32>
    %swap3A_132 = vector.shape_cast %broadcast_in_dim3A_21 : vector<16xf32> to vector<16xf32>
    tpu.vector_store %arg7[%swap3A_129], %swap3A_132 {strides = array<i32>} : memref<1024xf32, #tpu.memory_space<vmem>>, vector<16xf32>,
    %swap3A_133 = arith.constant 448 : index
    %swap3A_134 = tpu.vector_load %arg7[%swap3A_133] {strides = array<i32>} : memref<1024xf32, #tpu.memory_space<vmem>>, vector<16xf32>,
    %swap3A_135 = vector.shape_cast %swap3A_134 : vector<16xf32> to vector<16xf32>
    %swap3A_136 = vector.shape_cast %broadcast_in_dim3A_21 : vector<16xf32> to vector<16xf32>
    tpu.vector_store %arg7[%swap3A_133], %swap3A_136 {strides = array<i32>} : memref<1024xf32, #tpu.memory_space<vmem>>, vector<16xf32>,
    %swap3A_137 = arith.constant 464 : index
    %swap3A_138 = tpu.vector_load %arg7[%swap3A_137] {strides = array<i32>} : memref<1024xf32, #tpu.memory_space<vmem>>, vector<16xf32>,
    %swap3A_139 = vector.shape_cast %swap3A_138 : vector<16xf32> to vector<16xf32>
    %swap3A_140 = vector.shape_cast %broadcast_in_dim3A_21 : vector<16xf32> to vector<16xf32>
    tpu.vector_store %arg7[%swap3A_137], %swap3A_140 {strides = array<i32>} : memref<1024xf32, #tpu.memory_space<vmem>>, vector<16xf32>,
    %swap3A_141 = arith.constant 480 : index
    %swap3A_142 = tpu.vector_load %arg7[%swap3A_141] {strides = array<i32>} : memref<1024xf32, #tpu.memory_space<vmem>>, vector<16xf32>,
    %swap3A_143 = vector.shape_cast %swap3A_142 : vector<16xf32> to vector<16xf32>
    %swap3A_144 = vector.shape_cast %broadcast_in_dim3A_21 : vector<16xf32> to vector<16xf32>
    tpu.vector_store %arg7[%swap3A_141], %swap3A_144 {strides = array<i32>} : memref<1024xf32, #tpu.memory_space<vmem>>, vector<16xf32>,
    %swap3A_145 = arith.constant 496 : index
    %swap3A_146 = tpu.vector_load %arg7[%swap3A_145] {strides = array<i32>} : memref<1024xf32, #tpu.memory_space<vmem>>, vector<16xf32>,
    %swap3A_147 = vector.shape_cast %swap3A_146 : vector<16xf32> to vector<16xf32>
    %swap3A_148 = vector.shape_cast %broadcast_in_dim3A_21 : vector<16xf32> to vector<16xf32>
    tpu.vector_store %arg7[%swap3A_145], %swap3A_148 {strides = array<i32>} : memref<1024xf32, #tpu.memory_space<vmem>>, vector<16xf32>,
    %swap3A_149 = arith.constant 512 : index
    %swap3A_150 = tpu.vector_load %arg7[%swap3A_149] {strides = array<i32>} : memref<1024xf32, #tpu.memory_space<vmem>>, vector<16xf32>,
    %swap3A_151 = vector.shape_cast %swap3A_150 : vector<16xf32> to vector<16xf32>
    %swap3A_152 = vector.shape_cast %broadcast_in_dim3A_21 : vector<16xf32> to vector<16xf32>
    tpu.vector_store %arg7[%swap3A_149], %swap3A_152 {strides = array<i32>} : memref<1024xf32, #tpu.memory_space<vmem>>, vector<16xf32>,
    %swap3A_153 = arith.constant 528 : index
    %swap3A_154 = tpu.vector_load %arg7[%swap3A_153] {strides = array<i32>} : memref<1024xf32, #tpu.memory_space<vmem>>, vector<16xf32>,
    %swap3A_155 = vector.shape_cast %swap3A_154 : vector<16xf32> to vector<16xf32>
    %swap3A_156 = vector.shape_cast %broadcast_in_dim3A_21 : vector<16xf32> to vector<16xf32>
    tpu.vector_store %arg7[%swap3A_153], %swap3A_156 {strides = array<i32>} : memref<1024xf32, #tpu.memory_space<vmem>>, vector<16xf32>,
    %swap3A_157 = arith.constant 544 : index
    %swap3A_158 = tpu.vector_load %arg7[%swap3A_157] {strides = array<i32>} : memref<1024xf32, #tpu.memory_space<vmem>>, vector<16xf32>,
    %swap3A_159 = vector.shape_cast %swap3A_158 : vector<16xf32> to vector<16xf32>
    %swap3A_160 = vector.shape_cast %broadcast_in_dim3A_21 : vector<16xf32> to vector<16xf32>
    tpu.vector_store %arg7[%swap3A_157], %swap3A_160 {strides = array<i32>} : memref<1024xf32, #tpu.memory_space<vmem>>, vector<16xf32>,
    %swap3A_161 = arith.constant 560 : index
    %swap3A_162 = tpu.vector_load %arg7[%swap3A_161] {strides = array<i32>} : memref<1024xf32, #tpu.memory_space<vmem>>, vector<16xf32>,
    %swap3A_163 = vector.shape_cast %swap3A_162 : vector<16xf32> to vector<16xf32>
    %swap3A_164 = vector.shape_cast %broadcast_in_dim3A_21 : vector<16xf32> to vector<16xf32>
    tpu.vector_store %arg7[%swap3A_161], %swap3A_164 {strides = array<i32>} : memref<1024xf32, #tpu.memory_space<vmem>>, vector<16xf32>,
    %swap3A_165 = arith.constant 576 : index
    %swap3A_166 = tpu.vector_load %arg7[%swap3A_165] {strides = array<i32>} : memref<1024xf32, #tpu.memory_space<vmem>>, vector<16xf32>,
    %swap3A_167 = vector.shape_cast %swap3A_166 : vector<16xf32> to vector<16xf32>
    %swap3A_168 = vector.shape_cast %broadcast_in_dim3A_21 : vector<16xf32> to vector<16xf32>
    tpu.vector_store %arg7[%swap3A_165], %swap3A_168 {strides = array<i32>} : memref<1024xf32, #tpu.memory_space<vmem>>, vector<16xf32>,
    %swap3A_169 = arith.constant 592 : index
    %swap3A_170 = tpu.vector_load %arg7[%swap3A_169] {strides = array<i32>} : memref<1024xf32, #tpu.memory_space<vmem>>, vector<16xf32>,
    %swap3A_171 = vector.shape_cast %swap3A_170 : vector<16xf32> to vector<16xf32>
    %swap3A_172 = vector.shape_cast %broadcast_in_dim3A_21 : vector<16xf32> to vector<16xf32>
    tpu.vector_store %arg7[%swap3A_169], %swap3A_172 {strides = array<i32>} : memref<1024xf32, #tpu.memory_space<vmem>>, vector<16xf32>,
    %swap3A_173 = arith.constant 608 : index
    %swap3A_174 = tpu.vector_load %arg7[%swap3A_173] {strides = array<i32>} : memref<1024xf32, #tpu.memory_space<vmem>>, vector<16xf32>,
    %swap3A_175 = vector.shape_cast %swap3A_174 : vector<16xf32> to vector<16xf32>
    %swap3A_176 = vector.shape_cast %broadcast_in_dim3A_21 : vector<16xf32> to vector<16xf32>
    tpu.vector_store %arg7[%swap3A_173], %swap3A_176 {strides = array<i32>} : memref<1024xf32, #tpu.memory_space<vmem>>, vector<16xf32>,
    %swap3A_177 = arith.constant 624 : index
    %swap3A_178 = tpu.vector_load %arg7[%swap3A_177] {strides = array<i32>} : memref<1024xf32, #tpu.memory_space<vmem>>, vector<16xf32>,
    %swap3A_179 = vector.shape_cast %swap3A_178 : vector<16xf32> to vector<16xf32>
    %swap3A_180 = vector.shape_cast %broadcast_in_dim3A_21 : vector<16xf32> to vector<16xf32>
    tpu.vector_store %arg7[%swap3A_177], %swap3A_180 {strides = array<i32>} : memref<1024xf32, #tpu.memory_space<vmem>>, vector<16xf32>,
    %swap3A_181 = arith.constant 640 : index
    %swap3A_182 = tpu.vector_load %arg7[%swap3A_181] {strides = array<i32>} : memref<1024xf32, #tpu.memory_space<vmem>>, vector<16xf32>,
    %swap3A_183 = vector.shape_cast %swap3A_182 : vector<16xf32> to vector<16xf32>
    %swap3A_184 = vector.shape_cast %broadcast_in_dim3A_21 : vector<16xf32> to vector<16xf32>
    tpu.vector_store %arg7[%swap3A_181], %swap3A_184 {strides = array<i32>} : memref<1024xf32, #tpu.memory_space<vmem>>, vector<16xf32>,
    %swap3A_185 = arith.constant 656 : index
    %swap3A_186 = tpu.vector_load %arg7[%swap3A_185] {strides = array<i32>} : memref<1024xf32, #tpu.memory_space<vmem>>, vector<16xf32>,
    %swap3A_187 = vector.shape_cast %swap3A_186 : vector<16xf32> to vector<16xf32>
    %swap3A_188 = vector.shape_cast %broadcast_in_dim3A_21 : vector<16xf32> to vector<16xf32>
    tpu.vector_store %arg7[%swap3A_185], %swap3A_188 {strides = array<i32>} : memref<1024xf32, #tpu.memory_space<vmem>>, vector<16xf32>,
    %swap3A_189 = arith.constant 672 : index
    %swap3A_190 = tpu.vector_load %arg7[%swap3A_189] {strides = array<i32>} : memref<1024xf32, #tpu.memory_space<vmem>>, vector<16xf32>,
    %swap3A_191 = vector.shape_cast %swap3A_190 : vector<16xf32> to vector<16xf32>
    %swap3A_192 = vector.shape_cast %broadcast_in_dim3A_21 : vector<16xf32> to vector<16xf32>
    tpu.vector_store %arg7[%swap3A_189], %swap3A_192 {strides = array<i32>} : memref<1024xf32, #tpu.memory_space<vmem>>, vector<16xf32>,
    %swap3A_193 = arith.constant 688 : index
    %swap3A_194 = tpu.vector_load %arg7[%swap3A_193] {strides = array<i32>} : memref<1024xf32, #tpu.memory_space<vmem>>, vector<16xf32>,
    %swap3A_195 = vector.shape_cast %swap3A_194 : vector<16xf32> to vector<16xf32>
    %swap3A_196 = vector.shape_cast %broadcast_in_dim3A_21 : vector<16xf32> to vector<16xf32>
    tpu.vector_store %arg7[%swap3A_193], %swap3A_196 {strides = array<i32>} : memref<1024xf32, #tpu.memory_space<vmem>>, vector<16xf32>,
    %swap3A_197 = arith.constant 704 : index
    %swap3A_198 = tpu.vector_load %arg7[%swap3A_197] {strides = array<i32>} : memref<1024xf32, #tpu.memory_space<vmem>>, vector<16xf32>,
    %swap3A_199 = vector.shape_cast %swap3A_198 : vector<16xf32> to vector<16xf32>
    %swap3A_200 = vector.shape_cast %broadcast_in_dim3A_21 : vector<16xf32> to vector<16xf32>
    tpu.vector_store %arg7[%swap3A_197], %swap3A_200 {strides = array<i32>} : memref<1024xf32, #tpu.memory_space<vmem>>, vector<16xf32>,
    %swap3A_201 = arith.constant 720 : index
    %swap3A_202 = tpu.vector_load %arg7[%swap3A_201] {strides = array<i32>} : memref<1024xf32, #tpu.memory_space<vmem>>, vector<16xf32>,
    %swap3A_203 = vector.shape_cast %swap3A_202 : vector<16xf32> to vector<16xf32>
    %swap3A_204 = vector.shape_cast %broadcast_in_dim3A_21 : vector<16xf32> to vector<16xf32>
    tpu.vector_store %arg7[%swap3A_201], %swap3A_204 {strides = array<i32>} : memref<1024xf32, #tpu.memory_space<vmem>>, vector<16xf32>,
    %swap3A_205 = arith.constant 736 : index
    %swap3A_206 = tpu.vector_load %arg7[%swap3A_205] {strides = array<i32>} : memref<1024xf32, #tpu.memory_space<vmem>>, vector<16xf32>,
    %swap3A_207 = vector.shape_cast %swap3A_206 : vector<16xf32> to vector<16xf32>
    %swap3A_208 = vector.shape_cast %broadcast_in_dim3A_21 : vector<16xf32> to vector<16xf32>
    tpu.vector_store %arg7[%swap3A_205], %swap3A_208 {strides = array<i32>} : memref<1024xf32, #tpu.memory_space<vmem>>, vector<16xf32>,
    %swap3A_209 = arith.constant 752 : index
    %swap3A_210 = tpu.vector_load %arg7[%swap3A_209] {strides = array<i32>} : memref<1024xf32, #tpu.memory_space<vmem>>, vector<16xf32>,
    %swap3A_211 = vector.shape_cast %swap3A_210 : vector<16xf32> to vector<16xf32>
    %swap3A_212 = vector.shape_cast %broadcast_in_dim3A_21 : vector<16xf32> to vector<16xf32>
    tpu.vector_store %arg7[%swap3A_209], %swap3A_212 {strides = array<i32>} : memref<1024xf32, #tpu.memory_space<vmem>>, vector<16xf32>,
    %swap3A_213 = arith.constant 768 : index
    %swap3A_214 = tpu.vector_load %arg7[%swap3A_213] {strides = array<i32>} : memref<1024xf32, #tpu.memory_space<vmem>>, vector<16xf32>,
    %swap3A_215 = vector.shape_cast %swap3A_214 : vector<16xf32> to vector<16xf32>
    %swap3A_216 = vector.shape_cast %broadcast_in_dim3A_21 : vector<16xf32> to vector<16xf32>
    tpu.vector_store %arg7[%swap3A_213], %swap3A_216 {strides = array<i32>} : memref<1024xf32, #tpu.memory_space<vmem>>, vector<16xf32>,
    %swap3A_217 = arith.constant 784 : index
    %swap3A_218 = tpu.vector_load %arg7[%swap3A_217] {strides = array<i32>} : memref<1024xf32, #tpu.memory_space<vmem>>, vector<16xf32>,
    %swap3A_219 = vector.shape_cast %swap3A_218 : vector<16xf32> to vector<16xf32>
    %swap3A_220 = vector.shape_cast %broadcast_in_dim3A_21 : vector<16xf32> to vector<16xf32>
    tpu.vector_store %arg7[%swap3A_217], %swap3A_220 {strides = array<i32>} : memref<1024xf32, #tpu.memory_space<vmem>>, vector<16xf32>,
    %swap3A_221 = arith.constant 800 : index
    %swap3A_222 = tpu.vector_load %arg7[%swap3A_221] {strides = array<i32>} : memref<1024xf32, #tpu.memory_space<vmem>>, vector<16xf32>,
    %swap3A_223 = vector.shape_cast %swap3A_222 : vector<16xf32> to vector<16xf32>
    %swap3A_224 = vector.shape_cast %broadcast_in_dim3A_21 : vector<16xf32> to vector<16xf32>
    tpu.vector_store %arg7[%swap3A_221], %swap3A_224 {strides = array<i32>} : memref<1024xf32, #tpu.memory_space<vmem>>, vector<16xf32>,
    %swap3A_225 = arith.constant 816 : index
    %swap3A_226 = tpu.vector_load %arg7[%swap3A_225] {strides = array<i32>} : memref<1024xf32, #tpu.memory_space<vmem>>, vector<16xf32>,
    %swap3A_227 = vector.shape_cast %swap3A_226 : vector<16xf32> to vector<16xf32>
    %swap3A_228 = vector.shape_cast %broadcast_in_dim3A_21 : vector<16xf32> to vector<16xf32>
    tpu.vector_store %arg7[%swap3A_225], %swap3A_228 {strides = array<i32>} : memref<1024xf32, #tpu.memory_space<vmem>>, vector<16xf32>,
    %swap3A_229 = arith.constant 832 : index
    %swap3A_230 = tpu.vector_load %arg7[%swap3A_229] {strides = array<i32>} : memref<1024xf32, #tpu.memory_space<vmem>>, vector<16xf32>,
    %swap3A_231 = vector.shape_cast %swap3A_230 : vector<16xf32> to vector<16xf32>
    %swap3A_232 = vector.shape_cast %broadcast_in_dim3A_21 : vector<16xf32> to vector<16xf32>
    tpu.vector_store %arg7[%swap3A_229], %swap3A_232 {strides = array<i32>} : memref<1024xf32, #tpu.memory_space<vmem>>, vector<16xf32>,
    %swap3A_233 = arith.constant 848 : index
    %swap3A_234 = tpu.vector_load %arg7[%swap3A_233] {strides = array<i32>} : memref<1024xf32, #tpu.memory_space<vmem>>, vector<16xf32>,
    %swap3A_235 = vector.shape_cast %swap3A_234 : vector<16xf32> to vector<16xf32>
    %swap3A_236 = vector.shape_cast %broadcast_in_dim3A_21 : vector<16xf32> to vector<16xf32>
    tpu.vector_store %arg7[%swap3A_233], %swap3A_236 {strides = array<i32>} : memref<1024xf32, #tpu.memory_space<vmem>>, vector<16xf32>,
    %swap3A_237 = arith.constant 864 : index
    %swap3A_238 = tpu.vector_load %arg7[%swap3A_237] {strides = array<i32>} : memref<1024xf32, #tpu.memory_space<vmem>>, vector<16xf32>,
    %swap3A_239 = vector.shape_cast %swap3A_238 : vector<16xf32> to vector<16xf32>
    %swap3A_240 = vector.shape_cast %broadcast_in_dim3A_21 : vector<16xf32> to vector<16xf32>
    tpu.vector_store %arg7[%swap3A_237], %swap3A_240 {strides = array<i32>} : memref<1024xf32, #tpu.memory_space<vmem>>, vector<16xf32>,
    %swap3A_241 = arith.constant 880 : index
    %swap3A_242 = tpu.vector_load %arg7[%swap3A_241] {strides = array<i32>} : memref<1024xf32, #tpu.memory_space<vmem>>, vector<16xf32>,
    %swap3A_243 = vector.shape_cast %swap3A_242 : vector<16xf32> to vector<16xf32>
    %swap3A_244 = vector.shape_cast %broadcast_in_dim3A_21 : vector<16xf32> to vector<16xf32>
    tpu.vector_store %arg7[%swap3A_241], %swap3A_244 {strides = array<i32>} : memref<1024xf32, #tpu.memory_space<vmem>>, vector<16xf32>,
    %swap3A_245 = arith.constant 896 : index
    %swap3A_246 = tpu.vector_load %arg7[%swap3A_245] {strides = array<i32>} : memref<1024xf32, #tpu.memory_space<vmem>>, vector<16xf32>,
    %swap3A_247 = vector.shape_cast %swap3A_246 : vector<16xf32> to vector<16xf32>
    %swap3A_248 = vector.shape_cast %broadcast_in_dim3A_21 : vector<16xf32> to vector<16xf32>
    tpu.vector_store %arg7[%swap3A_245], %swap3A_248 {strides = array<i32>} : memref<1024xf32, #tpu.memory_space<vmem>>, vector<16xf32>,
    %swap3A_249 = arith.constant 912 : index
    %swap3A_250 = tpu.vector_load %arg7[%swap3A_249] {strides = array<i32>} : memref<1024xf32, #tpu.memory_space<vmem>>, vector<16xf32>,
    %swap3A_251 = vector.shape_cast %swap3A_250 : vector<16xf32> to vector<16xf32>
    %swap3A_252 = vector.shape_cast %broadcast_in_dim3A_21 : vector<16xf32> to vector<16xf32>
    tpu.vector_store %arg7[%swap3A_249], %swap3A_252 {strides = array<i32>} : memref<1024xf32, #tpu.memory_space<vmem>>, vector<16xf32>,
    %swap3A_253 = arith.constant 928 : index
    %swap3A_254 = tpu.vector_load %arg7[%swap3A_253] {strides = array<i32>} : memref<1024xf32, #tpu.memory_space<vmem>>, vector<16xf32>,
    %swap3A_255 = vector.shape_cast %swap3A_254 : vector<16xf32> to vector<16xf32>
    %swap3A_256 = vector.shape_cast %broadcast_in_dim3A_21 : vector<16xf32> to vector<16xf32>
    tpu.vector_store %arg7[%swap3A_253], %swap3A_256 {strides = array<i32>} : memref<1024xf32, #tpu.memory_space<vmem>>, vector<16xf32>,
    %swap3A_257 = arith.constant 944 : index
    %swap3A_258 = tpu.vector_load %arg7[%swap3A_257] {strides = array<i32>} : memref<1024xf32, #tpu.memory_space<vmem>>, vector<16xf32>,
    %swap3A_259 = vector.shape_cast %swap3A_258 : vector<16xf32> to vector<16xf32>
    %swap3A_260 = vector.shape_cast %broadcast_in_dim3A_21 : vector<16xf32> to vector<16xf32>
    tpu.vector_store %arg7[%swap3A_257], %swap3A_260 {strides = array<i32>} : memref<1024xf32, #tpu.memory_space<vmem>>, vector<16xf32>,
    %swap3A_261 = arith.constant 960 : index
    %swap3A_262 = tpu.vector_load %arg7[%swap3A_261] {strides = array<i32>} : memref<1024xf32, #tpu.memory_space<vmem>>, vector<16xf32>,
    %swap3A_263 = vector.shape_cast %swap3A_262 : vector<16xf32> to vector<16xf32>
    %swap3A_264 = vector.shape_cast %broadcast_in_dim3A_21 : vector<16xf32> to vector<16xf32>
    tpu.vector_store %arg7[%swap3A_261], %swap3A_264 {strides = array<i32>} : memref<1024xf32, #tpu.memory_space<vmem>>, vector<16xf32>,
    %swap3A_265 = arith.constant 976 : index
    %swap3A_266 = tpu.vector_load %arg7[%swap3A_265] {strides = array<i32>} : memref<1024xf32, #tpu.memory_space<vmem>>, vector<16xf32>,
    %swap3A_267 = vector.shape_cast %swap3A_266 : vector<16xf32> to vector<16xf32>
    %swap3A_268 = vector.shape_cast %broadcast_in_dim3A_21 : vector<16xf32> to vector<16xf32>
    tpu.vector_store %arg7[%swap3A_265], %swap3A_268 {strides = array<i32>} : memref<1024xf32, #tpu.memory_space<vmem>>, vector<16xf32>,
    %swap3A_269 = arith.constant 992 : index
    %swap3A_270 = tpu.vector_load %arg7[%swap3A_269] {strides = array<i32>} : memref<1024xf32, #tpu.memory_space<vmem>>, vector<16xf32>,
    %swap3A_271 = vector.shape_cast %swap3A_270 : vector<16xf32> to vector<16xf32>
    %swap3A_272 = vector.shape_cast %broadcast_in_dim3A_21 : vector<16xf32> to vector<16xf32>
    tpu.vector_store %arg7[%swap3A_269], %swap3A_272 {strides = array<i32>} : memref<1024xf32, #tpu.memory_space<vmem>>, vector<16xf32>,
    %swap3A_273 = arith.constant 1008 : index
    %swap3A_274 = tpu.vector_load %arg7[%swap3A_273] {strides = array<i32>} : memref<1024xf32, #tpu.memory_space<vmem>>, vector<16xf32>,
    %swap3A_275 = vector.shape_cast %swap3A_274 : vector<16xf32> to vector<16xf32>
    %swap3A_276 = vector.shape_cast %broadcast_in_dim3A_21 : vector<16xf32> to vector<16xf32>
    tpu.vector_store %arg7[%swap3A_273], %swap3A_276 {strides = array<i32>} : memref<1024xf32, #tpu.memory_space<vmem>>, vector<16xf32>,
    %sub3A = arith.subi %squeeze3A_20, %squeeze3A : i32
    %add3A_277 = arith.constant 511 : i32
    %add3A_278 = arith.addi %sub3A, %add3A_277 : i32
    %shift_right_logical3A = arith.constant 9 : i32
    %shift_right_logical3A_279 = arith.shrui %add3A_278, %shift_right_logical3A : i32
    %while3A = arith.constant 0 : i32
    %while3A_280 = arith.constant 0 : i32
    %while3A_281 = arith.subi %shift_right_logical3A_279, %while3A_280 : i32
    %while3A_282 = arith.addi %while3A_280, %while3A_281 : i32
    %while3A_283 = arith.constant 1 : i32
    %while3A_284 = arith.divsi %while3A_281, %while3A_283 : i32
    %while3A_285 = arith.muli %while3A_284, %while3A_283 : i32
    %while3A_286 = arith.addi %while3A_280, %while3A_285 : i32
    %while3A_287 = arith.constant 1 : i32
    scf.for %while3A_293 = %while3A_280 to %while3A_286 step %while3A_287  : i32 {
      %mul3A_294 = arith.constant 512 : i32
      %mul3A_295 = arith.muli %while3A_293, %mul3A_294 : i32
      %add3A_296 = arith.addi %squeeze3A, %mul3A_295 : i32
      %add3A_297 = arith.constant 512 : i32
      %add3A_298 = arith.addi %add3A_296, %add3A_297 : i32
      %min3A = arith.minsi %add3A_298, %squeeze3A_20 : i32
      %min3A_299 = arith.constant 319488 : i32
      %min3A_300 = arith.minsi %add3A_296, %min3A_299 : i32
      %mul3A_301 = arith.constant 128 : i32
      %mul3A_302 = arith.muli %min3A_300, %mul3A_301 : i32
      "tpu.region"() ({
        %run_scoped3A = tpu.sem_alloc : memref<!tpu.dma_semaphore, #tpu.memory_space<semaphore_mem>>
        %dma_start3A = tpu.memref_slice %arg2[%mul3A_302] : memref<40960000xf32, #tpu.memory_space<hbm>> -> memref<65536xf32, #tpu.memory_space<hbm>>
        %dma_start3A_862 = tpu.memref_slice %arg2[%mul3A_302] : memref<40960000xf32, #tpu.memory_space<hbm>> -> memref<65536xf32, #tpu.memory_space<hbm>>
        tpu.enqueue_dma source(%dma_start3A_862 : memref<65536xf32, #tpu.memory_space<hbm>>) target(%arg6 : memref<65536xf32, #tpu.memory_space<vmem>>) target_semaphore(%run_scoped3A : memref<!tpu.dma_semaphore, #tpu.memory_space<semaphore_mem>>)
        %dma_wait3A = tpu.memref_slice %arg2[%mul3A_302] : memref<40960000xf32, #tpu.memory_space<hbm>> -> memref<65536xf32, #tpu.memory_space<hbm>>
        %dma_wait3A_863 = tpu.memref_slice %arg2[%mul3A_302] : memref<40960000xf32, #tpu.memory_space<hbm>> -> memref<65536xf32, #tpu.memory_space<hbm>>
        tpu.wait_dma2 semaphore(%run_scoped3A : memref<!tpu.dma_semaphore, #tpu.memory_space<semaphore_mem>>) src(%dma_wait3A_863 : memref<65536xf32, #tpu.memory_space<hbm>>) dst(%arg6 : memref<65536xf32, #tpu.memory_space<vmem>>)
        tpu.yield
      }) : () -> ()
      %max3A = arith.maxsi %squeeze3A, %add3A_296 : i32
      %sub3A_303 = arith.subi %max3A, %min3A_300 : i32
      %min3A_304 = arith.minsi %squeeze3A_6, %min3A : i32
      %sub3A_305 = arith.subi %min3A_304, %min3A_300 : i32
      %get3A_306 = arith.constant 0 : index
      %get3A_307 = tpu.vector_load %arg7[%get3A_306] {strides = array<i32>} : memref<1024xf32, #tpu.memory_space<vmem>>, vector<16xf32>,
      %get3A_308 = vector.shape_cast %get3A_307 : vector<16xf32> to vector<16xf32>
      %get3A_309 = arith.constant 16 : index
      %get3A_310 = tpu.vector_load %arg7[%get3A_309] {strides = array<i32>} : memref<1024xf32, #tpu.memory_space<vmem>>, vector<16xf32>,
      %get3A_311 = vector.shape_cast %get3A_310 : vector<16xf32> to vector<16xf32>
      %get3A_312 = arith.constant 32 : index
      %get3A_313 = tpu.vector_load %arg7[%get3A_312] {strides = array<i32>} : memref<1024xf32, #tpu.memory_space<vmem>>, vector<16xf32>,
      %get3A_314 = vector.shape_cast %get3A_313 : vector<16xf32> to vector<16xf32>
      %get3A_315 = arith.constant 48 : index
      %get3A_316 = tpu.vector_load %arg7[%get3A_315] {strides = array<i32>} : memref<1024xf32, #tpu.memory_space<vmem>>, vector<16xf32>,
      %get3A_317 = vector.shape_cast %get3A_316 : vector<16xf32> to vector<16xf32>
      %get3A_318 = arith.constant 64 : index
      %get3A_319 = tpu.vector_load %arg7[%get3A_318] {strides = array<i32>} : memref<1024xf32, #tpu.memory_space<vmem>>, vector<16xf32>,
      %get3A_320 = vector.shape_cast %get3A_319 : vector<16xf32> to vector<16xf32>
      %get3A_321 = arith.constant 80 : index
      %get3A_322 = tpu.vector_load %arg7[%get3A_321] {strides = array<i32>} : memref<1024xf32, #tpu.memory_space<vmem>>, vector<16xf32>,
      %get3A_323 = vector.shape_cast %get3A_322 : vector<16xf32> to vector<16xf32>
      %get3A_324 = arith.constant 96 : index
      %get3A_325 = tpu.vector_load %arg7[%get3A_324] {strides = array<i32>} : memref<1024xf32, #tpu.memory_space<vmem>>, vector<16xf32>,
      %get3A_326 = vector.shape_cast %get3A_325 : vector<16xf32> to vector<16xf32>
      %get3A_327 = arith.constant 112 : index
      %get3A_328 = tpu.vector_load %arg7[%get3A_327] {strides = array<i32>} : memref<1024xf32, #tpu.memory_space<vmem>>, vector<16xf32>,
      %get3A_329 = vector.shape_cast %get3A_328 : vector<16xf32> to vector<16xf32>
      %while3A_330 = arith.subi %sub3A_305, %sub3A_303 : i32
      %while3A_331 = arith.addi %sub3A_303, %while3A_330 : i32
      %while3A_332 = arith.constant 1 : i32
      %while3A_333 = arith.divsi %while3A_330, %while3A_332 : i32
      %while3A_334 = arith.muli %while3A_333, %while3A_332 : i32
      %while3A_335 = arith.addi %sub3A_303, %while3A_334 : i32
      %while3A_336 = arith.constant 1 : i32
      %while3A_337:8 = scf.for %while3A_862 = %sub3A_303 to %while3A_335 step %while3A_336 iter_args(%while3A_863 = %get3A_308, %while3A_864 = %get3A_311, %while3A_865 = %get3A_314, %while3A_866 = %get3A_317, %while3A_867 = %get3A_320, %while3A_868 = %get3A_323, %while3A_869 = %get3A_326, %while3A_870 = %get3A_329) -> (vector<16xf32>, vector<16xf32>, vector<16xf32>, vector<16xf32>, vector<16xf32>, vector<16xf32>, vector<16xf32>, vector<16xf32>)  : i32 {
        %mul3A_871 = arith.constant 128 : i32
        %mul3A_872 = arith.muli %while3A_862, %mul3A_871 : i32
        %add3A_873 = arith.constant 0 : i32
        %add3A_874 = arith.addi %mul3A_872, %add3A_873 : i32
        %get3A_875 = arith.index_cast %add3A_874 : i32 to index
        %get3A_876 = tpu.vector_load %arg6[%get3A_875] {strides = array<i32>} : memref<65536xf32, #tpu.memory_space<vmem>>, vector<16xf32>,
        %get3A_877 = vector.shape_cast %get3A_876 : vector<16xf32> to vector<16xf32>
        %max3A_878 = arith.maximumf %while3A_863, %get3A_877 : vector<16xf32>
        %add3A_879 = arith.constant 16 : i32
        %add3A_880 = arith.addi %mul3A_872, %add3A_879 : i32
        %get3A_881 = arith.index_cast %add3A_880 : i32 to index
        %get3A_882 = tpu.vector_load %arg6[%get3A_881] {strides = array<i32>} : memref<65536xf32, #tpu.memory_space<vmem>>, vector<16xf32>,
        %get3A_883 = vector.shape_cast %get3A_882 : vector<16xf32> to vector<16xf32>
        %max3A_884 = arith.maximumf %while3A_864, %get3A_883 : vector<16xf32>
        %add3A_885 = arith.constant 32 : i32
        %add3A_886 = arith.addi %mul3A_872, %add3A_885 : i32
        %get3A_887 = arith.index_cast %add3A_886 : i32 to index
        %get3A_888 = tpu.vector_load %arg6[%get3A_887] {strides = array<i32>} : memref<65536xf32, #tpu.memory_space<vmem>>, vector<16xf32>,
        %get3A_889 = vector.shape_cast %get3A_888 : vector<16xf32> to vector<16xf32>
        %max3A_890 = arith.maximumf %while3A_865, %get3A_889 : vector<16xf32>
        %add3A_891 = arith.constant 48 : i32
        %add3A_892 = arith.addi %mul3A_872, %add3A_891 : i32
        %get3A_893 = arith.index_cast %add3A_892 : i32 to index
        %get3A_894 = tpu.vector_load %arg6[%get3A_893] {strides = array<i32>} : memref<65536xf32, #tpu.memory_space<vmem>>, vector<16xf32>,
        %get3A_895 = vector.shape_cast %get3A_894 : vector<16xf32> to vector<16xf32>
        %max3A_896 = arith.maximumf %while3A_866, %get3A_895 : vector<16xf32>
        %add3A_897 = arith.constant 64 : i32
        %add3A_898 = arith.addi %mul3A_872, %add3A_897 : i32
        %get3A_899 = arith.index_cast %add3A_898 : i32 to index
        %get3A_900 = tpu.vector_load %arg6[%get3A_899] {strides = array<i32>} : memref<65536xf32, #tpu.memory_space<vmem>>, vector<16xf32>,
        %get3A_901 = vector.shape_cast %get3A_900 : vector<16xf32> to vector<16xf32>
        %max3A_902 = arith.maximumf %while3A_867, %get3A_901 : vector<16xf32>
        %add3A_903 = arith.constant 80 : i32
        %add3A_904 = arith.addi %mul3A_872, %add3A_903 : i32
        %get3A_905 = arith.index_cast %add3A_904 : i32 to index
        %get3A_906 = tpu.vector_load %arg6[%get3A_905] {strides = array<i32>} : memref<65536xf32, #tpu.memory_space<vmem>>, vector<16xf32>,
        %get3A_907 = vector.shape_cast %get3A_906 : vector<16xf32> to vector<16xf32>
        %max3A_908 = arith.maximumf %while3A_868, %get3A_907 : vector<16xf32>
        %add3A_909 = arith.constant 96 : i32
        %add3A_910 = arith.addi %mul3A_872, %add3A_909 : i32
        %get3A_911 = arith.index_cast %add3A_910 : i32 to index
        %get3A_912 = tpu.vector_load %arg6[%get3A_911] {strides = array<i32>} : memref<65536xf32, #tpu.memory_space<vmem>>, vector<16xf32>,
        %get3A_913 = vector.shape_cast %get3A_912 : vector<16xf32> to vector<16xf32>
        %max3A_914 = arith.maximumf %while3A_869, %get3A_913 : vector<16xf32>
        %add3A_915 = arith.constant 112 : i32
        %add3A_916 = arith.addi %mul3A_872, %add3A_915 : i32
        %get3A_917 = arith.index_cast %add3A_916 : i32 to index
        %get3A_918 = tpu.vector_load %arg6[%get3A_917] {strides = array<i32>} : memref<65536xf32, #tpu.memory_space<vmem>>, vector<16xf32>,
        %get3A_919 = vector.shape_cast %get3A_918 : vector<16xf32> to vector<16xf32>
        %max3A_920 = arith.maximumf %while3A_870, %get3A_919 : vector<16xf32>
        scf.yield %max3A_878, %max3A_884, %max3A_890, %max3A_896, %max3A_902, %max3A_908, %max3A_914, %max3A_920 : vector<16xf32>, vector<16xf32>, vector<16xf32>, vector<16xf32>, vector<16xf32>, vector<16xf32>, vector<16xf32>, vector<16xf32>
      }
      %while3A_338 = arith.constant 1 : i32
      %while3A_339:8 = scf.for %while3A_862 = %while3A_335 to %while3A_331 step %while3A_338 iter_args(%while3A_863 = %while3A_337#0, %while3A_864 = %while3A_337#1, %while3A_865 = %while3A_337#2, %while3A_866 = %while3A_337#3, %while3A_867 = %while3A_337#4, %while3A_868 = %while3A_337#5, %while3A_869 = %while3A_337#6, %while3A_870 = %while3A_337#7) -> (vector<16xf32>, vector<16xf32>, vector<16xf32>, vector<16xf32>, vector<16xf32>, vector<16xf32>, vector<16xf32>, vector<16xf32>)  : i32 {
        %mul3A_871 = arith.constant 128 : i32
        %mul3A_872 = arith.muli %while3A_862, %mul3A_871 : i32
        %add3A_873 = arith.constant 0 : i32
        %add3A_874 = arith.addi %mul3A_872, %add3A_873 : i32
        %get3A_875 = arith.index_cast %add3A_874 : i32 to index
        %get3A_876 = tpu.vector_load %arg6[%get3A_875] {strides = array<i32>} : memref<65536xf32, #tpu.memory_space<vmem>>, vector<16xf32>,
        %get3A_877 = vector.shape_cast %get3A_876 : vector<16xf32> to vector<16xf32>
        %max3A_878 = arith.maximumf %while3A_863, %get3A_877 : vector<16xf32>
        %add3A_879 = arith.constant 16 : i32
        %add3A_880 = arith.addi %mul3A_872, %add3A_879 : i32
        %get3A_881 = arith.index_cast %add3A_880 : i32 to index
        %get3A_882 = tpu.vector_load %arg6[%get3A_881] {strides = array<i32>} : memref<65536xf32, #tpu.memory_space<vmem>>, vector<16xf32>,
        %get3A_883 = vector.shape_cast %get3A_882 : vector<16xf32> to vector<16xf32>
        %max3A_884 = arith.maximumf %while3A_864, %get3A_883 : vector<16xf32>
        %add3A_885 = arith.constant 32 : i32
        %add3A_886 = arith.addi %mul3A_872, %add3A_885 : i32
        %get3A_887 = arith.index_cast %add3A_886 : i32 to index
        %get3A_888 = tpu.vector_load %arg6[%get3A_887] {strides = array<i32>} : memref<65536xf32, #tpu.memory_space<vmem>>, vector<16xf32>,
        %get3A_889 = vector.shape_cast %get3A_888 : vector<16xf32> to vector<16xf32>
        %max3A_890 = arith.maximumf %while3A_865, %get3A_889 : vector<16xf32>
        %add3A_891 = arith.constant 48 : i32
        %add3A_892 = arith.addi %mul3A_872, %add3A_891 : i32
        %get3A_893 = arith.index_cast %add3A_892 : i32 to index
        %get3A_894 = tpu.vector_load %arg6[%get3A_893] {strides = array<i32>} : memref<65536xf32, #tpu.memory_space<vmem>>, vector<16xf32>,
        %get3A_895 = vector.shape_cast %get3A_894 : vector<16xf32> to vector<16xf32>
        %max3A_896 = arith.maximumf %while3A_866, %get3A_895 : vector<16xf32>
        %add3A_897 = arith.constant 64 : i32
        %add3A_898 = arith.addi %mul3A_872, %add3A_897 : i32
        %get3A_899 = arith.index_cast %add3A_898 : i32 to index
        %get3A_900 = tpu.vector_load %arg6[%get3A_899] {strides = array<i32>} : memref<65536xf32, #tpu.memory_space<vmem>>, vector<16xf32>,
        %get3A_901 = vector.shape_cast %get3A_900 : vector<16xf32> to vector<16xf32>
        %max3A_902 = arith.maximumf %while3A_867, %get3A_901 : vector<16xf32>
        %add3A_903 = arith.constant 80 : i32
        %add3A_904 = arith.addi %mul3A_872, %add3A_903 : i32
        %get3A_905 = arith.index_cast %add3A_904 : i32 to index
        %get3A_906 = tpu.vector_load %arg6[%get3A_905] {strides = array<i32>} : memref<65536xf32, #tpu.memory_space<vmem>>, vector<16xf32>,
        %get3A_907 = vector.shape_cast %get3A_906 : vector<16xf32> to vector<16xf32>
        %max3A_908 = arith.maximumf %while3A_868, %get3A_907 : vector<16xf32>
        %add3A_909 = arith.constant 96 : i32
        %add3A_910 = arith.addi %mul3A_872, %add3A_909 : i32
        %get3A_911 = arith.index_cast %add3A_910 : i32 to index
        %get3A_912 = tpu.vector_load %arg6[%get3A_911] {strides = array<i32>} : memref<65536xf32, #tpu.memory_space<vmem>>, vector<16xf32>,
        %get3A_913 = vector.shape_cast %get3A_912 : vector<16xf32> to vector<16xf32>
        %max3A_914 = arith.maximumf %while3A_869, %get3A_913 : vector<16xf32>
        %add3A_915 = arith.constant 112 : i32
        %add3A_916 = arith.addi %mul3A_872, %add3A_915 : i32
        %get3A_917 = arith.index_cast %add3A_916 : i32 to index
        %get3A_918 = tpu.vector_load %arg6[%get3A_917] {strides = array<i32>} : memref<65536xf32, #tpu.memory_space<vmem>>, vector<16xf32>,
        %get3A_919 = vector.shape_cast %get3A_918 : vector<16xf32> to vector<16xf32>
        %max3A_920 = arith.maximumf %while3A_870, %get3A_919 : vector<16xf32>
        scf.yield %max3A_878, %max3A_884, %max3A_890, %max3A_896, %max3A_902, %max3A_908, %max3A_914, %max3A_920 : vector<16xf32>, vector<16xf32>, vector<16xf32>, vector<16xf32>, vector<16xf32>, vector<16xf32>, vector<16xf32>, vector<16xf32>
      }
      %swap3A_340 = arith.constant 0 : index
      %swap3A_341 = tpu.vector_load %arg7[%swap3A_340] {strides = array<i32>} : memref<1024xf32, #tpu.memory_space<vmem>>, vector<16xf32>,
      %swap3A_342 = vector.shape_cast %swap3A_341 : vector<16xf32> to vector<16xf32>
      %swap3A_343 = vector.shape_cast %while3A_339#0 : vector<16xf32> to vector<16xf32>
      tpu.vector_store %arg7[%swap3A_340], %swap3A_343 {strides = array<i32>} : memref<1024xf32, #tpu.memory_space<vmem>>, vector<16xf32>,
      %swap3A_344 = arith.constant 16 : index
      %swap3A_345 = tpu.vector_load %arg7[%swap3A_344] {strides = array<i32>} : memref<1024xf32, #tpu.memory_space<vmem>>, vector<16xf32>,
      %swap3A_346 = vector.shape_cast %swap3A_345 : vector<16xf32> to vector<16xf32>
      %swap3A_347 = vector.shape_cast %while3A_339#1 : vector<16xf32> to vector<16xf32>
      tpu.vector_store %arg7[%swap3A_344], %swap3A_347 {strides = array<i32>} : memref<1024xf32, #tpu.memory_space<vmem>>, vector<16xf32>,
      %swap3A_348 = arith.constant 32 : index
      %swap3A_349 = tpu.vector_load %arg7[%swap3A_348] {strides = array<i32>} : memref<1024xf32, #tpu.memory_space<vmem>>, vector<16xf32>,
      %swap3A_350 = vector.shape_cast %swap3A_349 : vector<16xf32> to vector<16xf32>
      %swap3A_351 = vector.shape_cast %while3A_339#2 : vector<16xf32> to vector<16xf32>
      tpu.vector_store %arg7[%swap3A_348], %swap3A_351 {strides = array<i32>} : memref<1024xf32, #tpu.memory_space<vmem>>, vector<16xf32>,
      %swap3A_352 = arith.constant 48 : index
      %swap3A_353 = tpu.vector_load %arg7[%swap3A_352] {strides = array<i32>} : memref<1024xf32, #tpu.memory_space<vmem>>, vector<16xf32>,
      %swap3A_354 = vector.shape_cast %swap3A_353 : vector<16xf32> to vector<16xf32>
      %swap3A_355 = vector.shape_cast %while3A_339#3 : vector<16xf32> to vector<16xf32>
      tpu.vector_store %arg7[%swap3A_352], %swap3A_355 {strides = array<i32>} : memref<1024xf32, #tpu.memory_space<vmem>>, vector<16xf32>,
      %swap3A_356 = arith.constant 64 : index
      %swap3A_357 = tpu.vector_load %arg7[%swap3A_356] {strides = array<i32>} : memref<1024xf32, #tpu.memory_space<vmem>>, vector<16xf32>,
      %swap3A_358 = vector.shape_cast %swap3A_357 : vector<16xf32> to vector<16xf32>
      %swap3A_359 = vector.shape_cast %while3A_339#4 : vector<16xf32> to vector<16xf32>
      tpu.vector_store %arg7[%swap3A_356], %swap3A_359 {strides = array<i32>} : memref<1024xf32, #tpu.memory_space<vmem>>, vector<16xf32>,
      %swap3A_360 = arith.constant 80 : index
      %swap3A_361 = tpu.vector_load %arg7[%swap3A_360] {strides = array<i32>} : memref<1024xf32, #tpu.memory_space<vmem>>, vector<16xf32>,
      %swap3A_362 = vector.shape_cast %swap3A_361 : vector<16xf32> to vector<16xf32>
      %swap3A_363 = vector.shape_cast %while3A_339#5 : vector<16xf32> to vector<16xf32>
      tpu.vector_store %arg7[%swap3A_360], %swap3A_363 {strides = array<i32>} : memref<1024xf32, #tpu.memory_space<vmem>>, vector<16xf32>,
      %swap3A_364 = arith.constant 96 : index
      %swap3A_365 = tpu.vector_load %arg7[%swap3A_364] {strides = array<i32>} : memref<1024xf32, #tpu.memory_space<vmem>>, vector<16xf32>,
      %swap3A_366 = vector.shape_cast %swap3A_365 : vector<16xf32> to vector<16xf32>
      %swap3A_367 = vector.shape_cast %while3A_339#6 : vector<16xf32> to vector<16xf32>
      tpu.vector_store %arg7[%swap3A_364], %swap3A_367 {strides = array<i32>} : memref<1024xf32, #tpu.memory_space<vmem>>, vector<16xf32>,
      %swap3A_368 = arith.constant 112 : index
      %swap3A_369 = tpu.vector_load %arg7[%swap3A_368] {strides = array<i32>} : memref<1024xf32, #tpu.memory_space<vmem>>, vector<16xf32>,
      %swap3A_370 = vector.shape_cast %swap3A_369 : vector<16xf32> to vector<16xf32>
      %swap3A_371 = vector.shape_cast %while3A_339#7 : vector<16xf32> to vector<16xf32>
      tpu.vector_store %arg7[%swap3A_368], %swap3A_371 {strides = array<i32>} : memref<1024xf32, #tpu.memory_space<vmem>>, vector<16xf32>,
      %max3A_372 = arith.maxsi %squeeze3A_6, %add3A_296 : i32
      %sub3A_373 = arith.subi %max3A_372, %min3A_300 : i32
      %min3A_374 = arith.minsi %squeeze3A_8, %min3A : i32
      %sub3A_375 = arith.subi %min3A_374, %min3A_300 : i32
      %get3A_376 = arith.constant 128 : index
      %get3A_377 = tpu.vector_load %arg7[%get3A_376] {strides = array<i32>} : memref<1024xf32, #tpu.memory_space<vmem>>, vector<16xf32>,
      %get3A_378 = vector.shape_cast %get3A_377 : vector<16xf32> to vector<16xf32>
      %get3A_379 = arith.constant 144 : index
      %get3A_380 = tpu.vector_load %arg7[%get3A_379] {strides = array<i32>} : memref<1024xf32, #tpu.memory_space<vmem>>, vector<16xf32>,
      %get3A_381 = vector.shape_cast %get3A_380 : vector<16xf32> to vector<16xf32>
      %get3A_382 = arith.constant 160 : index
      %get3A_383 = tpu.vector_load %arg7[%get3A_382] {strides = array<i32>} : memref<1024xf32, #tpu.memory_space<vmem>>, vector<16xf32>,
      %get3A_384 = vector.shape_cast %get3A_383 : vector<16xf32> to vector<16xf32>
      %get3A_385 = arith.constant 176 : index
      %get3A_386 = tpu.vector_load %arg7[%get3A_385] {strides = array<i32>} : memref<1024xf32, #tpu.memory_space<vmem>>, vector<16xf32>,
      %get3A_387 = vector.shape_cast %get3A_386 : vector<16xf32> to vector<16xf32>
      %get3A_388 = arith.constant 192 : index
      %get3A_389 = tpu.vector_load %arg7[%get3A_388] {strides = array<i32>} : memref<1024xf32, #tpu.memory_space<vmem>>, vector<16xf32>,
      %get3A_390 = vector.shape_cast %get3A_389 : vector<16xf32> to vector<16xf32>
      %get3A_391 = arith.constant 208 : index
      %get3A_392 = tpu.vector_load %arg7[%get3A_391] {strides = array<i32>} : memref<1024xf32, #tpu.memory_space<vmem>>, vector<16xf32>,
      %get3A_393 = vector.shape_cast %get3A_392 : vector<16xf32> to vector<16xf32>
      %get3A_394 = arith.constant 224 : index
      %get3A_395 = tpu.vector_load %arg7[%get3A_394] {strides = array<i32>} : memref<1024xf32, #tpu.memory_space<vmem>>, vector<16xf32>,
      %get3A_396 = vector.shape_cast %get3A_395 : vector<16xf32> to vector<16xf32>
      %get3A_397 = arith.constant 240 : index
      %get3A_398 = tpu.vector_load %arg7[%get3A_397] {strides = array<i32>} : memref<1024xf32, #tpu.memory_space<vmem>>, vector<16xf32>,
      %get3A_399 = vector.shape_cast %get3A_398 : vector<16xf32> to vector<16xf32>
      %while3A_400 = arith.subi %sub3A_375, %sub3A_373 : i32
      %while3A_401 = arith.addi %sub3A_373, %while3A_400 : i32
      %while3A_402 = arith.constant 1 : i32
      %while3A_403 = arith.divsi %while3A_400, %while3A_402 : i32
      %while3A_404 = arith.muli %while3A_403, %while3A_402 : i32
      %while3A_405 = arith.addi %sub3A_373, %while3A_404 : i32
      %while3A_406 = arith.constant 1 : i32
      %while3A_407:8 = scf.for %while3A_862 = %sub3A_373 to %while3A_405 step %while3A_406 iter_args(%while3A_863 = %get3A_378, %while3A_864 = %get3A_381, %while3A_865 = %get3A_384, %while3A_866 = %get3A_387, %while3A_867 = %get3A_390, %while3A_868 = %get3A_393, %while3A_869 = %get3A_396, %while3A_870 = %get3A_399) -> (vector<16xf32>, vector<16xf32>, vector<16xf32>, vector<16xf32>, vector<16xf32>, vector<16xf32>, vector<16xf32>, vector<16xf32>)  : i32 {
        %mul3A_871 = arith.constant 128 : i32
        %mul3A_872 = arith.muli %while3A_862, %mul3A_871 : i32
        %add3A_873 = arith.constant 0 : i32
        %add3A_874 = arith.addi %mul3A_872, %add3A_873 : i32
        %get3A_875 = arith.index_cast %add3A_874 : i32 to index
        %get3A_876 = tpu.vector_load %arg6[%get3A_875] {strides = array<i32>} : memref<65536xf32, #tpu.memory_space<vmem>>, vector<16xf32>,
        %get3A_877 = vector.shape_cast %get3A_876 : vector<16xf32> to vector<16xf32>
        %max3A_878 = arith.maximumf %while3A_863, %get3A_877 : vector<16xf32>
        %add3A_879 = arith.constant 16 : i32
        %add3A_880 = arith.addi %mul3A_872, %add3A_879 : i32
        %get3A_881 = arith.index_cast %add3A_880 : i32 to index
        %get3A_882 = tpu.vector_load %arg6[%get3A_881] {strides = array<i32>} : memref<65536xf32, #tpu.memory_space<vmem>>, vector<16xf32>,
        %get3A_883 = vector.shape_cast %get3A_882 : vector<16xf32> to vector<16xf32>
        %max3A_884 = arith.maximumf %while3A_864, %get3A_883 : vector<16xf32>
        %add3A_885 = arith.constant 32 : i32
        %add3A_886 = arith.addi %mul3A_872, %add3A_885 : i32
        %get3A_887 = arith.index_cast %add3A_886 : i32 to index
        %get3A_888 = tpu.vector_load %arg6[%get3A_887] {strides = array<i32>} : memref<65536xf32, #tpu.memory_space<vmem>>, vector<16xf32>,
        %get3A_889 = vector.shape_cast %get3A_888 : vector<16xf32> to vector<16xf32>
        %max3A_890 = arith.maximumf %while3A_865, %get3A_889 : vector<16xf32>
        %add3A_891 = arith.constant 48 : i32
        %add3A_892 = arith.addi %mul3A_872, %add3A_891 : i32
        %get3A_893 = arith.index_cast %add3A_892 : i32 to index
        %get3A_894 = tpu.vector_load %arg6[%get3A_893] {strides = array<i32>} : memref<65536xf32, #tpu.memory_space<vmem>>, vector<16xf32>,
        %get3A_895 = vector.shape_cast %get3A_894 : vector<16xf32> to vector<16xf32>
        %max3A_896 = arith.maximumf %while3A_866, %get3A_895 : vector<16xf32>
        %add3A_897 = arith.constant 64 : i32
        %add3A_898 = arith.addi %mul3A_872, %add3A_897 : i32
        %get3A_899 = arith.index_cast %add3A_898 : i32 to index
        %get3A_900 = tpu.vector_load %arg6[%get3A_899] {strides = array<i32>} : memref<65536xf32, #tpu.memory_space<vmem>>, vector<16xf32>,
        %get3A_901 = vector.shape_cast %get3A_900 : vector<16xf32> to vector<16xf32>
        %max3A_902 = arith.maximumf %while3A_867, %get3A_901 : vector<16xf32>
        %add3A_903 = arith.constant 80 : i32
        %add3A_904 = arith.addi %mul3A_872, %add3A_903 : i32
        %get3A_905 = arith.index_cast %add3A_904 : i32 to index
        %get3A_906 = tpu.vector_load %arg6[%get3A_905] {strides = array<i32>} : memref<65536xf32, #tpu.memory_space<vmem>>, vector<16xf32>,
        %get3A_907 = vector.shape_cast %get3A_906 : vector<16xf32> to vector<16xf32>
        %max3A_908 = arith.maximumf %while3A_868, %get3A_907 : vector<16xf32>
        %add3A_909 = arith.constant 96 : i32
        %add3A_910 = arith.addi %mul3A_872, %add3A_909 : i32
        %get3A_911 = arith.index_cast %add3A_910 : i32 to index
        %get3A_912 = tpu.vector_load %arg6[%get3A_911] {strides = array<i32>} : memref<65536xf32, #tpu.memory_space<vmem>>, vector<16xf32>,
        %get3A_913 = vector.shape_cast %get3A_912 : vector<16xf32> to vector<16xf32>
        %max3A_914 = arith.maximumf %while3A_869, %get3A_913 : vector<16xf32>
        %add3A_915 = arith.constant 112 : i32
        %add3A_916 = arith.addi %mul3A_872, %add3A_915 : i32
        %get3A_917 = arith.index_cast %add3A_916 : i32 to index
        %get3A_918 = tpu.vector_load %arg6[%get3A_917] {strides = array<i32>} : memref<65536xf32, #tpu.memory_space<vmem>>, vector<16xf32>,
        %get3A_919 = vector.shape_cast %get3A_918 : vector<16xf32> to vector<16xf32>
        %max3A_920 = arith.maximumf %while3A_870, %get3A_919 : vector<16xf32>
        scf.yield %max3A_878, %max3A_884, %max3A_890, %max3A_896, %max3A_902, %max3A_908, %max3A_914, %max3A_920 : vector<16xf32>, vector<16xf32>, vector<16xf32>, vector<16xf32>, vector<16xf32>, vector<16xf32>, vector<16xf32>, vector<16xf32>
      }
      %while3A_408 = arith.constant 1 : i32
      %while3A_409:8 = scf.for %while3A_862 = %while3A_405 to %while3A_401 step %while3A_408 iter_args(%while3A_863 = %while3A_407#0, %while3A_864 = %while3A_407#1, %while3A_865 = %while3A_407#2, %while3A_866 = %while3A_407#3, %while3A_867 = %while3A_407#4, %while3A_868 = %while3A_407#5, %while3A_869 = %while3A_407#6, %while3A_870 = %while3A_407#7) -> (vector<16xf32>, vector<16xf32>, vector<16xf32>, vector<16xf32>, vector<16xf32>, vector<16xf32>, vector<16xf32>, vector<16xf32>)  : i32 {
        %mul3A_871 = arith.constant 128 : i32
        %mul3A_872 = arith.muli %while3A_862, %mul3A_871 : i32
        %add3A_873 = arith.constant 0 : i32
        %add3A_874 = arith.addi %mul3A_872, %add3A_873 : i32
        %get3A_875 = arith.index_cast %add3A_874 : i32 to index
        %get3A_876 = tpu.vector_load %arg6[%get3A_875] {strides = array<i32>} : memref<65536xf32, #tpu.memory_space<vmem>>, vector<16xf32>,
        %get3A_877 = vector.shape_cast %get3A_876 : vector<16xf32> to vector<16xf32>
        %max3A_878 = arith.maximumf %while3A_863, %get3A_877 : vector<16xf32>
        %add3A_879 = arith.constant 16 : i32
        %add3A_880 = arith.addi %mul3A_872, %add3A_879 : i32
        %get3A_881 = arith.index_cast %add3A_880 : i32 to index
        %get3A_882 = tpu.vector_load %arg6[%get3A_881] {strides = array<i32>} : memref<65536xf32, #tpu.memory_space<vmem>>, vector<16xf32>,
        %get3A_883 = vector.shape_cast %get3A_882 : vector<16xf32> to vector<16xf32>
        %max3A_884 = arith.maximumf %while3A_864, %get3A_883 : vector<16xf32>
        %add3A_885 = arith.constant 32 : i32
        %add3A_886 = arith.addi %mul3A_872, %add3A_885 : i32
        %get3A_887 = arith.index_cast %add3A_886 : i32 to index
        %get3A_888 = tpu.vector_load %arg6[%get3A_887] {strides = array<i32>} : memref<65536xf32, #tpu.memory_space<vmem>>, vector<16xf32>,
        %get3A_889 = vector.shape_cast %get3A_888 : vector<16xf32> to vector<16xf32>
        %max3A_890 = arith.maximumf %while3A_865, %get3A_889 : vector<16xf32>
        %add3A_891 = arith.constant 48 : i32
        %add3A_892 = arith.addi %mul3A_872, %add3A_891 : i32
        %get3A_893 = arith.index_cast %add3A_892 : i32 to index
        %get3A_894 = tpu.vector_load %arg6[%get3A_893] {strides = array<i32>} : memref<65536xf32, #tpu.memory_space<vmem>>, vector<16xf32>,
        %get3A_895 = vector.shape_cast %get3A_894 : vector<16xf32> to vector<16xf32>
        %max3A_896 = arith.maximumf %while3A_866, %get3A_895 : vector<16xf32>
        %add3A_897 = arith.constant 64 : i32
        %add3A_898 = arith.addi %mul3A_872, %add3A_897 : i32
        %get3A_899 = arith.index_cast %add3A_898 : i32 to index
        %get3A_900 = tpu.vector_load %arg6[%get3A_899] {strides = array<i32>} : memref<65536xf32, #tpu.memory_space<vmem>>, vector<16xf32>,
        %get3A_901 = vector.shape_cast %get3A_900 : vector<16xf32> to vector<16xf32>
        %max3A_902 = arith.maximumf %while3A_867, %get3A_901 : vector<16xf32>
        %add3A_903 = arith.constant 80 : i32
        %add3A_904 = arith.addi %mul3A_872, %add3A_903 : i32
        %get3A_905 = arith.index_cast %add3A_904 : i32 to index
        %get3A_906 = tpu.vector_load %arg6[%get3A_905] {strides = array<i32>} : memref<65536xf32, #tpu.memory_space<vmem>>, vector<16xf32>,
        %get3A_907 = vector.shape_cast %get3A_906 : vector<16xf32> to vector<16xf32>
        %max3A_908 = arith.maximumf %while3A_868, %get3A_907 : vector<16xf32>
        %add3A_909 = arith.constant 96 : i32
        %add3A_910 = arith.addi %mul3A_872, %add3A_909 : i32
        %get3A_911 = arith.index_cast %add3A_910 : i32 to index
        %get3A_912 = tpu.vector_load %arg6[%get3A_911] {strides = array<i32>} : memref<65536xf32, #tpu.memory_space<vmem>>, vector<16xf32>,
        %get3A_913 = vector.shape_cast %get3A_912 : vector<16xf32> to vector<16xf32>
        %max3A_914 = arith.maximumf %while3A_869, %get3A_913 : vector<16xf32>
        %add3A_915 = arith.constant 112 : i32
        %add3A_916 = arith.addi %mul3A_872, %add3A_915 : i32
        %get3A_917 = arith.index_cast %add3A_916 : i32 to index
        %get3A_918 = tpu.vector_load %arg6[%get3A_917] {strides = array<i32>} : memref<65536xf32, #tpu.memory_space<vmem>>, vector<16xf32>,
        %get3A_919 = vector.shape_cast %get3A_918 : vector<16xf32> to vector<16xf32>
        %max3A_920 = arith.maximumf %while3A_870, %get3A_919 : vector<16xf32>
        scf.yield %max3A_878, %max3A_884, %max3A_890, %max3A_896, %max3A_902, %max3A_908, %max3A_914, %max3A_920 : vector<16xf32>, vector<16xf32>, vector<16xf32>, vector<16xf32>, vector<16xf32>, vector<16xf32>, vector<16xf32>, vector<16xf32>
      }
      %swap3A_410 = arith.constant 128 : index
      %swap3A_411 = tpu.vector_load %arg7[%swap3A_410] {strides = array<i32>} : memref<1024xf32, #tpu.memory_space<vmem>>, vector<16xf32>,
      %swap3A_412 = vector.shape_cast %swap3A_411 : vector<16xf32> to vector<16xf32>
      %swap3A_413 = vector.shape_cast %while3A_409#0 : vector<16xf32> to vector<16xf32>
      tpu.vector_store %arg7[%swap3A_410], %swap3A_413 {strides = array<i32>} : memref<1024xf32, #tpu.memory_space<vmem>>, vector<16xf32>,
      %swap3A_414 = arith.constant 144 : index
      %swap3A_415 = tpu.vector_load %arg7[%swap3A_414] {strides = array<i32>} : memref<1024xf32, #tpu.memory_space<vmem>>, vector<16xf32>,
      %swap3A_416 = vector.shape_cast %swap3A_415 : vector<16xf32> to vector<16xf32>
      %swap3A_417 = vector.shape_cast %while3A_409#1 : vector<16xf32> to vector<16xf32>
      tpu.vector_store %arg7[%swap3A_414], %swap3A_417 {strides = array<i32>} : memref<1024xf32, #tpu.memory_space<vmem>>, vector<16xf32>,
      %swap3A_418 = arith.constant 160 : index
      %swap3A_419 = tpu.vector_load %arg7[%swap3A_418] {strides = array<i32>} : memref<1024xf32, #tpu.memory_space<vmem>>, vector<16xf32>,
      %swap3A_420 = vector.shape_cast %swap3A_419 : vector<16xf32> to vector<16xf32>
      %swap3A_421 = vector.shape_cast %while3A_409#2 : vector<16xf32> to vector<16xf32>
      tpu.vector_store %arg7[%swap3A_418], %swap3A_421 {strides = array<i32>} : memref<1024xf32, #tpu.memory_space<vmem>>, vector<16xf32>,
      %swap3A_422 = arith.constant 176 : index
      %swap3A_423 = tpu.vector_load %arg7[%swap3A_422] {strides = array<i32>} : memref<1024xf32, #tpu.memory_space<vmem>>, vector<16xf32>,
      %swap3A_424 = vector.shape_cast %swap3A_423 : vector<16xf32> to vector<16xf32>
      %swap3A_425 = vector.shape_cast %while3A_409#3 : vector<16xf32> to vector<16xf32>
      tpu.vector_store %arg7[%swap3A_422], %swap3A_425 {strides = array<i32>} : memref<1024xf32, #tpu.memory_space<vmem>>, vector<16xf32>,
      %swap3A_426 = arith.constant 192 : index
      %swap3A_427 = tpu.vector_load %arg7[%swap3A_426] {strides = array<i32>} : memref<1024xf32, #tpu.memory_space<vmem>>, vector<16xf32>,
      %swap3A_428 = vector.shape_cast %swap3A_427 : vector<16xf32> to vector<16xf32>
      %swap3A_429 = vector.shape_cast %while3A_409#4 : vector<16xf32> to vector<16xf32>
      tpu.vector_store %arg7[%swap3A_426], %swap3A_429 {strides = array<i32>} : memref<1024xf32, #tpu.memory_space<vmem>>, vector<16xf32>,
      %swap3A_430 = arith.constant 208 : index
      %swap3A_431 = tpu.vector_load %arg7[%swap3A_430] {strides = array<i32>} : memref<1024xf32, #tpu.memory_space<vmem>>, vector<16xf32>,
      %swap3A_432 = vector.shape_cast %swap3A_431 : vector<16xf32> to vector<16xf32>
      %swap3A_433 = vector.shape_cast %while3A_409#5 : vector<16xf32> to vector<16xf32>
      tpu.vector_store %arg7[%swap3A_430], %swap3A_433 {strides = array<i32>} : memref<1024xf32, #tpu.memory_space<vmem>>, vector<16xf32>,
      %swap3A_434 = arith.constant 224 : index
      %swap3A_435 = tpu.vector_load %arg7[%swap3A_434] {strides = array<i32>} : memref<1024xf32, #tpu.memory_space<vmem>>, vector<16xf32>,
      %swap3A_436 = vector.shape_cast %swap3A_435 : vector<16xf32> to vector<16xf32>
      %swap3A_437 = vector.shape_cast %while3A_409#6 : vector<16xf32> to vector<16xf32>
      tpu.vector_store %arg7[%swap3A_434], %swap3A_437 {strides = array<i32>} : memref<1024xf32, #tpu.memory_space<vmem>>, vector<16xf32>,
      %swap3A_438 = arith.constant 240 : index
      %swap3A_439 = tpu.vector_load %arg7[%swap3A_438] {strides = array<i32>} : memref<1024xf32, #tpu.memory_space<vmem>>, vector<16xf32>,
      %swap3A_440 = vector.shape_cast %swap3A_439 : vector<16xf32> to vector<16xf32>
      %swap3A_441 = vector.shape_cast %while3A_409#7 : vector<16xf32> to vector<16xf32>
      tpu.vector_store %arg7[%swap3A_438], %swap3A_441 {strides = array<i32>} : memref<1024xf32, #tpu.memory_space<vmem>>, vector<16xf32>,
      %max3A_442 = arith.maxsi %squeeze3A_8, %add3A_296 : i32
      %sub3A_443 = arith.subi %max3A_442, %min3A_300 : i32
      %min3A_444 = arith.minsi %squeeze3A_10, %min3A : i32
      %sub3A_445 = arith.subi %min3A_444, %min3A_300 : i32
      %get3A_446 = arith.constant 256 : index
      %get3A_447 = tpu.vector_load %arg7[%get3A_446] {strides = array<i32>} : memref<1024xf32, #tpu.memory_space<vmem>>, vector<16xf32>,
      %get3A_448 = vector.shape_cast %get3A_447 : vector<16xf32> to vector<16xf32>
      %get3A_449 = arith.constant 272 : index
      %get3A_450 = tpu.vector_load %arg7[%get3A_449] {strides = array<i32>} : memref<1024xf32, #tpu.memory_space<vmem>>, vector<16xf32>,
      %get3A_451 = vector.shape_cast %get3A_450 : vector<16xf32> to vector<16xf32>
      %get3A_452 = arith.constant 288 : index
      %get3A_453 = tpu.vector_load %arg7[%get3A_452] {strides = array<i32>} : memref<1024xf32, #tpu.memory_space<vmem>>, vector<16xf32>,
      %get3A_454 = vector.shape_cast %get3A_453 : vector<16xf32> to vector<16xf32>
      %get3A_455 = arith.constant 304 : index
      %get3A_456 = tpu.vector_load %arg7[%get3A_455] {strides = array<i32>} : memref<1024xf32, #tpu.memory_space<vmem>>, vector<16xf32>,
      %get3A_457 = vector.shape_cast %get3A_456 : vector<16xf32> to vector<16xf32>
      %get3A_458 = arith.constant 320 : index
      %get3A_459 = tpu.vector_load %arg7[%get3A_458] {strides = array<i32>} : memref<1024xf32, #tpu.memory_space<vmem>>, vector<16xf32>,
      %get3A_460 = vector.shape_cast %get3A_459 : vector<16xf32> to vector<16xf32>
      %get3A_461 = arith.constant 336 : index
      %get3A_462 = tpu.vector_load %arg7[%get3A_461] {strides = array<i32>} : memref<1024xf32, #tpu.memory_space<vmem>>, vector<16xf32>,
      %get3A_463 = vector.shape_cast %get3A_462 : vector<16xf32> to vector<16xf32>
      %get3A_464 = arith.constant 352 : index
      %get3A_465 = tpu.vector_load %arg7[%get3A_464] {strides = array<i32>} : memref<1024xf32, #tpu.memory_space<vmem>>, vector<16xf32>,
      %get3A_466 = vector.shape_cast %get3A_465 : vector<16xf32> to vector<16xf32>
      %get3A_467 = arith.constant 368 : index
      %get3A_468 = tpu.vector_load %arg7[%get3A_467] {strides = array<i32>} : memref<1024xf32, #tpu.memory_space<vmem>>, vector<16xf32>,
      %get3A_469 = vector.shape_cast %get3A_468 : vector<16xf32> to vector<16xf32>
      %while3A_470 = arith.subi %sub3A_445, %sub3A_443 : i32
      %while3A_471 = arith.addi %sub3A_443, %while3A_470 : i32
      %while3A_472 = arith.constant 1 : i32
      %while3A_473 = arith.divsi %while3A_470, %while3A_472 : i32
      %while3A_474 = arith.muli %while3A_473, %while3A_472 : i32
      %while3A_475 = arith.addi %sub3A_443, %while3A_474 : i32
      %while3A_476 = arith.constant 1 : i32
      %while3A_477:8 = scf.for %while3A_862 = %sub3A_443 to %while3A_475 step %while3A_476 iter_args(%while3A_863 = %get3A_448, %while3A_864 = %get3A_451, %while3A_865 = %get3A_454, %while3A_866 = %get3A_457, %while3A_867 = %get3A_460, %while3A_868 = %get3A_463, %while3A_869 = %get3A_466, %while3A_870 = %get3A_469) -> (vector<16xf32>, vector<16xf32>, vector<16xf32>, vector<16xf32>, vector<16xf32>, vector<16xf32>, vector<16xf32>, vector<16xf32>)  : i32 {
        %mul3A_871 = arith.constant 128 : i32
        %mul3A_872 = arith.muli %while3A_862, %mul3A_871 : i32
        %add3A_873 = arith.constant 0 : i32
        %add3A_874 = arith.addi %mul3A_872, %add3A_873 : i32
        %get3A_875 = arith.index_cast %add3A_874 : i32 to index
        %get3A_876 = tpu.vector_load %arg6[%get3A_875] {strides = array<i32>} : memref<65536xf32, #tpu.memory_space<vmem>>, vector<16xf32>,
        %get3A_877 = vector.shape_cast %get3A_876 : vector<16xf32> to vector<16xf32>
        %max3A_878 = arith.maximumf %while3A_863, %get3A_877 : vector<16xf32>
        %add3A_879 = arith.constant 16 : i32
        %add3A_880 = arith.addi %mul3A_872, %add3A_879 : i32
        %get3A_881 = arith.index_cast %add3A_880 : i32 to index
        %get3A_882 = tpu.vector_load %arg6[%get3A_881] {strides = array<i32>} : memref<65536xf32, #tpu.memory_space<vmem>>, vector<16xf32>,
        %get3A_883 = vector.shape_cast %get3A_882 : vector<16xf32> to vector<16xf32>
        %max3A_884 = arith.maximumf %while3A_864, %get3A_883 : vector<16xf32>
        %add3A_885 = arith.constant 32 : i32
        %add3A_886 = arith.addi %mul3A_872, %add3A_885 : i32
        %get3A_887 = arith.index_cast %add3A_886 : i32 to index
        %get3A_888 = tpu.vector_load %arg6[%get3A_887] {strides = array<i32>} : memref<65536xf32, #tpu.memory_space<vmem>>, vector<16xf32>,
        %get3A_889 = vector.shape_cast %get3A_888 : vector<16xf32> to vector<16xf32>
        %max3A_890 = arith.maximumf %while3A_865, %get3A_889 : vector<16xf32>
        %add3A_891 = arith.constant 48 : i32
        %add3A_892 = arith.addi %mul3A_872, %add3A_891 : i32
        %get3A_893 = arith.index_cast %add3A_892 : i32 to index
        %get3A_894 = tpu.vector_load %arg6[%get3A_893] {strides = array<i32>} : memref<65536xf32, #tpu.memory_space<vmem>>, vector<16xf32>,
        %get3A_895 = vector.shape_cast %get3A_894 : vector<16xf32> to vector<16xf32>
        %max3A_896 = arith.maximumf %while3A_866, %get3A_895 : vector<16xf32>
        %add3A_897 = arith.constant 64 : i32
        %add3A_898 = arith.addi %mul3A_872, %add3A_897 : i32
        %get3A_899 = arith.index_cast %add3A_898 : i32 to index
        %get3A_900 = tpu.vector_load %arg6[%get3A_899] {strides = array<i32>} : memref<65536xf32, #tpu.memory_space<vmem>>, vector<16xf32>,
        %get3A_901 = vector.shape_cast %get3A_900 : vector<16xf32> to vector<16xf32>
        %max3A_902 = arith.maximumf %while3A_867, %get3A_901 : vector<16xf32>
        %add3A_903 = arith.constant 80 : i32
        %add3A_904 = arith.addi %mul3A_872, %add3A_903 : i32
        %get3A_905 = arith.index_cast %add3A_904 : i32 to index
        %get3A_906 = tpu.vector_load %arg6[%get3A_905] {strides = array<i32>} : memref<65536xf32, #tpu.memory_space<vmem>>, vector<16xf32>,
        %get3A_907 = vector.shape_cast %get3A_906 : vector<16xf32> to vector<16xf32>
        %max3A_908 = arith.maximumf %while3A_868, %get3A_907 : vector<16xf32>
        %add3A_909 = arith.constant 96 : i32
        %add3A_910 = arith.addi %mul3A_872, %add3A_909 : i32
        %get3A_911 = arith.index_cast %add3A_910 : i32 to index
        %get3A_912 = tpu.vector_load %arg6[%get3A_911] {strides = array<i32>} : memref<65536xf32, #tpu.memory_space<vmem>>, vector<16xf32>,
        %get3A_913 = vector.shape_cast %get3A_912 : vector<16xf32> to vector<16xf32>
        %max3A_914 = arith.maximumf %while3A_869, %get3A_913 : vector<16xf32>
        %add3A_915 = arith.constant 112 : i32
        %add3A_916 = arith.addi %mul3A_872, %add3A_915 : i32
        %get3A_917 = arith.index_cast %add3A_916 : i32 to index
        %get3A_918 = tpu.vector_load %arg6[%get3A_917] {strides = array<i32>} : memref<65536xf32, #tpu.memory_space<vmem>>, vector<16xf32>,
        %get3A_919 = vector.shape_cast %get3A_918 : vector<16xf32> to vector<16xf32>
        %max3A_920 = arith.maximumf %while3A_870, %get3A_919 : vector<16xf32>
        scf.yield %max3A_878, %max3A_884, %max3A_890, %max3A_896, %max3A_902, %max3A_908, %max3A_914, %max3A_920 : vector<16xf32>, vector<16xf32>, vector<16xf32>, vector<16xf32>, vector<16xf32>, vector<16xf32>, vector<16xf32>, vector<16xf32>
      }
      %while3A_478 = arith.constant 1 : i32
      %while3A_479:8 = scf.for %while3A_862 = %while3A_475 to %while3A_471 step %while3A_478 iter_args(%while3A_863 = %while3A_477#0, %while3A_864 = %while3A_477#1, %while3A_865 = %while3A_477#2, %while3A_866 = %while3A_477#3, %while3A_867 = %while3A_477#4, %while3A_868 = %while3A_477#5, %while3A_869 = %while3A_477#6, %while3A_870 = %while3A_477#7) -> (vector<16xf32>, vector<16xf32>, vector<16xf32>, vector<16xf32>, vector<16xf32>, vector<16xf32>, vector<16xf32>, vector<16xf32>)  : i32 {
        %mul3A_871 = arith.constant 128 : i32
        %mul3A_872 = arith.muli %while3A_862, %mul3A_871 : i32
        %add3A_873 = arith.constant 0 : i32
        %add3A_874 = arith.addi %mul3A_872, %add3A_873 : i32
        %get3A_875 = arith.index_cast %add3A_874 : i32 to index
        %get3A_876 = tpu.vector_load %arg6[%get3A_875] {strides = array<i32>} : memref<65536xf32, #tpu.memory_space<vmem>>, vector<16xf32>,
        %get3A_877 = vector.shape_cast %get3A_876 : vector<16xf32> to vector<16xf32>
        %max3A_878 = arith.maximumf %while3A_863, %get3A_877 : vector<16xf32>
        %add3A_879 = arith.constant 16 : i32
        %add3A_880 = arith.addi %mul3A_872, %add3A_879 : i32
        %get3A_881 = arith.index_cast %add3A_880 : i32 to index
        %get3A_882 = tpu.vector_load %arg6[%get3A_881] {strides = array<i32>} : memref<65536xf32, #tpu.memory_space<vmem>>, vector<16xf32>,
        %get3A_883 = vector.shape_cast %get3A_882 : vector<16xf32> to vector<16xf32>
        %max3A_884 = arith.maximumf %while3A_864, %get3A_883 : vector<16xf32>
        %add3A_885 = arith.constant 32 : i32
        %add3A_886 = arith.addi %mul3A_872, %add3A_885 : i32
        %get3A_887 = arith.index_cast %add3A_886 : i32 to index
        %get3A_888 = tpu.vector_load %arg6[%get3A_887] {strides = array<i32>} : memref<65536xf32, #tpu.memory_space<vmem>>, vector<16xf32>,
        %get3A_889 = vector.shape_cast %get3A_888 : vector<16xf32> to vector<16xf32>
        %max3A_890 = arith.maximumf %while3A_865, %get3A_889 : vector<16xf32>
        %add3A_891 = arith.constant 48 : i32
        %add3A_892 = arith.addi %mul3A_872, %add3A_891 : i32
        %get3A_893 = arith.index_cast %add3A_892 : i32 to index
        %get3A_894 = tpu.vector_load %arg6[%get3A_893] {strides = array<i32>} : memref<65536xf32, #tpu.memory_space<vmem>>, vector<16xf32>,
        %get3A_895 = vector.shape_cast %get3A_894 : vector<16xf32> to vector<16xf32>
        %max3A_896 = arith.maximumf %while3A_866, %get3A_895 : vector<16xf32>
        %add3A_897 = arith.constant 64 : i32
        %add3A_898 = arith.addi %mul3A_872, %add3A_897 : i32
        %get3A_899 = arith.index_cast %add3A_898 : i32 to index
        %get3A_900 = tpu.vector_load %arg6[%get3A_899] {strides = array<i32>} : memref<65536xf32, #tpu.memory_space<vmem>>, vector<16xf32>,
        %get3A_901 = vector.shape_cast %get3A_900 : vector<16xf32> to vector<16xf32>
        %max3A_902 = arith.maximumf %while3A_867, %get3A_901 : vector<16xf32>
        %add3A_903 = arith.constant 80 : i32
        %add3A_904 = arith.addi %mul3A_872, %add3A_903 : i32
        %get3A_905 = arith.index_cast %add3A_904 : i32 to index
        %get3A_906 = tpu.vector_load %arg6[%get3A_905] {strides = array<i32>} : memref<65536xf32, #tpu.memory_space<vmem>>, vector<16xf32>,
        %get3A_907 = vector.shape_cast %get3A_906 : vector<16xf32> to vector<16xf32>
        %max3A_908 = arith.maximumf %while3A_868, %get3A_907 : vector<16xf32>
        %add3A_909 = arith.constant 96 : i32
        %add3A_910 = arith.addi %mul3A_872, %add3A_909 : i32
        %get3A_911 = arith.index_cast %add3A_910 : i32 to index
        %get3A_912 = tpu.vector_load %arg6[%get3A_911] {strides = array<i32>} : memref<65536xf32, #tpu.memory_space<vmem>>, vector<16xf32>,
        %get3A_913 = vector.shape_cast %get3A_912 : vector<16xf32> to vector<16xf32>
        %max3A_914 = arith.maximumf %while3A_869, %get3A_913 : vector<16xf32>
        %add3A_915 = arith.constant 112 : i32
        %add3A_916 = arith.addi %mul3A_872, %add3A_915 : i32
        %get3A_917 = arith.index_cast %add3A_916 : i32 to index
        %get3A_918 = tpu.vector_load %arg6[%get3A_917] {strides = array<i32>} : memref<65536xf32, #tpu.memory_space<vmem>>, vector<16xf32>,
        %get3A_919 = vector.shape_cast %get3A_918 : vector<16xf32> to vector<16xf32>
        %max3A_920 = arith.maximumf %while3A_870, %get3A_919 : vector<16xf32>
        scf.yield %max3A_878, %max3A_884, %max3A_890, %max3A_896, %max3A_902, %max3A_908, %max3A_914, %max3A_920 : vector<16xf32>, vector<16xf32>, vector<16xf32>, vector<16xf32>, vector<16xf32>, vector<16xf32>, vector<16xf32>, vector<16xf32>
      }
      %swap3A_480 = arith.constant 256 : index
      %swap3A_481 = tpu.vector_load %arg7[%swap3A_480] {strides = array<i32>} : memref<1024xf32, #tpu.memory_space<vmem>>, vector<16xf32>,
      %swap3A_482 = vector.shape_cast %swap3A_481 : vector<16xf32> to vector<16xf32>
      %swap3A_483 = vector.shape_cast %while3A_479#0 : vector<16xf32> to vector<16xf32>
      tpu.vector_store %arg7[%swap3A_480], %swap3A_483 {strides = array<i32>} : memref<1024xf32, #tpu.memory_space<vmem>>, vector<16xf32>,
      %swap3A_484 = arith.constant 272 : index
      %swap3A_485 = tpu.vector_load %arg7[%swap3A_484] {strides = array<i32>} : memref<1024xf32, #tpu.memory_space<vmem>>, vector<16xf32>,
      %swap3A_486 = vector.shape_cast %swap3A_485 : vector<16xf32> to vector<16xf32>
      %swap3A_487 = vector.shape_cast %while3A_479#1 : vector<16xf32> to vector<16xf32>
      tpu.vector_store %arg7[%swap3A_484], %swap3A_487 {strides = array<i32>} : memref<1024xf32, #tpu.memory_space<vmem>>, vector<16xf32>,
      %swap3A_488 = arith.constant 288 : index
      %swap3A_489 = tpu.vector_load %arg7[%swap3A_488] {strides = array<i32>} : memref<1024xf32, #tpu.memory_space<vmem>>, vector<16xf32>,
      %swap3A_490 = vector.shape_cast %swap3A_489 : vector<16xf32> to vector<16xf32>
      %swap3A_491 = vector.shape_cast %while3A_479#2 : vector<16xf32> to vector<16xf32>
      tpu.vector_store %arg7[%swap3A_488], %swap3A_491 {strides = array<i32>} : memref<1024xf32, #tpu.memory_space<vmem>>, vector<16xf32>,
      %swap3A_492 = arith.constant 304 : index
      %swap3A_493 = tpu.vector_load %arg7[%swap3A_492] {strides = array<i32>} : memref<1024xf32, #tpu.memory_space<vmem>>, vector<16xf32>,
      %swap3A_494 = vector.shape_cast %swap3A_493 : vector<16xf32> to vector<16xf32>
      %swap3A_495 = vector.shape_cast %while3A_479#3 : vector<16xf32> to vector<16xf32>
      tpu.vector_store %arg7[%swap3A_492], %swap3A_495 {strides = array<i32>} : memref<1024xf32, #tpu.memory_space<vmem>>, vector<16xf32>,
      %swap3A_496 = arith.constant 320 : index
      %swap3A_497 = tpu.vector_load %arg7[%swap3A_496] {strides = array<i32>} : memref<1024xf32, #tpu.memory_space<vmem>>, vector<16xf32>,
      %swap3A_498 = vector.shape_cast %swap3A_497 : vector<16xf32> to vector<16xf32>
      %swap3A_499 = vector.shape_cast %while3A_479#4 : vector<16xf32> to vector<16xf32>
      tpu.vector_store %arg7[%swap3A_496], %swap3A_499 {strides = array<i32>} : memref<1024xf32, #tpu.memory_space<vmem>>, vector<16xf32>,
      %swap3A_500 = arith.constant 336 : index
      %swap3A_501 = tpu.vector_load %arg7[%swap3A_500] {strides = array<i32>} : memref<1024xf32, #tpu.memory_space<vmem>>, vector<16xf32>,
      %swap3A_502 = vector.shape_cast %swap3A_501 : vector<16xf32> to vector<16xf32>
      %swap3A_503 = vector.shape_cast %while3A_479#5 : vector<16xf32> to vector<16xf32>
      tpu.vector_store %arg7[%swap3A_500], %swap3A_503 {strides = array<i32>} : memref<1024xf32, #tpu.memory_space<vmem>>, vector<16xf32>,
      %swap3A_504 = arith.constant 352 : index
      %swap3A_505 = tpu.vector_load %arg7[%swap3A_504] {strides = array<i32>} : memref<1024xf32, #tpu.memory_space<vmem>>, vector<16xf32>,
      %swap3A_506 = vector.shape_cast %swap3A_505 : vector<16xf32> to vector<16xf32>
      %swap3A_507 = vector.shape_cast %while3A_479#6 : vector<16xf32> to vector<16xf32>
      tpu.vector_store %arg7[%swap3A_504], %swap3A_507 {strides = array<i32>} : memref<1024xf32, #tpu.memory_space<vmem>>, vector<16xf32>,
      %swap3A_508 = arith.constant 368 : index
      %swap3A_509 = tpu.vector_load %arg7[%swap3A_508] {strides = array<i32>} : memref<1024xf32, #tpu.memory_space<vmem>>, vector<16xf32>,
      %swap3A_510 = vector.shape_cast %swap3A_509 : vector<16xf32> to vector<16xf32>
      %swap3A_511 = vector.shape_cast %while3A_479#7 : vector<16xf32> to vector<16xf32>
      tpu.vector_store %arg7[%swap3A_508], %swap3A_511 {strides = array<i32>} : memref<1024xf32, #tpu.memory_space<vmem>>, vector<16xf32>,
      %max3A_512 = arith.maxsi %squeeze3A_10, %add3A_296 : i32
      %sub3A_513 = arith.subi %max3A_512, %min3A_300 : i32
      %min3A_514 = arith.minsi %squeeze3A_12, %min3A : i32
      %sub3A_515 = arith.subi %min3A_514, %min3A_300 : i32
      %get3A_516 = arith.constant 384 : index
      %get3A_517 = tpu.vector_load %arg7[%get3A_516] {strides = array<i32>} : memref<1024xf32, #tpu.memory_space<vmem>>, vector<16xf32>,
      %get3A_518 = vector.shape_cast %get3A_517 : vector<16xf32> to vector<16xf32>
      %get3A_519 = arith.constant 400 : index
      %get3A_520 = tpu.vector_load %arg7[%get3A_519] {strides = array<i32>} : memref<1024xf32, #tpu.memory_space<vmem>>, vector<16xf32>,
      %get3A_521 = vector.shape_cast %get3A_520 : vector<16xf32> to vector<16xf32>
      %get3A_522 = arith.constant 416 : index
      %get3A_523 = tpu.vector_load %arg7[%get3A_522] {strides = array<i32>} : memref<1024xf32, #tpu.memory_space<vmem>>, vector<16xf32>,
      %get3A_524 = vector.shape_cast %get3A_523 : vector<16xf32> to vector<16xf32>
      %get3A_525 = arith.constant 432 : index
      %get3A_526 = tpu.vector_load %arg7[%get3A_525] {strides = array<i32>} : memref<1024xf32, #tpu.memory_space<vmem>>, vector<16xf32>,
      %get3A_527 = vector.shape_cast %get3A_526 : vector<16xf32> to vector<16xf32>
      %get3A_528 = arith.constant 448 : index
      %get3A_529 = tpu.vector_load %arg7[%get3A_528] {strides = array<i32>} : memref<1024xf32, #tpu.memory_space<vmem>>, vector<16xf32>,
      %get3A_530 = vector.shape_cast %get3A_529 : vector<16xf32> to vector<16xf32>
      %get3A_531 = arith.constant 464 : index
      %get3A_532 = tpu.vector_load %arg7[%get3A_531] {strides = array<i32>} : memref<1024xf32, #tpu.memory_space<vmem>>, vector<16xf32>,
      %get3A_533 = vector.shape_cast %get3A_532 : vector<16xf32> to vector<16xf32>
      %get3A_534 = arith.constant 480 : index
      %get3A_535 = tpu.vector_load %arg7[%get3A_534] {strides = array<i32>} : memref<1024xf32, #tpu.memory_space<vmem>>, vector<16xf32>,
      %get3A_536 = vector.shape_cast %get3A_535 : vector<16xf32> to vector<16xf32>
      %get3A_537 = arith.constant 496 : index
      %get3A_538 = tpu.vector_load %arg7[%get3A_537] {strides = array<i32>} : memref<1024xf32, #tpu.memory_space<vmem>>, vector<16xf32>,
      %get3A_539 = vector.shape_cast %get3A_538 : vector<16xf32> to vector<16xf32>
      %while3A_540 = arith.subi %sub3A_515, %sub3A_513 : i32
      %while3A_541 = arith.addi %sub3A_513, %while3A_540 : i32
      %while3A_542 = arith.constant 1 : i32
      %while3A_543 = arith.divsi %while3A_540, %while3A_542 : i32
      %while3A_544 = arith.muli %while3A_543, %while3A_542 : i32
      %while3A_545 = arith.addi %sub3A_513, %while3A_544 : i32
      %while3A_546 = arith.constant 1 : i32
      %while3A_547:8 = scf.for %while3A_862 = %sub3A_513 to %while3A_545 step %while3A_546 iter_args(%while3A_863 = %get3A_518, %while3A_864 = %get3A_521, %while3A_865 = %get3A_524, %while3A_866 = %get3A_527, %while3A_867 = %get3A_530, %while3A_868 = %get3A_533, %while3A_869 = %get3A_536, %while3A_870 = %get3A_539) -> (vector<16xf32>, vector<16xf32>, vector<16xf32>, vector<16xf32>, vector<16xf32>, vector<16xf32>, vector<16xf32>, vector<16xf32>)  : i32 {
        %mul3A_871 = arith.constant 128 : i32
        %mul3A_872 = arith.muli %while3A_862, %mul3A_871 : i32
        %add3A_873 = arith.constant 0 : i32
        %add3A_874 = arith.addi %mul3A_872, %add3A_873 : i32
        %get3A_875 = arith.index_cast %add3A_874 : i32 to index
        %get3A_876 = tpu.vector_load %arg6[%get3A_875] {strides = array<i32>} : memref<65536xf32, #tpu.memory_space<vmem>>, vector<16xf32>,
        %get3A_877 = vector.shape_cast %get3A_876 : vector<16xf32> to vector<16xf32>
        %max3A_878 = arith.maximumf %while3A_863, %get3A_877 : vector<16xf32>
        %add3A_879 = arith.constant 16 : i32
        %add3A_880 = arith.addi %mul3A_872, %add3A_879 : i32
        %get3A_881 = arith.index_cast %add3A_880 : i32 to index
        %get3A_882 = tpu.vector_load %arg6[%get3A_881] {strides = array<i32>} : memref<65536xf32, #tpu.memory_space<vmem>>, vector<16xf32>,
        %get3A_883 = vector.shape_cast %get3A_882 : vector<16xf32> to vector<16xf32>
        %max3A_884 = arith.maximumf %while3A_864, %get3A_883 : vector<16xf32>
        %add3A_885 = arith.constant 32 : i32
        %add3A_886 = arith.addi %mul3A_872, %add3A_885 : i32
        %get3A_887 = arith.index_cast %add3A_886 : i32 to index
        %get3A_888 = tpu.vector_load %arg6[%get3A_887] {strides = array<i32>} : memref<65536xf32, #tpu.memory_space<vmem>>, vector<16xf32>,
        %get3A_889 = vector.shape_cast %get3A_888 : vector<16xf32> to vector<16xf32>
        %max3A_890 = arith.maximumf %while3A_865, %get3A_889 : vector<16xf32>
        %add3A_891 = arith.constant 48 : i32
        %add3A_892 = arith.addi %mul3A_872, %add3A_891 : i32
        %get3A_893 = arith.index_cast %add3A_892 : i32 to index
        %get3A_894 = tpu.vector_load %arg6[%get3A_893] {strides = array<i32>} : memref<65536xf32, #tpu.memory_space<vmem>>, vector<16xf32>,
        %get3A_895 = vector.shape_cast %get3A_894 : vector<16xf32> to vector<16xf32>
        %max3A_896 = arith.maximumf %while3A_866, %get3A_895 : vector<16xf32>
        %add3A_897 = arith.constant 64 : i32
        %add3A_898 = arith.addi %mul3A_872, %add3A_897 : i32
        %get3A_899 = arith.index_cast %add3A_898 : i32 to index
        %get3A_900 = tpu.vector_load %arg6[%get3A_899] {strides = array<i32>} : memref<65536xf32, #tpu.memory_space<vmem>>, vector<16xf32>,
        %get3A_901 = vector.shape_cast %get3A_900 : vector<16xf32> to vector<16xf32>
        %max3A_902 = arith.maximumf %while3A_867, %get3A_901 : vector<16xf32>
        %add3A_903 = arith.constant 80 : i32
        %add3A_904 = arith.addi %mul3A_872, %add3A_903 : i32
        %get3A_905 = arith.index_cast %add3A_904 : i32 to index
        %get3A_906 = tpu.vector_load %arg6[%get3A_905] {strides = array<i32>} : memref<65536xf32, #tpu.memory_space<vmem>>, vector<16xf32>,
        %get3A_907 = vector.shape_cast %get3A_906 : vector<16xf32> to vector<16xf32>
        %max3A_908 = arith.maximumf %while3A_868, %get3A_907 : vector<16xf32>
        %add3A_909 = arith.constant 96 : i32
        %add3A_910 = arith.addi %mul3A_872, %add3A_909 : i32
        %get3A_911 = arith.index_cast %add3A_910 : i32 to index
        %get3A_912 = tpu.vector_load %arg6[%get3A_911] {strides = array<i32>} : memref<65536xf32, #tpu.memory_space<vmem>>, vector<16xf32>,
        %get3A_913 = vector.shape_cast %get3A_912 : vector<16xf32> to vector<16xf32>
        %max3A_914 = arith.maximumf %while3A_869, %get3A_913 : vector<16xf32>
        %add3A_915 = arith.constant 112 : i32
        %add3A_916 = arith.addi %mul3A_872, %add3A_915 : i32
        %get3A_917 = arith.index_cast %add3A_916 : i32 to index
        %get3A_918 = tpu.vector_load %arg6[%get3A_917] {strides = array<i32>} : memref<65536xf32, #tpu.memory_space<vmem>>, vector<16xf32>,
        %get3A_919 = vector.shape_cast %get3A_918 : vector<16xf32> to vector<16xf32>
        %max3A_920 = arith.maximumf %while3A_870, %get3A_919 : vector<16xf32>
        scf.yield %max3A_878, %max3A_884, %max3A_890, %max3A_896, %max3A_902, %max3A_908, %max3A_914, %max3A_920 : vector<16xf32>, vector<16xf32>, vector<16xf32>, vector<16xf32>, vector<16xf32>, vector<16xf32>, vector<16xf32>, vector<16xf32>
      }
      %while3A_548 = arith.constant 1 : i32
      %while3A_549:8 = scf.for %while3A_862 = %while3A_545 to %while3A_541 step %while3A_548 iter_args(%while3A_863 = %while3A_547#0, %while3A_864 = %while3A_547#1, %while3A_865 = %while3A_547#2, %while3A_866 = %while3A_547#3, %while3A_867 = %while3A_547#4, %while3A_868 = %while3A_547#5, %while3A_869 = %while3A_547#6, %while3A_870 = %while3A_547#7) -> (vector<16xf32>, vector<16xf32>, vector<16xf32>, vector<16xf32>, vector<16xf32>, vector<16xf32>, vector<16xf32>, vector<16xf32>)  : i32 {
        %mul3A_871 = arith.constant 128 : i32
        %mul3A_872 = arith.muli %while3A_862, %mul3A_871 : i32
        %add3A_873 = arith.constant 0 : i32
        %add3A_874 = arith.addi %mul3A_872, %add3A_873 : i32
        %get3A_875 = arith.index_cast %add3A_874 : i32 to index
        %get3A_876 = tpu.vector_load %arg6[%get3A_875] {strides = array<i32>} : memref<65536xf32, #tpu.memory_space<vmem>>, vector<16xf32>,
        %get3A_877 = vector.shape_cast %get3A_876 : vector<16xf32> to vector<16xf32>
        %max3A_878 = arith.maximumf %while3A_863, %get3A_877 : vector<16xf32>
        %add3A_879 = arith.constant 16 : i32
        %add3A_880 = arith.addi %mul3A_872, %add3A_879 : i32
        %get3A_881 = arith.index_cast %add3A_880 : i32 to index
        %get3A_882 = tpu.vector_load %arg6[%get3A_881] {strides = array<i32>} : memref<65536xf32, #tpu.memory_space<vmem>>, vector<16xf32>,
        %get3A_883 = vector.shape_cast %get3A_882 : vector<16xf32> to vector<16xf32>
        %max3A_884 = arith.maximumf %while3A_864, %get3A_883 : vector<16xf32>
        %add3A_885 = arith.constant 32 : i32
        %add3A_886 = arith.addi %mul3A_872, %add3A_885 : i32
        %get3A_887 = arith.index_cast %add3A_886 : i32 to index
        %get3A_888 = tpu.vector_load %arg6[%get3A_887] {strides = array<i32>} : memref<65536xf32, #tpu.memory_space<vmem>>, vector<16xf32>,
        %get3A_889 = vector.shape_cast %get3A_888 : vector<16xf32> to vector<16xf32>
        %max3A_890 = arith.maximumf %while3A_865, %get3A_889 : vector<16xf32>
        %add3A_891 = arith.constant 48 : i32
        %add3A_892 = arith.addi %mul3A_872, %add3A_891 : i32
        %get3A_893 = arith.index_cast %add3A_892 : i32 to index
        %get3A_894 = tpu.vector_load %arg6[%get3A_893] {strides = array<i32>} : memref<65536xf32, #tpu.memory_space<vmem>>, vector<16xf32>,
        %get3A_895 = vector.shape_cast %get3A_894 : vector<16xf32> to vector<16xf32>
        %max3A_896 = arith.maximumf %while3A_866, %get3A_895 : vector<16xf32>
        %add3A_897 = arith.constant 64 : i32
        %add3A_898 = arith.addi %mul3A_872, %add3A_897 : i32
        %get3A_899 = arith.index_cast %add3A_898 : i32 to index
        %get3A_900 = tpu.vector_load %arg6[%get3A_899] {strides = array<i32>} : memref<65536xf32, #tpu.memory_space<vmem>>, vector<16xf32>,
        %get3A_901 = vector.shape_cast %get3A_900 : vector<16xf32> to vector<16xf32>
        %max3A_902 = arith.maximumf %while3A_867, %get3A_901 : vector<16xf32>
        %add3A_903 = arith.constant 80 : i32
        %add3A_904 = arith.addi %mul3A_872, %add3A_903 : i32
        %get3A_905 = arith.index_cast %add3A_904 : i32 to index
        %get3A_906 = tpu.vector_load %arg6[%get3A_905] {strides = array<i32>} : memref<65536xf32, #tpu.memory_space<vmem>>, vector<16xf32>,
        %get3A_907 = vector.shape_cast %get3A_906 : vector<16xf32> to vector<16xf32>
        %max3A_908 = arith.maximumf %while3A_868, %get3A_907 : vector<16xf32>
        %add3A_909 = arith.constant 96 : i32
        %add3A_910 = arith.addi %mul3A_872, %add3A_909 : i32
        %get3A_911 = arith.index_cast %add3A_910 : i32 to index
        %get3A_912 = tpu.vector_load %arg6[%get3A_911] {strides = array<i32>} : memref<65536xf32, #tpu.memory_space<vmem>>, vector<16xf32>,
        %get3A_913 = vector.shape_cast %get3A_912 : vector<16xf32> to vector<16xf32>
        %max3A_914 = arith.maximumf %while3A_869, %get3A_913 : vector<16xf32>
        %add3A_915 = arith.constant 112 : i32
        %add3A_916 = arith.addi %mul3A_872, %add3A_915 : i32
        %get3A_917 = arith.index_cast %add3A_916 : i32 to index
        %get3A_918 = tpu.vector_load %arg6[%get3A_917] {strides = array<i32>} : memref<65536xf32, #tpu.memory_space<vmem>>, vector<16xf32>,
        %get3A_919 = vector.shape_cast %get3A_918 : vector<16xf32> to vector<16xf32>
        %max3A_920 = arith.maximumf %while3A_870, %get3A_919 : vector<16xf32>
        scf.yield %max3A_878, %max3A_884, %max3A_890, %max3A_896, %max3A_902, %max3A_908, %max3A_914, %max3A_920 : vector<16xf32>, vector<16xf32>, vector<16xf32>, vector<16xf32>, vector<16xf32>, vector<16xf32>, vector<16xf32>, vector<16xf32>
      }
      %swap3A_550 = arith.constant 384 : index
      %swap3A_551 = tpu.vector_load %arg7[%swap3A_550] {strides = array<i32>} : memref<1024xf32, #tpu.memory_space<vmem>>, vector<16xf32>,
      %swap3A_552 = vector.shape_cast %swap3A_551 : vector<16xf32> to vector<16xf32>
      %swap3A_553 = vector.shape_cast %while3A_549#0 : vector<16xf32> to vector<16xf32>
      tpu.vector_store %arg7[%swap3A_550], %swap3A_553 {strides = array<i32>} : memref<1024xf32, #tpu.memory_space<vmem>>, vector<16xf32>,
      %swap3A_554 = arith.constant 400 : index
      %swap3A_555 = tpu.vector_load %arg7[%swap3A_554] {strides = array<i32>} : memref<1024xf32, #tpu.memory_space<vmem>>, vector<16xf32>,
      %swap3A_556 = vector.shape_cast %swap3A_555 : vector<16xf32> to vector<16xf32>
      %swap3A_557 = vector.shape_cast %while3A_549#1 : vector<16xf32> to vector<16xf32>
      tpu.vector_store %arg7[%swap3A_554], %swap3A_557 {strides = array<i32>} : memref<1024xf32, #tpu.memory_space<vmem>>, vector<16xf32>,
      %swap3A_558 = arith.constant 416 : index
      %swap3A_559 = tpu.vector_load %arg7[%swap3A_558] {strides = array<i32>} : memref<1024xf32, #tpu.memory_space<vmem>>, vector<16xf32>,
      %swap3A_560 = vector.shape_cast %swap3A_559 : vector<16xf32> to vector<16xf32>
      %swap3A_561 = vector.shape_cast %while3A_549#2 : vector<16xf32> to vector<16xf32>
      tpu.vector_store %arg7[%swap3A_558], %swap3A_561 {strides = array<i32>} : memref<1024xf32, #tpu.memory_space<vmem>>, vector<16xf32>,
      %swap3A_562 = arith.constant 432 : index
      %swap3A_563 = tpu.vector_load %arg7[%swap3A_562] {strides = array<i32>} : memref<1024xf32, #tpu.memory_space<vmem>>, vector<16xf32>,
      %swap3A_564 = vector.shape_cast %swap3A_563 : vector<16xf32> to vector<16xf32>
      %swap3A_565 = vector.shape_cast %while3A_549#3 : vector<16xf32> to vector<16xf32>
      tpu.vector_store %arg7[%swap3A_562], %swap3A_565 {strides = array<i32>} : memref<1024xf32, #tpu.memory_space<vmem>>, vector<16xf32>,
      %swap3A_566 = arith.constant 448 : index
      %swap3A_567 = tpu.vector_load %arg7[%swap3A_566] {strides = array<i32>} : memref<1024xf32, #tpu.memory_space<vmem>>, vector<16xf32>,
      %swap3A_568 = vector.shape_cast %swap3A_567 : vector<16xf32> to vector<16xf32>
      %swap3A_569 = vector.shape_cast %while3A_549#4 : vector<16xf32> to vector<16xf32>
      tpu.vector_store %arg7[%swap3A_566], %swap3A_569 {strides = array<i32>} : memref<1024xf32, #tpu.memory_space<vmem>>, vector<16xf32>,
      %swap3A_570 = arith.constant 464 : index
      %swap3A_571 = tpu.vector_load %arg7[%swap3A_570] {strides = array<i32>} : memref<1024xf32, #tpu.memory_space<vmem>>, vector<16xf32>,
      %swap3A_572 = vector.shape_cast %swap3A_571 : vector<16xf32> to vector<16xf32>
      %swap3A_573 = vector.shape_cast %while3A_549#5 : vector<16xf32> to vector<16xf32>
      tpu.vector_store %arg7[%swap3A_570], %swap3A_573 {strides = array<i32>} : memref<1024xf32, #tpu.memory_space<vmem>>, vector<16xf32>,
      %swap3A_574 = arith.constant 480 : index
      %swap3A_575 = tpu.vector_load %arg7[%swap3A_574] {strides = array<i32>} : memref<1024xf32, #tpu.memory_space<vmem>>, vector<16xf32>,
      %swap3A_576 = vector.shape_cast %swap3A_575 : vector<16xf32> to vector<16xf32>
      %swap3A_577 = vector.shape_cast %while3A_549#6 : vector<16xf32> to vector<16xf32>
      tpu.vector_store %arg7[%swap3A_574], %swap3A_577 {strides = array<i32>} : memref<1024xf32, #tpu.memory_space<vmem>>, vector<16xf32>,
      %swap3A_578 = arith.constant 496 : index
      %swap3A_579 = tpu.vector_load %arg7[%swap3A_578] {strides = array<i32>} : memref<1024xf32, #tpu.memory_space<vmem>>, vector<16xf32>,
      %swap3A_580 = vector.shape_cast %swap3A_579 : vector<16xf32> to vector<16xf32>
      %swap3A_581 = vector.shape_cast %while3A_549#7 : vector<16xf32> to vector<16xf32>
      tpu.vector_store %arg7[%swap3A_578], %swap3A_581 {strides = array<i32>} : memref<1024xf32, #tpu.memory_space<vmem>>, vector<16xf32>,
      %max3A_582 = arith.maxsi %squeeze3A_12, %add3A_296 : i32
      %sub3A_583 = arith.subi %max3A_582, %min3A_300 : i32
      %min3A_584 = arith.minsi %squeeze3A_14, %min3A : i32
      %sub3A_585 = arith.subi %min3A_584, %min3A_300 : i32
      %get3A_586 = arith.constant 512 : index
      %get3A_587 = tpu.vector_load %arg7[%get3A_586] {strides = array<i32>} : memref<1024xf32, #tpu.memory_space<vmem>>, vector<16xf32>,
      %get3A_588 = vector.shape_cast %get3A_587 : vector<16xf32> to vector<16xf32>
      %get3A_589 = arith.constant 528 : index
      %get3A_590 = tpu.vector_load %arg7[%get3A_589] {strides = array<i32>} : memref<1024xf32, #tpu.memory_space<vmem>>, vector<16xf32>,
      %get3A_591 = vector.shape_cast %get3A_590 : vector<16xf32> to vector<16xf32>
      %get3A_592 = arith.constant 544 : index
      %get3A_593 = tpu.vector_load %arg7[%get3A_592] {strides = array<i32>} : memref<1024xf32, #tpu.memory_space<vmem>>, vector<16xf32>,
      %get3A_594 = vector.shape_cast %get3A_593 : vector<16xf32> to vector<16xf32>
      %get3A_595 = arith.constant 560 : index
      %get3A_596 = tpu.vector_load %arg7[%get3A_595] {strides = array<i32>} : memref<1024xf32, #tpu.memory_space<vmem>>, vector<16xf32>,
      %get3A_597 = vector.shape_cast %get3A_596 : vector<16xf32> to vector<16xf32>
      %get3A_598 = arith.constant 576 : index
      %get3A_599 = tpu.vector_load %arg7[%get3A_598] {strides = array<i32>} : memref<1024xf32, #tpu.memory_space<vmem>>, vector<16xf32>,
      %get3A_600 = vector.shape_cast %get3A_599 : vector<16xf32> to vector<16xf32>
      %get3A_601 = arith.constant 592 : index
      %get3A_602 = tpu.vector_load %arg7[%get3A_601] {strides = array<i32>} : memref<1024xf32, #tpu.memory_space<vmem>>, vector<16xf32>,
      %get3A_603 = vector.shape_cast %get3A_602 : vector<16xf32> to vector<16xf32>
      %get3A_604 = arith.constant 608 : index
      %get3A_605 = tpu.vector_load %arg7[%get3A_604] {strides = array<i32>} : memref<1024xf32, #tpu.memory_space<vmem>>, vector<16xf32>,
      %get3A_606 = vector.shape_cast %get3A_605 : vector<16xf32> to vector<16xf32>
      %get3A_607 = arith.constant 624 : index
      %get3A_608 = tpu.vector_load %arg7[%get3A_607] {strides = array<i32>} : memref<1024xf32, #tpu.memory_space<vmem>>, vector<16xf32>,
      %get3A_609 = vector.shape_cast %get3A_608 : vector<16xf32> to vector<16xf32>
      %while3A_610 = arith.subi %sub3A_585, %sub3A_583 : i32
      %while3A_611 = arith.addi %sub3A_583, %while3A_610 : i32
      %while3A_612 = arith.constant 1 : i32
      %while3A_613 = arith.divsi %while3A_610, %while3A_612 : i32
      %while3A_614 = arith.muli %while3A_613, %while3A_612 : i32
      %while3A_615 = arith.addi %sub3A_583, %while3A_614 : i32
      %while3A_616 = arith.constant 1 : i32
      %while3A_617:8 = scf.for %while3A_862 = %sub3A_583 to %while3A_615 step %while3A_616 iter_args(%while3A_863 = %get3A_588, %while3A_864 = %get3A_591, %while3A_865 = %get3A_594, %while3A_866 = %get3A_597, %while3A_867 = %get3A_600, %while3A_868 = %get3A_603, %while3A_869 = %get3A_606, %while3A_870 = %get3A_609) -> (vector<16xf32>, vector<16xf32>, vector<16xf32>, vector<16xf32>, vector<16xf32>, vector<16xf32>, vector<16xf32>, vector<16xf32>)  : i32 {
        %mul3A_871 = arith.constant 128 : i32
        %mul3A_872 = arith.muli %while3A_862, %mul3A_871 : i32
        %add3A_873 = arith.constant 0 : i32
        %add3A_874 = arith.addi %mul3A_872, %add3A_873 : i32
        %get3A_875 = arith.index_cast %add3A_874 : i32 to index
        %get3A_876 = tpu.vector_load %arg6[%get3A_875] {strides = array<i32>} : memref<65536xf32, #tpu.memory_space<vmem>>, vector<16xf32>,
        %get3A_877 = vector.shape_cast %get3A_876 : vector<16xf32> to vector<16xf32>
        %max3A_878 = arith.maximumf %while3A_863, %get3A_877 : vector<16xf32>
        %add3A_879 = arith.constant 16 : i32
        %add3A_880 = arith.addi %mul3A_872, %add3A_879 : i32
        %get3A_881 = arith.index_cast %add3A_880 : i32 to index
        %get3A_882 = tpu.vector_load %arg6[%get3A_881] {strides = array<i32>} : memref<65536xf32, #tpu.memory_space<vmem>>, vector<16xf32>,
        %get3A_883 = vector.shape_cast %get3A_882 : vector<16xf32> to vector<16xf32>
        %max3A_884 = arith.maximumf %while3A_864, %get3A_883 : vector<16xf32>
        %add3A_885 = arith.constant 32 : i32
        %add3A_886 = arith.addi %mul3A_872, %add3A_885 : i32
        %get3A_887 = arith.index_cast %add3A_886 : i32 to index
        %get3A_888 = tpu.vector_load %arg6[%get3A_887] {strides = array<i32>} : memref<65536xf32, #tpu.memory_space<vmem>>, vector<16xf32>,
        %get3A_889 = vector.shape_cast %get3A_888 : vector<16xf32> to vector<16xf32>
        %max3A_890 = arith.maximumf %while3A_865, %get3A_889 : vector<16xf32>
        %add3A_891 = arith.constant 48 : i32
        %add3A_892 = arith.addi %mul3A_872, %add3A_891 : i32
        %get3A_893 = arith.index_cast %add3A_892 : i32 to index
        %get3A_894 = tpu.vector_load %arg6[%get3A_893] {strides = array<i32>} : memref<65536xf32, #tpu.memory_space<vmem>>, vector<16xf32>,
        %get3A_895 = vector.shape_cast %get3A_894 : vector<16xf32> to vector<16xf32>
        %max3A_896 = arith.maximumf %while3A_866, %get3A_895 : vector<16xf32>
        %add3A_897 = arith.constant 64 : i32
        %add3A_898 = arith.addi %mul3A_872, %add3A_897 : i32
        %get3A_899 = arith.index_cast %add3A_898 : i32 to index
        %get3A_900 = tpu.vector_load %arg6[%get3A_899] {strides = array<i32>} : memref<65536xf32, #tpu.memory_space<vmem>>, vector<16xf32>,
        %get3A_901 = vector.shape_cast %get3A_900 : vector<16xf32> to vector<16xf32>
        %max3A_902 = arith.maximumf %while3A_867, %get3A_901 : vector<16xf32>
        %add3A_903 = arith.constant 80 : i32
        %add3A_904 = arith.addi %mul3A_872, %add3A_903 : i32
        %get3A_905 = arith.index_cast %add3A_904 : i32 to index
        %get3A_906 = tpu.vector_load %arg6[%get3A_905] {strides = array<i32>} : memref<65536xf32, #tpu.memory_space<vmem>>, vector<16xf32>,
        %get3A_907 = vector.shape_cast %get3A_906 : vector<16xf32> to vector<16xf32>
        %max3A_908 = arith.maximumf %while3A_868, %get3A_907 : vector<16xf32>
        %add3A_909 = arith.constant 96 : i32
        %add3A_910 = arith.addi %mul3A_872, %add3A_909 : i32
        %get3A_911 = arith.index_cast %add3A_910 : i32 to index
        %get3A_912 = tpu.vector_load %arg6[%get3A_911] {strides = array<i32>} : memref<65536xf32, #tpu.memory_space<vmem>>, vector<16xf32>,
        %get3A_913 = vector.shape_cast %get3A_912 : vector<16xf32> to vector<16xf32>
        %max3A_914 = arith.maximumf %while3A_869, %get3A_913 : vector<16xf32>
        %add3A_915 = arith.constant 112 : i32
        %add3A_916 = arith.addi %mul3A_872, %add3A_915 : i32
        %get3A_917 = arith.index_cast %add3A_916 : i32 to index
        %get3A_918 = tpu.vector_load %arg6[%get3A_917] {strides = array<i32>} : memref<65536xf32, #tpu.memory_space<vmem>>, vector<16xf32>,
        %get3A_919 = vector.shape_cast %get3A_918 : vector<16xf32> to vector<16xf32>
        %max3A_920 = arith.maximumf %while3A_870, %get3A_919 : vector<16xf32>
        scf.yield %max3A_878, %max3A_884, %max3A_890, %max3A_896, %max3A_902, %max3A_908, %max3A_914, %max3A_920 : vector<16xf32>, vector<16xf32>, vector<16xf32>, vector<16xf32>, vector<16xf32>, vector<16xf32>, vector<16xf32>, vector<16xf32>
      }
      %while3A_618 = arith.constant 1 : i32
      %while3A_619:8 = scf.for %while3A_862 = %while3A_615 to %while3A_611 step %while3A_618 iter_args(%while3A_863 = %while3A_617#0, %while3A_864 = %while3A_617#1, %while3A_865 = %while3A_617#2, %while3A_866 = %while3A_617#3, %while3A_867 = %while3A_617#4, %while3A_868 = %while3A_617#5, %while3A_869 = %while3A_617#6, %while3A_870 = %while3A_617#7) -> (vector<16xf32>, vector<16xf32>, vector<16xf32>, vector<16xf32>, vector<16xf32>, vector<16xf32>, vector<16xf32>, vector<16xf32>)  : i32 {
        %mul3A_871 = arith.constant 128 : i32
        %mul3A_872 = arith.muli %while3A_862, %mul3A_871 : i32
        %add3A_873 = arith.constant 0 : i32
        %add3A_874 = arith.addi %mul3A_872, %add3A_873 : i32
        %get3A_875 = arith.index_cast %add3A_874 : i32 to index
        %get3A_876 = tpu.vector_load %arg6[%get3A_875] {strides = array<i32>} : memref<65536xf32, #tpu.memory_space<vmem>>, vector<16xf32>,
        %get3A_877 = vector.shape_cast %get3A_876 : vector<16xf32> to vector<16xf32>
        %max3A_878 = arith.maximumf %while3A_863, %get3A_877 : vector<16xf32>
        %add3A_879 = arith.constant 16 : i32
        %add3A_880 = arith.addi %mul3A_872, %add3A_879 : i32
        %get3A_881 = arith.index_cast %add3A_880 : i32 to index
        %get3A_882 = tpu.vector_load %arg6[%get3A_881] {strides = array<i32>} : memref<65536xf32, #tpu.memory_space<vmem>>, vector<16xf32>,
        %get3A_883 = vector.shape_cast %get3A_882 : vector<16xf32> to vector<16xf32>
        %max3A_884 = arith.maximumf %while3A_864, %get3A_883 : vector<16xf32>
        %add3A_885 = arith.constant 32 : i32
        %add3A_886 = arith.addi %mul3A_872, %add3A_885 : i32
        %get3A_887 = arith.index_cast %add3A_886 : i32 to index
        %get3A_888 = tpu.vector_load %arg6[%get3A_887] {strides = array<i32>} : memref<65536xf32, #tpu.memory_space<vmem>>, vector<16xf32>,
        %get3A_889 = vector.shape_cast %get3A_888 : vector<16xf32> to vector<16xf32>
        %max3A_890 = arith.maximumf %while3A_865, %get3A_889 : vector<16xf32>
        %add3A_891 = arith.constant 48 : i32
        %add3A_892 = arith.addi %mul3A_872, %add3A_891 : i32
        %get3A_893 = arith.index_cast %add3A_892 : i32 to index
        %get3A_894 = tpu.vector_load %arg6[%get3A_893] {strides = array<i32>} : memref<65536xf32, #tpu.memory_space<vmem>>, vector<16xf32>,
        %get3A_895 = vector.shape_cast %get3A_894 : vector<16xf32> to vector<16xf32>
        %max3A_896 = arith.maximumf %while3A_866, %get3A_895 : vector<16xf32>
        %add3A_897 = arith.constant 64 : i32
        %add3A_898 = arith.addi %mul3A_872, %add3A_897 : i32
        %get3A_899 = arith.index_cast %add3A_898 : i32 to index
        %get3A_900 = tpu.vector_load %arg6[%get3A_899] {strides = array<i32>} : memref<65536xf32, #tpu.memory_space<vmem>>, vector<16xf32>,
        %get3A_901 = vector.shape_cast %get3A_900 : vector<16xf32> to vector<16xf32>
        %max3A_902 = arith.maximumf %while3A_867, %get3A_901 : vector<16xf32>
        %add3A_903 = arith.constant 80 : i32
        %add3A_904 = arith.addi %mul3A_872, %add3A_903 : i32
        %get3A_905 = arith.index_cast %add3A_904 : i32 to index
        %get3A_906 = tpu.vector_load %arg6[%get3A_905] {strides = array<i32>} : memref<65536xf32, #tpu.memory_space<vmem>>, vector<16xf32>,
        %get3A_907 = vector.shape_cast %get3A_906 : vector<16xf32> to vector<16xf32>
        %max3A_908 = arith.maximumf %while3A_868, %get3A_907 : vector<16xf32>
        %add3A_909 = arith.constant 96 : i32
        %add3A_910 = arith.addi %mul3A_872, %add3A_909 : i32
        %get3A_911 = arith.index_cast %add3A_910 : i32 to index
        %get3A_912 = tpu.vector_load %arg6[%get3A_911] {strides = array<i32>} : memref<65536xf32, #tpu.memory_space<vmem>>, vector<16xf32>,
        %get3A_913 = vector.shape_cast %get3A_912 : vector<16xf32> to vector<16xf32>
        %max3A_914 = arith.maximumf %while3A_869, %get3A_913 : vector<16xf32>
        %add3A_915 = arith.constant 112 : i32
        %add3A_916 = arith.addi %mul3A_872, %add3A_915 : i32
        %get3A_917 = arith.index_cast %add3A_916 : i32 to index
        %get3A_918 = tpu.vector_load %arg6[%get3A_917] {strides = array<i32>} : memref<65536xf32, #tpu.memory_space<vmem>>, vector<16xf32>,
        %get3A_919 = vector.shape_cast %get3A_918 : vector<16xf32> to vector<16xf32>
        %max3A_920 = arith.maximumf %while3A_870, %get3A_919 : vector<16xf32>
        scf.yield %max3A_878, %max3A_884, %max3A_890, %max3A_896, %max3A_902, %max3A_908, %max3A_914, %max3A_920 : vector<16xf32>, vector<16xf32>, vector<16xf32>, vector<16xf32>, vector<16xf32>, vector<16xf32>, vector<16xf32>, vector<16xf32>
      }
      %swap3A_620 = arith.constant 512 : index
      %swap3A_621 = tpu.vector_load %arg7[%swap3A_620] {strides = array<i32>} : memref<1024xf32, #tpu.memory_space<vmem>>, vector<16xf32>,
      %swap3A_622 = vector.shape_cast %swap3A_621 : vector<16xf32> to vector<16xf32>
      %swap3A_623 = vector.shape_cast %while3A_619#0 : vector<16xf32> to vector<16xf32>
      tpu.vector_store %arg7[%swap3A_620], %swap3A_623 {strides = array<i32>} : memref<1024xf32, #tpu.memory_space<vmem>>, vector<16xf32>,
      %swap3A_624 = arith.constant 528 : index
      %swap3A_625 = tpu.vector_load %arg7[%swap3A_624] {strides = array<i32>} : memref<1024xf32, #tpu.memory_space<vmem>>, vector<16xf32>,
      %swap3A_626 = vector.shape_cast %swap3A_625 : vector<16xf32> to vector<16xf32>
      %swap3A_627 = vector.shape_cast %while3A_619#1 : vector<16xf32> to vector<16xf32>
      tpu.vector_store %arg7[%swap3A_624], %swap3A_627 {strides = array<i32>} : memref<1024xf32, #tpu.memory_space<vmem>>, vector<16xf32>,
      %swap3A_628 = arith.constant 544 : index
      %swap3A_629 = tpu.vector_load %arg7[%swap3A_628] {strides = array<i32>} : memref<1024xf32, #tpu.memory_space<vmem>>, vector<16xf32>,
      %swap3A_630 = vector.shape_cast %swap3A_629 : vector<16xf32> to vector<16xf32>
      %swap3A_631 = vector.shape_cast %while3A_619#2 : vector<16xf32> to vector<16xf32>
      tpu.vector_store %arg7[%swap3A_628], %swap3A_631 {strides = array<i32>} : memref<1024xf32, #tpu.memory_space<vmem>>, vector<16xf32>,
      %swap3A_632 = arith.constant 560 : index
      %swap3A_633 = tpu.vector_load %arg7[%swap3A_632] {strides = array<i32>} : memref<1024xf32, #tpu.memory_space<vmem>>, vector<16xf32>,
      %swap3A_634 = vector.shape_cast %swap3A_633 : vector<16xf32> to vector<16xf32>
      %swap3A_635 = vector.shape_cast %while3A_619#3 : vector<16xf32> to vector<16xf32>
      tpu.vector_store %arg7[%swap3A_632], %swap3A_635 {strides = array<i32>} : memref<1024xf32, #tpu.memory_space<vmem>>, vector<16xf32>,
      %swap3A_636 = arith.constant 576 : index
      %swap3A_637 = tpu.vector_load %arg7[%swap3A_636] {strides = array<i32>} : memref<1024xf32, #tpu.memory_space<vmem>>, vector<16xf32>,
      %swap3A_638 = vector.shape_cast %swap3A_637 : vector<16xf32> to vector<16xf32>
      %swap3A_639 = vector.shape_cast %while3A_619#4 : vector<16xf32> to vector<16xf32>
      tpu.vector_store %arg7[%swap3A_636], %swap3A_639 {strides = array<i32>} : memref<1024xf32, #tpu.memory_space<vmem>>, vector<16xf32>,
      %swap3A_640 = arith.constant 592 : index
      %swap3A_641 = tpu.vector_load %arg7[%swap3A_640] {strides = array<i32>} : memref<1024xf32, #tpu.memory_space<vmem>>, vector<16xf32>,
      %swap3A_642 = vector.shape_cast %swap3A_641 : vector<16xf32> to vector<16xf32>
      %swap3A_643 = vector.shape_cast %while3A_619#5 : vector<16xf32> to vector<16xf32>
      tpu.vector_store %arg7[%swap3A_640], %swap3A_643 {strides = array<i32>} : memref<1024xf32, #tpu.memory_space<vmem>>, vector<16xf32>,
      %swap3A_644 = arith.constant 608 : index
      %swap3A_645 = tpu.vector_load %arg7[%swap3A_644] {strides = array<i32>} : memref<1024xf32, #tpu.memory_space<vmem>>, vector<16xf32>,
      %swap3A_646 = vector.shape_cast %swap3A_645 : vector<16xf32> to vector<16xf32>
      %swap3A_647 = vector.shape_cast %while3A_619#6 : vector<16xf32> to vector<16xf32>
      tpu.vector_store %arg7[%swap3A_644], %swap3A_647 {strides = array<i32>} : memref<1024xf32, #tpu.memory_space<vmem>>, vector<16xf32>,
      %swap3A_648 = arith.constant 624 : index
      %swap3A_649 = tpu.vector_load %arg7[%swap3A_648] {strides = array<i32>} : memref<1024xf32, #tpu.memory_space<vmem>>, vector<16xf32>,
      %swap3A_650 = vector.shape_cast %swap3A_649 : vector<16xf32> to vector<16xf32>
      %swap3A_651 = vector.shape_cast %while3A_619#7 : vector<16xf32> to vector<16xf32>
      tpu.vector_store %arg7[%swap3A_648], %swap3A_651 {strides = array<i32>} : memref<1024xf32, #tpu.memory_space<vmem>>, vector<16xf32>,
      %max3A_652 = arith.maxsi %squeeze3A_14, %add3A_296 : i32
      %sub3A_653 = arith.subi %max3A_652, %min3A_300 : i32
      %min3A_654 = arith.minsi %squeeze3A_16, %min3A : i32
      %sub3A_655 = arith.subi %min3A_654, %min3A_300 : i32
      %get3A_656 = arith.constant 640 : index
      %get3A_657 = tpu.vector_load %arg7[%get3A_656] {strides = array<i32>} : memref<1024xf32, #tpu.memory_space<vmem>>, vector<16xf32>,
      %get3A_658 = vector.shape_cast %get3A_657 : vector<16xf32> to vector<16xf32>
      %get3A_659 = arith.constant 656 : index
      %get3A_660 = tpu.vector_load %arg7[%get3A_659] {strides = array<i32>} : memref<1024xf32, #tpu.memory_space<vmem>>, vector<16xf32>,
      %get3A_661 = vector.shape_cast %get3A_660 : vector<16xf32> to vector<16xf32>
      %get3A_662 = arith.constant 672 : index
      %get3A_663 = tpu.vector_load %arg7[%get3A_662] {strides = array<i32>} : memref<1024xf32, #tpu.memory_space<vmem>>, vector<16xf32>,
      %get3A_664 = vector.shape_cast %get3A_663 : vector<16xf32> to vector<16xf32>
      %get3A_665 = arith.constant 688 : index
      %get3A_666 = tpu.vector_load %arg7[%get3A_665] {strides = array<i32>} : memref<1024xf32, #tpu.memory_space<vmem>>, vector<16xf32>,
      %get3A_667 = vector.shape_cast %get3A_666 : vector<16xf32> to vector<16xf32>
      %get3A_668 = arith.constant 704 : index
      %get3A_669 = tpu.vector_load %arg7[%get3A_668] {strides = array<i32>} : memref<1024xf32, #tpu.memory_space<vmem>>, vector<16xf32>,
      %get3A_670 = vector.shape_cast %get3A_669 : vector<16xf32> to vector<16xf32>
      %get3A_671 = arith.constant 720 : index
      %get3A_672 = tpu.vector_load %arg7[%get3A_671] {strides = array<i32>} : memref<1024xf32, #tpu.memory_space<vmem>>, vector<16xf32>,
      %get3A_673 = vector.shape_cast %get3A_672 : vector<16xf32> to vector<16xf32>
      %get3A_674 = arith.constant 736 : index
      %get3A_675 = tpu.vector_load %arg7[%get3A_674] {strides = array<i32>} : memref<1024xf32, #tpu.memory_space<vmem>>, vector<16xf32>,
      %get3A_676 = vector.shape_cast %get3A_675 : vector<16xf32> to vector<16xf32>
      %get3A_677 = arith.constant 752 : index
      %get3A_678 = tpu.vector_load %arg7[%get3A_677] {strides = array<i32>} : memref<1024xf32, #tpu.memory_space<vmem>>, vector<16xf32>,
      %get3A_679 = vector.shape_cast %get3A_678 : vector<16xf32> to vector<16xf32>
      %while3A_680 = arith.subi %sub3A_655, %sub3A_653 : i32
      %while3A_681 = arith.addi %sub3A_653, %while3A_680 : i32
      %while3A_682 = arith.constant 1 : i32
      %while3A_683 = arith.divsi %while3A_680, %while3A_682 : i32
      %while3A_684 = arith.muli %while3A_683, %while3A_682 : i32
      %while3A_685 = arith.addi %sub3A_653, %while3A_684 : i32
      %while3A_686 = arith.constant 1 : i32
      %while3A_687:8 = scf.for %while3A_862 = %sub3A_653 to %while3A_685 step %while3A_686 iter_args(%while3A_863 = %get3A_658, %while3A_864 = %get3A_661, %while3A_865 = %get3A_664, %while3A_866 = %get3A_667, %while3A_867 = %get3A_670, %while3A_868 = %get3A_673, %while3A_869 = %get3A_676, %while3A_870 = %get3A_679) -> (vector<16xf32>, vector<16xf32>, vector<16xf32>, vector<16xf32>, vector<16xf32>, vector<16xf32>, vector<16xf32>, vector<16xf32>)  : i32 {
        %mul3A_871 = arith.constant 128 : i32
        %mul3A_872 = arith.muli %while3A_862, %mul3A_871 : i32
        %add3A_873 = arith.constant 0 : i32
        %add3A_874 = arith.addi %mul3A_872, %add3A_873 : i32
        %get3A_875 = arith.index_cast %add3A_874 : i32 to index
        %get3A_876 = tpu.vector_load %arg6[%get3A_875] {strides = array<i32>} : memref<65536xf32, #tpu.memory_space<vmem>>, vector<16xf32>,
        %get3A_877 = vector.shape_cast %get3A_876 : vector<16xf32> to vector<16xf32>
        %max3A_878 = arith.maximumf %while3A_863, %get3A_877 : vector<16xf32>
        %add3A_879 = arith.constant 16 : i32
        %add3A_880 = arith.addi %mul3A_872, %add3A_879 : i32
        %get3A_881 = arith.index_cast %add3A_880 : i32 to index
        %get3A_882 = tpu.vector_load %arg6[%get3A_881] {strides = array<i32>} : memref<65536xf32, #tpu.memory_space<vmem>>, vector<16xf32>,
        %get3A_883 = vector.shape_cast %get3A_882 : vector<16xf32> to vector<16xf32>
        %max3A_884 = arith.maximumf %while3A_864, %get3A_883 : vector<16xf32>
        %add3A_885 = arith.constant 32 : i32
        %add3A_886 = arith.addi %mul3A_872, %add3A_885 : i32
        %get3A_887 = arith.index_cast %add3A_886 : i32 to index
        %get3A_888 = tpu.vector_load %arg6[%get3A_887] {strides = array<i32>} : memref<65536xf32, #tpu.memory_space<vmem>>, vector<16xf32>,
        %get3A_889 = vector.shape_cast %get3A_888 : vector<16xf32> to vector<16xf32>
        %max3A_890 = arith.maximumf %while3A_865, %get3A_889 : vector<16xf32>
        %add3A_891 = arith.constant 48 : i32
        %add3A_892 = arith.addi %mul3A_872, %add3A_891 : i32
        %get3A_893 = arith.index_cast %add3A_892 : i32 to index
        %get3A_894 = tpu.vector_load %arg6[%get3A_893] {strides = array<i32>} : memref<65536xf32, #tpu.memory_space<vmem>>, vector<16xf32>,
        %get3A_895 = vector.shape_cast %get3A_894 : vector<16xf32> to vector<16xf32>
        %max3A_896 = arith.maximumf %while3A_866, %get3A_895 : vector<16xf32>
        %add3A_897 = arith.constant 64 : i32
        %add3A_898 = arith.addi %mul3A_872, %add3A_897 : i32
        %get3A_899 = arith.index_cast %add3A_898 : i32 to index
        %get3A_900 = tpu.vector_load %arg6[%get3A_899] {strides = array<i32>} : memref<65536xf32, #tpu.memory_space<vmem>>, vector<16xf32>,
        %get3A_901 = vector.shape_cast %get3A_900 : vector<16xf32> to vector<16xf32>
        %max3A_902 = arith.maximumf %while3A_867, %get3A_901 : vector<16xf32>
        %add3A_903 = arith.constant 80 : i32
        %add3A_904 = arith.addi %mul3A_872, %add3A_903 : i32
        %get3A_905 = arith.index_cast %add3A_904 : i32 to index
        %get3A_906 = tpu.vector_load %arg6[%get3A_905] {strides = array<i32>} : memref<65536xf32, #tpu.memory_space<vmem>>, vector<16xf32>,
        %get3A_907 = vector.shape_cast %get3A_906 : vector<16xf32> to vector<16xf32>
        %max3A_908 = arith.maximumf %while3A_868, %get3A_907 : vector<16xf32>
        %add3A_909 = arith.constant 96 : i32
        %add3A_910 = arith.addi %mul3A_872, %add3A_909 : i32
        %get3A_911 = arith.index_cast %add3A_910 : i32 to index
        %get3A_912 = tpu.vector_load %arg6[%get3A_911] {strides = array<i32>} : memref<65536xf32, #tpu.memory_space<vmem>>, vector<16xf32>,
        %get3A_913 = vector.shape_cast %get3A_912 : vector<16xf32> to vector<16xf32>
        %max3A_914 = arith.maximumf %while3A_869, %get3A_913 : vector<16xf32>
        %add3A_915 = arith.constant 112 : i32
        %add3A_916 = arith.addi %mul3A_872, %add3A_915 : i32
        %get3A_917 = arith.index_cast %add3A_916 : i32 to index
        %get3A_918 = tpu.vector_load %arg6[%get3A_917] {strides = array<i32>} : memref<65536xf32, #tpu.memory_space<vmem>>, vector<16xf32>,
        %get3A_919 = vector.shape_cast %get3A_918 : vector<16xf32> to vector<16xf32>
        %max3A_920 = arith.maximumf %while3A_870, %get3A_919 : vector<16xf32>
        scf.yield %max3A_878, %max3A_884, %max3A_890, %max3A_896, %max3A_902, %max3A_908, %max3A_914, %max3A_920 : vector<16xf32>, vector<16xf32>, vector<16xf32>, vector<16xf32>, vector<16xf32>, vector<16xf32>, vector<16xf32>, vector<16xf32>
      }
      %while3A_688 = arith.constant 1 : i32
      %while3A_689:8 = scf.for %while3A_862 = %while3A_685 to %while3A_681 step %while3A_688 iter_args(%while3A_863 = %while3A_687#0, %while3A_864 = %while3A_687#1, %while3A_865 = %while3A_687#2, %while3A_866 = %while3A_687#3, %while3A_867 = %while3A_687#4, %while3A_868 = %while3A_687#5, %while3A_869 = %while3A_687#6, %while3A_870 = %while3A_687#7) -> (vector<16xf32>, vector<16xf32>, vector<16xf32>, vector<16xf32>, vector<16xf32>, vector<16xf32>, vector<16xf32>, vector<16xf32>)  : i32 {
        %mul3A_871 = arith.constant 128 : i32
        %mul3A_872 = arith.muli %while3A_862, %mul3A_871 : i32
        %add3A_873 = arith.constant 0 : i32
        %add3A_874 = arith.addi %mul3A_872, %add3A_873 : i32
        %get3A_875 = arith.index_cast %add3A_874 : i32 to index
        %get3A_876 = tpu.vector_load %arg6[%get3A_875] {strides = array<i32>} : memref<65536xf32, #tpu.memory_space<vmem>>, vector<16xf32>,
        %get3A_877 = vector.shape_cast %get3A_876 : vector<16xf32> to vector<16xf32>
        %max3A_878 = arith.maximumf %while3A_863, %get3A_877 : vector<16xf32>
        %add3A_879 = arith.constant 16 : i32
        %add3A_880 = arith.addi %mul3A_872, %add3A_879 : i32
        %get3A_881 = arith.index_cast %add3A_880 : i32 to index
        %get3A_882 = tpu.vector_load %arg6[%get3A_881] {strides = array<i32>} : memref<65536xf32, #tpu.memory_space<vmem>>, vector<16xf32>,
        %get3A_883 = vector.shape_cast %get3A_882 : vector<16xf32> to vector<16xf32>
        %max3A_884 = arith.maximumf %while3A_864, %get3A_883 : vector<16xf32>
        %add3A_885 = arith.constant 32 : i32
        %add3A_886 = arith.addi %mul3A_872, %add3A_885 : i32
        %get3A_887 = arith.index_cast %add3A_886 : i32 to index
        %get3A_888 = tpu.vector_load %arg6[%get3A_887] {strides = array<i32>} : memref<65536xf32, #tpu.memory_space<vmem>>, vector<16xf32>,
        %get3A_889 = vector.shape_cast %get3A_888 : vector<16xf32> to vector<16xf32>
        %max3A_890 = arith.maximumf %while3A_865, %get3A_889 : vector<16xf32>
        %add3A_891 = arith.constant 48 : i32
        %add3A_892 = arith.addi %mul3A_872, %add3A_891 : i32
        %get3A_893 = arith.index_cast %add3A_892 : i32 to index
        %get3A_894 = tpu.vector_load %arg6[%get3A_893] {strides = array<i32>} : memref<65536xf32, #tpu.memory_space<vmem>>, vector<16xf32>,
        %get3A_895 = vector.shape_cast %get3A_894 : vector<16xf32> to vector<16xf32>
        %max3A_896 = arith.maximumf %while3A_866, %get3A_895 : vector<16xf32>
        %add3A_897 = arith.constant 64 : i32
        %add3A_898 = arith.addi %mul3A_872, %add3A_897 : i32
        %get3A_899 = arith.index_cast %add3A_898 : i32 to index
        %get3A_900 = tpu.vector_load %arg6[%get3A_899] {strides = array<i32>} : memref<65536xf32, #tpu.memory_space<vmem>>, vector<16xf32>,
        %get3A_901 = vector.shape_cast %get3A_900 : vector<16xf32> to vector<16xf32>
        %max3A_902 = arith.maximumf %while3A_867, %get3A_901 : vector<16xf32>
        %add3A_903 = arith.constant 80 : i32
        %add3A_904 = arith.addi %mul3A_872, %add3A_903 : i32
        %get3A_905 = arith.index_cast %add3A_904 : i32 to index
        %get3A_906 = tpu.vector_load %arg6[%get3A_905] {strides = array<i32>} : memref<65536xf32, #tpu.memory_space<vmem>>, vector<16xf32>,
        %get3A_907 = vector.shape_cast %get3A_906 : vector<16xf32> to vector<16xf32>
        %max3A_908 = arith.maximumf %while3A_868, %get3A_907 : vector<16xf32>
        %add3A_909 = arith.constant 96 : i32
        %add3A_910 = arith.addi %mul3A_872, %add3A_909 : i32
        %get3A_911 = arith.index_cast %add3A_910 : i32 to index
        %get3A_912 = tpu.vector_load %arg6[%get3A_911] {strides = array<i32>} : memref<65536xf32, #tpu.memory_space<vmem>>, vector<16xf32>,
        %get3A_913 = vector.shape_cast %get3A_912 : vector<16xf32> to vector<16xf32>
        %max3A_914 = arith.maximumf %while3A_869, %get3A_913 : vector<16xf32>
        %add3A_915 = arith.constant 112 : i32
        %add3A_916 = arith.addi %mul3A_872, %add3A_915 : i32
        %get3A_917 = arith.index_cast %add3A_916 : i32 to index
        %get3A_918 = tpu.vector_load %arg6[%get3A_917] {strides = array<i32>} : memref<65536xf32, #tpu.memory_space<vmem>>, vector<16xf32>,
        %get3A_919 = vector.shape_cast %get3A_918 : vector<16xf32> to vector<16xf32>
        %max3A_920 = arith.maximumf %while3A_870, %get3A_919 : vector<16xf32>
        scf.yield %max3A_878, %max3A_884, %max3A_890, %max3A_896, %max3A_902, %max3A_908, %max3A_914, %max3A_920 : vector<16xf32>, vector<16xf32>, vector<16xf32>, vector<16xf32>, vector<16xf32>, vector<16xf32>, vector<16xf32>, vector<16xf32>
      }
      %swap3A_690 = arith.constant 640 : index
      %swap3A_691 = tpu.vector_load %arg7[%swap3A_690] {strides = array<i32>} : memref<1024xf32, #tpu.memory_space<vmem>>, vector<16xf32>,
      %swap3A_692 = vector.shape_cast %swap3A_691 : vector<16xf32> to vector<16xf32>
      %swap3A_693 = vector.shape_cast %while3A_689#0 : vector<16xf32> to vector<16xf32>
      tpu.vector_store %arg7[%swap3A_690], %swap3A_693 {strides = array<i32>} : memref<1024xf32, #tpu.memory_space<vmem>>, vector<16xf32>,
      %swap3A_694 = arith.constant 656 : index
      %swap3A_695 = tpu.vector_load %arg7[%swap3A_694] {strides = array<i32>} : memref<1024xf32, #tpu.memory_space<vmem>>, vector<16xf32>,
      %swap3A_696 = vector.shape_cast %swap3A_695 : vector<16xf32> to vector<16xf32>
      %swap3A_697 = vector.shape_cast %while3A_689#1 : vector<16xf32> to vector<16xf32>
      tpu.vector_store %arg7[%swap3A_694], %swap3A_697 {strides = array<i32>} : memref<1024xf32, #tpu.memory_space<vmem>>, vector<16xf32>,
      %swap3A_698 = arith.constant 672 : index
      %swap3A_699 = tpu.vector_load %arg7[%swap3A_698] {strides = array<i32>} : memref<1024xf32, #tpu.memory_space<vmem>>, vector<16xf32>,
      %swap3A_700 = vector.shape_cast %swap3A_699 : vector<16xf32> to vector<16xf32>
      %swap3A_701 = vector.shape_cast %while3A_689#2 : vector<16xf32> to vector<16xf32>
      tpu.vector_store %arg7[%swap3A_698], %swap3A_701 {strides = array<i32>} : memref<1024xf32, #tpu.memory_space<vmem>>, vector<16xf32>,
      %swap3A_702 = arith.constant 688 : index
      %swap3A_703 = tpu.vector_load %arg7[%swap3A_702] {strides = array<i32>} : memref<1024xf32, #tpu.memory_space<vmem>>, vector<16xf32>,
      %swap3A_704 = vector.shape_cast %swap3A_703 : vector<16xf32> to vector<16xf32>
      %swap3A_705 = vector.shape_cast %while3A_689#3 : vector<16xf32> to vector<16xf32>
      tpu.vector_store %arg7[%swap3A_702], %swap3A_705 {strides = array<i32>} : memref<1024xf32, #tpu.memory_space<vmem>>, vector<16xf32>,
      %swap3A_706 = arith.constant 704 : index
      %swap3A_707 = tpu.vector_load %arg7[%swap3A_706] {strides = array<i32>} : memref<1024xf32, #tpu.memory_space<vmem>>, vector<16xf32>,
      %swap3A_708 = vector.shape_cast %swap3A_707 : vector<16xf32> to vector<16xf32>
      %swap3A_709 = vector.shape_cast %while3A_689#4 : vector<16xf32> to vector<16xf32>
      tpu.vector_store %arg7[%swap3A_706], %swap3A_709 {strides = array<i32>} : memref<1024xf32, #tpu.memory_space<vmem>>, vector<16xf32>,
      %swap3A_710 = arith.constant 720 : index
      %swap3A_711 = tpu.vector_load %arg7[%swap3A_710] {strides = array<i32>} : memref<1024xf32, #tpu.memory_space<vmem>>, vector<16xf32>,
      %swap3A_712 = vector.shape_cast %swap3A_711 : vector<16xf32> to vector<16xf32>
      %swap3A_713 = vector.shape_cast %while3A_689#5 : vector<16xf32> to vector<16xf32>
      tpu.vector_store %arg7[%swap3A_710], %swap3A_713 {strides = array<i32>} : memref<1024xf32, #tpu.memory_space<vmem>>, vector<16xf32>,
      %swap3A_714 = arith.constant 736 : index
      %swap3A_715 = tpu.vector_load %arg7[%swap3A_714] {strides = array<i32>} : memref<1024xf32, #tpu.memory_space<vmem>>, vector<16xf32>,
      %swap3A_716 = vector.shape_cast %swap3A_715 : vector<16xf32> to vector<16xf32>
      %swap3A_717 = vector.shape_cast %while3A_689#6 : vector<16xf32> to vector<16xf32>
      tpu.vector_store %arg7[%swap3A_714], %swap3A_717 {strides = array<i32>} : memref<1024xf32, #tpu.memory_space<vmem>>, vector<16xf32>,
      %swap3A_718 = arith.constant 752 : index
      %swap3A_719 = tpu.vector_load %arg7[%swap3A_718] {strides = array<i32>} : memref<1024xf32, #tpu.memory_space<vmem>>, vector<16xf32>,
      %swap3A_720 = vector.shape_cast %swap3A_719 : vector<16xf32> to vector<16xf32>
      %swap3A_721 = vector.shape_cast %while3A_689#7 : vector<16xf32> to vector<16xf32>
      tpu.vector_store %arg7[%swap3A_718], %swap3A_721 {strides = array<i32>} : memref<1024xf32, #tpu.memory_space<vmem>>, vector<16xf32>,
      %max3A_722 = arith.maxsi %squeeze3A_16, %add3A_296 : i32
      %sub3A_723 = arith.subi %max3A_722, %min3A_300 : i32
      %min3A_724 = arith.minsi %squeeze3A_18, %min3A : i32
      %sub3A_725 = arith.subi %min3A_724, %min3A_300 : i32
      %get3A_726 = arith.constant 768 : index
      %get3A_727 = tpu.vector_load %arg7[%get3A_726] {strides = array<i32>} : memref<1024xf32, #tpu.memory_space<vmem>>, vector<16xf32>,
      %get3A_728 = vector.shape_cast %get3A_727 : vector<16xf32> to vector<16xf32>
      %get3A_729 = arith.constant 784 : index
      %get3A_730 = tpu.vector_load %arg7[%get3A_729] {strides = array<i32>} : memref<1024xf32, #tpu.memory_space<vmem>>, vector<16xf32>,
      %get3A_731 = vector.shape_cast %get3A_730 : vector<16xf32> to vector<16xf32>
      %get3A_732 = arith.constant 800 : index
      %get3A_733 = tpu.vector_load %arg7[%get3A_732] {strides = array<i32>} : memref<1024xf32, #tpu.memory_space<vmem>>, vector<16xf32>,
      %get3A_734 = vector.shape_cast %get3A_733 : vector<16xf32> to vector<16xf32>
      %get3A_735 = arith.constant 816 : index
      %get3A_736 = tpu.vector_load %arg7[%get3A_735] {strides = array<i32>} : memref<1024xf32, #tpu.memory_space<vmem>>, vector<16xf32>,
      %get3A_737 = vector.shape_cast %get3A_736 : vector<16xf32> to vector<16xf32>
      %get3A_738 = arith.constant 832 : index
      %get3A_739 = tpu.vector_load %arg7[%get3A_738] {strides = array<i32>} : memref<1024xf32, #tpu.memory_space<vmem>>, vector<16xf32>,
      %get3A_740 = vector.shape_cast %get3A_739 : vector<16xf32> to vector<16xf32>
      %get3A_741 = arith.constant 848 : index
      %get3A_742 = tpu.vector_load %arg7[%get3A_741] {strides = array<i32>} : memref<1024xf32, #tpu.memory_space<vmem>>, vector<16xf32>,
      %get3A_743 = vector.shape_cast %get3A_742 : vector<16xf32> to vector<16xf32>
      %get3A_744 = arith.constant 864 : index
      %get3A_745 = tpu.vector_load %arg7[%get3A_744] {strides = array<i32>} : memref<1024xf32, #tpu.memory_space<vmem>>, vector<16xf32>,
      %get3A_746 = vector.shape_cast %get3A_745 : vector<16xf32> to vector<16xf32>
      %get3A_747 = arith.constant 880 : index
      %get3A_748 = tpu.vector_load %arg7[%get3A_747] {strides = array<i32>} : memref<1024xf32, #tpu.memory_space<vmem>>, vector<16xf32>,
      %get3A_749 = vector.shape_cast %get3A_748 : vector<16xf32> to vector<16xf32>
      %while3A_750 = arith.subi %sub3A_725, %sub3A_723 : i32
      %while3A_751 = arith.addi %sub3A_723, %while3A_750 : i32
      %while3A_752 = arith.constant 1 : i32
      %while3A_753 = arith.divsi %while3A_750, %while3A_752 : i32
      %while3A_754 = arith.muli %while3A_753, %while3A_752 : i32
      %while3A_755 = arith.addi %sub3A_723, %while3A_754 : i32
      %while3A_756 = arith.constant 1 : i32
      %while3A_757:8 = scf.for %while3A_862 = %sub3A_723 to %while3A_755 step %while3A_756 iter_args(%while3A_863 = %get3A_728, %while3A_864 = %get3A_731, %while3A_865 = %get3A_734, %while3A_866 = %get3A_737, %while3A_867 = %get3A_740, %while3A_868 = %get3A_743, %while3A_869 = %get3A_746, %while3A_870 = %get3A_749) -> (vector<16xf32>, vector<16xf32>, vector<16xf32>, vector<16xf32>, vector<16xf32>, vector<16xf32>, vector<16xf32>, vector<16xf32>)  : i32 {
        %mul3A_871 = arith.constant 128 : i32
        %mul3A_872 = arith.muli %while3A_862, %mul3A_871 : i32
        %add3A_873 = arith.constant 0 : i32
        %add3A_874 = arith.addi %mul3A_872, %add3A_873 : i32
        %get3A_875 = arith.index_cast %add3A_874 : i32 to index
        %get3A_876 = tpu.vector_load %arg6[%get3A_875] {strides = array<i32>} : memref<65536xf32, #tpu.memory_space<vmem>>, vector<16xf32>,
        %get3A_877 = vector.shape_cast %get3A_876 : vector<16xf32> to vector<16xf32>
        %max3A_878 = arith.maximumf %while3A_863, %get3A_877 : vector<16xf32>
        %add3A_879 = arith.constant 16 : i32
        %add3A_880 = arith.addi %mul3A_872, %add3A_879 : i32
        %get3A_881 = arith.index_cast %add3A_880 : i32 to index
        %get3A_882 = tpu.vector_load %arg6[%get3A_881] {strides = array<i32>} : memref<65536xf32, #tpu.memory_space<vmem>>, vector<16xf32>,
        %get3A_883 = vector.shape_cast %get3A_882 : vector<16xf32> to vector<16xf32>
        %max3A_884 = arith.maximumf %while3A_864, %get3A_883 : vector<16xf32>
        %add3A_885 = arith.constant 32 : i32
        %add3A_886 = arith.addi %mul3A_872, %add3A_885 : i32
        %get3A_887 = arith.index_cast %add3A_886 : i32 to index
        %get3A_888 = tpu.vector_load %arg6[%get3A_887] {strides = array<i32>} : memref<65536xf32, #tpu.memory_space<vmem>>, vector<16xf32>,
        %get3A_889 = vector.shape_cast %get3A_888 : vector<16xf32> to vector<16xf32>
        %max3A_890 = arith.maximumf %while3A_865, %get3A_889 : vector<16xf32>
        %add3A_891 = arith.constant 48 : i32
        %add3A_892 = arith.addi %mul3A_872, %add3A_891 : i32
        %get3A_893 = arith.index_cast %add3A_892 : i32 to index
        %get3A_894 = tpu.vector_load %arg6[%get3A_893] {strides = array<i32>} : memref<65536xf32, #tpu.memory_space<vmem>>, vector<16xf32>,
        %get3A_895 = vector.shape_cast %get3A_894 : vector<16xf32> to vector<16xf32>
        %max3A_896 = arith.maximumf %while3A_866, %get3A_895 : vector<16xf32>
        %add3A_897 = arith.constant 64 : i32
        %add3A_898 = arith.addi %mul3A_872, %add3A_897 : i32
        %get3A_899 = arith.index_cast %add3A_898 : i32 to index
        %get3A_900 = tpu.vector_load %arg6[%get3A_899] {strides = array<i32>} : memref<65536xf32, #tpu.memory_space<vmem>>, vector<16xf32>,
        %get3A_901 = vector.shape_cast %get3A_900 : vector<16xf32> to vector<16xf32>
        %max3A_902 = arith.maximumf %while3A_867, %get3A_901 : vector<16xf32>
        %add3A_903 = arith.constant 80 : i32
        %add3A_904 = arith.addi %mul3A_872, %add3A_903 : i32
        %get3A_905 = arith.index_cast %add3A_904 : i32 to index
        %get3A_906 = tpu.vector_load %arg6[%get3A_905] {strides = array<i32>} : memref<65536xf32, #tpu.memory_space<vmem>>, vector<16xf32>,
        %get3A_907 = vector.shape_cast %get3A_906 : vector<16xf32> to vector<16xf32>
        %max3A_908 = arith.maximumf %while3A_868, %get3A_907 : vector<16xf32>
        %add3A_909 = arith.constant 96 : i32
        %add3A_910 = arith.addi %mul3A_872, %add3A_909 : i32
        %get3A_911 = arith.index_cast %add3A_910 : i32 to index
        %get3A_912 = tpu.vector_load %arg6[%get3A_911] {strides = array<i32>} : memref<65536xf32, #tpu.memory_space<vmem>>, vector<16xf32>,
        %get3A_913 = vector.shape_cast %get3A_912 : vector<16xf32> to vector<16xf32>
        %max3A_914 = arith.maximumf %while3A_869, %get3A_913 : vector<16xf32>
        %add3A_915 = arith.constant 112 : i32
        %add3A_916 = arith.addi %mul3A_872, %add3A_915 : i32
        %get3A_917 = arith.index_cast %add3A_916 : i32 to index
        %get3A_918 = tpu.vector_load %arg6[%get3A_917] {strides = array<i32>} : memref<65536xf32, #tpu.memory_space<vmem>>, vector<16xf32>,
        %get3A_919 = vector.shape_cast %get3A_918 : vector<16xf32> to vector<16xf32>
        %max3A_920 = arith.maximumf %while3A_870, %get3A_919 : vector<16xf32>
        scf.yield %max3A_878, %max3A_884, %max3A_890, %max3A_896, %max3A_902, %max3A_908, %max3A_914, %max3A_920 : vector<16xf32>, vector<16xf32>, vector<16xf32>, vector<16xf32>, vector<16xf32>, vector<16xf32>, vector<16xf32>, vector<16xf32>
      }
      %while3A_758 = arith.constant 1 : i32
      %while3A_759:8 = scf.for %while3A_862 = %while3A_755 to %while3A_751 step %while3A_758 iter_args(%while3A_863 = %while3A_757#0, %while3A_864 = %while3A_757#1, %while3A_865 = %while3A_757#2, %while3A_866 = %while3A_757#3, %while3A_867 = %while3A_757#4, %while3A_868 = %while3A_757#5, %while3A_869 = %while3A_757#6, %while3A_870 = %while3A_757#7) -> (vector<16xf32>, vector<16xf32>, vector<16xf32>, vector<16xf32>, vector<16xf32>, vector<16xf32>, vector<16xf32>, vector<16xf32>)  : i32 {
        %mul3A_871 = arith.constant 128 : i32
        %mul3A_872 = arith.muli %while3A_862, %mul3A_871 : i32
        %add3A_873 = arith.constant 0 : i32
        %add3A_874 = arith.addi %mul3A_872, %add3A_873 : i32
        %get3A_875 = arith.index_cast %add3A_874 : i32 to index
        %get3A_876 = tpu.vector_load %arg6[%get3A_875] {strides = array<i32>} : memref<65536xf32, #tpu.memory_space<vmem>>, vector<16xf32>,
        %get3A_877 = vector.shape_cast %get3A_876 : vector<16xf32> to vector<16xf32>
        %max3A_878 = arith.maximumf %while3A_863, %get3A_877 : vector<16xf32>
        %add3A_879 = arith.constant 16 : i32
        %add3A_880 = arith.addi %mul3A_872, %add3A_879 : i32
        %get3A_881 = arith.index_cast %add3A_880 : i32 to index
        %get3A_882 = tpu.vector_load %arg6[%get3A_881] {strides = array<i32>} : memref<65536xf32, #tpu.memory_space<vmem>>, vector<16xf32>,
        %get3A_883 = vector.shape_cast %get3A_882 : vector<16xf32> to vector<16xf32>
        %max3A_884 = arith.maximumf %while3A_864, %get3A_883 : vector<16xf32>
        %add3A_885 = arith.constant 32 : i32
        %add3A_886 = arith.addi %mul3A_872, %add3A_885 : i32
        %get3A_887 = arith.index_cast %add3A_886 : i32 to index
        %get3A_888 = tpu.vector_load %arg6[%get3A_887] {strides = array<i32>} : memref<65536xf32, #tpu.memory_space<vmem>>, vector<16xf32>,
        %get3A_889 = vector.shape_cast %get3A_888 : vector<16xf32> to vector<16xf32>
        %max3A_890 = arith.maximumf %while3A_865, %get3A_889 : vector<16xf32>
        %add3A_891 = arith.constant 48 : i32
        %add3A_892 = arith.addi %mul3A_872, %add3A_891 : i32
        %get3A_893 = arith.index_cast %add3A_892 : i32 to index
        %get3A_894 = tpu.vector_load %arg6[%get3A_893] {strides = array<i32>} : memref<65536xf32, #tpu.memory_space<vmem>>, vector<16xf32>,
        %get3A_895 = vector.shape_cast %get3A_894 : vector<16xf32> to vector<16xf32>
        %max3A_896 = arith.maximumf %while3A_866, %get3A_895 : vector<16xf32>
        %add3A_897 = arith.constant 64 : i32
        %add3A_898 = arith.addi %mul3A_872, %add3A_897 : i32
        %get3A_899 = arith.index_cast %add3A_898 : i32 to index
        %get3A_900 = tpu.vector_load %arg6[%get3A_899] {strides = array<i32>} : memref<65536xf32, #tpu.memory_space<vmem>>, vector<16xf32>,
        %get3A_901 = vector.shape_cast %get3A_900 : vector<16xf32> to vector<16xf32>
        %max3A_902 = arith.maximumf %while3A_867, %get3A_901 : vector<16xf32>
        %add3A_903 = arith.constant 80 : i32
        %add3A_904 = arith.addi %mul3A_872, %add3A_903 : i32
        %get3A_905 = arith.index_cast %add3A_904 : i32 to index
        %get3A_906 = tpu.vector_load %arg6[%get3A_905] {strides = array<i32>} : memref<65536xf32, #tpu.memory_space<vmem>>, vector<16xf32>,
        %get3A_907 = vector.shape_cast %get3A_906 : vector<16xf32> to vector<16xf32>
        %max3A_908 = arith.maximumf %while3A_868, %get3A_907 : vector<16xf32>
        %add3A_909 = arith.constant 96 : i32
        %add3A_910 = arith.addi %mul3A_872, %add3A_909 : i32
        %get3A_911 = arith.index_cast %add3A_910 : i32 to index
        %get3A_912 = tpu.vector_load %arg6[%get3A_911] {strides = array<i32>} : memref<65536xf32, #tpu.memory_space<vmem>>, vector<16xf32>,
        %get3A_913 = vector.shape_cast %get3A_912 : vector<16xf32> to vector<16xf32>
        %max3A_914 = arith.maximumf %while3A_869, %get3A_913 : vector<16xf32>
        %add3A_915 = arith.constant 112 : i32
        %add3A_916 = arith.addi %mul3A_872, %add3A_915 : i32
        %get3A_917 = arith.index_cast %add3A_916 : i32 to index
        %get3A_918 = tpu.vector_load %arg6[%get3A_917] {strides = array<i32>} : memref<65536xf32, #tpu.memory_space<vmem>>, vector<16xf32>,
        %get3A_919 = vector.shape_cast %get3A_918 : vector<16xf32> to vector<16xf32>
        %max3A_920 = arith.maximumf %while3A_870, %get3A_919 : vector<16xf32>
        scf.yield %max3A_878, %max3A_884, %max3A_890, %max3A_896, %max3A_902, %max3A_908, %max3A_914, %max3A_920 : vector<16xf32>, vector<16xf32>, vector<16xf32>, vector<16xf32>, vector<16xf32>, vector<16xf32>, vector<16xf32>, vector<16xf32>
      }
      %swap3A_760 = arith.constant 768 : index
      %swap3A_761 = tpu.vector_load %arg7[%swap3A_760] {strides = array<i32>} : memref<1024xf32, #tpu.memory_space<vmem>>, vector<16xf32>,
      %swap3A_762 = vector.shape_cast %swap3A_761 : vector<16xf32> to vector<16xf32>
      %swap3A_763 = vector.shape_cast %while3A_759#0 : vector<16xf32> to vector<16xf32>
      tpu.vector_store %arg7[%swap3A_760], %swap3A_763 {strides = array<i32>} : memref<1024xf32, #tpu.memory_space<vmem>>, vector<16xf32>,
      %swap3A_764 = arith.constant 784 : index
      %swap3A_765 = tpu.vector_load %arg7[%swap3A_764] {strides = array<i32>} : memref<1024xf32, #tpu.memory_space<vmem>>, vector<16xf32>,
      %swap3A_766 = vector.shape_cast %swap3A_765 : vector<16xf32> to vector<16xf32>
      %swap3A_767 = vector.shape_cast %while3A_759#1 : vector<16xf32> to vector<16xf32>
      tpu.vector_store %arg7[%swap3A_764], %swap3A_767 {strides = array<i32>} : memref<1024xf32, #tpu.memory_space<vmem>>, vector<16xf32>,
      %swap3A_768 = arith.constant 800 : index
      %swap3A_769 = tpu.vector_load %arg7[%swap3A_768] {strides = array<i32>} : memref<1024xf32, #tpu.memory_space<vmem>>, vector<16xf32>,
      %swap3A_770 = vector.shape_cast %swap3A_769 : vector<16xf32> to vector<16xf32>
      %swap3A_771 = vector.shape_cast %while3A_759#2 : vector<16xf32> to vector<16xf32>
      tpu.vector_store %arg7[%swap3A_768], %swap3A_771 {strides = array<i32>} : memref<1024xf32, #tpu.memory_space<vmem>>, vector<16xf32>,
      %swap3A_772 = arith.constant 816 : index
      %swap3A_773 = tpu.vector_load %arg7[%swap3A_772] {strides = array<i32>} : memref<1024xf32, #tpu.memory_space<vmem>>, vector<16xf32>,
      %swap3A_774 = vector.shape_cast %swap3A_773 : vector<16xf32> to vector<16xf32>
      %swap3A_775 = vector.shape_cast %while3A_759#3 : vector<16xf32> to vector<16xf32>
      tpu.vector_store %arg7[%swap3A_772], %swap3A_775 {strides = array<i32>} : memref<1024xf32, #tpu.memory_space<vmem>>, vector<16xf32>,
      %swap3A_776 = arith.constant 832 : index
      %swap3A_777 = tpu.vector_load %arg7[%swap3A_776] {strides = array<i32>} : memref<1024xf32, #tpu.memory_space<vmem>>, vector<16xf32>,
      %swap3A_778 = vector.shape_cast %swap3A_777 : vector<16xf32> to vector<16xf32>
      %swap3A_779 = vector.shape_cast %while3A_759#4 : vector<16xf32> to vector<16xf32>
      tpu.vector_store %arg7[%swap3A_776], %swap3A_779 {strides = array<i32>} : memref<1024xf32, #tpu.memory_space<vmem>>, vector<16xf32>,
      %swap3A_780 = arith.constant 848 : index
      %swap3A_781 = tpu.vector_load %arg7[%swap3A_780] {strides = array<i32>} : memref<1024xf32, #tpu.memory_space<vmem>>, vector<16xf32>,
      %swap3A_782 = vector.shape_cast %swap3A_781 : vector<16xf32> to vector<16xf32>
      %swap3A_783 = vector.shape_cast %while3A_759#5 : vector<16xf32> to vector<16xf32>
      tpu.vector_store %arg7[%swap3A_780], %swap3A_783 {strides = array<i32>} : memref<1024xf32, #tpu.memory_space<vmem>>, vector<16xf32>,
      %swap3A_784 = arith.constant 864 : index
      %swap3A_785 = tpu.vector_load %arg7[%swap3A_784] {strides = array<i32>} : memref<1024xf32, #tpu.memory_space<vmem>>, vector<16xf32>,
      %swap3A_786 = vector.shape_cast %swap3A_785 : vector<16xf32> to vector<16xf32>
      %swap3A_787 = vector.shape_cast %while3A_759#6 : vector<16xf32> to vector<16xf32>
      tpu.vector_store %arg7[%swap3A_784], %swap3A_787 {strides = array<i32>} : memref<1024xf32, #tpu.memory_space<vmem>>, vector<16xf32>,
      %swap3A_788 = arith.constant 880 : index
      %swap3A_789 = tpu.vector_load %arg7[%swap3A_788] {strides = array<i32>} : memref<1024xf32, #tpu.memory_space<vmem>>, vector<16xf32>,
      %swap3A_790 = vector.shape_cast %swap3A_789 : vector<16xf32> to vector<16xf32>
      %swap3A_791 = vector.shape_cast %while3A_759#7 : vector<16xf32> to vector<16xf32>
      tpu.vector_store %arg7[%swap3A_788], %swap3A_791 {strides = array<i32>} : memref<1024xf32, #tpu.memory_space<vmem>>, vector<16xf32>,
      %max3A_792 = arith.maxsi %squeeze3A_18, %add3A_296 : i32
      %sub3A_793 = arith.subi %max3A_792, %min3A_300 : i32
      %min3A_794 = arith.minsi %squeeze3A_20, %min3A : i32
      %sub3A_795 = arith.subi %min3A_794, %min3A_300 : i32
      %get3A_796 = arith.constant 896 : index
      %get3A_797 = tpu.vector_load %arg7[%get3A_796] {strides = array<i32>} : memref<1024xf32, #tpu.memory_space<vmem>>, vector<16xf32>,
      %get3A_798 = vector.shape_cast %get3A_797 : vector<16xf32> to vector<16xf32>
      %get3A_799 = arith.constant 912 : index
      %get3A_800 = tpu.vector_load %arg7[%get3A_799] {strides = array<i32>} : memref<1024xf32, #tpu.memory_space<vmem>>, vector<16xf32>,
      %get3A_801 = vector.shape_cast %get3A_800 : vector<16xf32> to vector<16xf32>
      %get3A_802 = arith.constant 928 : index
      %get3A_803 = tpu.vector_load %arg7[%get3A_802] {strides = array<i32>} : memref<1024xf32, #tpu.memory_space<vmem>>, vector<16xf32>,
      %get3A_804 = vector.shape_cast %get3A_803 : vector<16xf32> to vector<16xf32>
      %get3A_805 = arith.constant 944 : index
      %get3A_806 = tpu.vector_load %arg7[%get3A_805] {strides = array<i32>} : memref<1024xf32, #tpu.memory_space<vmem>>, vector<16xf32>,
      %get3A_807 = vector.shape_cast %get3A_806 : vector<16xf32> to vector<16xf32>
      %get3A_808 = arith.constant 960 : index
      %get3A_809 = tpu.vector_load %arg7[%get3A_808] {strides = array<i32>} : memref<1024xf32, #tpu.memory_space<vmem>>, vector<16xf32>,
      %get3A_810 = vector.shape_cast %get3A_809 : vector<16xf32> to vector<16xf32>
      %get3A_811 = arith.constant 976 : index
      %get3A_812 = tpu.vector_load %arg7[%get3A_811] {strides = array<i32>} : memref<1024xf32, #tpu.memory_space<vmem>>, vector<16xf32>,
      %get3A_813 = vector.shape_cast %get3A_812 : vector<16xf32> to vector<16xf32>
      %get3A_814 = arith.constant 992 : index
      %get3A_815 = tpu.vector_load %arg7[%get3A_814] {strides = array<i32>} : memref<1024xf32, #tpu.memory_space<vmem>>, vector<16xf32>,
      %get3A_816 = vector.shape_cast %get3A_815 : vector<16xf32> to vector<16xf32>
      %get3A_817 = arith.constant 1008 : index
      %get3A_818 = tpu.vector_load %arg7[%get3A_817] {strides = array<i32>} : memref<1024xf32, #tpu.memory_space<vmem>>, vector<16xf32>,
      %get3A_819 = vector.shape_cast %get3A_818 : vector<16xf32> to vector<16xf32>
      %while3A_820 = arith.subi %sub3A_795, %sub3A_793 : i32
      %while3A_821 = arith.addi %sub3A_793, %while3A_820 : i32
      %while3A_822 = arith.constant 1 : i32
      %while3A_823 = arith.divsi %while3A_820, %while3A_822 : i32
      %while3A_824 = arith.muli %while3A_823, %while3A_822 : i32
      %while3A_825 = arith.addi %sub3A_793, %while3A_824 : i32
      %while3A_826 = arith.constant 1 : i32
      %while3A_827:8 = scf.for %while3A_862 = %sub3A_793 to %while3A_825 step %while3A_826 iter_args(%while3A_863 = %get3A_798, %while3A_864 = %get3A_801, %while3A_865 = %get3A_804, %while3A_866 = %get3A_807, %while3A_867 = %get3A_810, %while3A_868 = %get3A_813, %while3A_869 = %get3A_816, %while3A_870 = %get3A_819) -> (vector<16xf32>, vector<16xf32>, vector<16xf32>, vector<16xf32>, vector<16xf32>, vector<16xf32>, vector<16xf32>, vector<16xf32>)  : i32 {
        %mul3A_871 = arith.constant 128 : i32
        %mul3A_872 = arith.muli %while3A_862, %mul3A_871 : i32
        %add3A_873 = arith.constant 0 : i32
        %add3A_874 = arith.addi %mul3A_872, %add3A_873 : i32
        %get3A_875 = arith.index_cast %add3A_874 : i32 to index
        %get3A_876 = tpu.vector_load %arg6[%get3A_875] {strides = array<i32>} : memref<65536xf32, #tpu.memory_space<vmem>>, vector<16xf32>,
        %get3A_877 = vector.shape_cast %get3A_876 : vector<16xf32> to vector<16xf32>
        %max3A_878 = arith.maximumf %while3A_863, %get3A_877 : vector<16xf32>
        %add3A_879 = arith.constant 16 : i32
        %add3A_880 = arith.addi %mul3A_872, %add3A_879 : i32
        %get3A_881 = arith.index_cast %add3A_880 : i32 to index
        %get3A_882 = tpu.vector_load %arg6[%get3A_881] {strides = array<i32>} : memref<65536xf32, #tpu.memory_space<vmem>>, vector<16xf32>,
        %get3A_883 = vector.shape_cast %get3A_882 : vector<16xf32> to vector<16xf32>
        %max3A_884 = arith.maximumf %while3A_864, %get3A_883 : vector<16xf32>
        %add3A_885 = arith.constant 32 : i32
        %add3A_886 = arith.addi %mul3A_872, %add3A_885 : i32
        %get3A_887 = arith.index_cast %add3A_886 : i32 to index
        %get3A_888 = tpu.vector_load %arg6[%get3A_887] {strides = array<i32>} : memref<65536xf32, #tpu.memory_space<vmem>>, vector<16xf32>,
        %get3A_889 = vector.shape_cast %get3A_888 : vector<16xf32> to vector<16xf32>
        %max3A_890 = arith.maximumf %while3A_865, %get3A_889 : vector<16xf32>
        %add3A_891 = arith.constant 48 : i32
        %add3A_892 = arith.addi %mul3A_872, %add3A_891 : i32
        %get3A_893 = arith.index_cast %add3A_892 : i32 to index
        %get3A_894 = tpu.vector_load %arg6[%get3A_893] {strides = array<i32>} : memref<65536xf32, #tpu.memory_space<vmem>>, vector<16xf32>,
        %get3A_895 = vector.shape_cast %get3A_894 : vector<16xf32> to vector<16xf32>
        %max3A_896 = arith.maximumf %while3A_866, %get3A_895 : vector<16xf32>
        %add3A_897 = arith.constant 64 : i32
        %add3A_898 = arith.addi %mul3A_872, %add3A_897 : i32
        %get3A_899 = arith.index_cast %add3A_898 : i32 to index
        %get3A_900 = tpu.vector_load %arg6[%get3A_899] {strides = array<i32>} : memref<65536xf32, #tpu.memory_space<vmem>>, vector<16xf32>,
        %get3A_901 = vector.shape_cast %get3A_900 : vector<16xf32> to vector<16xf32>
        %max3A_902 = arith.maximumf %while3A_867, %get3A_901 : vector<16xf32>
        %add3A_903 = arith.constant 80 : i32
        %add3A_904 = arith.addi %mul3A_872, %add3A_903 : i32
        %get3A_905 = arith.index_cast %add3A_904 : i32 to index
        %get3A_906 = tpu.vector_load %arg6[%get3A_905] {strides = array<i32>} : memref<65536xf32, #tpu.memory_space<vmem>>, vector<16xf32>,
        %get3A_907 = vector.shape_cast %get3A_906 : vector<16xf32> to vector<16xf32>
        %max3A_908 = arith.maximumf %while3A_868, %get3A_907 : vector<16xf32>
        %add3A_909 = arith.constant 96 : i32
        %add3A_910 = arith.addi %mul3A_872, %add3A_909 : i32
        %get3A_911 = arith.index_cast %add3A_910 : i32 to index
        %get3A_912 = tpu.vector_load %arg6[%get3A_911] {strides = array<i32>} : memref<65536xf32, #tpu.memory_space<vmem>>, vector<16xf32>,
        %get3A_913 = vector.shape_cast %get3A_912 : vector<16xf32> to vector<16xf32>
        %max3A_914 = arith.maximumf %while3A_869, %get3A_913 : vector<16xf32>
        %add3A_915 = arith.constant 112 : i32
        %add3A_916 = arith.addi %mul3A_872, %add3A_915 : i32
        %get3A_917 = arith.index_cast %add3A_916 : i32 to index
        %get3A_918 = tpu.vector_load %arg6[%get3A_917] {strides = array<i32>} : memref<65536xf32, #tpu.memory_space<vmem>>, vector<16xf32>,
        %get3A_919 = vector.shape_cast %get3A_918 : vector<16xf32> to vector<16xf32>
        %max3A_920 = arith.maximumf %while3A_870, %get3A_919 : vector<16xf32>
        scf.yield %max3A_878, %max3A_884, %max3A_890, %max3A_896, %max3A_902, %max3A_908, %max3A_914, %max3A_920 : vector<16xf32>, vector<16xf32>, vector<16xf32>, vector<16xf32>, vector<16xf32>, vector<16xf32>, vector<16xf32>, vector<16xf32>
      }
      %while3A_828 = arith.constant 1 : i32
      %while3A_829:8 = scf.for %while3A_862 = %while3A_825 to %while3A_821 step %while3A_828 iter_args(%while3A_863 = %while3A_827#0, %while3A_864 = %while3A_827#1, %while3A_865 = %while3A_827#2, %while3A_866 = %while3A_827#3, %while3A_867 = %while3A_827#4, %while3A_868 = %while3A_827#5, %while3A_869 = %while3A_827#6, %while3A_870 = %while3A_827#7) -> (vector<16xf32>, vector<16xf32>, vector<16xf32>, vector<16xf32>, vector<16xf32>, vector<16xf32>, vector<16xf32>, vector<16xf32>)  : i32 {
        %mul3A_871 = arith.constant 128 : i32
        %mul3A_872 = arith.muli %while3A_862, %mul3A_871 : i32
        %add3A_873 = arith.constant 0 : i32
        %add3A_874 = arith.addi %mul3A_872, %add3A_873 : i32
        %get3A_875 = arith.index_cast %add3A_874 : i32 to index
        %get3A_876 = tpu.vector_load %arg6[%get3A_875] {strides = array<i32>} : memref<65536xf32, #tpu.memory_space<vmem>>, vector<16xf32>,
        %get3A_877 = vector.shape_cast %get3A_876 : vector<16xf32> to vector<16xf32>
        %max3A_878 = arith.maximumf %while3A_863, %get3A_877 : vector<16xf32>
        %add3A_879 = arith.constant 16 : i32
        %add3A_880 = arith.addi %mul3A_872, %add3A_879 : i32
        %get3A_881 = arith.index_cast %add3A_880 : i32 to index
        %get3A_882 = tpu.vector_load %arg6[%get3A_881] {strides = array<i32>} : memref<65536xf32, #tpu.memory_space<vmem>>, vector<16xf32>,
        %get3A_883 = vector.shape_cast %get3A_882 : vector<16xf32> to vector<16xf32>
        %max3A_884 = arith.maximumf %while3A_864, %get3A_883 : vector<16xf32>
        %add3A_885 = arith.constant 32 : i32
        %add3A_886 = arith.addi %mul3A_872, %add3A_885 : i32
        %get3A_887 = arith.index_cast %add3A_886 : i32 to index
        %get3A_888 = tpu.vector_load %arg6[%get3A_887] {strides = array<i32>} : memref<65536xf32, #tpu.memory_space<vmem>>, vector<16xf32>,
        %get3A_889 = vector.shape_cast %get3A_888 : vector<16xf32> to vector<16xf32>
        %max3A_890 = arith.maximumf %while3A_865, %get3A_889 : vector<16xf32>
        %add3A_891 = arith.constant 48 : i32
        %add3A_892 = arith.addi %mul3A_872, %add3A_891 : i32
        %get3A_893 = arith.index_cast %add3A_892 : i32 to index
        %get3A_894 = tpu.vector_load %arg6[%get3A_893] {strides = array<i32>} : memref<65536xf32, #tpu.memory_space<vmem>>, vector<16xf32>,
        %get3A_895 = vector.shape_cast %get3A_894 : vector<16xf32> to vector<16xf32>
        %max3A_896 = arith.maximumf %while3A_866, %get3A_895 : vector<16xf32>
        %add3A_897 = arith.constant 64 : i32
        %add3A_898 = arith.addi %mul3A_872, %add3A_897 : i32
        %get3A_899 = arith.index_cast %add3A_898 : i32 to index
        %get3A_900 = tpu.vector_load %arg6[%get3A_899] {strides = array<i32>} : memref<65536xf32, #tpu.memory_space<vmem>>, vector<16xf32>,
        %get3A_901 = vector.shape_cast %get3A_900 : vector<16xf32> to vector<16xf32>
        %max3A_902 = arith.maximumf %while3A_867, %get3A_901 : vector<16xf32>
        %add3A_903 = arith.constant 80 : i32
        %add3A_904 = arith.addi %mul3A_872, %add3A_903 : i32
        %get3A_905 = arith.index_cast %add3A_904 : i32 to index
        %get3A_906 = tpu.vector_load %arg6[%get3A_905] {strides = array<i32>} : memref<65536xf32, #tpu.memory_space<vmem>>, vector<16xf32>,
        %get3A_907 = vector.shape_cast %get3A_906 : vector<16xf32> to vector<16xf32>
        %max3A_908 = arith.maximumf %while3A_868, %get3A_907 : vector<16xf32>
        %add3A_909 = arith.constant 96 : i32
        %add3A_910 = arith.addi %mul3A_872, %add3A_909 : i32
        %get3A_911 = arith.index_cast %add3A_910 : i32 to index
        %get3A_912 = tpu.vector_load %arg6[%get3A_911] {strides = array<i32>} : memref<65536xf32, #tpu.memory_space<vmem>>, vector<16xf32>,
        %get3A_913 = vector.shape_cast %get3A_912 : vector<16xf32> to vector<16xf32>
        %max3A_914 = arith.maximumf %while3A_869, %get3A_913 : vector<16xf32>
        %add3A_915 = arith.constant 112 : i32
        %add3A_916 = arith.addi %mul3A_872, %add3A_915 : i32
        %get3A_917 = arith.index_cast %add3A_916 : i32 to index
        %get3A_918 = tpu.vector_load %arg6[%get3A_917] {strides = array<i32>} : memref<65536xf32, #tpu.memory_space<vmem>>, vector<16xf32>,
        %get3A_919 = vector.shape_cast %get3A_918 : vector<16xf32> to vector<16xf32>
        %max3A_920 = arith.maximumf %while3A_870, %get3A_919 : vector<16xf32>
        scf.yield %max3A_878, %max3A_884, %max3A_890, %max3A_896, %max3A_902, %max3A_908, %max3A_914, %max3A_920 : vector<16xf32>, vector<16xf32>, vector<16xf32>, vector<16xf32>, vector<16xf32>, vector<16xf32>, vector<16xf32>, vector<16xf32>
      }
      %swap3A_830 = arith.constant 896 : index
      %swap3A_831 = tpu.vector_load %arg7[%swap3A_830] {strides = array<i32>} : memref<1024xf32, #tpu.memory_space<vmem>>, vector<16xf32>,
      %swap3A_832 = vector.shape_cast %swap3A_831 : vector<16xf32> to vector<16xf32>
      %swap3A_833 = vector.shape_cast %while3A_829#0 : vector<16xf32> to vector<16xf32>
      tpu.vector_store %arg7[%swap3A_830], %swap3A_833 {strides = array<i32>} : memref<1024xf32, #tpu.memory_space<vmem>>, vector<16xf32>,
      %swap3A_834 = arith.constant 912 : index
      %swap3A_835 = tpu.vector_load %arg7[%swap3A_834] {strides = array<i32>} : memref<1024xf32, #tpu.memory_space<vmem>>, vector<16xf32>,
      %swap3A_836 = vector.shape_cast %swap3A_835 : vector<16xf32> to vector<16xf32>
      %swap3A_837 = vector.shape_cast %while3A_829#1 : vector<16xf32> to vector<16xf32>
      tpu.vector_store %arg7[%swap3A_834], %swap3A_837 {strides = array<i32>} : memref<1024xf32, #tpu.memory_space<vmem>>, vector<16xf32>,
      %swap3A_838 = arith.constant 928 : index
      %swap3A_839 = tpu.vector_load %arg7[%swap3A_838] {strides = array<i32>} : memref<1024xf32, #tpu.memory_space<vmem>>, vector<16xf32>,
      %swap3A_840 = vector.shape_cast %swap3A_839 : vector<16xf32> to vector<16xf32>
      %swap3A_841 = vector.shape_cast %while3A_829#2 : vector<16xf32> to vector<16xf32>
      tpu.vector_store %arg7[%swap3A_838], %swap3A_841 {strides = array<i32>} : memref<1024xf32, #tpu.memory_space<vmem>>, vector<16xf32>,
      %swap3A_842 = arith.constant 944 : index
      %swap3A_843 = tpu.vector_load %arg7[%swap3A_842] {strides = array<i32>} : memref<1024xf32, #tpu.memory_space<vmem>>, vector<16xf32>,
      %swap3A_844 = vector.shape_cast %swap3A_843 : vector<16xf32> to vector<16xf32>
      %swap3A_845 = vector.shape_cast %while3A_829#3 : vector<16xf32> to vector<16xf32>
      tpu.vector_store %arg7[%swap3A_842], %swap3A_845 {strides = array<i32>} : memref<1024xf32, #tpu.memory_space<vmem>>, vector<16xf32>,
      %swap3A_846 = arith.constant 960 : index
      %swap3A_847 = tpu.vector_load %arg7[%swap3A_846] {strides = array<i32>} : memref<1024xf32, #tpu.memory_space<vmem>>, vector<16xf32>,
      %swap3A_848 = vector.shape_cast %swap3A_847 : vector<16xf32> to vector<16xf32>
      %swap3A_849 = vector.shape_cast %while3A_829#4 : vector<16xf32> to vector<16xf32>
      tpu.vector_store %arg7[%swap3A_846], %swap3A_849 {strides = array<i32>} : memref<1024xf32, #tpu.memory_space<vmem>>, vector<16xf32>,
      %swap3A_850 = arith.constant 976 : index
      %swap3A_851 = tpu.vector_load %arg7[%swap3A_850] {strides = array<i32>} : memref<1024xf32, #tpu.memory_space<vmem>>, vector<16xf32>,
      %swap3A_852 = vector.shape_cast %swap3A_851 : vector<16xf32> to vector<16xf32>
      %swap3A_853 = vector.shape_cast %while3A_829#5 : vector<16xf32> to vector<16xf32>
      tpu.vector_store %arg7[%swap3A_850], %swap3A_853 {strides = array<i32>} : memref<1024xf32, #tpu.memory_space<vmem>>, vector<16xf32>,
      %swap3A_854 = arith.constant 992 : index
      %swap3A_855 = tpu.vector_load %arg7[%swap3A_854] {strides = array<i32>} : memref<1024xf32, #tpu.memory_space<vmem>>, vector<16xf32>,
      %swap3A_856 = vector.shape_cast %swap3A_855 : vector<16xf32> to vector<16xf32>
      %swap3A_857 = vector.shape_cast %while3A_829#6 : vector<16xf32> to vector<16xf32>
      tpu.vector_store %arg7[%swap3A_854], %swap3A_857 {strides = array<i32>} : memref<1024xf32, #tpu.memory_space<vmem>>, vector<16xf32>,
      %swap3A_858 = arith.constant 1008 : index
      %swap3A_859 = tpu.vector_load %arg7[%swap3A_858] {strides = array<i32>} : memref<1024xf32, #tpu.memory_space<vmem>>, vector<16xf32>,
      %swap3A_860 = vector.shape_cast %swap3A_859 : vector<16xf32> to vector<16xf32>
      %swap3A_861 = vector.shape_cast %while3A_829#7 : vector<16xf32> to vector<16xf32>
      tpu.vector_store %arg7[%swap3A_858], %swap3A_861 {strides = array<i32>} : memref<1024xf32, #tpu.memory_space<vmem>>, vector<16xf32>,
    }
    %while3A_288 = arith.constant 1 : i32
    scf.for %while3A_293 = %while3A_286 to %while3A_282 step %while3A_288  : i32 {
      %mul3A_294 = arith.constant 512 : i32
      %mul3A_295 = arith.muli %while3A_293, %mul3A_294 : i32
      %add3A_296 = arith.addi %squeeze3A, %mul3A_295 : i32
      %add3A_297 = arith.constant 512 : i32
      %add3A_298 = arith.addi %add3A_296, %add3A_297 : i32
      %min3A = arith.minsi %add3A_298, %squeeze3A_20 : i32
      %min3A_299 = arith.constant 319488 : i32
      %min3A_300 = arith.minsi %add3A_296, %min3A_299 : i32
      %mul3A_301 = arith.constant 128 : i32
      %mul3A_302 = arith.muli %min3A_300, %mul3A_301 : i32
      "tpu.region"() ({
        %run_scoped3A = tpu.sem_alloc : memref<!tpu.dma_semaphore, #tpu.memory_space<semaphore_mem>>
        %dma_start3A = tpu.memref_slice %arg2[%mul3A_302] : memref<40960000xf32, #tpu.memory_space<hbm>> -> memref<65536xf32, #tpu.memory_space<hbm>>
        %dma_start3A_862 = tpu.memref_slice %arg2[%mul3A_302] : memref<40960000xf32, #tpu.memory_space<hbm>> -> memref<65536xf32, #tpu.memory_space<hbm>>
        tpu.enqueue_dma source(%dma_start3A_862 : memref<65536xf32, #tpu.memory_space<hbm>>) target(%arg6 : memref<65536xf32, #tpu.memory_space<vmem>>) target_semaphore(%run_scoped3A : memref<!tpu.dma_semaphore, #tpu.memory_space<semaphore_mem>>)
        %dma_wait3A = tpu.memref_slice %arg2[%mul3A_302] : memref<40960000xf32, #tpu.memory_space<hbm>> -> memref<65536xf32, #tpu.memory_space<hbm>>
        %dma_wait3A_863 = tpu.memref_slice %arg2[%mul3A_302] : memref<40960000xf32, #tpu.memory_space<hbm>> -> memref<65536xf32, #tpu.memory_space<hbm>>
        tpu.wait_dma2 semaphore(%run_scoped3A : memref<!tpu.dma_semaphore, #tpu.memory_space<semaphore_mem>>) src(%dma_wait3A_863 : memref<65536xf32, #tpu.memory_space<hbm>>) dst(%arg6 : memref<65536xf32, #tpu.memory_space<vmem>>)
        tpu.yield
      }) : () -> ()
      %max3A = arith.maxsi %squeeze3A, %add3A_296 : i32
      %sub3A_303 = arith.subi %max3A, %min3A_300 : i32
      %min3A_304 = arith.minsi %squeeze3A_6, %min3A : i32
      %sub3A_305 = arith.subi %min3A_304, %min3A_300 : i32
      %get3A_306 = arith.constant 0 : index
      %get3A_307 = tpu.vector_load %arg7[%get3A_306] {strides = array<i32>} : memref<1024xf32, #tpu.memory_space<vmem>>, vector<16xf32>,
      %get3A_308 = vector.shape_cast %get3A_307 : vector<16xf32> to vector<16xf32>
      %get3A_309 = arith.constant 16 : index
      %get3A_310 = tpu.vector_load %arg7[%get3A_309] {strides = array<i32>} : memref<1024xf32, #tpu.memory_space<vmem>>, vector<16xf32>,
      %get3A_311 = vector.shape_cast %get3A_310 : vector<16xf32> to vector<16xf32>
      %get3A_312 = arith.constant 32 : index
      %get3A_313 = tpu.vector_load %arg7[%get3A_312] {strides = array<i32>} : memref<1024xf32, #tpu.memory_space<vmem>>, vector<16xf32>,
      %get3A_314 = vector.shape_cast %get3A_313 : vector<16xf32> to vector<16xf32>
      %get3A_315 = arith.constant 48 : index
      %get3A_316 = tpu.vector_load %arg7[%get3A_315] {strides = array<i32>} : memref<1024xf32, #tpu.memory_space<vmem>>, vector<16xf32>,
      %get3A_317 = vector.shape_cast %get3A_316 : vector<16xf32> to vector<16xf32>
      %get3A_318 = arith.constant 64 : index
      %get3A_319 = tpu.vector_load %arg7[%get3A_318] {strides = array<i32>} : memref<1024xf32, #tpu.memory_space<vmem>>, vector<16xf32>,
      %get3A_320 = vector.shape_cast %get3A_319 : vector<16xf32> to vector<16xf32>
      %get3A_321 = arith.constant 80 : index
      %get3A_322 = tpu.vector_load %arg7[%get3A_321] {strides = array<i32>} : memref<1024xf32, #tpu.memory_space<vmem>>, vector<16xf32>,
      %get3A_323 = vector.shape_cast %get3A_322 : vector<16xf32> to vector<16xf32>
      %get3A_324 = arith.constant 96 : index
      %get3A_325 = tpu.vector_load %arg7[%get3A_324] {strides = array<i32>} : memref<1024xf32, #tpu.memory_space<vmem>>, vector<16xf32>,
      %get3A_326 = vector.shape_cast %get3A_325 : vector<16xf32> to vector<16xf32>
      %get3A_327 = arith.constant 112 : index
      %get3A_328 = tpu.vector_load %arg7[%get3A_327] {strides = array<i32>} : memref<1024xf32, #tpu.memory_space<vmem>>, vector<16xf32>,
      %get3A_329 = vector.shape_cast %get3A_328 : vector<16xf32> to vector<16xf32>
      %while3A_330 = arith.subi %sub3A_305, %sub3A_303 : i32
      %while3A_331 = arith.addi %sub3A_303, %while3A_330 : i32
      %while3A_332 = arith.constant 1 : i32
      %while3A_333 = arith.divsi %while3A_330, %while3A_332 : i32
      %while3A_334 = arith.muli %while3A_333, %while3A_332 : i32
      %while3A_335 = arith.addi %sub3A_303, %while3A_334 : i32
      %while3A_336 = arith.constant 1 : i32
      %while3A_337:8 = scf.for %while3A_862 = %sub3A_303 to %while3A_335 step %while3A_336 iter_args(%while3A_863 = %get3A_308, %while3A_864 = %get3A_311, %while3A_865 = %get3A_314, %while3A_866 = %get3A_317, %while3A_867 = %get3A_320, %while3A_868 = %get3A_323, %while3A_869 = %get3A_326, %while3A_870 = %get3A_329) -> (vector<16xf32>, vector<16xf32>, vector<16xf32>, vector<16xf32>, vector<16xf32>, vector<16xf32>, vector<16xf32>, vector<16xf32>)  : i32 {
        %mul3A_871 = arith.constant 128 : i32
        %mul3A_872 = arith.muli %while3A_862, %mul3A_871 : i32
        %add3A_873 = arith.constant 0 : i32
        %add3A_874 = arith.addi %mul3A_872, %add3A_873 : i32
        %get3A_875 = arith.index_cast %add3A_874 : i32 to index
        %get3A_876 = tpu.vector_load %arg6[%get3A_875] {strides = array<i32>} : memref<65536xf32, #tpu.memory_space<vmem>>, vector<16xf32>,
        %get3A_877 = vector.shape_cast %get3A_876 : vector<16xf32> to vector<16xf32>
        %max3A_878 = arith.maximumf %while3A_863, %get3A_877 : vector<16xf32>
        %add3A_879 = arith.constant 16 : i32
        %add3A_880 = arith.addi %mul3A_872, %add3A_879 : i32
        %get3A_881 = arith.index_cast %add3A_880 : i32 to index
        %get3A_882 = tpu.vector_load %arg6[%get3A_881] {strides = array<i32>} : memref<65536xf32, #tpu.memory_space<vmem>>, vector<16xf32>,
        %get3A_883 = vector.shape_cast %get3A_882 : vector<16xf32> to vector<16xf32>
        %max3A_884 = arith.maximumf %while3A_864, %get3A_883 : vector<16xf32>
        %add3A_885 = arith.constant 32 : i32
        %add3A_886 = arith.addi %mul3A_872, %add3A_885 : i32
        %get3A_887 = arith.index_cast %add3A_886 : i32 to index
        %get3A_888 = tpu.vector_load %arg6[%get3A_887] {strides = array<i32>} : memref<65536xf32, #tpu.memory_space<vmem>>, vector<16xf32>,
        %get3A_889 = vector.shape_cast %get3A_888 : vector<16xf32> to vector<16xf32>
        %max3A_890 = arith.maximumf %while3A_865, %get3A_889 : vector<16xf32>
        %add3A_891 = arith.constant 48 : i32
        %add3A_892 = arith.addi %mul3A_872, %add3A_891 : i32
        %get3A_893 = arith.index_cast %add3A_892 : i32 to index
        %get3A_894 = tpu.vector_load %arg6[%get3A_893] {strides = array<i32>} : memref<65536xf32, #tpu.memory_space<vmem>>, vector<16xf32>,
        %get3A_895 = vector.shape_cast %get3A_894 : vector<16xf32> to vector<16xf32>
        %max3A_896 = arith.maximumf %while3A_866, %get3A_895 : vector<16xf32>
        %add3A_897 = arith.constant 64 : i32
        %add3A_898 = arith.addi %mul3A_872, %add3A_897 : i32
        %get3A_899 = arith.index_cast %add3A_898 : i32 to index
        %get3A_900 = tpu.vector_load %arg6[%get3A_899] {strides = array<i32>} : memref<65536xf32, #tpu.memory_space<vmem>>, vector<16xf32>,
        %get3A_901 = vector.shape_cast %get3A_900 : vector<16xf32> to vector<16xf32>
        %max3A_902 = arith.maximumf %while3A_867, %get3A_901 : vector<16xf32>
        %add3A_903 = arith.constant 80 : i32
        %add3A_904 = arith.addi %mul3A_872, %add3A_903 : i32
        %get3A_905 = arith.index_cast %add3A_904 : i32 to index
        %get3A_906 = tpu.vector_load %arg6[%get3A_905] {strides = array<i32>} : memref<65536xf32, #tpu.memory_space<vmem>>, vector<16xf32>,
        %get3A_907 = vector.shape_cast %get3A_906 : vector<16xf32> to vector<16xf32>
        %max3A_908 = arith.maximumf %while3A_868, %get3A_907 : vector<16xf32>
        %add3A_909 = arith.constant 96 : i32
        %add3A_910 = arith.addi %mul3A_872, %add3A_909 : i32
        %get3A_911 = arith.index_cast %add3A_910 : i32 to index
        %get3A_912 = tpu.vector_load %arg6[%get3A_911] {strides = array<i32>} : memref<65536xf32, #tpu.memory_space<vmem>>, vector<16xf32>,
        %get3A_913 = vector.shape_cast %get3A_912 : vector<16xf32> to vector<16xf32>
        %max3A_914 = arith.maximumf %while3A_869, %get3A_913 : vector<16xf32>
        %add3A_915 = arith.constant 112 : i32
        %add3A_916 = arith.addi %mul3A_872, %add3A_915 : i32
        %get3A_917 = arith.index_cast %add3A_916 : i32 to index
        %get3A_918 = tpu.vector_load %arg6[%get3A_917] {strides = array<i32>} : memref<65536xf32, #tpu.memory_space<vmem>>, vector<16xf32>,
        %get3A_919 = vector.shape_cast %get3A_918 : vector<16xf32> to vector<16xf32>
        %max3A_920 = arith.maximumf %while3A_870, %get3A_919 : vector<16xf32>
        scf.yield %max3A_878, %max3A_884, %max3A_890, %max3A_896, %max3A_902, %max3A_908, %max3A_914, %max3A_920 : vector<16xf32>, vector<16xf32>, vector<16xf32>, vector<16xf32>, vector<16xf32>, vector<16xf32>, vector<16xf32>, vector<16xf32>
      }
      %while3A_338 = arith.constant 1 : i32
      %while3A_339:8 = scf.for %while3A_862 = %while3A_335 to %while3A_331 step %while3A_338 iter_args(%while3A_863 = %while3A_337#0, %while3A_864 = %while3A_337#1, %while3A_865 = %while3A_337#2, %while3A_866 = %while3A_337#3, %while3A_867 = %while3A_337#4, %while3A_868 = %while3A_337#5, %while3A_869 = %while3A_337#6, %while3A_870 = %while3A_337#7) -> (vector<16xf32>, vector<16xf32>, vector<16xf32>, vector<16xf32>, vector<16xf32>, vector<16xf32>, vector<16xf32>, vector<16xf32>)  : i32 {
        %mul3A_871 = arith.constant 128 : i32
        %mul3A_872 = arith.muli %while3A_862, %mul3A_871 : i32
        %add3A_873 = arith.constant 0 : i32
        %add3A_874 = arith.addi %mul3A_872, %add3A_873 : i32
        %get3A_875 = arith.index_cast %add3A_874 : i32 to index
        %get3A_876 = tpu.vector_load %arg6[%get3A_875] {strides = array<i32>} : memref<65536xf32, #tpu.memory_space<vmem>>, vector<16xf32>,
        %get3A_877 = vector.shape_cast %get3A_876 : vector<16xf32> to vector<16xf32>
        %max3A_878 = arith.maximumf %while3A_863, %get3A_877 : vector<16xf32>
        %add3A_879 = arith.constant 16 : i32
        %add3A_880 = arith.addi %mul3A_872, %add3A_879 : i32
        %get3A_881 = arith.index_cast %add3A_880 : i32 to index
        %get3A_882 = tpu.vector_load %arg6[%get3A_881] {strides = array<i32>} : memref<65536xf32, #tpu.memory_space<vmem>>, vector<16xf32>,
        %get3A_883 = vector.shape_cast %get3A_882 : vector<16xf32> to vector<16xf32>
        %max3A_884 = arith.maximumf %while3A_864, %get3A_883 : vector<16xf32>
        %add3A_885 = arith.constant 32 : i32
        %add3A_886 = arith.addi %mul3A_872, %add3A_885 : i32
        %get3A_887 = arith.index_cast %add3A_886 : i32 to index
        %get3A_888 = tpu.vector_load %arg6[%get3A_887] {strides = array<i32>} : memref<65536xf32, #tpu.memory_space<vmem>>, vector<16xf32>,
        %get3A_889 = vector.shape_cast %get3A_888 : vector<16xf32> to vector<16xf32>
        %max3A_890 = arith.maximumf %while3A_865, %get3A_889 : vector<16xf32>
        %add3A_891 = arith.constant 48 : i32
        %add3A_892 = arith.addi %mul3A_872, %add3A_891 : i32
        %get3A_893 = arith.index_cast %add3A_892 : i32 to index
        %get3A_894 = tpu.vector_load %arg6[%get3A_893] {strides = array<i32>} : memref<65536xf32, #tpu.memory_space<vmem>>, vector<16xf32>,
        %get3A_895 = vector.shape_cast %get3A_894 : vector<16xf32> to vector<16xf32>
        %max3A_896 = arith.maximumf %while3A_866, %get3A_895 : vector<16xf32>
        %add3A_897 = arith.constant 64 : i32
        %add3A_898 = arith.addi %mul3A_872, %add3A_897 : i32
        %get3A_899 = arith.index_cast %add3A_898 : i32 to index
        %get3A_900 = tpu.vector_load %arg6[%get3A_899] {strides = array<i32>} : memref<65536xf32, #tpu.memory_space<vmem>>, vector<16xf32>,
        %get3A_901 = vector.shape_cast %get3A_900 : vector<16xf32> to vector<16xf32>
        %max3A_902 = arith.maximumf %while3A_867, %get3A_901 : vector<16xf32>
        %add3A_903 = arith.constant 80 : i32
        %add3A_904 = arith.addi %mul3A_872, %add3A_903 : i32
        %get3A_905 = arith.index_cast %add3A_904 : i32 to index
        %get3A_906 = tpu.vector_load %arg6[%get3A_905] {strides = array<i32>} : memref<65536xf32, #tpu.memory_space<vmem>>, vector<16xf32>,
        %get3A_907 = vector.shape_cast %get3A_906 : vector<16xf32> to vector<16xf32>
        %max3A_908 = arith.maximumf %while3A_868, %get3A_907 : vector<16xf32>
        %add3A_909 = arith.constant 96 : i32
        %add3A_910 = arith.addi %mul3A_872, %add3A_909 : i32
        %get3A_911 = arith.index_cast %add3A_910 : i32 to index
        %get3A_912 = tpu.vector_load %arg6[%get3A_911] {strides = array<i32>} : memref<65536xf32, #tpu.memory_space<vmem>>, vector<16xf32>,
        %get3A_913 = vector.shape_cast %get3A_912 : vector<16xf32> to vector<16xf32>
        %max3A_914 = arith.maximumf %while3A_869, %get3A_913 : vector<16xf32>
        %add3A_915 = arith.constant 112 : i32
        %add3A_916 = arith.addi %mul3A_872, %add3A_915 : i32
        %get3A_917 = arith.index_cast %add3A_916 : i32 to index
        %get3A_918 = tpu.vector_load %arg6[%get3A_917] {strides = array<i32>} : memref<65536xf32, #tpu.memory_space<vmem>>, vector<16xf32>,
        %get3A_919 = vector.shape_cast %get3A_918 : vector<16xf32> to vector<16xf32>
        %max3A_920 = arith.maximumf %while3A_870, %get3A_919 : vector<16xf32>
        scf.yield %max3A_878, %max3A_884, %max3A_890, %max3A_896, %max3A_902, %max3A_908, %max3A_914, %max3A_920 : vector<16xf32>, vector<16xf32>, vector<16xf32>, vector<16xf32>, vector<16xf32>, vector<16xf32>, vector<16xf32>, vector<16xf32>
      }
      %swap3A_340 = arith.constant 0 : index
      %swap3A_341 = tpu.vector_load %arg7[%swap3A_340] {strides = array<i32>} : memref<1024xf32, #tpu.memory_space<vmem>>, vector<16xf32>,
      %swap3A_342 = vector.shape_cast %swap3A_341 : vector<16xf32> to vector<16xf32>
      %swap3A_343 = vector.shape_cast %while3A_339#0 : vector<16xf32> to vector<16xf32>
      tpu.vector_store %arg7[%swap3A_340], %swap3A_343 {strides = array<i32>} : memref<1024xf32, #tpu.memory_space<vmem>>, vector<16xf32>,
      %swap3A_344 = arith.constant 16 : index
      %swap3A_345 = tpu.vector_load %arg7[%swap3A_344] {strides = array<i32>} : memref<1024xf32, #tpu.memory_space<vmem>>, vector<16xf32>,
      %swap3A_346 = vector.shape_cast %swap3A_345 : vector<16xf32> to vector<16xf32>
      %swap3A_347 = vector.shape_cast %while3A_339#1 : vector<16xf32> to vector<16xf32>
      tpu.vector_store %arg7[%swap3A_344], %swap3A_347 {strides = array<i32>} : memref<1024xf32, #tpu.memory_space<vmem>>, vector<16xf32>,
      %swap3A_348 = arith.constant 32 : index
      %swap3A_349 = tpu.vector_load %arg7[%swap3A_348] {strides = array<i32>} : memref<1024xf32, #tpu.memory_space<vmem>>, vector<16xf32>,
      %swap3A_350 = vector.shape_cast %swap3A_349 : vector<16xf32> to vector<16xf32>
      %swap3A_351 = vector.shape_cast %while3A_339#2 : vector<16xf32> to vector<16xf32>
      tpu.vector_store %arg7[%swap3A_348], %swap3A_351 {strides = array<i32>} : memref<1024xf32, #tpu.memory_space<vmem>>, vector<16xf32>,
      %swap3A_352 = arith.constant 48 : index
      %swap3A_353 = tpu.vector_load %arg7[%swap3A_352] {strides = array<i32>} : memref<1024xf32, #tpu.memory_space<vmem>>, vector<16xf32>,
      %swap3A_354 = vector.shape_cast %swap3A_353 : vector<16xf32> to vector<16xf32>
      %swap3A_355 = vector.shape_cast %while3A_339#3 : vector<16xf32> to vector<16xf32>
      tpu.vector_store %arg7[%swap3A_352], %swap3A_355 {strides = array<i32>} : memref<1024xf32, #tpu.memory_space<vmem>>, vector<16xf32>,
      %swap3A_356 = arith.constant 64 : index
      %swap3A_357 = tpu.vector_load %arg7[%swap3A_356] {strides = array<i32>} : memref<1024xf32, #tpu.memory_space<vmem>>, vector<16xf32>,
      %swap3A_358 = vector.shape_cast %swap3A_357 : vector<16xf32> to vector<16xf32>
      %swap3A_359 = vector.shape_cast %while3A_339#4 : vector<16xf32> to vector<16xf32>
      tpu.vector_store %arg7[%swap3A_356], %swap3A_359 {strides = array<i32>} : memref<1024xf32, #tpu.memory_space<vmem>>, vector<16xf32>,
      %swap3A_360 = arith.constant 80 : index
      %swap3A_361 = tpu.vector_load %arg7[%swap3A_360] {strides = array<i32>} : memref<1024xf32, #tpu.memory_space<vmem>>, vector<16xf32>,
      %swap3A_362 = vector.shape_cast %swap3A_361 : vector<16xf32> to vector<16xf32>
      %swap3A_363 = vector.shape_cast %while3A_339#5 : vector<16xf32> to vector<16xf32>
      tpu.vector_store %arg7[%swap3A_360], %swap3A_363 {strides = array<i32>} : memref<1024xf32, #tpu.memory_space<vmem>>, vector<16xf32>,
      %swap3A_364 = arith.constant 96 : index
      %swap3A_365 = tpu.vector_load %arg7[%swap3A_364] {strides = array<i32>} : memref<1024xf32, #tpu.memory_space<vmem>>, vector<16xf32>,
      %swap3A_366 = vector.shape_cast %swap3A_365 : vector<16xf32> to vector<16xf32>
      %swap3A_367 = vector.shape_cast %while3A_339#6 : vector<16xf32> to vector<16xf32>
      tpu.vector_store %arg7[%swap3A_364], %swap3A_367 {strides = array<i32>} : memref<1024xf32, #tpu.memory_space<vmem>>, vector<16xf32>,
      %swap3A_368 = arith.constant 112 : index
      %swap3A_369 = tpu.vector_load %arg7[%swap3A_368] {strides = array<i32>} : memref<1024xf32, #tpu.memory_space<vmem>>, vector<16xf32>,
      %swap3A_370 = vector.shape_cast %swap3A_369 : vector<16xf32> to vector<16xf32>
      %swap3A_371 = vector.shape_cast %while3A_339#7 : vector<16xf32> to vector<16xf32>
      tpu.vector_store %arg7[%swap3A_368], %swap3A_371 {strides = array<i32>} : memref<1024xf32, #tpu.memory_space<vmem>>, vector<16xf32>,
      %max3A_372 = arith.maxsi %squeeze3A_6, %add3A_296 : i32
      %sub3A_373 = arith.subi %max3A_372, %min3A_300 : i32
      %min3A_374 = arith.minsi %squeeze3A_8, %min3A : i32
      %sub3A_375 = arith.subi %min3A_374, %min3A_300 : i32
      %get3A_376 = arith.constant 128 : index
      %get3A_377 = tpu.vector_load %arg7[%get3A_376] {strides = array<i32>} : memref<1024xf32, #tpu.memory_space<vmem>>, vector<16xf32>,
      %get3A_378 = vector.shape_cast %get3A_377 : vector<16xf32> to vector<16xf32>
      %get3A_379 = arith.constant 144 : index
      %get3A_380 = tpu.vector_load %arg7[%get3A_379] {strides = array<i32>} : memref<1024xf32, #tpu.memory_space<vmem>>, vector<16xf32>,
      %get3A_381 = vector.shape_cast %get3A_380 : vector<16xf32> to vector<16xf32>
      %get3A_382 = arith.constant 160 : index
      %get3A_383 = tpu.vector_load %arg7[%get3A_382] {strides = array<i32>} : memref<1024xf32, #tpu.memory_space<vmem>>, vector<16xf32>,
      %get3A_384 = vector.shape_cast %get3A_383 : vector<16xf32> to vector<16xf32>
      %get3A_385 = arith.constant 176 : index
      %get3A_386 = tpu.vector_load %arg7[%get3A_385] {strides = array<i32>} : memref<1024xf32, #tpu.memory_space<vmem>>, vector<16xf32>,
      %get3A_387 = vector.shape_cast %get3A_386 : vector<16xf32> to vector<16xf32>
      %get3A_388 = arith.constant 192 : index
      %get3A_389 = tpu.vector_load %arg7[%get3A_388] {strides = array<i32>} : memref<1024xf32, #tpu.memory_space<vmem>>, vector<16xf32>,
      %get3A_390 = vector.shape_cast %get3A_389 : vector<16xf32> to vector<16xf32>
      %get3A_391 = arith.constant 208 : index
      %get3A_392 = tpu.vector_load %arg7[%get3A_391] {strides = array<i32>} : memref<1024xf32, #tpu.memory_space<vmem>>, vector<16xf32>,
      %get3A_393 = vector.shape_cast %get3A_392 : vector<16xf32> to vector<16xf32>
      %get3A_394 = arith.constant 224 : index
      %get3A_395 = tpu.vector_load %arg7[%get3A_394] {strides = array<i32>} : memref<1024xf32, #tpu.memory_space<vmem>>, vector<16xf32>,
      %get3A_396 = vector.shape_cast %get3A_395 : vector<16xf32> to vector<16xf32>
      %get3A_397 = arith.constant 240 : index
      %get3A_398 = tpu.vector_load %arg7[%get3A_397] {strides = array<i32>} : memref<1024xf32, #tpu.memory_space<vmem>>, vector<16xf32>,
      %get3A_399 = vector.shape_cast %get3A_398 : vector<16xf32> to vector<16xf32>
      %while3A_400 = arith.subi %sub3A_375, %sub3A_373 : i32
      %while3A_401 = arith.addi %sub3A_373, %while3A_400 : i32
      %while3A_402 = arith.constant 1 : i32
      %while3A_403 = arith.divsi %while3A_400, %while3A_402 : i32
      %while3A_404 = arith.muli %while3A_403, %while3A_402 : i32
      %while3A_405 = arith.addi %sub3A_373, %while3A_404 : i32
      %while3A_406 = arith.constant 1 : i32
      %while3A_407:8 = scf.for %while3A_862 = %sub3A_373 to %while3A_405 step %while3A_406 iter_args(%while3A_863 = %get3A_378, %while3A_864 = %get3A_381, %while3A_865 = %get3A_384, %while3A_866 = %get3A_387, %while3A_867 = %get3A_390, %while3A_868 = %get3A_393, %while3A_869 = %get3A_396, %while3A_870 = %get3A_399) -> (vector<16xf32>, vector<16xf32>, vector<16xf32>, vector<16xf32>, vector<16xf32>, vector<16xf32>, vector<16xf32>, vector<16xf32>)  : i32 {
        %mul3A_871 = arith.constant 128 : i32
        %mul3A_872 = arith.muli %while3A_862, %mul3A_871 : i32
        %add3A_873 = arith.constant 0 : i32
        %add3A_874 = arith.addi %mul3A_872, %add3A_873 : i32
        %get3A_875 = arith.index_cast %add3A_874 : i32 to index
        %get3A_876 = tpu.vector_load %arg6[%get3A_875] {strides = array<i32>} : memref<65536xf32, #tpu.memory_space<vmem>>, vector<16xf32>,
        %get3A_877 = vector.shape_cast %get3A_876 : vector<16xf32> to vector<16xf32>
        %max3A_878 = arith.maximumf %while3A_863, %get3A_877 : vector<16xf32>
        %add3A_879 = arith.constant 16 : i32
        %add3A_880 = arith.addi %mul3A_872, %add3A_879 : i32
        %get3A_881 = arith.index_cast %add3A_880 : i32 to index
        %get3A_882 = tpu.vector_load %arg6[%get3A_881] {strides = array<i32>} : memref<65536xf32, #tpu.memory_space<vmem>>, vector<16xf32>,
        %get3A_883 = vector.shape_cast %get3A_882 : vector<16xf32> to vector<16xf32>
        %max3A_884 = arith.maximumf %while3A_864, %get3A_883 : vector<16xf32>
        %add3A_885 = arith.constant 32 : i32
        %add3A_886 = arith.addi %mul3A_872, %add3A_885 : i32
        %get3A_887 = arith.index_cast %add3A_886 : i32 to index
        %get3A_888 = tpu.vector_load %arg6[%get3A_887] {strides = array<i32>} : memref<65536xf32, #tpu.memory_space<vmem>>, vector<16xf32>,
        %get3A_889 = vector.shape_cast %get3A_888 : vector<16xf32> to vector<16xf32>
        %max3A_890 = arith.maximumf %while3A_865, %get3A_889 : vector<16xf32>
        %add3A_891 = arith.constant 48 : i32
        %add3A_892 = arith.addi %mul3A_872, %add3A_891 : i32
        %get3A_893 = arith.index_cast %add3A_892 : i32 to index
        %get3A_894 = tpu.vector_load %arg6[%get3A_893] {strides = array<i32>} : memref<65536xf32, #tpu.memory_space<vmem>>, vector<16xf32>,
        %get3A_895 = vector.shape_cast %get3A_894 : vector<16xf32> to vector<16xf32>
        %max3A_896 = arith.maximumf %while3A_866, %get3A_895 : vector<16xf32>
        %add3A_897 = arith.constant 64 : i32
        %add3A_898 = arith.addi %mul3A_872, %add3A_897 : i32
        %get3A_899 = arith.index_cast %add3A_898 : i32 to index
        %get3A_900 = tpu.vector_load %arg6[%get3A_899] {strides = array<i32>} : memref<65536xf32, #tpu.memory_space<vmem>>, vector<16xf32>,
        %get3A_901 = vector.shape_cast %get3A_900 : vector<16xf32> to vector<16xf32>
        %max3A_902 = arith.maximumf %while3A_867, %get3A_901 : vector<16xf32>
        %add3A_903 = arith.constant 80 : i32
        %add3A_904 = arith.addi %mul3A_872, %add3A_903 : i32
        %get3A_905 = arith.index_cast %add3A_904 : i32 to index
        %get3A_906 = tpu.vector_load %arg6[%get3A_905] {strides = array<i32>} : memref<65536xf32, #tpu.memory_space<vmem>>, vector<16xf32>,
        %get3A_907 = vector.shape_cast %get3A_906 : vector<16xf32> to vector<16xf32>
        %max3A_908 = arith.maximumf %while3A_868, %get3A_907 : vector<16xf32>
        %add3A_909 = arith.constant 96 : i32
        %add3A_910 = arith.addi %mul3A_872, %add3A_909 : i32
        %get3A_911 = arith.index_cast %add3A_910 : i32 to index
        %get3A_912 = tpu.vector_load %arg6[%get3A_911] {strides = array<i32>} : memref<65536xf32, #tpu.memory_space<vmem>>, vector<16xf32>,
        %get3A_913 = vector.shape_cast %get3A_912 : vector<16xf32> to vector<16xf32>
        %max3A_914 = arith.maximumf %while3A_869, %get3A_913 : vector<16xf32>
        %add3A_915 = arith.constant 112 : i32
        %add3A_916 = arith.addi %mul3A_872, %add3A_915 : i32
        %get3A_917 = arith.index_cast %add3A_916 : i32 to index
        %get3A_918 = tpu.vector_load %arg6[%get3A_917] {strides = array<i32>} : memref<65536xf32, #tpu.memory_space<vmem>>, vector<16xf32>,
        %get3A_919 = vector.shape_cast %get3A_918 : vector<16xf32> to vector<16xf32>
        %max3A_920 = arith.maximumf %while3A_870, %get3A_919 : vector<16xf32>
        scf.yield %max3A_878, %max3A_884, %max3A_890, %max3A_896, %max3A_902, %max3A_908, %max3A_914, %max3A_920 : vector<16xf32>, vector<16xf32>, vector<16xf32>, vector<16xf32>, vector<16xf32>, vector<16xf32>, vector<16xf32>, vector<16xf32>
      }
      %while3A_408 = arith.constant 1 : i32
      %while3A_409:8 = scf.for %while3A_862 = %while3A_405 to %while3A_401 step %while3A_408 iter_args(%while3A_863 = %while3A_407#0, %while3A_864 = %while3A_407#1, %while3A_865 = %while3A_407#2, %while3A_866 = %while3A_407#3, %while3A_867 = %while3A_407#4, %while3A_868 = %while3A_407#5, %while3A_869 = %while3A_407#6, %while3A_870 = %while3A_407#7) -> (vector<16xf32>, vector<16xf32>, vector<16xf32>, vector<16xf32>, vector<16xf32>, vector<16xf32>, vector<16xf32>, vector<16xf32>)  : i32 {
        %mul3A_871 = arith.constant 128 : i32
        %mul3A_872 = arith.muli %while3A_862, %mul3A_871 : i32
        %add3A_873 = arith.constant 0 : i32
        %add3A_874 = arith.addi %mul3A_872, %add3A_873 : i32
        %get3A_875 = arith.index_cast %add3A_874 : i32 to index
        %get3A_876 = tpu.vector_load %arg6[%get3A_875] {strides = array<i32>} : memref<65536xf32, #tpu.memory_space<vmem>>, vector<16xf32>,
        %get3A_877 = vector.shape_cast %get3A_876 : vector<16xf32> to vector<16xf32>
        %max3A_878 = arith.maximumf %while3A_863, %get3A_877 : vector<16xf32>
        %add3A_879 = arith.constant 16 : i32
        %add3A_880 = arith.addi %mul3A_872, %add3A_879 : i32
        %get3A_881 = arith.index_cast %add3A_880 : i32 to index
        %get3A_882 = tpu.vector_load %arg6[%get3A_881] {strides = array<i32>} : memref<65536xf32, #tpu.memory_space<vmem>>, vector<16xf32>,
        %get3A_883 = vector.shape_cast %get3A_882 : vector<16xf32> to vector<16xf32>
        %max3A_884 = arith.maximumf %while3A_864, %get3A_883 : vector<16xf32>
        %add3A_885 = arith.constant 32 : i32
        %add3A_886 = arith.addi %mul3A_872, %add3A_885 : i32
        %get3A_887 = arith.index_cast %add3A_886 : i32 to index
        %get3A_888 = tpu.vector_load %arg6[%get3A_887] {strides = array<i32>} : memref<65536xf32, #tpu.memory_space<vmem>>, vector<16xf32>,
        %get3A_889 = vector.shape_cast %get3A_888 : vector<16xf32> to vector<16xf32>
        %max3A_890 = arith.maximumf %while3A_865, %get3A_889 : vector<16xf32>
        %add3A_891 = arith.constant 48 : i32
        %add3A_892 = arith.addi %mul3A_872, %add3A_891 : i32
        %get3A_893 = arith.index_cast %add3A_892 : i32 to index
        %get3A_894 = tpu.vector_load %arg6[%get3A_893] {strides = array<i32>} : memref<65536xf32, #tpu.memory_space<vmem>>, vector<16xf32>,
        %get3A_895 = vector.shape_cast %get3A_894 : vector<16xf32> to vector<16xf32>
        %max3A_896 = arith.maximumf %while3A_866, %get3A_895 : vector<16xf32>
        %add3A_897 = arith.constant 64 : i32
        %add3A_898 = arith.addi %mul3A_872, %add3A_897 : i32
        %get3A_899 = arith.index_cast %add3A_898 : i32 to index
        %get3A_900 = tpu.vector_load %arg6[%get3A_899] {strides = array<i32>} : memref<65536xf32, #tpu.memory_space<vmem>>, vector<16xf32>,
        %get3A_901 = vector.shape_cast %get3A_900 : vector<16xf32> to vector<16xf32>
        %max3A_902 = arith.maximumf %while3A_867, %get3A_901 : vector<16xf32>
        %add3A_903 = arith.constant 80 : i32
        %add3A_904 = arith.addi %mul3A_872, %add3A_903 : i32
        %get3A_905 = arith.index_cast %add3A_904 : i32 to index
        %get3A_906 = tpu.vector_load %arg6[%get3A_905] {strides = array<i32>} : memref<65536xf32, #tpu.memory_space<vmem>>, vector<16xf32>,
        %get3A_907 = vector.shape_cast %get3A_906 : vector<16xf32> to vector<16xf32>
        %max3A_908 = arith.maximumf %while3A_868, %get3A_907 : vector<16xf32>
        %add3A_909 = arith.constant 96 : i32
        %add3A_910 = arith.addi %mul3A_872, %add3A_909 : i32
        %get3A_911 = arith.index_cast %add3A_910 : i32 to index
        %get3A_912 = tpu.vector_load %arg6[%get3A_911] {strides = array<i32>} : memref<65536xf32, #tpu.memory_space<vmem>>, vector<16xf32>,
        %get3A_913 = vector.shape_cast %get3A_912 : vector<16xf32> to vector<16xf32>
        %max3A_914 = arith.maximumf %while3A_869, %get3A_913 : vector<16xf32>
        %add3A_915 = arith.constant 112 : i32
        %add3A_916 = arith.addi %mul3A_872, %add3A_915 : i32
        %get3A_917 = arith.index_cast %add3A_916 : i32 to index
        %get3A_918 = tpu.vector_load %arg6[%get3A_917] {strides = array<i32>} : memref<65536xf32, #tpu.memory_space<vmem>>, vector<16xf32>,
        %get3A_919 = vector.shape_cast %get3A_918 : vector<16xf32> to vector<16xf32>
        %max3A_920 = arith.maximumf %while3A_870, %get3A_919 : vector<16xf32>
        scf.yield %max3A_878, %max3A_884, %max3A_890, %max3A_896, %max3A_902, %max3A_908, %max3A_914, %max3A_920 : vector<16xf32>, vector<16xf32>, vector<16xf32>, vector<16xf32>, vector<16xf32>, vector<16xf32>, vector<16xf32>, vector<16xf32>
      }
      %swap3A_410 = arith.constant 128 : index
      %swap3A_411 = tpu.vector_load %arg7[%swap3A_410] {strides = array<i32>} : memref<1024xf32, #tpu.memory_space<vmem>>, vector<16xf32>,
      %swap3A_412 = vector.shape_cast %swap3A_411 : vector<16xf32> to vector<16xf32>
      %swap3A_413 = vector.shape_cast %while3A_409#0 : vector<16xf32> to vector<16xf32>
      tpu.vector_store %arg7[%swap3A_410], %swap3A_413 {strides = array<i32>} : memref<1024xf32, #tpu.memory_space<vmem>>, vector<16xf32>,
      %swap3A_414 = arith.constant 144 : index
      %swap3A_415 = tpu.vector_load %arg7[%swap3A_414] {strides = array<i32>} : memref<1024xf32, #tpu.memory_space<vmem>>, vector<16xf32>,
      %swap3A_416 = vector.shape_cast %swap3A_415 : vector<16xf32> to vector<16xf32>
      %swap3A_417 = vector.shape_cast %while3A_409#1 : vector<16xf32> to vector<16xf32>
      tpu.vector_store %arg7[%swap3A_414], %swap3A_417 {strides = array<i32>} : memref<1024xf32, #tpu.memory_space<vmem>>, vector<16xf32>,
      %swap3A_418 = arith.constant 160 : index
      %swap3A_419 = tpu.vector_load %arg7[%swap3A_418] {strides = array<i32>} : memref<1024xf32, #tpu.memory_space<vmem>>, vector<16xf32>,
      %swap3A_420 = vector.shape_cast %swap3A_419 : vector<16xf32> to vector<16xf32>
      %swap3A_421 = vector.shape_cast %while3A_409#2 : vector<16xf32> to vector<16xf32>
      tpu.vector_store %arg7[%swap3A_418], %swap3A_421 {strides = array<i32>} : memref<1024xf32, #tpu.memory_space<vmem>>, vector<16xf32>,
      %swap3A_422 = arith.constant 176 : index
      %swap3A_423 = tpu.vector_load %arg7[%swap3A_422] {strides = array<i32>} : memref<1024xf32, #tpu.memory_space<vmem>>, vector<16xf32>,
      %swap3A_424 = vector.shape_cast %swap3A_423 : vector<16xf32> to vector<16xf32>
      %swap3A_425 = vector.shape_cast %while3A_409#3 : vector<16xf32> to vector<16xf32>
      tpu.vector_store %arg7[%swap3A_422], %swap3A_425 {strides = array<i32>} : memref<1024xf32, #tpu.memory_space<vmem>>, vector<16xf32>,
      %swap3A_426 = arith.constant 192 : index
      %swap3A_427 = tpu.vector_load %arg7[%swap3A_426] {strides = array<i32>} : memref<1024xf32, #tpu.memory_space<vmem>>, vector<16xf32>,
      %swap3A_428 = vector.shape_cast %swap3A_427 : vector<16xf32> to vector<16xf32>
      %swap3A_429 = vector.shape_cast %while3A_409#4 : vector<16xf32> to vector<16xf32>
      tpu.vector_store %arg7[%swap3A_426], %swap3A_429 {strides = array<i32>} : memref<1024xf32, #tpu.memory_space<vmem>>, vector<16xf32>,
      %swap3A_430 = arith.constant 208 : index
      %swap3A_431 = tpu.vector_load %arg7[%swap3A_430] {strides = array<i32>} : memref<1024xf32, #tpu.memory_space<vmem>>, vector<16xf32>,
      %swap3A_432 = vector.shape_cast %swap3A_431 : vector<16xf32> to vector<16xf32>
      %swap3A_433 = vector.shape_cast %while3A_409#5 : vector<16xf32> to vector<16xf32>
      tpu.vector_store %arg7[%swap3A_430], %swap3A_433 {strides = array<i32>} : memref<1024xf32, #tpu.memory_space<vmem>>, vector<16xf32>,
      %swap3A_434 = arith.constant 224 : index
      %swap3A_435 = tpu.vector_load %arg7[%swap3A_434] {strides = array<i32>} : memref<1024xf32, #tpu.memory_space<vmem>>, vector<16xf32>,
      %swap3A_436 = vector.shape_cast %swap3A_435 : vector<16xf32> to vector<16xf32>
      %swap3A_437 = vector.shape_cast %while3A_409#6 : vector<16xf32> to vector<16xf32>
      tpu.vector_store %arg7[%swap3A_434], %swap3A_437 {strides = array<i32>} : memref<1024xf32, #tpu.memory_space<vmem>>, vector<16xf32>,
      %swap3A_438 = arith.constant 240 : index
      %swap3A_439 = tpu.vector_load %arg7[%swap3A_438] {strides = array<i32>} : memref<1024xf32, #tpu.memory_space<vmem>>, vector<16xf32>,
      %swap3A_440 = vector.shape_cast %swap3A_439 : vector<16xf32> to vector<16xf32>
      %swap3A_441 = vector.shape_cast %while3A_409#7 : vector<16xf32> to vector<16xf32>
      tpu.vector_store %arg7[%swap3A_438], %swap3A_441 {strides = array<i32>} : memref<1024xf32, #tpu.memory_space<vmem>>, vector<16xf32>,
      %max3A_442 = arith.maxsi %squeeze3A_8, %add3A_296 : i32
      %sub3A_443 = arith.subi %max3A_442, %min3A_300 : i32
      %min3A_444 = arith.minsi %squeeze3A_10, %min3A : i32
      %sub3A_445 = arith.subi %min3A_444, %min3A_300 : i32
      %get3A_446 = arith.constant 256 : index
      %get3A_447 = tpu.vector_load %arg7[%get3A_446] {strides = array<i32>} : memref<1024xf32, #tpu.memory_space<vmem>>, vector<16xf32>,
      %get3A_448 = vector.shape_cast %get3A_447 : vector<16xf32> to vector<16xf32>
      %get3A_449 = arith.constant 272 : index
      %get3A_450 = tpu.vector_load %arg7[%get3A_449] {strides = array<i32>} : memref<1024xf32, #tpu.memory_space<vmem>>, vector<16xf32>,
      %get3A_451 = vector.shape_cast %get3A_450 : vector<16xf32> to vector<16xf32>
      %get3A_452 = arith.constant 288 : index
      %get3A_453 = tpu.vector_load %arg7[%get3A_452] {strides = array<i32>} : memref<1024xf32, #tpu.memory_space<vmem>>, vector<16xf32>,
      %get3A_454 = vector.shape_cast %get3A_453 : vector<16xf32> to vector<16xf32>
      %get3A_455 = arith.constant 304 : index
      %get3A_456 = tpu.vector_load %arg7[%get3A_455] {strides = array<i32>} : memref<1024xf32, #tpu.memory_space<vmem>>, vector<16xf32>,
      %get3A_457 = vector.shape_cast %get3A_456 : vector<16xf32> to vector<16xf32>
      %get3A_458 = arith.constant 320 : index
      %get3A_459 = tpu.vector_load %arg7[%get3A_458] {strides = array<i32>} : memref<1024xf32, #tpu.memory_space<vmem>>, vector<16xf32>,
      %get3A_460 = vector.shape_cast %get3A_459 : vector<16xf32> to vector<16xf32>
      %get3A_461 = arith.constant 336 : index
      %get3A_462 = tpu.vector_load %arg7[%get3A_461] {strides = array<i32>} : memref<1024xf32, #tpu.memory_space<vmem>>, vector<16xf32>,
      %get3A_463 = vector.shape_cast %get3A_462 : vector<16xf32> to vector<16xf32>
      %get3A_464 = arith.constant 352 : index
      %get3A_465 = tpu.vector_load %arg7[%get3A_464] {strides = array<i32>} : memref<1024xf32, #tpu.memory_space<vmem>>, vector<16xf32>,
      %get3A_466 = vector.shape_cast %get3A_465 : vector<16xf32> to vector<16xf32>
      %get3A_467 = arith.constant 368 : index
      %get3A_468 = tpu.vector_load %arg7[%get3A_467] {strides = array<i32>} : memref<1024xf32, #tpu.memory_space<vmem>>, vector<16xf32>,
      %get3A_469 = vector.shape_cast %get3A_468 : vector<16xf32> to vector<16xf32>
      %while3A_470 = arith.subi %sub3A_445, %sub3A_443 : i32
      %while3A_471 = arith.addi %sub3A_443, %while3A_470 : i32
      %while3A_472 = arith.constant 1 : i32
      %while3A_473 = arith.divsi %while3A_470, %while3A_472 : i32
      %while3A_474 = arith.muli %while3A_473, %while3A_472 : i32
      %while3A_475 = arith.addi %sub3A_443, %while3A_474 : i32
      %while3A_476 = arith.constant 1 : i32
      %while3A_477:8 = scf.for %while3A_862 = %sub3A_443 to %while3A_475 step %while3A_476 iter_args(%while3A_863 = %get3A_448, %while3A_864 = %get3A_451, %while3A_865 = %get3A_454, %while3A_866 = %get3A_457, %while3A_867 = %get3A_460, %while3A_868 = %get3A_463, %while3A_869 = %get3A_466, %while3A_870 = %get3A_469) -> (vector<16xf32>, vector<16xf32>, vector<16xf32>, vector<16xf32>, vector<16xf32>, vector<16xf32>, vector<16xf32>, vector<16xf32>)  : i32 {
        %mul3A_871 = arith.constant 128 : i32
        %mul3A_872 = arith.muli %while3A_862, %mul3A_871 : i32
        %add3A_873 = arith.constant 0 : i32
        %add3A_874 = arith.addi %mul3A_872, %add3A_873 : i32
        %get3A_875 = arith.index_cast %add3A_874 : i32 to index
        %get3A_876 = tpu.vector_load %arg6[%get3A_875] {strides = array<i32>} : memref<65536xf32, #tpu.memory_space<vmem>>, vector<16xf32>,
        %get3A_877 = vector.shape_cast %get3A_876 : vector<16xf32> to vector<16xf32>
        %max3A_878 = arith.maximumf %while3A_863, %get3A_877 : vector<16xf32>
        %add3A_879 = arith.constant 16 : i32
        %add3A_880 = arith.addi %mul3A_872, %add3A_879 : i32
        %get3A_881 = arith.index_cast %add3A_880 : i32 to index
        %get3A_882 = tpu.vector_load %arg6[%get3A_881] {strides = array<i32>} : memref<65536xf32, #tpu.memory_space<vmem>>, vector<16xf32>,
        %get3A_883 = vector.shape_cast %get3A_882 : vector<16xf32> to vector<16xf32>
        %max3A_884 = arith.maximumf %while3A_864, %get3A_883 : vector<16xf32>
        %add3A_885 = arith.constant 32 : i32
        %add3A_886 = arith.addi %mul3A_872, %add3A_885 : i32
        %get3A_887 = arith.index_cast %add3A_886 : i32 to index
        %get3A_888 = tpu.vector_load %arg6[%get3A_887] {strides = array<i32>} : memref<65536xf32, #tpu.memory_space<vmem>>, vector<16xf32>,
        %get3A_889 = vector.shape_cast %get3A_888 : vector<16xf32> to vector<16xf32>
        %max3A_890 = arith.maximumf %while3A_865, %get3A_889 : vector<16xf32>
        %add3A_891 = arith.constant 48 : i32
        %add3A_892 = arith.addi %mul3A_872, %add3A_891 : i32
        %get3A_893 = arith.index_cast %add3A_892 : i32 to index
        %get3A_894 = tpu.vector_load %arg6[%get3A_893] {strides = array<i32>} : memref<65536xf32, #tpu.memory_space<vmem>>, vector<16xf32>,
        %get3A_895 = vector.shape_cast %get3A_894 : vector<16xf32> to vector<16xf32>
        %max3A_896 = arith.maximumf %while3A_866, %get3A_895 : vector<16xf32>
        %add3A_897 = arith.constant 64 : i32
        %add3A_898 = arith.addi %mul3A_872, %add3A_897 : i32
        %get3A_899 = arith.index_cast %add3A_898 : i32 to index
        %get3A_900 = tpu.vector_load %arg6[%get3A_899] {strides = array<i32>} : memref<65536xf32, #tpu.memory_space<vmem>>, vector<16xf32>,
        %get3A_901 = vector.shape_cast %get3A_900 : vector<16xf32> to vector<16xf32>
        %max3A_902 = arith.maximumf %while3A_867, %get3A_901 : vector<16xf32>
        %add3A_903 = arith.constant 80 : i32
        %add3A_904 = arith.addi %mul3A_872, %add3A_903 : i32
        %get3A_905 = arith.index_cast %add3A_904 : i32 to index
        %get3A_906 = tpu.vector_load %arg6[%get3A_905] {strides = array<i32>} : memref<65536xf32, #tpu.memory_space<vmem>>, vector<16xf32>,
        %get3A_907 = vector.shape_cast %get3A_906 : vector<16xf32> to vector<16xf32>
        %max3A_908 = arith.maximumf %while3A_868, %get3A_907 : vector<16xf32>
        %add3A_909 = arith.constant 96 : i32
        %add3A_910 = arith.addi %mul3A_872, %add3A_909 : i32
        %get3A_911 = arith.index_cast %add3A_910 : i32 to index
        %get3A_912 = tpu.vector_load %arg6[%get3A_911] {strides = array<i32>} : memref<65536xf32, #tpu.memory_space<vmem>>, vector<16xf32>,
        %get3A_913 = vector.shape_cast %get3A_912 : vector<16xf32> to vector<16xf32>
        %max3A_914 = arith.maximumf %while3A_869, %get3A_913 : vector<16xf32>
        %add3A_915 = arith.constant 112 : i32
        %add3A_916 = arith.addi %mul3A_872, %add3A_915 : i32
        %get3A_917 = arith.index_cast %add3A_916 : i32 to index
        %get3A_918 = tpu.vector_load %arg6[%get3A_917] {strides = array<i32>} : memref<65536xf32, #tpu.memory_space<vmem>>, vector<16xf32>,
        %get3A_919 = vector.shape_cast %get3A_918 : vector<16xf32> to vector<16xf32>
        %max3A_920 = arith.maximumf %while3A_870, %get3A_919 : vector<16xf32>
        scf.yield %max3A_878, %max3A_884, %max3A_890, %max3A_896, %max3A_902, %max3A_908, %max3A_914, %max3A_920 : vector<16xf32>, vector<16xf32>, vector<16xf32>, vector<16xf32>, vector<16xf32>, vector<16xf32>, vector<16xf32>, vector<16xf32>
      }
      %while3A_478 = arith.constant 1 : i32
      %while3A_479:8 = scf.for %while3A_862 = %while3A_475 to %while3A_471 step %while3A_478 iter_args(%while3A_863 = %while3A_477#0, %while3A_864 = %while3A_477#1, %while3A_865 = %while3A_477#2, %while3A_866 = %while3A_477#3, %while3A_867 = %while3A_477#4, %while3A_868 = %while3A_477#5, %while3A_869 = %while3A_477#6, %while3A_870 = %while3A_477#7) -> (vector<16xf32>, vector<16xf32>, vector<16xf32>, vector<16xf32>, vector<16xf32>, vector<16xf32>, vector<16xf32>, vector<16xf32>)  : i32 {
        %mul3A_871 = arith.constant 128 : i32
        %mul3A_872 = arith.muli %while3A_862, %mul3A_871 : i32
        %add3A_873 = arith.constant 0 : i32
        %add3A_874 = arith.addi %mul3A_872, %add3A_873 : i32
        %get3A_875 = arith.index_cast %add3A_874 : i32 to index
        %get3A_876 = tpu.vector_load %arg6[%get3A_875] {strides = array<i32>} : memref<65536xf32, #tpu.memory_space<vmem>>, vector<16xf32>,
        %get3A_877 = vector.shape_cast %get3A_876 : vector<16xf32> to vector<16xf32>
        %max3A_878 = arith.maximumf %while3A_863, %get3A_877 : vector<16xf32>
        %add3A_879 = arith.constant 16 : i32
        %add3A_880 = arith.addi %mul3A_872, %add3A_879 : i32
        %get3A_881 = arith.index_cast %add3A_880 : i32 to index
        %get3A_882 = tpu.vector_load %arg6[%get3A_881] {strides = array<i32>} : memref<65536xf32, #tpu.memory_space<vmem>>, vector<16xf32>,
        %get3A_883 = vector.shape_cast %get3A_882 : vector<16xf32> to vector<16xf32>
        %max3A_884 = arith.maximumf %while3A_864, %get3A_883 : vector<16xf32>
        %add3A_885 = arith.constant 32 : i32
        %add3A_886 = arith.addi %mul3A_872, %add3A_885 : i32
        %get3A_887 = arith.index_cast %add3A_886 : i32 to index
        %get3A_888 = tpu.vector_load %arg6[%get3A_887] {strides = array<i32>} : memref<65536xf32, #tpu.memory_space<vmem>>, vector<16xf32>,
        %get3A_889 = vector.shape_cast %get3A_888 : vector<16xf32> to vector<16xf32>
        %max3A_890 = arith.maximumf %while3A_865, %get3A_889 : vector<16xf32>
        %add3A_891 = arith.constant 48 : i32
        %add3A_892 = arith.addi %mul3A_872, %add3A_891 : i32
        %get3A_893 = arith.index_cast %add3A_892 : i32 to index
        %get3A_894 = tpu.vector_load %arg6[%get3A_893] {strides = array<i32>} : memref<65536xf32, #tpu.memory_space<vmem>>, vector<16xf32>,
        %get3A_895 = vector.shape_cast %get3A_894 : vector<16xf32> to vector<16xf32>
        %max3A_896 = arith.maximumf %while3A_866, %get3A_895 : vector<16xf32>
        %add3A_897 = arith.constant 64 : i32
        %add3A_898 = arith.addi %mul3A_872, %add3A_897 : i32
        %get3A_899 = arith.index_cast %add3A_898 : i32 to index
        %get3A_900 = tpu.vector_load %arg6[%get3A_899] {strides = array<i32>} : memref<65536xf32, #tpu.memory_space<vmem>>, vector<16xf32>,
        %get3A_901 = vector.shape_cast %get3A_900 : vector<16xf32> to vector<16xf32>
        %max3A_902 = arith.maximumf %while3A_867, %get3A_901 : vector<16xf32>
        %add3A_903 = arith.constant 80 : i32
        %add3A_904 = arith.addi %mul3A_872, %add3A_903 : i32
        %get3A_905 = arith.index_cast %add3A_904 : i32 to index
        %get3A_906 = tpu.vector_load %arg6[%get3A_905] {strides = array<i32>} : memref<65536xf32, #tpu.memory_space<vmem>>, vector<16xf32>,
        %get3A_907 = vector.shape_cast %get3A_906 : vector<16xf32> to vector<16xf32>
        %max3A_908 = arith.maximumf %while3A_868, %get3A_907 : vector<16xf32>
        %add3A_909 = arith.constant 96 : i32
        %add3A_910 = arith.addi %mul3A_872, %add3A_909 : i32
        %get3A_911 = arith.index_cast %add3A_910 : i32 to index
        %get3A_912 = tpu.vector_load %arg6[%get3A_911] {strides = array<i32>} : memref<65536xf32, #tpu.memory_space<vmem>>, vector<16xf32>,
        %get3A_913 = vector.shape_cast %get3A_912 : vector<16xf32> to vector<16xf32>
        %max3A_914 = arith.maximumf %while3A_869, %get3A_913 : vector<16xf32>
        %add3A_915 = arith.constant 112 : i32
        %add3A_916 = arith.addi %mul3A_872, %add3A_915 : i32
        %get3A_917 = arith.index_cast %add3A_916 : i32 to index
        %get3A_918 = tpu.vector_load %arg6[%get3A_917] {strides = array<i32>} : memref<65536xf32, #tpu.memory_space<vmem>>, vector<16xf32>,
        %get3A_919 = vector.shape_cast %get3A_918 : vector<16xf32> to vector<16xf32>
        %max3A_920 = arith.maximumf %while3A_870, %get3A_919 : vector<16xf32>
        scf.yield %max3A_878, %max3A_884, %max3A_890, %max3A_896, %max3A_902, %max3A_908, %max3A_914, %max3A_920 : vector<16xf32>, vector<16xf32>, vector<16xf32>, vector<16xf32>, vector<16xf32>, vector<16xf32>, vector<16xf32>, vector<16xf32>
      }
      %swap3A_480 = arith.constant 256 : index
      %swap3A_481 = tpu.vector_load %arg7[%swap3A_480] {strides = array<i32>} : memref<1024xf32, #tpu.memory_space<vmem>>, vector<16xf32>,
      %swap3A_482 = vector.shape_cast %swap3A_481 : vector<16xf32> to vector<16xf32>
      %swap3A_483 = vector.shape_cast %while3A_479#0 : vector<16xf32> to vector<16xf32>
      tpu.vector_store %arg7[%swap3A_480], %swap3A_483 {strides = array<i32>} : memref<1024xf32, #tpu.memory_space<vmem>>, vector<16xf32>,
      %swap3A_484 = arith.constant 272 : index
      %swap3A_485 = tpu.vector_load %arg7[%swap3A_484] {strides = array<i32>} : memref<1024xf32, #tpu.memory_space<vmem>>, vector<16xf32>,
      %swap3A_486 = vector.shape_cast %swap3A_485 : vector<16xf32> to vector<16xf32>
      %swap3A_487 = vector.shape_cast %while3A_479#1 : vector<16xf32> to vector<16xf32>
      tpu.vector_store %arg7[%swap3A_484], %swap3A_487 {strides = array<i32>} : memref<1024xf32, #tpu.memory_space<vmem>>, vector<16xf32>,
      %swap3A_488 = arith.constant 288 : index
      %swap3A_489 = tpu.vector_load %arg7[%swap3A_488] {strides = array<i32>} : memref<1024xf32, #tpu.memory_space<vmem>>, vector<16xf32>,
      %swap3A_490 = vector.shape_cast %swap3A_489 : vector<16xf32> to vector<16xf32>
      %swap3A_491 = vector.shape_cast %while3A_479#2 : vector<16xf32> to vector<16xf32>
      tpu.vector_store %arg7[%swap3A_488], %swap3A_491 {strides = array<i32>} : memref<1024xf32, #tpu.memory_space<vmem>>, vector<16xf32>,
      %swap3A_492 = arith.constant 304 : index
      %swap3A_493 = tpu.vector_load %arg7[%swap3A_492] {strides = array<i32>} : memref<1024xf32, #tpu.memory_space<vmem>>, vector<16xf32>,
      %swap3A_494 = vector.shape_cast %swap3A_493 : vector<16xf32> to vector<16xf32>
      %swap3A_495 = vector.shape_cast %while3A_479#3 : vector<16xf32> to vector<16xf32>
      tpu.vector_store %arg7[%swap3A_492], %swap3A_495 {strides = array<i32>} : memref<1024xf32, #tpu.memory_space<vmem>>, vector<16xf32>,
      %swap3A_496 = arith.constant 320 : index
      %swap3A_497 = tpu.vector_load %arg7[%swap3A_496] {strides = array<i32>} : memref<1024xf32, #tpu.memory_space<vmem>>, vector<16xf32>,
      %swap3A_498 = vector.shape_cast %swap3A_497 : vector<16xf32> to vector<16xf32>
      %swap3A_499 = vector.shape_cast %while3A_479#4 : vector<16xf32> to vector<16xf32>
      tpu.vector_store %arg7[%swap3A_496], %swap3A_499 {strides = array<i32>} : memref<1024xf32, #tpu.memory_space<vmem>>, vector<16xf32>,
      %swap3A_500 = arith.constant 336 : index
      %swap3A_501 = tpu.vector_load %arg7[%swap3A_500] {strides = array<i32>} : memref<1024xf32, #tpu.memory_space<vmem>>, vector<16xf32>,
      %swap3A_502 = vector.shape_cast %swap3A_501 : vector<16xf32> to vector<16xf32>
      %swap3A_503 = vector.shape_cast %while3A_479#5 : vector<16xf32> to vector<16xf32>
      tpu.vector_store %arg7[%swap3A_500], %swap3A_503 {strides = array<i32>} : memref<1024xf32, #tpu.memory_space<vmem>>, vector<16xf32>,
      %swap3A_504 = arith.constant 352 : index
      %swap3A_505 = tpu.vector_load %arg7[%swap3A_504] {strides = array<i32>} : memref<1024xf32, #tpu.memory_space<vmem>>, vector<16xf32>,
      %swap3A_506 = vector.shape_cast %swap3A_505 : vector<16xf32> to vector<16xf32>
      %swap3A_507 = vector.shape_cast %while3A_479#6 : vector<16xf32> to vector<16xf32>
      tpu.vector_store %arg7[%swap3A_504], %swap3A_507 {strides = array<i32>} : memref<1024xf32, #tpu.memory_space<vmem>>, vector<16xf32>,
      %swap3A_508 = arith.constant 368 : index
      %swap3A_509 = tpu.vector_load %arg7[%swap3A_508] {strides = array<i32>} : memref<1024xf32, #tpu.memory_space<vmem>>, vector<16xf32>,
      %swap3A_510 = vector.shape_cast %swap3A_509 : vector<16xf32> to vector<16xf32>
      %swap3A_511 = vector.shape_cast %while3A_479#7 : vector<16xf32> to vector<16xf32>
      tpu.vector_store %arg7[%swap3A_508], %swap3A_511 {strides = array<i32>} : memref<1024xf32, #tpu.memory_space<vmem>>, vector<16xf32>,
      %max3A_512 = arith.maxsi %squeeze3A_10, %add3A_296 : i32
      %sub3A_513 = arith.subi %max3A_512, %min3A_300 : i32
      %min3A_514 = arith.minsi %squeeze3A_12, %min3A : i32
      %sub3A_515 = arith.subi %min3A_514, %min3A_300 : i32
      %get3A_516 = arith.constant 384 : index
      %get3A_517 = tpu.vector_load %arg7[%get3A_516] {strides = array<i32>} : memref<1024xf32, #tpu.memory_space<vmem>>, vector<16xf32>,
      %get3A_518 = vector.shape_cast %get3A_517 : vector<16xf32> to vector<16xf32>
      %get3A_519 = arith.constant 400 : index
      %get3A_520 = tpu.vector_load %arg7[%get3A_519] {strides = array<i32>} : memref<1024xf32, #tpu.memory_space<vmem>>, vector<16xf32>,
      %get3A_521 = vector.shape_cast %get3A_520 : vector<16xf32> to vector<16xf32>
      %get3A_522 = arith.constant 416 : index
      %get3A_523 = tpu.vector_load %arg7[%get3A_522] {strides = array<i32>} : memref<1024xf32, #tpu.memory_space<vmem>>, vector<16xf32>,
      %get3A_524 = vector.shape_cast %get3A_523 : vector<16xf32> to vector<16xf32>
      %get3A_525 = arith.constant 432 : index
      %get3A_526 = tpu.vector_load %arg7[%get3A_525] {strides = array<i32>} : memref<1024xf32, #tpu.memory_space<vmem>>, vector<16xf32>,
      %get3A_527 = vector.shape_cast %get3A_526 : vector<16xf32> to vector<16xf32>
      %get3A_528 = arith.constant 448 : index
      %get3A_529 = tpu.vector_load %arg7[%get3A_528] {strides = array<i32>} : memref<1024xf32, #tpu.memory_space<vmem>>, vector<16xf32>,
      %get3A_530 = vector.shape_cast %get3A_529 : vector<16xf32> to vector<16xf32>
      %get3A_531 = arith.constant 464 : index
      %get3A_532 = tpu.vector_load %arg7[%get3A_531] {strides = array<i32>} : memref<1024xf32, #tpu.memory_space<vmem>>, vector<16xf32>,
      %get3A_533 = vector.shape_cast %get3A_532 : vector<16xf32> to vector<16xf32>
      %get3A_534 = arith.constant 480 : index
      %get3A_535 = tpu.vector_load %arg7[%get3A_534] {strides = array<i32>} : memref<1024xf32, #tpu.memory_space<vmem>>, vector<16xf32>,
      %get3A_536 = vector.shape_cast %get3A_535 : vector<16xf32> to vector<16xf32>
      %get3A_537 = arith.constant 496 : index
      %get3A_538 = tpu.vector_load %arg7[%get3A_537] {strides = array<i32>} : memref<1024xf32, #tpu.memory_space<vmem>>, vector<16xf32>,
      %get3A_539 = vector.shape_cast %get3A_538 : vector<16xf32> to vector<16xf32>
      %while3A_540 = arith.subi %sub3A_515, %sub3A_513 : i32
      %while3A_541 = arith.addi %sub3A_513, %while3A_540 : i32
      %while3A_542 = arith.constant 1 : i32
      %while3A_543 = arith.divsi %while3A_540, %while3A_542 : i32
      %while3A_544 = arith.muli %while3A_543, %while3A_542 : i32
      %while3A_545 = arith.addi %sub3A_513, %while3A_544 : i32
      %while3A_546 = arith.constant 1 : i32
      %while3A_547:8 = scf.for %while3A_862 = %sub3A_513 to %while3A_545 step %while3A_546 iter_args(%while3A_863 = %get3A_518, %while3A_864 = %get3A_521, %while3A_865 = %get3A_524, %while3A_866 = %get3A_527, %while3A_867 = %get3A_530, %while3A_868 = %get3A_533, %while3A_869 = %get3A_536, %while3A_870 = %get3A_539) -> (vector<16xf32>, vector<16xf32>, vector<16xf32>, vector<16xf32>, vector<16xf32>, vector<16xf32>, vector<16xf32>, vector<16xf32>)  : i32 {
        %mul3A_871 = arith.constant 128 : i32
        %mul3A_872 = arith.muli %while3A_862, %mul3A_871 : i32
        %add3A_873 = arith.constant 0 : i32
        %add3A_874 = arith.addi %mul3A_872, %add3A_873 : i32
        %get3A_875 = arith.index_cast %add3A_874 : i32 to index
        %get3A_876 = tpu.vector_load %arg6[%get3A_875] {strides = array<i32>} : memref<65536xf32, #tpu.memory_space<vmem>>, vector<16xf32>,
        %get3A_877 = vector.shape_cast %get3A_876 : vector<16xf32> to vector<16xf32>
        %max3A_878 = arith.maximumf %while3A_863, %get3A_877 : vector<16xf32>
        %add3A_879 = arith.constant 16 : i32
        %add3A_880 = arith.addi %mul3A_872, %add3A_879 : i32
        %get3A_881 = arith.index_cast %add3A_880 : i32 to index
        %get3A_882 = tpu.vector_load %arg6[%get3A_881] {strides = array<i32>} : memref<65536xf32, #tpu.memory_space<vmem>>, vector<16xf32>,
        %get3A_883 = vector.shape_cast %get3A_882 : vector<16xf32> to vector<16xf32>
        %max3A_884 = arith.maximumf %while3A_864, %get3A_883 : vector<16xf32>
        %add3A_885 = arith.constant 32 : i32
        %add3A_886 = arith.addi %mul3A_872, %add3A_885 : i32
        %get3A_887 = arith.index_cast %add3A_886 : i32 to index
        %get3A_888 = tpu.vector_load %arg6[%get3A_887] {strides = array<i32>} : memref<65536xf32, #tpu.memory_space<vmem>>, vector<16xf32>,
        %get3A_889 = vector.shape_cast %get3A_888 : vector<16xf32> to vector<16xf32>
        %max3A_890 = arith.maximumf %while3A_865, %get3A_889 : vector<16xf32>
        %add3A_891 = arith.constant 48 : i32
        %add3A_892 = arith.addi %mul3A_872, %add3A_891 : i32
        %get3A_893 = arith.index_cast %add3A_892 : i32 to index
        %get3A_894 = tpu.vector_load %arg6[%get3A_893] {strides = array<i32>} : memref<65536xf32, #tpu.memory_space<vmem>>, vector<16xf32>,
        %get3A_895 = vector.shape_cast %get3A_894 : vector<16xf32> to vector<16xf32>
        %max3A_896 = arith.maximumf %while3A_866, %get3A_895 : vector<16xf32>
        %add3A_897 = arith.constant 64 : i32
        %add3A_898 = arith.addi %mul3A_872, %add3A_897 : i32
        %get3A_899 = arith.index_cast %add3A_898 : i32 to index
        %get3A_900 = tpu.vector_load %arg6[%get3A_899] {strides = array<i32>} : memref<65536xf32, #tpu.memory_space<vmem>>, vector<16xf32>,
        %get3A_901 = vector.shape_cast %get3A_900 : vector<16xf32> to vector<16xf32>
        %max3A_902 = arith.maximumf %while3A_867, %get3A_901 : vector<16xf32>
        %add3A_903 = arith.constant 80 : i32
        %add3A_904 = arith.addi %mul3A_872, %add3A_903 : i32
        %get3A_905 = arith.index_cast %add3A_904 : i32 to index
        %get3A_906 = tpu.vector_load %arg6[%get3A_905] {strides = array<i32>} : memref<65536xf32, #tpu.memory_space<vmem>>, vector<16xf32>,
        %get3A_907 = vector.shape_cast %get3A_906 : vector<16xf32> to vector<16xf32>
        %max3A_908 = arith.maximumf %while3A_868, %get3A_907 : vector<16xf32>
        %add3A_909 = arith.constant 96 : i32
        %add3A_910 = arith.addi %mul3A_872, %add3A_909 : i32
        %get3A_911 = arith.index_cast %add3A_910 : i32 to index
        %get3A_912 = tpu.vector_load %arg6[%get3A_911] {strides = array<i32>} : memref<65536xf32, #tpu.memory_space<vmem>>, vector<16xf32>,
        %get3A_913 = vector.shape_cast %get3A_912 : vector<16xf32> to vector<16xf32>
        %max3A_914 = arith.maximumf %while3A_869, %get3A_913 : vector<16xf32>
        %add3A_915 = arith.constant 112 : i32
        %add3A_916 = arith.addi %mul3A_872, %add3A_915 : i32
        %get3A_917 = arith.index_cast %add3A_916 : i32 to index
        %get3A_918 = tpu.vector_load %arg6[%get3A_917] {strides = array<i32>} : memref<65536xf32, #tpu.memory_space<vmem>>, vector<16xf32>,
        %get3A_919 = vector.shape_cast %get3A_918 : vector<16xf32> to vector<16xf32>
        %max3A_920 = arith.maximumf %while3A_870, %get3A_919 : vector<16xf32>
        scf.yield %max3A_878, %max3A_884, %max3A_890, %max3A_896, %max3A_902, %max3A_908, %max3A_914, %max3A_920 : vector<16xf32>, vector<16xf32>, vector<16xf32>, vector<16xf32>, vector<16xf32>, vector<16xf32>, vector<16xf32>, vector<16xf32>
      }
      %while3A_548 = arith.constant 1 : i32
      %while3A_549:8 = scf.for %while3A_862 = %while3A_545 to %while3A_541 step %while3A_548 iter_args(%while3A_863 = %while3A_547#0, %while3A_864 = %while3A_547#1, %while3A_865 = %while3A_547#2, %while3A_866 = %while3A_547#3, %while3A_867 = %while3A_547#4, %while3A_868 = %while3A_547#5, %while3A_869 = %while3A_547#6, %while3A_870 = %while3A_547#7) -> (vector<16xf32>, vector<16xf32>, vector<16xf32>, vector<16xf32>, vector<16xf32>, vector<16xf32>, vector<16xf32>, vector<16xf32>)  : i32 {
        %mul3A_871 = arith.constant 128 : i32
        %mul3A_872 = arith.muli %while3A_862, %mul3A_871 : i32
        %add3A_873 = arith.constant 0 : i32
        %add3A_874 = arith.addi %mul3A_872, %add3A_873 : i32
        %get3A_875 = arith.index_cast %add3A_874 : i32 to index
        %get3A_876 = tpu.vector_load %arg6[%get3A_875] {strides = array<i32>} : memref<65536xf32, #tpu.memory_space<vmem>>, vector<16xf32>,
        %get3A_877 = vector.shape_cast %get3A_876 : vector<16xf32> to vector<16xf32>
        %max3A_878 = arith.maximumf %while3A_863, %get3A_877 : vector<16xf32>
        %add3A_879 = arith.constant 16 : i32
        %add3A_880 = arith.addi %mul3A_872, %add3A_879 : i32
        %get3A_881 = arith.index_cast %add3A_880 : i32 to index
        %get3A_882 = tpu.vector_load %arg6[%get3A_881] {strides = array<i32>} : memref<65536xf32, #tpu.memory_space<vmem>>, vector<16xf32>,
        %get3A_883 = vector.shape_cast %get3A_882 : vector<16xf32> to vector<16xf32>
        %max3A_884 = arith.maximumf %while3A_864, %get3A_883 : vector<16xf32>
        %add3A_885 = arith.constant 32 : i32
        %add3A_886 = arith.addi %mul3A_872, %add3A_885 : i32
        %get3A_887 = arith.index_cast %add3A_886 : i32 to index
        %get3A_888 = tpu.vector_load %arg6[%get3A_887] {strides = array<i32>} : memref<65536xf32, #tpu.memory_space<vmem>>, vector<16xf32>,
        %get3A_889 = vector.shape_cast %get3A_888 : vector<16xf32> to vector<16xf32>
        %max3A_890 = arith.maximumf %while3A_865, %get3A_889 : vector<16xf32>
        %add3A_891 = arith.constant 48 : i32
        %add3A_892 = arith.addi %mul3A_872, %add3A_891 : i32
        %get3A_893 = arith.index_cast %add3A_892 : i32 to index
        %get3A_894 = tpu.vector_load %arg6[%get3A_893] {strides = array<i32>} : memref<65536xf32, #tpu.memory_space<vmem>>, vector<16xf32>,
        %get3A_895 = vector.shape_cast %get3A_894 : vector<16xf32> to vector<16xf32>
        %max3A_896 = arith.maximumf %while3A_866, %get3A_895 : vector<16xf32>
        %add3A_897 = arith.constant 64 : i32
        %add3A_898 = arith.addi %mul3A_872, %add3A_897 : i32
        %get3A_899 = arith.index_cast %add3A_898 : i32 to index
        %get3A_900 = tpu.vector_load %arg6[%get3A_899] {strides = array<i32>} : memref<65536xf32, #tpu.memory_space<vmem>>, vector<16xf32>,
        %get3A_901 = vector.shape_cast %get3A_900 : vector<16xf32> to vector<16xf32>
        %max3A_902 = arith.maximumf %while3A_867, %get3A_901 : vector<16xf32>
        %add3A_903 = arith.constant 80 : i32
        %add3A_904 = arith.addi %mul3A_872, %add3A_903 : i32
        %get3A_905 = arith.index_cast %add3A_904 : i32 to index
        %get3A_906 = tpu.vector_load %arg6[%get3A_905] {strides = array<i32>} : memref<65536xf32, #tpu.memory_space<vmem>>, vector<16xf32>,
        %get3A_907 = vector.shape_cast %get3A_906 : vector<16xf32> to vector<16xf32>
        %max3A_908 = arith.maximumf %while3A_868, %get3A_907 : vector<16xf32>
        %add3A_909 = arith.constant 96 : i32
        %add3A_910 = arith.addi %mul3A_872, %add3A_909 : i32
        %get3A_911 = arith.index_cast %add3A_910 : i32 to index
        %get3A_912 = tpu.vector_load %arg6[%get3A_911] {strides = array<i32>} : memref<65536xf32, #tpu.memory_space<vmem>>, vector<16xf32>,
        %get3A_913 = vector.shape_cast %get3A_912 : vector<16xf32> to vector<16xf32>
        %max3A_914 = arith.maximumf %while3A_869, %get3A_913 : vector<16xf32>
        %add3A_915 = arith.constant 112 : i32
        %add3A_916 = arith.addi %mul3A_872, %add3A_915 : i32
        %get3A_917 = arith.index_cast %add3A_916 : i32 to index
        %get3A_918 = tpu.vector_load %arg6[%get3A_917] {strides = array<i32>} : memref<65536xf32, #tpu.memory_space<vmem>>, vector<16xf32>,
        %get3A_919 = vector.shape_cast %get3A_918 : vector<16xf32> to vector<16xf32>
        %max3A_920 = arith.maximumf %while3A_870, %get3A_919 : vector<16xf32>
        scf.yield %max3A_878, %max3A_884, %max3A_890, %max3A_896, %max3A_902, %max3A_908, %max3A_914, %max3A_920 : vector<16xf32>, vector<16xf32>, vector<16xf32>, vector<16xf32>, vector<16xf32>, vector<16xf32>, vector<16xf32>, vector<16xf32>
      }
      %swap3A_550 = arith.constant 384 : index
      %swap3A_551 = tpu.vector_load %arg7[%swap3A_550] {strides = array<i32>} : memref<1024xf32, #tpu.memory_space<vmem>>, vector<16xf32>,
      %swap3A_552 = vector.shape_cast %swap3A_551 : vector<16xf32> to vector<16xf32>
      %swap3A_553 = vector.shape_cast %while3A_549#0 : vector<16xf32> to vector<16xf32>
      tpu.vector_store %arg7[%swap3A_550], %swap3A_553 {strides = array<i32>} : memref<1024xf32, #tpu.memory_space<vmem>>, vector<16xf32>,
      %swap3A_554 = arith.constant 400 : index
      %swap3A_555 = tpu.vector_load %arg7[%swap3A_554] {strides = array<i32>} : memref<1024xf32, #tpu.memory_space<vmem>>, vector<16xf32>,
      %swap3A_556 = vector.shape_cast %swap3A_555 : vector<16xf32> to vector<16xf32>
      %swap3A_557 = vector.shape_cast %while3A_549#1 : vector<16xf32> to vector<16xf32>
      tpu.vector_store %arg7[%swap3A_554], %swap3A_557 {strides = array<i32>} : memref<1024xf32, #tpu.memory_space<vmem>>, vector<16xf32>,
      %swap3A_558 = arith.constant 416 : index
      %swap3A_559 = tpu.vector_load %arg7[%swap3A_558] {strides = array<i32>} : memref<1024xf32, #tpu.memory_space<vmem>>, vector<16xf32>,
      %swap3A_560 = vector.shape_cast %swap3A_559 : vector<16xf32> to vector<16xf32>
      %swap3A_561 = vector.shape_cast %while3A_549#2 : vector<16xf32> to vector<16xf32>
      tpu.vector_store %arg7[%swap3A_558], %swap3A_561 {strides = array<i32>} : memref<1024xf32, #tpu.memory_space<vmem>>, vector<16xf32>,
      %swap3A_562 = arith.constant 432 : index
      %swap3A_563 = tpu.vector_load %arg7[%swap3A_562] {strides = array<i32>} : memref<1024xf32, #tpu.memory_space<vmem>>, vector<16xf32>,
      %swap3A_564 = vector.shape_cast %swap3A_563 : vector<16xf32> to vector<16xf32>
      %swap3A_565 = vector.shape_cast %while3A_549#3 : vector<16xf32> to vector<16xf32>
      tpu.vector_store %arg7[%swap3A_562], %swap3A_565 {strides = array<i32>} : memref<1024xf32, #tpu.memory_space<vmem>>, vector<16xf32>,
      %swap3A_566 = arith.constant 448 : index
      %swap3A_567 = tpu.vector_load %arg7[%swap3A_566] {strides = array<i32>} : memref<1024xf32, #tpu.memory_space<vmem>>, vector<16xf32>,
      %swap3A_568 = vector.shape_cast %swap3A_567 : vector<16xf32> to vector<16xf32>
      %swap3A_569 = vector.shape_cast %while3A_549#4 : vector<16xf32> to vector<16xf32>
      tpu.vector_store %arg7[%swap3A_566], %swap3A_569 {strides = array<i32>} : memref<1024xf32, #tpu.memory_space<vmem>>, vector<16xf32>,
      %swap3A_570 = arith.constant 464 : index
      %swap3A_571 = tpu.vector_load %arg7[%swap3A_570] {strides = array<i32>} : memref<1024xf32, #tpu.memory_space<vmem>>, vector<16xf32>,
      %swap3A_572 = vector.shape_cast %swap3A_571 : vector<16xf32> to vector<16xf32>
      %swap3A_573 = vector.shape_cast %while3A_549#5 : vector<16xf32> to vector<16xf32>
      tpu.vector_store %arg7[%swap3A_570], %swap3A_573 {strides = array<i32>} : memref<1024xf32, #tpu.memory_space<vmem>>, vector<16xf32>,
      %swap3A_574 = arith.constant 480 : index
      %swap3A_575 = tpu.vector_load %arg7[%swap3A_574] {strides = array<i32>} : memref<1024xf32, #tpu.memory_space<vmem>>, vector<16xf32>,
      %swap3A_576 = vector.shape_cast %swap3A_575 : vector<16xf32> to vector<16xf32>
      %swap3A_577 = vector.shape_cast %while3A_549#6 : vector<16xf32> to vector<16xf32>
      tpu.vector_store %arg7[%swap3A_574], %swap3A_577 {strides = array<i32>} : memref<1024xf32, #tpu.memory_space<vmem>>, vector<16xf32>,
      %swap3A_578 = arith.constant 496 : index
      %swap3A_579 = tpu.vector_load %arg7[%swap3A_578] {strides = array<i32>} : memref<1024xf32, #tpu.memory_space<vmem>>, vector<16xf32>,
      %swap3A_580 = vector.shape_cast %swap3A_579 : vector<16xf32> to vector<16xf32>
      %swap3A_581 = vector.shape_cast %while3A_549#7 : vector<16xf32> to vector<16xf32>
      tpu.vector_store %arg7[%swap3A_578], %swap3A_581 {strides = array<i32>} : memref<1024xf32, #tpu.memory_space<vmem>>, vector<16xf32>,
      %max3A_582 = arith.maxsi %squeeze3A_12, %add3A_296 : i32
      %sub3A_583 = arith.subi %max3A_582, %min3A_300 : i32
      %min3A_584 = arith.minsi %squeeze3A_14, %min3A : i32
      %sub3A_585 = arith.subi %min3A_584, %min3A_300 : i32
      %get3A_586 = arith.constant 512 : index
      %get3A_587 = tpu.vector_load %arg7[%get3A_586] {strides = array<i32>} : memref<1024xf32, #tpu.memory_space<vmem>>, vector<16xf32>,
      %get3A_588 = vector.shape_cast %get3A_587 : vector<16xf32> to vector<16xf32>
      %get3A_589 = arith.constant 528 : index
      %get3A_590 = tpu.vector_load %arg7[%get3A_589] {strides = array<i32>} : memref<1024xf32, #tpu.memory_space<vmem>>, vector<16xf32>,
      %get3A_591 = vector.shape_cast %get3A_590 : vector<16xf32> to vector<16xf32>
      %get3A_592 = arith.constant 544 : index
      %get3A_593 = tpu.vector_load %arg7[%get3A_592] {strides = array<i32>} : memref<1024xf32, #tpu.memory_space<vmem>>, vector<16xf32>,
      %get3A_594 = vector.shape_cast %get3A_593 : vector<16xf32> to vector<16xf32>
      %get3A_595 = arith.constant 560 : index
      %get3A_596 = tpu.vector_load %arg7[%get3A_595] {strides = array<i32>} : memref<1024xf32, #tpu.memory_space<vmem>>, vector<16xf32>,
      %get3A_597 = vector.shape_cast %get3A_596 : vector<16xf32> to vector<16xf32>
      %get3A_598 = arith.constant 576 : index
      %get3A_599 = tpu.vector_load %arg7[%get3A_598] {strides = array<i32>} : memref<1024xf32, #tpu.memory_space<vmem>>, vector<16xf32>,
      %get3A_600 = vector.shape_cast %get3A_599 : vector<16xf32> to vector<16xf32>
      %get3A_601 = arith.constant 592 : index
      %get3A_602 = tpu.vector_load %arg7[%get3A_601] {strides = array<i32>} : memref<1024xf32, #tpu.memory_space<vmem>>, vector<16xf32>,
      %get3A_603 = vector.shape_cast %get3A_602 : vector<16xf32> to vector<16xf32>
      %get3A_604 = arith.constant 608 : index
      %get3A_605 = tpu.vector_load %arg7[%get3A_604] {strides = array<i32>} : memref<1024xf32, #tpu.memory_space<vmem>>, vector<16xf32>,
      %get3A_606 = vector.shape_cast %get3A_605 : vector<16xf32> to vector<16xf32>
      %get3A_607 = arith.constant 624 : index
      %get3A_608 = tpu.vector_load %arg7[%get3A_607] {strides = array<i32>} : memref<1024xf32, #tpu.memory_space<vmem>>, vector<16xf32>,
      %get3A_609 = vector.shape_cast %get3A_608 : vector<16xf32> to vector<16xf32>
      %while3A_610 = arith.subi %sub3A_585, %sub3A_583 : i32
      %while3A_611 = arith.addi %sub3A_583, %while3A_610 : i32
      %while3A_612 = arith.constant 1 : i32
      %while3A_613 = arith.divsi %while3A_610, %while3A_612 : i32
      %while3A_614 = arith.muli %while3A_613, %while3A_612 : i32
      %while3A_615 = arith.addi %sub3A_583, %while3A_614 : i32
      %while3A_616 = arith.constant 1 : i32
      %while3A_617:8 = scf.for %while3A_862 = %sub3A_583 to %while3A_615 step %while3A_616 iter_args(%while3A_863 = %get3A_588, %while3A_864 = %get3A_591, %while3A_865 = %get3A_594, %while3A_866 = %get3A_597, %while3A_867 = %get3A_600, %while3A_868 = %get3A_603, %while3A_869 = %get3A_606, %while3A_870 = %get3A_609) -> (vector<16xf32>, vector<16xf32>, vector<16xf32>, vector<16xf32>, vector<16xf32>, vector<16xf32>, vector<16xf32>, vector<16xf32>)  : i32 {
        %mul3A_871 = arith.constant 128 : i32
        %mul3A_872 = arith.muli %while3A_862, %mul3A_871 : i32
        %add3A_873 = arith.constant 0 : i32
        %add3A_874 = arith.addi %mul3A_872, %add3A_873 : i32
        %get3A_875 = arith.index_cast %add3A_874 : i32 to index
        %get3A_876 = tpu.vector_load %arg6[%get3A_875] {strides = array<i32>} : memref<65536xf32, #tpu.memory_space<vmem>>, vector<16xf32>,
        %get3A_877 = vector.shape_cast %get3A_876 : vector<16xf32> to vector<16xf32>
        %max3A_878 = arith.maximumf %while3A_863, %get3A_877 : vector<16xf32>
        %add3A_879 = arith.constant 16 : i32
        %add3A_880 = arith.addi %mul3A_872, %add3A_879 : i32
        %get3A_881 = arith.index_cast %add3A_880 : i32 to index
        %get3A_882 = tpu.vector_load %arg6[%get3A_881] {strides = array<i32>} : memref<65536xf32, #tpu.memory_space<vmem>>, vector<16xf32>,
        %get3A_883 = vector.shape_cast %get3A_882 : vector<16xf32> to vector<16xf32>
        %max3A_884 = arith.maximumf %while3A_864, %get3A_883 : vector<16xf32>
        %add3A_885 = arith.constant 32 : i32
        %add3A_886 = arith.addi %mul3A_872, %add3A_885 : i32
        %get3A_887 = arith.index_cast %add3A_886 : i32 to index
        %get3A_888 = tpu.vector_load %arg6[%get3A_887] {strides = array<i32>} : memref<65536xf32, #tpu.memory_space<vmem>>, vector<16xf32>,
        %get3A_889 = vector.shape_cast %get3A_888 : vector<16xf32> to vector<16xf32>
        %max3A_890 = arith.maximumf %while3A_865, %get3A_889 : vector<16xf32>
        %add3A_891 = arith.constant 48 : i32
        %add3A_892 = arith.addi %mul3A_872, %add3A_891 : i32
        %get3A_893 = arith.index_cast %add3A_892 : i32 to index
        %get3A_894 = tpu.vector_load %arg6[%get3A_893] {strides = array<i32>} : memref<65536xf32, #tpu.memory_space<vmem>>, vector<16xf32>,
        %get3A_895 = vector.shape_cast %get3A_894 : vector<16xf32> to vector<16xf32>
        %max3A_896 = arith.maximumf %while3A_866, %get3A_895 : vector<16xf32>
        %add3A_897 = arith.constant 64 : i32
        %add3A_898 = arith.addi %mul3A_872, %add3A_897 : i32
        %get3A_899 = arith.index_cast %add3A_898 : i32 to index
        %get3A_900 = tpu.vector_load %arg6[%get3A_899] {strides = array<i32>} : memref<65536xf32, #tpu.memory_space<vmem>>, vector<16xf32>,
        %get3A_901 = vector.shape_cast %get3A_900 : vector<16xf32> to vector<16xf32>
        %max3A_902 = arith.maximumf %while3A_867, %get3A_901 : vector<16xf32>
        %add3A_903 = arith.constant 80 : i32
        %add3A_904 = arith.addi %mul3A_872, %add3A_903 : i32
        %get3A_905 = arith.index_cast %add3A_904 : i32 to index
        %get3A_906 = tpu.vector_load %arg6[%get3A_905] {strides = array<i32>} : memref<65536xf32, #tpu.memory_space<vmem>>, vector<16xf32>,
        %get3A_907 = vector.shape_cast %get3A_906 : vector<16xf32> to vector<16xf32>
        %max3A_908 = arith.maximumf %while3A_868, %get3A_907 : vector<16xf32>
        %add3A_909 = arith.constant 96 : i32
        %add3A_910 = arith.addi %mul3A_872, %add3A_909 : i32
        %get3A_911 = arith.index_cast %add3A_910 : i32 to index
        %get3A_912 = tpu.vector_load %arg6[%get3A_911] {strides = array<i32>} : memref<65536xf32, #tpu.memory_space<vmem>>, vector<16xf32>,
        %get3A_913 = vector.shape_cast %get3A_912 : vector<16xf32> to vector<16xf32>
        %max3A_914 = arith.maximumf %while3A_869, %get3A_913 : vector<16xf32>
        %add3A_915 = arith.constant 112 : i32
        %add3A_916 = arith.addi %mul3A_872, %add3A_915 : i32
        %get3A_917 = arith.index_cast %add3A_916 : i32 to index
        %get3A_918 = tpu.vector_load %arg6[%get3A_917] {strides = array<i32>} : memref<65536xf32, #tpu.memory_space<vmem>>, vector<16xf32>,
        %get3A_919 = vector.shape_cast %get3A_918 : vector<16xf32> to vector<16xf32>
        %max3A_920 = arith.maximumf %while3A_870, %get3A_919 : vector<16xf32>
        scf.yield %max3A_878, %max3A_884, %max3A_890, %max3A_896, %max3A_902, %max3A_908, %max3A_914, %max3A_920 : vector<16xf32>, vector<16xf32>, vector<16xf32>, vector<16xf32>, vector<16xf32>, vector<16xf32>, vector<16xf32>, vector<16xf32>
      }
      %while3A_618 = arith.constant 1 : i32
      %while3A_619:8 = scf.for %while3A_862 = %while3A_615 to %while3A_611 step %while3A_618 iter_args(%while3A_863 = %while3A_617#0, %while3A_864 = %while3A_617#1, %while3A_865 = %while3A_617#2, %while3A_866 = %while3A_617#3, %while3A_867 = %while3A_617#4, %while3A_868 = %while3A_617#5, %while3A_869 = %while3A_617#6, %while3A_870 = %while3A_617#7) -> (vector<16xf32>, vector<16xf32>, vector<16xf32>, vector<16xf32>, vector<16xf32>, vector<16xf32>, vector<16xf32>, vector<16xf32>)  : i32 {
        %mul3A_871 = arith.constant 128 : i32
        %mul3A_872 = arith.muli %while3A_862, %mul3A_871 : i32
        %add3A_873 = arith.constant 0 : i32
        %add3A_874 = arith.addi %mul3A_872, %add3A_873 : i32
        %get3A_875 = arith.index_cast %add3A_874 : i32 to index
        %get3A_876 = tpu.vector_load %arg6[%get3A_875] {strides = array<i32>} : memref<65536xf32, #tpu.memory_space<vmem>>, vector<16xf32>,
        %get3A_877 = vector.shape_cast %get3A_876 : vector<16xf32> to vector<16xf32>
        %max3A_878 = arith.maximumf %while3A_863, %get3A_877 : vector<16xf32>
        %add3A_879 = arith.constant 16 : i32
        %add3A_880 = arith.addi %mul3A_872, %add3A_879 : i32
        %get3A_881 = arith.index_cast %add3A_880 : i32 to index
        %get3A_882 = tpu.vector_load %arg6[%get3A_881] {strides = array<i32>} : memref<65536xf32, #tpu.memory_space<vmem>>, vector<16xf32>,
        %get3A_883 = vector.shape_cast %get3A_882 : vector<16xf32> to vector<16xf32>
        %max3A_884 = arith.maximumf %while3A_864, %get3A_883 : vector<16xf32>
        %add3A_885 = arith.constant 32 : i32
        %add3A_886 = arith.addi %mul3A_872, %add3A_885 : i32
        %get3A_887 = arith.index_cast %add3A_886 : i32 to index
        %get3A_888 = tpu.vector_load %arg6[%get3A_887] {strides = array<i32>} : memref<65536xf32, #tpu.memory_space<vmem>>, vector<16xf32>,
        %get3A_889 = vector.shape_cast %get3A_888 : vector<16xf32> to vector<16xf32>
        %max3A_890 = arith.maximumf %while3A_865, %get3A_889 : vector<16xf32>
        %add3A_891 = arith.constant 48 : i32
        %add3A_892 = arith.addi %mul3A_872, %add3A_891 : i32
        %get3A_893 = arith.index_cast %add3A_892 : i32 to index
        %get3A_894 = tpu.vector_load %arg6[%get3A_893] {strides = array<i32>} : memref<65536xf32, #tpu.memory_space<vmem>>, vector<16xf32>,
        %get3A_895 = vector.shape_cast %get3A_894 : vector<16xf32> to vector<16xf32>
        %max3A_896 = arith.maximumf %while3A_866, %get3A_895 : vector<16xf32>
        %add3A_897 = arith.constant 64 : i32
        %add3A_898 = arith.addi %mul3A_872, %add3A_897 : i32
        %get3A_899 = arith.index_cast %add3A_898 : i32 to index
        %get3A_900 = tpu.vector_load %arg6[%get3A_899] {strides = array<i32>} : memref<65536xf32, #tpu.memory_space<vmem>>, vector<16xf32>,
        %get3A_901 = vector.shape_cast %get3A_900 : vector<16xf32> to vector<16xf32>
        %max3A_902 = arith.maximumf %while3A_867, %get3A_901 : vector<16xf32>
        %add3A_903 = arith.constant 80 : i32
        %add3A_904 = arith.addi %mul3A_872, %add3A_903 : i32
        %get3A_905 = arith.index_cast %add3A_904 : i32 to index
        %get3A_906 = tpu.vector_load %arg6[%get3A_905] {strides = array<i32>} : memref<65536xf32, #tpu.memory_space<vmem>>, vector<16xf32>,
        %get3A_907 = vector.shape_cast %get3A_906 : vector<16xf32> to vector<16xf32>
        %max3A_908 = arith.maximumf %while3A_868, %get3A_907 : vector<16xf32>
        %add3A_909 = arith.constant 96 : i32
        %add3A_910 = arith.addi %mul3A_872, %add3A_909 : i32
        %get3A_911 = arith.index_cast %add3A_910 : i32 to index
        %get3A_912 = tpu.vector_load %arg6[%get3A_911] {strides = array<i32>} : memref<65536xf32, #tpu.memory_space<vmem>>, vector<16xf32>,
        %get3A_913 = vector.shape_cast %get3A_912 : vector<16xf32> to vector<16xf32>
        %max3A_914 = arith.maximumf %while3A_869, %get3A_913 : vector<16xf32>
        %add3A_915 = arith.constant 112 : i32
        %add3A_916 = arith.addi %mul3A_872, %add3A_915 : i32
        %get3A_917 = arith.index_cast %add3A_916 : i32 to index
        %get3A_918 = tpu.vector_load %arg6[%get3A_917] {strides = array<i32>} : memref<65536xf32, #tpu.memory_space<vmem>>, vector<16xf32>,
        %get3A_919 = vector.shape_cast %get3A_918 : vector<16xf32> to vector<16xf32>
        %max3A_920 = arith.maximumf %while3A_870, %get3A_919 : vector<16xf32>
        scf.yield %max3A_878, %max3A_884, %max3A_890, %max3A_896, %max3A_902, %max3A_908, %max3A_914, %max3A_920 : vector<16xf32>, vector<16xf32>, vector<16xf32>, vector<16xf32>, vector<16xf32>, vector<16xf32>, vector<16xf32>, vector<16xf32>
      }
      %swap3A_620 = arith.constant 512 : index
      %swap3A_621 = tpu.vector_load %arg7[%swap3A_620] {strides = array<i32>} : memref<1024xf32, #tpu.memory_space<vmem>>, vector<16xf32>,
      %swap3A_622 = vector.shape_cast %swap3A_621 : vector<16xf32> to vector<16xf32>
      %swap3A_623 = vector.shape_cast %while3A_619#0 : vector<16xf32> to vector<16xf32>
      tpu.vector_store %arg7[%swap3A_620], %swap3A_623 {strides = array<i32>} : memref<1024xf32, #tpu.memory_space<vmem>>, vector<16xf32>,
      %swap3A_624 = arith.constant 528 : index
      %swap3A_625 = tpu.vector_load %arg7[%swap3A_624] {strides = array<i32>} : memref<1024xf32, #tpu.memory_space<vmem>>, vector<16xf32>,
      %swap3A_626 = vector.shape_cast %swap3A_625 : vector<16xf32> to vector<16xf32>
      %swap3A_627 = vector.shape_cast %while3A_619#1 : vector<16xf32> to vector<16xf32>
      tpu.vector_store %arg7[%swap3A_624], %swap3A_627 {strides = array<i32>} : memref<1024xf32, #tpu.memory_space<vmem>>, vector<16xf32>,
      %swap3A_628 = arith.constant 544 : index
      %swap3A_629 = tpu.vector_load %arg7[%swap3A_628] {strides = array<i32>} : memref<1024xf32, #tpu.memory_space<vmem>>, vector<16xf32>,
      %swap3A_630 = vector.shape_cast %swap3A_629 : vector<16xf32> to vector<16xf32>
      %swap3A_631 = vector.shape_cast %while3A_619#2 : vector<16xf32> to vector<16xf32>
      tpu.vector_store %arg7[%swap3A_628], %swap3A_631 {strides = array<i32>} : memref<1024xf32, #tpu.memory_space<vmem>>, vector<16xf32>,
      %swap3A_632 = arith.constant 560 : index
      %swap3A_633 = tpu.vector_load %arg7[%swap3A_632] {strides = array<i32>} : memref<1024xf32, #tpu.memory_space<vmem>>, vector<16xf32>,
      %swap3A_634 = vector.shape_cast %swap3A_633 : vector<16xf32> to vector<16xf32>
      %swap3A_635 = vector.shape_cast %while3A_619#3 : vector<16xf32> to vector<16xf32>
      tpu.vector_store %arg7[%swap3A_632], %swap3A_635 {strides = array<i32>} : memref<1024xf32, #tpu.memory_space<vmem>>, vector<16xf32>,
      %swap3A_636 = arith.constant 576 : index
      %swap3A_637 = tpu.vector_load %arg7[%swap3A_636] {strides = array<i32>} : memref<1024xf32, #tpu.memory_space<vmem>>, vector<16xf32>,
      %swap3A_638 = vector.shape_cast %swap3A_637 : vector<16xf32> to vector<16xf32>
      %swap3A_639 = vector.shape_cast %while3A_619#4 : vector<16xf32> to vector<16xf32>
      tpu.vector_store %arg7[%swap3A_636], %swap3A_639 {strides = array<i32>} : memref<1024xf32, #tpu.memory_space<vmem>>, vector<16xf32>,
      %swap3A_640 = arith.constant 592 : index
      %swap3A_641 = tpu.vector_load %arg7[%swap3A_640] {strides = array<i32>} : memref<1024xf32, #tpu.memory_space<vmem>>, vector<16xf32>,
      %swap3A_642 = vector.shape_cast %swap3A_641 : vector<16xf32> to vector<16xf32>
      %swap3A_643 = vector.shape_cast %while3A_619#5 : vector<16xf32> to vector<16xf32>
      tpu.vector_store %arg7[%swap3A_640], %swap3A_643 {strides = array<i32>} : memref<1024xf32, #tpu.memory_space<vmem>>, vector<16xf32>,
      %swap3A_644 = arith.constant 608 : index
      %swap3A_645 = tpu.vector_load %arg7[%swap3A_644] {strides = array<i32>} : memref<1024xf32, #tpu.memory_space<vmem>>, vector<16xf32>,
      %swap3A_646 = vector.shape_cast %swap3A_645 : vector<16xf32> to vector<16xf32>
      %swap3A_647 = vector.shape_cast %while3A_619#6 : vector<16xf32> to vector<16xf32>
      tpu.vector_store %arg7[%swap3A_644], %swap3A_647 {strides = array<i32>} : memref<1024xf32, #tpu.memory_space<vmem>>, vector<16xf32>,
      %swap3A_648 = arith.constant 624 : index
      %swap3A_649 = tpu.vector_load %arg7[%swap3A_648] {strides = array<i32>} : memref<1024xf32, #tpu.memory_space<vmem>>, vector<16xf32>,
      %swap3A_650 = vector.shape_cast %swap3A_649 : vector<16xf32> to vector<16xf32>
      %swap3A_651 = vector.shape_cast %while3A_619#7 : vector<16xf32> to vector<16xf32>
      tpu.vector_store %arg7[%swap3A_648], %swap3A_651 {strides = array<i32>} : memref<1024xf32, #tpu.memory_space<vmem>>, vector<16xf32>,
      %max3A_652 = arith.maxsi %squeeze3A_14, %add3A_296 : i32
      %sub3A_653 = arith.subi %max3A_652, %min3A_300 : i32
      %min3A_654 = arith.minsi %squeeze3A_16, %min3A : i32
      %sub3A_655 = arith.subi %min3A_654, %min3A_300 : i32
      %get3A_656 = arith.constant 640 : index
      %get3A_657 = tpu.vector_load %arg7[%get3A_656] {strides = array<i32>} : memref<1024xf32, #tpu.memory_space<vmem>>, vector<16xf32>,
      %get3A_658 = vector.shape_cast %get3A_657 : vector<16xf32> to vector<16xf32>
      %get3A_659 = arith.constant 656 : index
      %get3A_660 = tpu.vector_load %arg7[%get3A_659] {strides = array<i32>} : memref<1024xf32, #tpu.memory_space<vmem>>, vector<16xf32>,
      %get3A_661 = vector.shape_cast %get3A_660 : vector<16xf32> to vector<16xf32>
      %get3A_662 = arith.constant 672 : index
      %get3A_663 = tpu.vector_load %arg7[%get3A_662] {strides = array<i32>} : memref<1024xf32, #tpu.memory_space<vmem>>, vector<16xf32>,
      %get3A_664 = vector.shape_cast %get3A_663 : vector<16xf32> to vector<16xf32>
      %get3A_665 = arith.constant 688 : index
      %get3A_666 = tpu.vector_load %arg7[%get3A_665] {strides = array<i32>} : memref<1024xf32, #tpu.memory_space<vmem>>, vector<16xf32>,
      %get3A_667 = vector.shape_cast %get3A_666 : vector<16xf32> to vector<16xf32>
      %get3A_668 = arith.constant 704 : index
      %get3A_669 = tpu.vector_load %arg7[%get3A_668] {strides = array<i32>} : memref<1024xf32, #tpu.memory_space<vmem>>, vector<16xf32>,
      %get3A_670 = vector.shape_cast %get3A_669 : vector<16xf32> to vector<16xf32>
      %get3A_671 = arith.constant 720 : index
      %get3A_672 = tpu.vector_load %arg7[%get3A_671] {strides = array<i32>} : memref<1024xf32, #tpu.memory_space<vmem>>, vector<16xf32>,
      %get3A_673 = vector.shape_cast %get3A_672 : vector<16xf32> to vector<16xf32>
      %get3A_674 = arith.constant 736 : index
      %get3A_675 = tpu.vector_load %arg7[%get3A_674] {strides = array<i32>} : memref<1024xf32, #tpu.memory_space<vmem>>, vector<16xf32>,
      %get3A_676 = vector.shape_cast %get3A_675 : vector<16xf32> to vector<16xf32>
      %get3A_677 = arith.constant 752 : index
      %get3A_678 = tpu.vector_load %arg7[%get3A_677] {strides = array<i32>} : memref<1024xf32, #tpu.memory_space<vmem>>, vector<16xf32>,
      %get3A_679 = vector.shape_cast %get3A_678 : vector<16xf32> to vector<16xf32>
      %while3A_680 = arith.subi %sub3A_655, %sub3A_653 : i32
      %while3A_681 = arith.addi %sub3A_653, %while3A_680 : i32
      %while3A_682 = arith.constant 1 : i32
      %while3A_683 = arith.divsi %while3A_680, %while3A_682 : i32
      %while3A_684 = arith.muli %while3A_683, %while3A_682 : i32
      %while3A_685 = arith.addi %sub3A_653, %while3A_684 : i32
      %while3A_686 = arith.constant 1 : i32
      %while3A_687:8 = scf.for %while3A_862 = %sub3A_653 to %while3A_685 step %while3A_686 iter_args(%while3A_863 = %get3A_658, %while3A_864 = %get3A_661, %while3A_865 = %get3A_664, %while3A_866 = %get3A_667, %while3A_867 = %get3A_670, %while3A_868 = %get3A_673, %while3A_869 = %get3A_676, %while3A_870 = %get3A_679) -> (vector<16xf32>, vector<16xf32>, vector<16xf32>, vector<16xf32>, vector<16xf32>, vector<16xf32>, vector<16xf32>, vector<16xf32>)  : i32 {
        %mul3A_871 = arith.constant 128 : i32
        %mul3A_872 = arith.muli %while3A_862, %mul3A_871 : i32
        %add3A_873 = arith.constant 0 : i32
        %add3A_874 = arith.addi %mul3A_872, %add3A_873 : i32
        %get3A_875 = arith.index_cast %add3A_874 : i32 to index
        %get3A_876 = tpu.vector_load %arg6[%get3A_875] {strides = array<i32>} : memref<65536xf32, #tpu.memory_space<vmem>>, vector<16xf32>,
        %get3A_877 = vector.shape_cast %get3A_876 : vector<16xf32> to vector<16xf32>
        %max3A_878 = arith.maximumf %while3A_863, %get3A_877 : vector<16xf32>
        %add3A_879 = arith.constant 16 : i32
        %add3A_880 = arith.addi %mul3A_872, %add3A_879 : i32
        %get3A_881 = arith.index_cast %add3A_880 : i32 to index
        %get3A_882 = tpu.vector_load %arg6[%get3A_881] {strides = array<i32>} : memref<65536xf32, #tpu.memory_space<vmem>>, vector<16xf32>,
        %get3A_883 = vector.shape_cast %get3A_882 : vector<16xf32> to vector<16xf32>
        %max3A_884 = arith.maximumf %while3A_864, %get3A_883 : vector<16xf32>
        %add3A_885 = arith.constant 32 : i32
        %add3A_886 = arith.addi %mul3A_872, %add3A_885 : i32
        %get3A_887 = arith.index_cast %add3A_886 : i32 to index
        %get3A_888 = tpu.vector_load %arg6[%get3A_887] {strides = array<i32>} : memref<65536xf32, #tpu.memory_space<vmem>>, vector<16xf32>,
        %get3A_889 = vector.shape_cast %get3A_888 : vector<16xf32> to vector<16xf32>
        %max3A_890 = arith.maximumf %while3A_865, %get3A_889 : vector<16xf32>
        %add3A_891 = arith.constant 48 : i32
        %add3A_892 = arith.addi %mul3A_872, %add3A_891 : i32
        %get3A_893 = arith.index_cast %add3A_892 : i32 to index
        %get3A_894 = tpu.vector_load %arg6[%get3A_893] {strides = array<i32>} : memref<65536xf32, #tpu.memory_space<vmem>>, vector<16xf32>,
        %get3A_895 = vector.shape_cast %get3A_894 : vector<16xf32> to vector<16xf32>
        %max3A_896 = arith.maximumf %while3A_866, %get3A_895 : vector<16xf32>
        %add3A_897 = arith.constant 64 : i32
        %add3A_898 = arith.addi %mul3A_872, %add3A_897 : i32
        %get3A_899 = arith.index_cast %add3A_898 : i32 to index
        %get3A_900 = tpu.vector_load %arg6[%get3A_899] {strides = array<i32>} : memref<65536xf32, #tpu.memory_space<vmem>>, vector<16xf32>,
        %get3A_901 = vector.shape_cast %get3A_900 : vector<16xf32> to vector<16xf32>
        %max3A_902 = arith.maximumf %while3A_867, %get3A_901 : vector<16xf32>
        %add3A_903 = arith.constant 80 : i32
        %add3A_904 = arith.addi %mul3A_872, %add3A_903 : i32
        %get3A_905 = arith.index_cast %add3A_904 : i32 to index
        %get3A_906 = tpu.vector_load %arg6[%get3A_905] {strides = array<i32>} : memref<65536xf32, #tpu.memory_space<vmem>>, vector<16xf32>,
        %get3A_907 = vector.shape_cast %get3A_906 : vector<16xf32> to vector<16xf32>
        %max3A_908 = arith.maximumf %while3A_868, %get3A_907 : vector<16xf32>
        %add3A_909 = arith.constant 96 : i32
        %add3A_910 = arith.addi %mul3A_872, %add3A_909 : i32
        %get3A_911 = arith.index_cast %add3A_910 : i32 to index
        %get3A_912 = tpu.vector_load %arg6[%get3A_911] {strides = array<i32>} : memref<65536xf32, #tpu.memory_space<vmem>>, vector<16xf32>,
        %get3A_913 = vector.shape_cast %get3A_912 : vector<16xf32> to vector<16xf32>
        %max3A_914 = arith.maximumf %while3A_869, %get3A_913 : vector<16xf32>
        %add3A_915 = arith.constant 112 : i32
        %add3A_916 = arith.addi %mul3A_872, %add3A_915 : i32
        %get3A_917 = arith.index_cast %add3A_916 : i32 to index
        %get3A_918 = tpu.vector_load %arg6[%get3A_917] {strides = array<i32>} : memref<65536xf32, #tpu.memory_space<vmem>>, vector<16xf32>,
        %get3A_919 = vector.shape_cast %get3A_918 : vector<16xf32> to vector<16xf32>
        %max3A_920 = arith.maximumf %while3A_870, %get3A_919 : vector<16xf32>
        scf.yield %max3A_878, %max3A_884, %max3A_890, %max3A_896, %max3A_902, %max3A_908, %max3A_914, %max3A_920 : vector<16xf32>, vector<16xf32>, vector<16xf32>, vector<16xf32>, vector<16xf32>, vector<16xf32>, vector<16xf32>, vector<16xf32>
      }
      %while3A_688 = arith.constant 1 : i32
      %while3A_689:8 = scf.for %while3A_862 = %while3A_685 to %while3A_681 step %while3A_688 iter_args(%while3A_863 = %while3A_687#0, %while3A_864 = %while3A_687#1, %while3A_865 = %while3A_687#2, %while3A_866 = %while3A_687#3, %while3A_867 = %while3A_687#4, %while3A_868 = %while3A_687#5, %while3A_869 = %while3A_687#6, %while3A_870 = %while3A_687#7) -> (vector<16xf32>, vector<16xf32>, vector<16xf32>, vector<16xf32>, vector<16xf32>, vector<16xf32>, vector<16xf32>, vector<16xf32>)  : i32 {
        %mul3A_871 = arith.constant 128 : i32
        %mul3A_872 = arith.muli %while3A_862, %mul3A_871 : i32
        %add3A_873 = arith.constant 0 : i32
        %add3A_874 = arith.addi %mul3A_872, %add3A_873 : i32
        %get3A_875 = arith.index_cast %add3A_874 : i32 to index
        %get3A_876 = tpu.vector_load %arg6[%get3A_875] {strides = array<i32>} : memref<65536xf32, #tpu.memory_space<vmem>>, vector<16xf32>,
        %get3A_877 = vector.shape_cast %get3A_876 : vector<16xf32> to vector<16xf32>
        %max3A_878 = arith.maximumf %while3A_863, %get3A_877 : vector<16xf32>
        %add3A_879 = arith.constant 16 : i32
        %add3A_880 = arith.addi %mul3A_872, %add3A_879 : i32
        %get3A_881 = arith.index_cast %add3A_880 : i32 to index
        %get3A_882 = tpu.vector_load %arg6[%get3A_881] {strides = array<i32>} : memref<65536xf32, #tpu.memory_space<vmem>>, vector<16xf32>,
        %get3A_883 = vector.shape_cast %get3A_882 : vector<16xf32> to vector<16xf32>
        %max3A_884 = arith.maximumf %while3A_864, %get3A_883 : vector<16xf32>
        %add3A_885 = arith.constant 32 : i32
        %add3A_886 = arith.addi %mul3A_872, %add3A_885 : i32
        %get3A_887 = arith.index_cast %add3A_886 : i32 to index
        %get3A_888 = tpu.vector_load %arg6[%get3A_887] {strides = array<i32>} : memref<65536xf32, #tpu.memory_space<vmem>>, vector<16xf32>,
        %get3A_889 = vector.shape_cast %get3A_888 : vector<16xf32> to vector<16xf32>
        %max3A_890 = arith.maximumf %while3A_865, %get3A_889 : vector<16xf32>
        %add3A_891 = arith.constant 48 : i32
        %add3A_892 = arith.addi %mul3A_872, %add3A_891 : i32
        %get3A_893 = arith.index_cast %add3A_892 : i32 to index
        %get3A_894 = tpu.vector_load %arg6[%get3A_893] {strides = array<i32>} : memref<65536xf32, #tpu.memory_space<vmem>>, vector<16xf32>,
        %get3A_895 = vector.shape_cast %get3A_894 : vector<16xf32> to vector<16xf32>
        %max3A_896 = arith.maximumf %while3A_866, %get3A_895 : vector<16xf32>
        %add3A_897 = arith.constant 64 : i32
        %add3A_898 = arith.addi %mul3A_872, %add3A_897 : i32
        %get3A_899 = arith.index_cast %add3A_898 : i32 to index
        %get3A_900 = tpu.vector_load %arg6[%get3A_899] {strides = array<i32>} : memref<65536xf32, #tpu.memory_space<vmem>>, vector<16xf32>,
        %get3A_901 = vector.shape_cast %get3A_900 : vector<16xf32> to vector<16xf32>
        %max3A_902 = arith.maximumf %while3A_867, %get3A_901 : vector<16xf32>
        %add3A_903 = arith.constant 80 : i32
        %add3A_904 = arith.addi %mul3A_872, %add3A_903 : i32
        %get3A_905 = arith.index_cast %add3A_904 : i32 to index
        %get3A_906 = tpu.vector_load %arg6[%get3A_905] {strides = array<i32>} : memref<65536xf32, #tpu.memory_space<vmem>>, vector<16xf32>,
        %get3A_907 = vector.shape_cast %get3A_906 : vector<16xf32> to vector<16xf32>
        %max3A_908 = arith.maximumf %while3A_868, %get3A_907 : vector<16xf32>
        %add3A_909 = arith.constant 96 : i32
        %add3A_910 = arith.addi %mul3A_872, %add3A_909 : i32
        %get3A_911 = arith.index_cast %add3A_910 : i32 to index
        %get3A_912 = tpu.vector_load %arg6[%get3A_911] {strides = array<i32>} : memref<65536xf32, #tpu.memory_space<vmem>>, vector<16xf32>,
        %get3A_913 = vector.shape_cast %get3A_912 : vector<16xf32> to vector<16xf32>
        %max3A_914 = arith.maximumf %while3A_869, %get3A_913 : vector<16xf32>
        %add3A_915 = arith.constant 112 : i32
        %add3A_916 = arith.addi %mul3A_872, %add3A_915 : i32
        %get3A_917 = arith.index_cast %add3A_916 : i32 to index
        %get3A_918 = tpu.vector_load %arg6[%get3A_917] {strides = array<i32>} : memref<65536xf32, #tpu.memory_space<vmem>>, vector<16xf32>,
        %get3A_919 = vector.shape_cast %get3A_918 : vector<16xf32> to vector<16xf32>
        %max3A_920 = arith.maximumf %while3A_870, %get3A_919 : vector<16xf32>
        scf.yield %max3A_878, %max3A_884, %max3A_890, %max3A_896, %max3A_902, %max3A_908, %max3A_914, %max3A_920 : vector<16xf32>, vector<16xf32>, vector<16xf32>, vector<16xf32>, vector<16xf32>, vector<16xf32>, vector<16xf32>, vector<16xf32>
      }
      %swap3A_690 = arith.constant 640 : index
      %swap3A_691 = tpu.vector_load %arg7[%swap3A_690] {strides = array<i32>} : memref<1024xf32, #tpu.memory_space<vmem>>, vector<16xf32>,
      %swap3A_692 = vector.shape_cast %swap3A_691 : vector<16xf32> to vector<16xf32>
      %swap3A_693 = vector.shape_cast %while3A_689#0 : vector<16xf32> to vector<16xf32>
      tpu.vector_store %arg7[%swap3A_690], %swap3A_693 {strides = array<i32>} : memref<1024xf32, #tpu.memory_space<vmem>>, vector<16xf32>,
      %swap3A_694 = arith.constant 656 : index
      %swap3A_695 = tpu.vector_load %arg7[%swap3A_694] {strides = array<i32>} : memref<1024xf32, #tpu.memory_space<vmem>>, vector<16xf32>,
      %swap3A_696 = vector.shape_cast %swap3A_695 : vector<16xf32> to vector<16xf32>
      %swap3A_697 = vector.shape_cast %while3A_689#1 : vector<16xf32> to vector<16xf32>
      tpu.vector_store %arg7[%swap3A_694], %swap3A_697 {strides = array<i32>} : memref<1024xf32, #tpu.memory_space<vmem>>, vector<16xf32>,
      %swap3A_698 = arith.constant 672 : index
      %swap3A_699 = tpu.vector_load %arg7[%swap3A_698] {strides = array<i32>} : memref<1024xf32, #tpu.memory_space<vmem>>, vector<16xf32>,
      %swap3A_700 = vector.shape_cast %swap3A_699 : vector<16xf32> to vector<16xf32>
      %swap3A_701 = vector.shape_cast %while3A_689#2 : vector<16xf32> to vector<16xf32>
      tpu.vector_store %arg7[%swap3A_698], %swap3A_701 {strides = array<i32>} : memref<1024xf32, #tpu.memory_space<vmem>>, vector<16xf32>,
      %swap3A_702 = arith.constant 688 : index
      %swap3A_703 = tpu.vector_load %arg7[%swap3A_702] {strides = array<i32>} : memref<1024xf32, #tpu.memory_space<vmem>>, vector<16xf32>,
      %swap3A_704 = vector.shape_cast %swap3A_703 : vector<16xf32> to vector<16xf32>
      %swap3A_705 = vector.shape_cast %while3A_689#3 : vector<16xf32> to vector<16xf32>
      tpu.vector_store %arg7[%swap3A_702], %swap3A_705 {strides = array<i32>} : memref<1024xf32, #tpu.memory_space<vmem>>, vector<16xf32>,
      %swap3A_706 = arith.constant 704 : index
      %swap3A_707 = tpu.vector_load %arg7[%swap3A_706] {strides = array<i32>} : memref<1024xf32, #tpu.memory_space<vmem>>, vector<16xf32>,
      %swap3A_708 = vector.shape_cast %swap3A_707 : vector<16xf32> to vector<16xf32>
      %swap3A_709 = vector.shape_cast %while3A_689#4 : vector<16xf32> to vector<16xf32>
      tpu.vector_store %arg7[%swap3A_706], %swap3A_709 {strides = array<i32>} : memref<1024xf32, #tpu.memory_space<vmem>>, vector<16xf32>,
      %swap3A_710 = arith.constant 720 : index
      %swap3A_711 = tpu.vector_load %arg7[%swap3A_710] {strides = array<i32>} : memref<1024xf32, #tpu.memory_space<vmem>>, vector<16xf32>,
      %swap3A_712 = vector.shape_cast %swap3A_711 : vector<16xf32> to vector<16xf32>
      %swap3A_713 = vector.shape_cast %while3A_689#5 : vector<16xf32> to vector<16xf32>
      tpu.vector_store %arg7[%swap3A_710], %swap3A_713 {strides = array<i32>} : memref<1024xf32, #tpu.memory_space<vmem>>, vector<16xf32>,
      %swap3A_714 = arith.constant 736 : index
      %swap3A_715 = tpu.vector_load %arg7[%swap3A_714] {strides = array<i32>} : memref<1024xf32, #tpu.memory_space<vmem>>, vector<16xf32>,
      %swap3A_716 = vector.shape_cast %swap3A_715 : vector<16xf32> to vector<16xf32>
      %swap3A_717 = vector.shape_cast %while3A_689#6 : vector<16xf32> to vector<16xf32>
      tpu.vector_store %arg7[%swap3A_714], %swap3A_717 {strides = array<i32>} : memref<1024xf32, #tpu.memory_space<vmem>>, vector<16xf32>,
      %swap3A_718 = arith.constant 752 : index
      %swap3A_719 = tpu.vector_load %arg7[%swap3A_718] {strides = array<i32>} : memref<1024xf32, #tpu.memory_space<vmem>>, vector<16xf32>,
      %swap3A_720 = vector.shape_cast %swap3A_719 : vector<16xf32> to vector<16xf32>
      %swap3A_721 = vector.shape_cast %while3A_689#7 : vector<16xf32> to vector<16xf32>
      tpu.vector_store %arg7[%swap3A_718], %swap3A_721 {strides = array<i32>} : memref<1024xf32, #tpu.memory_space<vmem>>, vector<16xf32>,
      %max3A_722 = arith.maxsi %squeeze3A_16, %add3A_296 : i32
      %sub3A_723 = arith.subi %max3A_722, %min3A_300 : i32
      %min3A_724 = arith.minsi %squeeze3A_18, %min3A : i32
      %sub3A_725 = arith.subi %min3A_724, %min3A_300 : i32
      %get3A_726 = arith.constant 768 : index
      %get3A_727 = tpu.vector_load %arg7[%get3A_726] {strides = array<i32>} : memref<1024xf32, #tpu.memory_space<vmem>>, vector<16xf32>,
      %get3A_728 = vector.shape_cast %get3A_727 : vector<16xf32> to vector<16xf32>
      %get3A_729 = arith.constant 784 : index
      %get3A_730 = tpu.vector_load %arg7[%get3A_729] {strides = array<i32>} : memref<1024xf32, #tpu.memory_space<vmem>>, vector<16xf32>,
      %get3A_731 = vector.shape_cast %get3A_730 : vector<16xf32> to vector<16xf32>
      %get3A_732 = arith.constant 800 : index
      %get3A_733 = tpu.vector_load %arg7[%get3A_732] {strides = array<i32>} : memref<1024xf32, #tpu.memory_space<vmem>>, vector<16xf32>,
      %get3A_734 = vector.shape_cast %get3A_733 : vector<16xf32> to vector<16xf32>
      %get3A_735 = arith.constant 816 : index
      %get3A_736 = tpu.vector_load %arg7[%get3A_735] {strides = array<i32>} : memref<1024xf32, #tpu.memory_space<vmem>>, vector<16xf32>,
      %get3A_737 = vector.shape_cast %get3A_736 : vector<16xf32> to vector<16xf32>
      %get3A_738 = arith.constant 832 : index
      %get3A_739 = tpu.vector_load %arg7[%get3A_738] {strides = array<i32>} : memref<1024xf32, #tpu.memory_space<vmem>>, vector<16xf32>,
      %get3A_740 = vector.shape_cast %get3A_739 : vector<16xf32> to vector<16xf32>
      %get3A_741 = arith.constant 848 : index
      %get3A_742 = tpu.vector_load %arg7[%get3A_741] {strides = array<i32>} : memref<1024xf32, #tpu.memory_space<vmem>>, vector<16xf32>,
      %get3A_743 = vector.shape_cast %get3A_742 : vector<16xf32> to vector<16xf32>
      %get3A_744 = arith.constant 864 : index
      %get3A_745 = tpu.vector_load %arg7[%get3A_744] {strides = array<i32>} : memref<1024xf32, #tpu.memory_space<vmem>>, vector<16xf32>,
      %get3A_746 = vector.shape_cast %get3A_745 : vector<16xf32> to vector<16xf32>
      %get3A_747 = arith.constant 880 : index
      %get3A_748 = tpu.vector_load %arg7[%get3A_747] {strides = array<i32>} : memref<1024xf32, #tpu.memory_space<vmem>>, vector<16xf32>,
      %get3A_749 = vector.shape_cast %get3A_748 : vector<16xf32> to vector<16xf32>
      %while3A_750 = arith.subi %sub3A_725, %sub3A_723 : i32
      %while3A_751 = arith.addi %sub3A_723, %while3A_750 : i32
      %while3A_752 = arith.constant 1 : i32
      %while3A_753 = arith.divsi %while3A_750, %while3A_752 : i32
      %while3A_754 = arith.muli %while3A_753, %while3A_752 : i32
      %while3A_755 = arith.addi %sub3A_723, %while3A_754 : i32
      %while3A_756 = arith.constant 1 : i32
      %while3A_757:8 = scf.for %while3A_862 = %sub3A_723 to %while3A_755 step %while3A_756 iter_args(%while3A_863 = %get3A_728, %while3A_864 = %get3A_731, %while3A_865 = %get3A_734, %while3A_866 = %get3A_737, %while3A_867 = %get3A_740, %while3A_868 = %get3A_743, %while3A_869 = %get3A_746, %while3A_870 = %get3A_749) -> (vector<16xf32>, vector<16xf32>, vector<16xf32>, vector<16xf32>, vector<16xf32>, vector<16xf32>, vector<16xf32>, vector<16xf32>)  : i32 {
        %mul3A_871 = arith.constant 128 : i32
        %mul3A_872 = arith.muli %while3A_862, %mul3A_871 : i32
        %add3A_873 = arith.constant 0 : i32
        %add3A_874 = arith.addi %mul3A_872, %add3A_873 : i32
        %get3A_875 = arith.index_cast %add3A_874 : i32 to index
        %get3A_876 = tpu.vector_load %arg6[%get3A_875] {strides = array<i32>} : memref<65536xf32, #tpu.memory_space<vmem>>, vector<16xf32>,
        %get3A_877 = vector.shape_cast %get3A_876 : vector<16xf32> to vector<16xf32>
        %max3A_878 = arith.maximumf %while3A_863, %get3A_877 : vector<16xf32>
        %add3A_879 = arith.constant 16 : i32
        %add3A_880 = arith.addi %mul3A_872, %add3A_879 : i32
        %get3A_881 = arith.index_cast %add3A_880 : i32 to index
        %get3A_882 = tpu.vector_load %arg6[%get3A_881] {strides = array<i32>} : memref<65536xf32, #tpu.memory_space<vmem>>, vector<16xf32>,
        %get3A_883 = vector.shape_cast %get3A_882 : vector<16xf32> to vector<16xf32>
        %max3A_884 = arith.maximumf %while3A_864, %get3A_883 : vector<16xf32>
        %add3A_885 = arith.constant 32 : i32
        %add3A_886 = arith.addi %mul3A_872, %add3A_885 : i32
        %get3A_887 = arith.index_cast %add3A_886 : i32 to index
        %get3A_888 = tpu.vector_load %arg6[%get3A_887] {strides = array<i32>} : memref<65536xf32, #tpu.memory_space<vmem>>, vector<16xf32>,
        %get3A_889 = vector.shape_cast %get3A_888 : vector<16xf32> to vector<16xf32>
        %max3A_890 = arith.maximumf %while3A_865, %get3A_889 : vector<16xf32>
        %add3A_891 = arith.constant 48 : i32
        %add3A_892 = arith.addi %mul3A_872, %add3A_891 : i32
        %get3A_893 = arith.index_cast %add3A_892 : i32 to index
        %get3A_894 = tpu.vector_load %arg6[%get3A_893] {strides = array<i32>} : memref<65536xf32, #tpu.memory_space<vmem>>, vector<16xf32>,
        %get3A_895 = vector.shape_cast %get3A_894 : vector<16xf32> to vector<16xf32>
        %max3A_896 = arith.maximumf %while3A_866, %get3A_895 : vector<16xf32>
        %add3A_897 = arith.constant 64 : i32
        %add3A_898 = arith.addi %mul3A_872, %add3A_897 : i32
        %get3A_899 = arith.index_cast %add3A_898 : i32 to index
        %get3A_900 = tpu.vector_load %arg6[%get3A_899] {strides = array<i32>} : memref<65536xf32, #tpu.memory_space<vmem>>, vector<16xf32>,
        %get3A_901 = vector.shape_cast %get3A_900 : vector<16xf32> to vector<16xf32>
        %max3A_902 = arith.maximumf %while3A_867, %get3A_901 : vector<16xf32>
        %add3A_903 = arith.constant 80 : i32
        %add3A_904 = arith.addi %mul3A_872, %add3A_903 : i32
        %get3A_905 = arith.index_cast %add3A_904 : i32 to index
        %get3A_906 = tpu.vector_load %arg6[%get3A_905] {strides = array<i32>} : memref<65536xf32, #tpu.memory_space<vmem>>, vector<16xf32>,
        %get3A_907 = vector.shape_cast %get3A_906 : vector<16xf32> to vector<16xf32>
        %max3A_908 = arith.maximumf %while3A_868, %get3A_907 : vector<16xf32>
        %add3A_909 = arith.constant 96 : i32
        %add3A_910 = arith.addi %mul3A_872, %add3A_909 : i32
        %get3A_911 = arith.index_cast %add3A_910 : i32 to index
        %get3A_912 = tpu.vector_load %arg6[%get3A_911] {strides = array<i32>} : memref<65536xf32, #tpu.memory_space<vmem>>, vector<16xf32>,
        %get3A_913 = vector.shape_cast %get3A_912 : vector<16xf32> to vector<16xf32>
        %max3A_914 = arith.maximumf %while3A_869, %get3A_913 : vector<16xf32>
        %add3A_915 = arith.constant 112 : i32
        %add3A_916 = arith.addi %mul3A_872, %add3A_915 : i32
        %get3A_917 = arith.index_cast %add3A_916 : i32 to index
        %get3A_918 = tpu.vector_load %arg6[%get3A_917] {strides = array<i32>} : memref<65536xf32, #tpu.memory_space<vmem>>, vector<16xf32>,
        %get3A_919 = vector.shape_cast %get3A_918 : vector<16xf32> to vector<16xf32>
        %max3A_920 = arith.maximumf %while3A_870, %get3A_919 : vector<16xf32>
        scf.yield %max3A_878, %max3A_884, %max3A_890, %max3A_896, %max3A_902, %max3A_908, %max3A_914, %max3A_920 : vector<16xf32>, vector<16xf32>, vector<16xf32>, vector<16xf32>, vector<16xf32>, vector<16xf32>, vector<16xf32>, vector<16xf32>
      }
      %while3A_758 = arith.constant 1 : i32
      %while3A_759:8 = scf.for %while3A_862 = %while3A_755 to %while3A_751 step %while3A_758 iter_args(%while3A_863 = %while3A_757#0, %while3A_864 = %while3A_757#1, %while3A_865 = %while3A_757#2, %while3A_866 = %while3A_757#3, %while3A_867 = %while3A_757#4, %while3A_868 = %while3A_757#5, %while3A_869 = %while3A_757#6, %while3A_870 = %while3A_757#7) -> (vector<16xf32>, vector<16xf32>, vector<16xf32>, vector<16xf32>, vector<16xf32>, vector<16xf32>, vector<16xf32>, vector<16xf32>)  : i32 {
        %mul3A_871 = arith.constant 128 : i32
        %mul3A_872 = arith.muli %while3A_862, %mul3A_871 : i32
        %add3A_873 = arith.constant 0 : i32
        %add3A_874 = arith.addi %mul3A_872, %add3A_873 : i32
        %get3A_875 = arith.index_cast %add3A_874 : i32 to index
        %get3A_876 = tpu.vector_load %arg6[%get3A_875] {strides = array<i32>} : memref<65536xf32, #tpu.memory_space<vmem>>, vector<16xf32>,
        %get3A_877 = vector.shape_cast %get3A_876 : vector<16xf32> to vector<16xf32>
        %max3A_878 = arith.maximumf %while3A_863, %get3A_877 : vector<16xf32>
        %add3A_879 = arith.constant 16 : i32
        %add3A_880 = arith.addi %mul3A_872, %add3A_879 : i32
        %get3A_881 = arith.index_cast %add3A_880 : i32 to index
        %get3A_882 = tpu.vector_load %arg6[%get3A_881] {strides = array<i32>} : memref<65536xf32, #tpu.memory_space<vmem>>, vector<16xf32>,
        %get3A_883 = vector.shape_cast %get3A_882 : vector<16xf32> to vector<16xf32>
        %max3A_884 = arith.maximumf %while3A_864, %get3A_883 : vector<16xf32>
        %add3A_885 = arith.constant 32 : i32
        %add3A_886 = arith.addi %mul3A_872, %add3A_885 : i32
        %get3A_887 = arith.index_cast %add3A_886 : i32 to index
        %get3A_888 = tpu.vector_load %arg6[%get3A_887] {strides = array<i32>} : memref<65536xf32, #tpu.memory_space<vmem>>, vector<16xf32>,
        %get3A_889 = vector.shape_cast %get3A_888 : vector<16xf32> to vector<16xf32>
        %max3A_890 = arith.maximumf %while3A_865, %get3A_889 : vector<16xf32>
        %add3A_891 = arith.constant 48 : i32
        %add3A_892 = arith.addi %mul3A_872, %add3A_891 : i32
        %get3A_893 = arith.index_cast %add3A_892 : i32 to index
        %get3A_894 = tpu.vector_load %arg6[%get3A_893] {strides = array<i32>} : memref<65536xf32, #tpu.memory_space<vmem>>, vector<16xf32>,
        %get3A_895 = vector.shape_cast %get3A_894 : vector<16xf32> to vector<16xf32>
        %max3A_896 = arith.maximumf %while3A_866, %get3A_895 : vector<16xf32>
        %add3A_897 = arith.constant 64 : i32
        %add3A_898 = arith.addi %mul3A_872, %add3A_897 : i32
        %get3A_899 = arith.index_cast %add3A_898 : i32 to index
        %get3A_900 = tpu.vector_load %arg6[%get3A_899] {strides = array<i32>} : memref<65536xf32, #tpu.memory_space<vmem>>, vector<16xf32>,
        %get3A_901 = vector.shape_cast %get3A_900 : vector<16xf32> to vector<16xf32>
        %max3A_902 = arith.maximumf %while3A_867, %get3A_901 : vector<16xf32>
        %add3A_903 = arith.constant 80 : i32
        %add3A_904 = arith.addi %mul3A_872, %add3A_903 : i32
        %get3A_905 = arith.index_cast %add3A_904 : i32 to index
        %get3A_906 = tpu.vector_load %arg6[%get3A_905] {strides = array<i32>} : memref<65536xf32, #tpu.memory_space<vmem>>, vector<16xf32>,
        %get3A_907 = vector.shape_cast %get3A_906 : vector<16xf32> to vector<16xf32>
        %max3A_908 = arith.maximumf %while3A_868, %get3A_907 : vector<16xf32>
        %add3A_909 = arith.constant 96 : i32
        %add3A_910 = arith.addi %mul3A_872, %add3A_909 : i32
        %get3A_911 = arith.index_cast %add3A_910 : i32 to index
        %get3A_912 = tpu.vector_load %arg6[%get3A_911] {strides = array<i32>} : memref<65536xf32, #tpu.memory_space<vmem>>, vector<16xf32>,
        %get3A_913 = vector.shape_cast %get3A_912 : vector<16xf32> to vector<16xf32>
        %max3A_914 = arith.maximumf %while3A_869, %get3A_913 : vector<16xf32>
        %add3A_915 = arith.constant 112 : i32
        %add3A_916 = arith.addi %mul3A_872, %add3A_915 : i32
        %get3A_917 = arith.index_cast %add3A_916 : i32 to index
        %get3A_918 = tpu.vector_load %arg6[%get3A_917] {strides = array<i32>} : memref<65536xf32, #tpu.memory_space<vmem>>, vector<16xf32>,
        %get3A_919 = vector.shape_cast %get3A_918 : vector<16xf32> to vector<16xf32>
        %max3A_920 = arith.maximumf %while3A_870, %get3A_919 : vector<16xf32>
        scf.yield %max3A_878, %max3A_884, %max3A_890, %max3A_896, %max3A_902, %max3A_908, %max3A_914, %max3A_920 : vector<16xf32>, vector<16xf32>, vector<16xf32>, vector<16xf32>, vector<16xf32>, vector<16xf32>, vector<16xf32>, vector<16xf32>
      }
      %swap3A_760 = arith.constant 768 : index
      %swap3A_761 = tpu.vector_load %arg7[%swap3A_760] {strides = array<i32>} : memref<1024xf32, #tpu.memory_space<vmem>>, vector<16xf32>,
      %swap3A_762 = vector.shape_cast %swap3A_761 : vector<16xf32> to vector<16xf32>
      %swap3A_763 = vector.shape_cast %while3A_759#0 : vector<16xf32> to vector<16xf32>
      tpu.vector_store %arg7[%swap3A_760], %swap3A_763 {strides = array<i32>} : memref<1024xf32, #tpu.memory_space<vmem>>, vector<16xf32>,
      %swap3A_764 = arith.constant 784 : index
      %swap3A_765 = tpu.vector_load %arg7[%swap3A_764] {strides = array<i32>} : memref<1024xf32, #tpu.memory_space<vmem>>, vector<16xf32>,
      %swap3A_766 = vector.shape_cast %swap3A_765 : vector<16xf32> to vector<16xf32>
      %swap3A_767 = vector.shape_cast %while3A_759#1 : vector<16xf32> to vector<16xf32>
      tpu.vector_store %arg7[%swap3A_764], %swap3A_767 {strides = array<i32>} : memref<1024xf32, #tpu.memory_space<vmem>>, vector<16xf32>,
      %swap3A_768 = arith.constant 800 : index
      %swap3A_769 = tpu.vector_load %arg7[%swap3A_768] {strides = array<i32>} : memref<1024xf32, #tpu.memory_space<vmem>>, vector<16xf32>,
      %swap3A_770 = vector.shape_cast %swap3A_769 : vector<16xf32> to vector<16xf32>
      %swap3A_771 = vector.shape_cast %while3A_759#2 : vector<16xf32> to vector<16xf32>
      tpu.vector_store %arg7[%swap3A_768], %swap3A_771 {strides = array<i32>} : memref<1024xf32, #tpu.memory_space<vmem>>, vector<16xf32>,
      %swap3A_772 = arith.constant 816 : index
      %swap3A_773 = tpu.vector_load %arg7[%swap3A_772] {strides = array<i32>} : memref<1024xf32, #tpu.memory_space<vmem>>, vector<16xf32>,
      %swap3A_774 = vector.shape_cast %swap3A_773 : vector<16xf32> to vector<16xf32>
      %swap3A_775 = vector.shape_cast %while3A_759#3 : vector<16xf32> to vector<16xf32>
      tpu.vector_store %arg7[%swap3A_772], %swap3A_775 {strides = array<i32>} : memref<1024xf32, #tpu.memory_space<vmem>>, vector<16xf32>,
      %swap3A_776 = arith.constant 832 : index
      %swap3A_777 = tpu.vector_load %arg7[%swap3A_776] {strides = array<i32>} : memref<1024xf32, #tpu.memory_space<vmem>>, vector<16xf32>,
      %swap3A_778 = vector.shape_cast %swap3A_777 : vector<16xf32> to vector<16xf32>
      %swap3A_779 = vector.shape_cast %while3A_759#4 : vector<16xf32> to vector<16xf32>
      tpu.vector_store %arg7[%swap3A_776], %swap3A_779 {strides = array<i32>} : memref<1024xf32, #tpu.memory_space<vmem>>, vector<16xf32>,
      %swap3A_780 = arith.constant 848 : index
      %swap3A_781 = tpu.vector_load %arg7[%swap3A_780] {strides = array<i32>} : memref<1024xf32, #tpu.memory_space<vmem>>, vector<16xf32>,
      %swap3A_782 = vector.shape_cast %swap3A_781 : vector<16xf32> to vector<16xf32>
      %swap3A_783 = vector.shape_cast %while3A_759#5 : vector<16xf32> to vector<16xf32>
      tpu.vector_store %arg7[%swap3A_780], %swap3A_783 {strides = array<i32>} : memref<1024xf32, #tpu.memory_space<vmem>>, vector<16xf32>,
      %swap3A_784 = arith.constant 864 : index
      %swap3A_785 = tpu.vector_load %arg7[%swap3A_784] {strides = array<i32>} : memref<1024xf32, #tpu.memory_space<vmem>>, vector<16xf32>,
      %swap3A_786 = vector.shape_cast %swap3A_785 : vector<16xf32> to vector<16xf32>
      %swap3A_787 = vector.shape_cast %while3A_759#6 : vector<16xf32> to vector<16xf32>
      tpu.vector_store %arg7[%swap3A_784], %swap3A_787 {strides = array<i32>} : memref<1024xf32, #tpu.memory_space<vmem>>, vector<16xf32>,
      %swap3A_788 = arith.constant 880 : index
      %swap3A_789 = tpu.vector_load %arg7[%swap3A_788] {strides = array<i32>} : memref<1024xf32, #tpu.memory_space<vmem>>, vector<16xf32>,
      %swap3A_790 = vector.shape_cast %swap3A_789 : vector<16xf32> to vector<16xf32>
      %swap3A_791 = vector.shape_cast %while3A_759#7 : vector<16xf32> to vector<16xf32>
      tpu.vector_store %arg7[%swap3A_788], %swap3A_791 {strides = array<i32>} : memref<1024xf32, #tpu.memory_space<vmem>>, vector<16xf32>,
      %max3A_792 = arith.maxsi %squeeze3A_18, %add3A_296 : i32
      %sub3A_793 = arith.subi %max3A_792, %min3A_300 : i32
      %min3A_794 = arith.minsi %squeeze3A_20, %min3A : i32
      %sub3A_795 = arith.subi %min3A_794, %min3A_300 : i32
      %get3A_796 = arith.constant 896 : index
      %get3A_797 = tpu.vector_load %arg7[%get3A_796] {strides = array<i32>} : memref<1024xf32, #tpu.memory_space<vmem>>, vector<16xf32>,
      %get3A_798 = vector.shape_cast %get3A_797 : vector<16xf32> to vector<16xf32>
      %get3A_799 = arith.constant 912 : index
      %get3A_800 = tpu.vector_load %arg7[%get3A_799] {strides = array<i32>} : memref<1024xf32, #tpu.memory_space<vmem>>, vector<16xf32>,
      %get3A_801 = vector.shape_cast %get3A_800 : vector<16xf32> to vector<16xf32>
      %get3A_802 = arith.constant 928 : index
      %get3A_803 = tpu.vector_load %arg7[%get3A_802] {strides = array<i32>} : memref<1024xf32, #tpu.memory_space<vmem>>, vector<16xf32>,
      %get3A_804 = vector.shape_cast %get3A_803 : vector<16xf32> to vector<16xf32>
      %get3A_805 = arith.constant 944 : index
      %get3A_806 = tpu.vector_load %arg7[%get3A_805] {strides = array<i32>} : memref<1024xf32, #tpu.memory_space<vmem>>, vector<16xf32>,
      %get3A_807 = vector.shape_cast %get3A_806 : vector<16xf32> to vector<16xf32>
      %get3A_808 = arith.constant 960 : index
      %get3A_809 = tpu.vector_load %arg7[%get3A_808] {strides = array<i32>} : memref<1024xf32, #tpu.memory_space<vmem>>, vector<16xf32>,
      %get3A_810 = vector.shape_cast %get3A_809 : vector<16xf32> to vector<16xf32>
      %get3A_811 = arith.constant 976 : index
      %get3A_812 = tpu.vector_load %arg7[%get3A_811] {strides = array<i32>} : memref<1024xf32, #tpu.memory_space<vmem>>, vector<16xf32>,
      %get3A_813 = vector.shape_cast %get3A_812 : vector<16xf32> to vector<16xf32>
      %get3A_814 = arith.constant 992 : index
      %get3A_815 = tpu.vector_load %arg7[%get3A_814] {strides = array<i32>} : memref<1024xf32, #tpu.memory_space<vmem>>, vector<16xf32>,
      %get3A_816 = vector.shape_cast %get3A_815 : vector<16xf32> to vector<16xf32>
      %get3A_817 = arith.constant 1008 : index
      %get3A_818 = tpu.vector_load %arg7[%get3A_817] {strides = array<i32>} : memref<1024xf32, #tpu.memory_space<vmem>>, vector<16xf32>,
      %get3A_819 = vector.shape_cast %get3A_818 : vector<16xf32> to vector<16xf32>
      %while3A_820 = arith.subi %sub3A_795, %sub3A_793 : i32
      %while3A_821 = arith.addi %sub3A_793, %while3A_820 : i32
      %while3A_822 = arith.constant 1 : i32
      %while3A_823 = arith.divsi %while3A_820, %while3A_822 : i32
      %while3A_824 = arith.muli %while3A_823, %while3A_822 : i32
      %while3A_825 = arith.addi %sub3A_793, %while3A_824 : i32
      %while3A_826 = arith.constant 1 : i32
      %while3A_827:8 = scf.for %while3A_862 = %sub3A_793 to %while3A_825 step %while3A_826 iter_args(%while3A_863 = %get3A_798, %while3A_864 = %get3A_801, %while3A_865 = %get3A_804, %while3A_866 = %get3A_807, %while3A_867 = %get3A_810, %while3A_868 = %get3A_813, %while3A_869 = %get3A_816, %while3A_870 = %get3A_819) -> (vector<16xf32>, vector<16xf32>, vector<16xf32>, vector<16xf32>, vector<16xf32>, vector<16xf32>, vector<16xf32>, vector<16xf32>)  : i32 {
        %mul3A_871 = arith.constant 128 : i32
        %mul3A_872 = arith.muli %while3A_862, %mul3A_871 : i32
        %add3A_873 = arith.constant 0 : i32
        %add3A_874 = arith.addi %mul3A_872, %add3A_873 : i32
        %get3A_875 = arith.index_cast %add3A_874 : i32 to index
        %get3A_876 = tpu.vector_load %arg6[%get3A_875] {strides = array<i32>} : memref<65536xf32, #tpu.memory_space<vmem>>, vector<16xf32>,
        %get3A_877 = vector.shape_cast %get3A_876 : vector<16xf32> to vector<16xf32>
        %max3A_878 = arith.maximumf %while3A_863, %get3A_877 : vector<16xf32>
        %add3A_879 = arith.constant 16 : i32
        %add3A_880 = arith.addi %mul3A_872, %add3A_879 : i32
        %get3A_881 = arith.index_cast %add3A_880 : i32 to index
        %get3A_882 = tpu.vector_load %arg6[%get3A_881] {strides = array<i32>} : memref<65536xf32, #tpu.memory_space<vmem>>, vector<16xf32>,
        %get3A_883 = vector.shape_cast %get3A_882 : vector<16xf32> to vector<16xf32>
        %max3A_884 = arith.maximumf %while3A_864, %get3A_883 : vector<16xf32>
        %add3A_885 = arith.constant 32 : i32
        %add3A_886 = arith.addi %mul3A_872, %add3A_885 : i32
        %get3A_887 = arith.index_cast %add3A_886 : i32 to index
        %get3A_888 = tpu.vector_load %arg6[%get3A_887] {strides = array<i32>} : memref<65536xf32, #tpu.memory_space<vmem>>, vector<16xf32>,
        %get3A_889 = vector.shape_cast %get3A_888 : vector<16xf32> to vector<16xf32>
        %max3A_890 = arith.maximumf %while3A_865, %get3A_889 : vector<16xf32>
        %add3A_891 = arith.constant 48 : i32
        %add3A_892 = arith.addi %mul3A_872, %add3A_891 : i32
        %get3A_893 = arith.index_cast %add3A_892 : i32 to index
        %get3A_894 = tpu.vector_load %arg6[%get3A_893] {strides = array<i32>} : memref<65536xf32, #tpu.memory_space<vmem>>, vector<16xf32>,
        %get3A_895 = vector.shape_cast %get3A_894 : vector<16xf32> to vector<16xf32>
        %max3A_896 = arith.maximumf %while3A_866, %get3A_895 : vector<16xf32>
        %add3A_897 = arith.constant 64 : i32
        %add3A_898 = arith.addi %mul3A_872, %add3A_897 : i32
        %get3A_899 = arith.index_cast %add3A_898 : i32 to index
        %get3A_900 = tpu.vector_load %arg6[%get3A_899] {strides = array<i32>} : memref<65536xf32, #tpu.memory_space<vmem>>, vector<16xf32>,
        %get3A_901 = vector.shape_cast %get3A_900 : vector<16xf32> to vector<16xf32>
        %max3A_902 = arith.maximumf %while3A_867, %get3A_901 : vector<16xf32>
        %add3A_903 = arith.constant 80 : i32
        %add3A_904 = arith.addi %mul3A_872, %add3A_903 : i32
        %get3A_905 = arith.index_cast %add3A_904 : i32 to index
        %get3A_906 = tpu.vector_load %arg6[%get3A_905] {strides = array<i32>} : memref<65536xf32, #tpu.memory_space<vmem>>, vector<16xf32>,
        %get3A_907 = vector.shape_cast %get3A_906 : vector<16xf32> to vector<16xf32>
        %max3A_908 = arith.maximumf %while3A_868, %get3A_907 : vector<16xf32>
        %add3A_909 = arith.constant 96 : i32
        %add3A_910 = arith.addi %mul3A_872, %add3A_909 : i32
        %get3A_911 = arith.index_cast %add3A_910 : i32 to index
        %get3A_912 = tpu.vector_load %arg6[%get3A_911] {strides = array<i32>} : memref<65536xf32, #tpu.memory_space<vmem>>, vector<16xf32>,
        %get3A_913 = vector.shape_cast %get3A_912 : vector<16xf32> to vector<16xf32>
        %max3A_914 = arith.maximumf %while3A_869, %get3A_913 : vector<16xf32>
        %add3A_915 = arith.constant 112 : i32
        %add3A_916 = arith.addi %mul3A_872, %add3A_915 : i32
        %get3A_917 = arith.index_cast %add3A_916 : i32 to index
        %get3A_918 = tpu.vector_load %arg6[%get3A_917] {strides = array<i32>} : memref<65536xf32, #tpu.memory_space<vmem>>, vector<16xf32>,
        %get3A_919 = vector.shape_cast %get3A_918 : vector<16xf32> to vector<16xf32>
        %max3A_920 = arith.maximumf %while3A_870, %get3A_919 : vector<16xf32>
        scf.yield %max3A_878, %max3A_884, %max3A_890, %max3A_896, %max3A_902, %max3A_908, %max3A_914, %max3A_920 : vector<16xf32>, vector<16xf32>, vector<16xf32>, vector<16xf32>, vector<16xf32>, vector<16xf32>, vector<16xf32>, vector<16xf32>
      }
      %while3A_828 = arith.constant 1 : i32
      %while3A_829:8 = scf.for %while3A_862 = %while3A_825 to %while3A_821 step %while3A_828 iter_args(%while3A_863 = %while3A_827#0, %while3A_864 = %while3A_827#1, %while3A_865 = %while3A_827#2, %while3A_866 = %while3A_827#3, %while3A_867 = %while3A_827#4, %while3A_868 = %while3A_827#5, %while3A_869 = %while3A_827#6, %while3A_870 = %while3A_827#7) -> (vector<16xf32>, vector<16xf32>, vector<16xf32>, vector<16xf32>, vector<16xf32>, vector<16xf32>, vector<16xf32>, vector<16xf32>)  : i32 {
        %mul3A_871 = arith.constant 128 : i32
        %mul3A_872 = arith.muli %while3A_862, %mul3A_871 : i32
        %add3A_873 = arith.constant 0 : i32
        %add3A_874 = arith.addi %mul3A_872, %add3A_873 : i32
        %get3A_875 = arith.index_cast %add3A_874 : i32 to index
        %get3A_876 = tpu.vector_load %arg6[%get3A_875] {strides = array<i32>} : memref<65536xf32, #tpu.memory_space<vmem>>, vector<16xf32>,
        %get3A_877 = vector.shape_cast %get3A_876 : vector<16xf32> to vector<16xf32>
        %max3A_878 = arith.maximumf %while3A_863, %get3A_877 : vector<16xf32>
        %add3A_879 = arith.constant 16 : i32
        %add3A_880 = arith.addi %mul3A_872, %add3A_879 : i32
        %get3A_881 = arith.index_cast %add3A_880 : i32 to index
        %get3A_882 = tpu.vector_load %arg6[%get3A_881] {strides = array<i32>} : memref<65536xf32, #tpu.memory_space<vmem>>, vector<16xf32>,
        %get3A_883 = vector.shape_cast %get3A_882 : vector<16xf32> to vector<16xf32>
        %max3A_884 = arith.maximumf %while3A_864, %get3A_883 : vector<16xf32>
        %add3A_885 = arith.constant 32 : i32
        %add3A_886 = arith.addi %mul3A_872, %add3A_885 : i32
        %get3A_887 = arith.index_cast %add3A_886 : i32 to index
        %get3A_888 = tpu.vector_load %arg6[%get3A_887] {strides = array<i32>} : memref<65536xf32, #tpu.memory_space<vmem>>, vector<16xf32>,
        %get3A_889 = vector.shape_cast %get3A_888 : vector<16xf32> to vector<16xf32>
        %max3A_890 = arith.maximumf %while3A_865, %get3A_889 : vector<16xf32>
        %add3A_891 = arith.constant 48 : i32
        %add3A_892 = arith.addi %mul3A_872, %add3A_891 : i32
        %get3A_893 = arith.index_cast %add3A_892 : i32 to index
        %get3A_894 = tpu.vector_load %arg6[%get3A_893] {strides = array<i32>} : memref<65536xf32, #tpu.memory_space<vmem>>, vector<16xf32>,
        %get3A_895 = vector.shape_cast %get3A_894 : vector<16xf32> to vector<16xf32>
        %max3A_896 = arith.maximumf %while3A_866, %get3A_895 : vector<16xf32>
        %add3A_897 = arith.constant 64 : i32
        %add3A_898 = arith.addi %mul3A_872, %add3A_897 : i32
        %get3A_899 = arith.index_cast %add3A_898 : i32 to index
        %get3A_900 = tpu.vector_load %arg6[%get3A_899] {strides = array<i32>} : memref<65536xf32, #tpu.memory_space<vmem>>, vector<16xf32>,
        %get3A_901 = vector.shape_cast %get3A_900 : vector<16xf32> to vector<16xf32>
        %max3A_902 = arith.maximumf %while3A_867, %get3A_901 : vector<16xf32>
        %add3A_903 = arith.constant 80 : i32
        %add3A_904 = arith.addi %mul3A_872, %add3A_903 : i32
        %get3A_905 = arith.index_cast %add3A_904 : i32 to index
        %get3A_906 = tpu.vector_load %arg6[%get3A_905] {strides = array<i32>} : memref<65536xf32, #tpu.memory_space<vmem>>, vector<16xf32>,
        %get3A_907 = vector.shape_cast %get3A_906 : vector<16xf32> to vector<16xf32>
        %max3A_908 = arith.maximumf %while3A_868, %get3A_907 : vector<16xf32>
        %add3A_909 = arith.constant 96 : i32
        %add3A_910 = arith.addi %mul3A_872, %add3A_909 : i32
        %get3A_911 = arith.index_cast %add3A_910 : i32 to index
        %get3A_912 = tpu.vector_load %arg6[%get3A_911] {strides = array<i32>} : memref<65536xf32, #tpu.memory_space<vmem>>, vector<16xf32>,
        %get3A_913 = vector.shape_cast %get3A_912 : vector<16xf32> to vector<16xf32>
        %max3A_914 = arith.maximumf %while3A_869, %get3A_913 : vector<16xf32>
        %add3A_915 = arith.constant 112 : i32
        %add3A_916 = arith.addi %mul3A_872, %add3A_915 : i32
        %get3A_917 = arith.index_cast %add3A_916 : i32 to index
        %get3A_918 = tpu.vector_load %arg6[%get3A_917] {strides = array<i32>} : memref<65536xf32, #tpu.memory_space<vmem>>, vector<16xf32>,
        %get3A_919 = vector.shape_cast %get3A_918 : vector<16xf32> to vector<16xf32>
        %max3A_920 = arith.maximumf %while3A_870, %get3A_919 : vector<16xf32>
        scf.yield %max3A_878, %max3A_884, %max3A_890, %max3A_896, %max3A_902, %max3A_908, %max3A_914, %max3A_920 : vector<16xf32>, vector<16xf32>, vector<16xf32>, vector<16xf32>, vector<16xf32>, vector<16xf32>, vector<16xf32>, vector<16xf32>
      }
      %swap3A_830 = arith.constant 896 : index
      %swap3A_831 = tpu.vector_load %arg7[%swap3A_830] {strides = array<i32>} : memref<1024xf32, #tpu.memory_space<vmem>>, vector<16xf32>,
      %swap3A_832 = vector.shape_cast %swap3A_831 : vector<16xf32> to vector<16xf32>
      %swap3A_833 = vector.shape_cast %while3A_829#0 : vector<16xf32> to vector<16xf32>
      tpu.vector_store %arg7[%swap3A_830], %swap3A_833 {strides = array<i32>} : memref<1024xf32, #tpu.memory_space<vmem>>, vector<16xf32>,
      %swap3A_834 = arith.constant 912 : index
      %swap3A_835 = tpu.vector_load %arg7[%swap3A_834] {strides = array<i32>} : memref<1024xf32, #tpu.memory_space<vmem>>, vector<16xf32>,
      %swap3A_836 = vector.shape_cast %swap3A_835 : vector<16xf32> to vector<16xf32>
      %swap3A_837 = vector.shape_cast %while3A_829#1 : vector<16xf32> to vector<16xf32>
      tpu.vector_store %arg7[%swap3A_834], %swap3A_837 {strides = array<i32>} : memref<1024xf32, #tpu.memory_space<vmem>>, vector<16xf32>,
      %swap3A_838 = arith.constant 928 : index
      %swap3A_839 = tpu.vector_load %arg7[%swap3A_838] {strides = array<i32>} : memref<1024xf32, #tpu.memory_space<vmem>>, vector<16xf32>,
      %swap3A_840 = vector.shape_cast %swap3A_839 : vector<16xf32> to vector<16xf32>
      %swap3A_841 = vector.shape_cast %while3A_829#2 : vector<16xf32> to vector<16xf32>
      tpu.vector_store %arg7[%swap3A_838], %swap3A_841 {strides = array<i32>} : memref<1024xf32, #tpu.memory_space<vmem>>, vector<16xf32>,
      %swap3A_842 = arith.constant 944 : index
      %swap3A_843 = tpu.vector_load %arg7[%swap3A_842] {strides = array<i32>} : memref<1024xf32, #tpu.memory_space<vmem>>, vector<16xf32>,
      %swap3A_844 = vector.shape_cast %swap3A_843 : vector<16xf32> to vector<16xf32>
      %swap3A_845 = vector.shape_cast %while3A_829#3 : vector<16xf32> to vector<16xf32>
      tpu.vector_store %arg7[%swap3A_842], %swap3A_845 {strides = array<i32>} : memref<1024xf32, #tpu.memory_space<vmem>>, vector<16xf32>,
      %swap3A_846 = arith.constant 960 : index
      %swap3A_847 = tpu.vector_load %arg7[%swap3A_846] {strides = array<i32>} : memref<1024xf32, #tpu.memory_space<vmem>>, vector<16xf32>,
      %swap3A_848 = vector.shape_cast %swap3A_847 : vector<16xf32> to vector<16xf32>
      %swap3A_849 = vector.shape_cast %while3A_829#4 : vector<16xf32> to vector<16xf32>
      tpu.vector_store %arg7[%swap3A_846], %swap3A_849 {strides = array<i32>} : memref<1024xf32, #tpu.memory_space<vmem>>, vector<16xf32>,
      %swap3A_850 = arith.constant 976 : index
      %swap3A_851 = tpu.vector_load %arg7[%swap3A_850] {strides = array<i32>} : memref<1024xf32, #tpu.memory_space<vmem>>, vector<16xf32>,
      %swap3A_852 = vector.shape_cast %swap3A_851 : vector<16xf32> to vector<16xf32>
      %swap3A_853 = vector.shape_cast %while3A_829#5 : vector<16xf32> to vector<16xf32>
      tpu.vector_store %arg7[%swap3A_850], %swap3A_853 {strides = array<i32>} : memref<1024xf32, #tpu.memory_space<vmem>>, vector<16xf32>,
      %swap3A_854 = arith.constant 992 : index
      %swap3A_855 = tpu.vector_load %arg7[%swap3A_854] {strides = array<i32>} : memref<1024xf32, #tpu.memory_space<vmem>>, vector<16xf32>,
      %swap3A_856 = vector.shape_cast %swap3A_855 : vector<16xf32> to vector<16xf32>
      %swap3A_857 = vector.shape_cast %while3A_829#6 : vector<16xf32> to vector<16xf32>
      tpu.vector_store %arg7[%swap3A_854], %swap3A_857 {strides = array<i32>} : memref<1024xf32, #tpu.memory_space<vmem>>, vector<16xf32>,
      %swap3A_858 = arith.constant 1008 : index
      %swap3A_859 = tpu.vector_load %arg7[%swap3A_858] {strides = array<i32>} : memref<1024xf32, #tpu.memory_space<vmem>>, vector<16xf32>,
      %swap3A_860 = vector.shape_cast %swap3A_859 : vector<16xf32> to vector<16xf32>
      %swap3A_861 = vector.shape_cast %while3A_829#7 : vector<16xf32> to vector<16xf32>
      tpu.vector_store %arg7[%swap3A_858], %swap3A_861 {strides = array<i32>} : memref<1024xf32, #tpu.memory_space<vmem>>, vector<16xf32>,
    }
    %mul3A_289 = arith.constant 8 : i32
    %mul3A_290 = arith.muli %add3A, %mul3A_289 : i32
    %mul3A_291 = arith.constant 128 : i32
    %mul3A_292 = arith.muli %mul3A_290, %mul3A_291 : i32
    "tpu.region"() ({
      %run_scoped3A = tpu.sem_alloc : memref<!tpu.dma_semaphore, #tpu.memory_space<semaphore_mem>>
      %dma_start3A = tpu.memref_slice %arg4[%mul3A_292] : memref<32768xf32, #tpu.memory_space<hbm>> -> memref<1024xf32, #tpu.memory_space<hbm>>
      %dma_start3A_293 = tpu.memref_slice %arg4[%mul3A_292] : memref<32768xf32, #tpu.memory_space<hbm>> -> memref<1024xf32, #tpu.memory_space<hbm>>
      tpu.enqueue_dma source(%arg7 : memref<1024xf32, #tpu.memory_space<vmem>>) target(%dma_start3A_293 : memref<1024xf32, #tpu.memory_space<hbm>>) target_semaphore(%run_scoped3A : memref<!tpu.dma_semaphore, #tpu.memory_space<semaphore_mem>>)
      %dma_wait3A = tpu.memref_slice %arg4[%mul3A_292] : memref<32768xf32, #tpu.memory_space<hbm>> -> memref<1024xf32, #tpu.memory_space<hbm>>
      %dma_wait3A_294 = tpu.memref_slice %arg4[%mul3A_292] : memref<32768xf32, #tpu.memory_space<hbm>> -> memref<1024xf32, #tpu.memory_space<hbm>>
      tpu.wait_dma2 semaphore(%run_scoped3A : memref<!tpu.dma_semaphore, #tpu.memory_space<semaphore_mem>>) src(%arg7 : memref<1024xf32, #tpu.memory_space<vmem>>) dst(%dma_wait3A_294 : memref<1024xf32, #tpu.memory_space<hbm>>)
      tpu.yield
    }) : () -> ()
    return
  }
}

</mosaic_0001>

<sc_bundles>
// kernel: kernel.3.cloned.1.call-start
scs
__scs_entry_jumppad:
0x0: {  	(pc) =	sbr.rel $0x88, $3  }
0x1: {  	(tag) =	ssettag $0x0;
	lr =	simm.s32 $0x1  }
0x2: {  	[smem:$0x3F9E] =	sst lr;
	_ =	strace $0xD0000000  }
0x3: {  	_ = 	snop  }
0x4: {  	_ = 	snop  }
0x5: {  	_ = 	snop  }
0x6: {  	_ = 	snop  }
0x7: {  	_ = 	snop  }
__scs_overlays_trampoline_lowered:
0x8: {  	[smem:$0x3FAD] =	sst s0  }
0x9: {  	[smem:$0x3FAE] =	sst s1  }
0xa: {  	[smem:$0x3FAF] =	sst s2  }
0xb: {  	[smem:$0x3FB0] =	sst s3  }
0xc: {  	[smem:$0x3FB1] =	sst s4  }
0xd: {  	[smem:$0x3FB2] =	sst s5  }
0xe: {  	[smem:$0x3FB3] =	sst s6  }
0xf: {  	[smem:$0x3FB4] =	sst s7  }
0x10: {  	[smem:$0x3FB5] =	sst s8  }
0x11: {  	[smem:$0x3FB6] =	sst s9;
	s0 =	simm.s32 @!p0 $0x0  }
0x12: {  	s1 =	sld [smem:$0x3F9C];
	s0 =	simm.s32 @p0 $0x1  }
0x13: {  	[smem:$0x3FB7] =	sst s0;
	s0 =	simm.s32 @!p1 $0x0  }
0x14: {  	s2 =	sld [smem:$0x3F9B];
	s0 =	simm.s32 @p1 $0x1  }
0x15: {  	[smem:$0x3FB8] =	sst s0;
	s0 =	simm.s32 @!p2 $0x0  }
0x16: {  	s3 =	sld [smem:$0x3FDB];
	s0 =	simm.s32 @p2 $0x1  }
0x17: {  	s4 =	simm.s32 $0x1BF5;
	[smem:$0x3FBA] =	sst s0  }
0x18: {  	s0 =	sld [smem:$0x3F9D];
	_ =	swait.ge [sflag:s4], $0x0  }
0x19: {  	s7 =	sld [smem:$0x3F9E]  }
0x1a: {  	s8 =	sadd.s32 $0xFFFFE003, lr  }
0x1b: {  	s9 =	sadd.s32 $0xFFFFFEF7, lr;
	s5 =	simm.s32 $0xFFFFFFFF;
	p2 =	slt.u32 s8, $0xFFFFF086  }
0x1c: {  	p1 =	slt.u32 s9, $0xF7A;
	s5 =	simm.s32 @!p2 $0x0  }
0x1d: {  	s5 =	simm.s32 @p1 $0x1;
	p0 =	seq.s32 s7, s2  }
0x1e: {  	s7 =	smul.u32 @!p0 $0xF7A, s2;
	p2 =	seq.s32 @!p0 s5, $0x0  }
0x1f: {  	s9 =	smul.u32 $0xF7A, s1;
	s8 =	simm.s32 @!p0 $0x1BF5;
	p2 =	por !p2, p0  }
0x20: {  	[sflag:s8] =	ssyncset.s32 @!p0 $0xFFFFF086;
	s6 =	sadd.s32 @!p0 s3, s7;
	s7 =	simm.s32 @!p0 $0x108  }
0x21: {  	s3 =	sadd.s32 s3, s9;
	s6 =	sadd.s32 @!p0 $0x88, s6;
	s7 =	simm.s32 @p2 $0x1082  }
0x22: {  	[simem:s7], [sflag:s8] =	dma.local @!p0 [hbm:s6], $0xF7A  }
0x23: {  	s9 =	sor.u32 $0xD0000000, s2;
	s6 =	simm.s32 $0x108;
	_ =	swait.ge @!p0 [sflag:s8], $0x0  }
0x24: {  	s3 =	sadd.s32 $0x88, s3;
	s6 =	simm.s32 @!p1 $0x1082;
	[sflag:s4] =	ssyncset.s32 $0xFFFFF086  }
0x25: {  	[simem:s6], [sflag:s4] =	dma.local [hbm:s3], $0xF7A  }
0x26: {  	[smem:$0x3F9E] =	sst s1;
	(tag) =	ssettag s2;
	_ =	strace s9  }
0x27: {  	s1 =	sld [smem:$0x3FAE]  }
0x28: {  	s2 =	sld [smem:$0x3FAF]  }
0x29: {  	s4 =	sld [smem:$0x3FB1]  }
0x2a: {  	p0 =	seq.s32 s5, $0x0;
	s5 =	sld [smem:$0x3FB2]  }
0x2b: {  	s6 =	sld [smem:$0x3FB3]  }
0x2c: {  	s7 =	sld [smem:$0x3FB4]  }
0x2d: {  	s3 =	simm.s32 $0x108;
	s8 =	sld [smem:$0x3FB5]  }
0x2e: {  	s3 =	simm.s32 @!p0 $0x1082;
	s9 =	sld [smem:$0x3FB6]  }
0x2f: {  	lr =	sadd.s32 s0, s3;
	s0 =	sld [smem:$0x3FAD]  }
0x30: {  	s3 =	sld [smem:$0x3FB0]  }
0x31: {  	[smem:$0x3FB9] =	sst s10  }
0x32: {  	s10 =	sld [smem:$0x3FB7];
	_ =	sdelay $0x3  }
0x33: {  	p0 =	seq.s32 s10, $0x1;
	s10 =	sld [smem:$0x3FB9];
	_ =	sdelay $0x3  }
0x34: {  	[smem:$0x3FB9] =	sst s10  }
0x35: {  	s10 =	sld [smem:$0x3FB8];
	_ =	sdelay $0x3  }
0x36: {  	p1 =	seq.s32 s10, $0x1;
	s10 =	sld [smem:$0x3FB9];
	_ =	sdelay $0x3  }
0x37: {  	[smem:$0x3FB9] =	sst s10  }
0x38: {  	s10 =	sld [smem:$0x3FBA]  }
0x39: {  	_ = 	snop;
	(pc) =	sbr.ind lr, $3  }
0x3a: {  	_ = 	snop  }
0x3b: {  	_ = 	snop  }
0x3c: {  	p2 =	seq.s32 s10, $0x1;
	s10 =	sld [smem:$0x3FB9]  }
0x3d: {  	_ =	shalt  }
0x3e: {  	_ =	shalt  }
0x3f: {  	_ =	shalt  }
0x40: {  	_ =	shalt  }
0x41: {  	_ =	shalt  }
0x42: {  	_ =	shalt  }
0x43: {  	_ =	shalt  }
0x44: {  	_ =	shalt  }
0x45: {  	_ =	shalt  }
0x46: {  	_ =	shalt  }
0x47: {  	_ =	shalt  }
0x48: {  	_ =	shalt  }
0x49: {  	_ =	shalt  }
0x4a: {  	_ =	shalt  }
0x4b: {  	_ =	shalt  }
0x4c: {  	_ =	shalt  }
0x4d: {  	_ =	shalt  }
0x4e: {  	_ =	shalt  }
0x4f: {  	_ =	shalt  }
0x50: {  	_ =	shalt  }
0x51: {  	_ =	shalt  }
0x52: {  	_ =	shalt  }
0x53: {  	_ =	shalt  }
0x54: {  	_ =	shalt  }
0x55: {  	_ =	shalt  }
0x56: {  	_ =	shalt  }
0x57: {  	_ =	shalt  }
0x58: {  	_ =	shalt  }
0x59: {  	_ =	shalt  }
0x5a: {  	_ =	shalt  }
0x5b: {  	_ =	shalt  }
0x5c: {  	_ =	shalt  }
0x5d: {  	_ =	shalt  }
0x5e: {  	_ =	shalt  }
0x5f: {  	_ =	shalt  }
0x60: {  	_ =	shalt  }
0x61: {  	_ =	shalt  }
0x62: {  	_ =	shalt  }
0x63: {  	_ =	shalt  }
0x64: {  	_ =	shalt  }
0x65: {  	_ =	shalt  }
0x66: {  	_ =	shalt  }
0x67: {  	_ =	shalt  }
0x68: {  	_ =	shalt  }
0x69: {  	_ =	shalt  }
0x6a: {  	_ =	shalt  }
0x6b: {  	_ =	shalt  }
0x6c: {  	_ =	shalt  }
0x6d: {  	_ =	shalt  }
0x6e: {  	_ =	shalt  }
0x6f: {  	_ =	shalt  }
0x70: {  	_ =	shalt  }
0x71: {  	_ =	shalt  }
0x72: {  	_ =	shalt  }
0x73: {  	_ =	shalt  }
0x74: {  	_ =	shalt  }
0x75: {  	_ =	shalt  }
0x76: {  	_ =	shalt  }
0x77: {  	_ =	shalt  }
0x78: {  	_ =	shalt  }
0x79: {  	_ =	shalt  }
0x7a: {  	_ =	shalt  }
0x7b: {  	_ =	shalt  }
0x7c: {  	_ =	shalt  }
0x7d: {  	_ =	shalt  }
0x7e: {  	_ =	shalt  }
0x7f: {  	_ =	shalt  }
0x80: {  	_ =	shalt  }
0x81: {  	_ =	shalt  }
0x82: {  	_ =	shalt  }
0x83: {  	_ =	shalt  }
0x84: {  	_ =	shalt  }
0x85: {  	_ =	shalt  }
0x86: {  	_ =	shalt  }
0x87: {  	_ =	shalt  }
.Lfunc_end0:
.L_simem_size_0:
called_computation_lowered:
.L_overlay_start_0:
0x88: {  	s2 =	sld [smem:$0x3FD9]  }
0x89: {  	s3 =	sld [smem:$0x3FFE];
	_ =	sdelay $0x1  }
0x8a: {  	s1 =	srdreg.scid  }
0x8b: {  	s0 =	sand.u32 $0x1, s1  }
0x8c: {  	s17 =	sshll.u32 s0, $0xA;
	s2 =	sadd.s32 s3, s2  }
0x8d: {  	s2 =	sadd.s32 s2, s17  }
0x8e: {  	[smem:$0x3FC5] =	sst s2  }
0x8f: {  	_ = 	snop  }
0x90: {  	s2 =	sld [smem:$0x3FC9]  }
0x91: {  	s18 =	sld [smem:$0x3FD0];
	(tm) =	ssettm $0x1  }
0x92: {  	s4 =	sld [smem:$0x3FFB];
	_ =	sdelay $0x3  }
0x93: {  	_ =	strace s4  }
0x94: {  	s4 =	sld [smem:$0x3FFC];
	_ =	sdelay $0x3  }
0x95: {  	_ =	strace s4  }
0x96: {  	s4 =	sld [smem:$0x3FFD];
	_ =	sdelay $0x3  }
0x97: {  	_ =	strace s4  }
0x98: {  	_ =	strace $0x8FFFFFFF  }
0x99: {  	s19 =	sld [smem:$0x3FDB];
	_ =	sdelay $0x1  }
0x9a: {  	s5 =	simm.s32 $_scs_section_size  }
0x9b: {  	s6 =	simm.s32 $_size__tile_overlayer_lowered;
	s7 =	simm.s32 $_tile_overlayer_lowered  }
0x9c: {  	s22 =	simm.s32 $0x1BFF;
	s21 =	sshll.u32 s7, $0x1;
	s4 =	sadd.s32 s5, s19  }
0x9d: {  	s8 =	simm.s32 $0x0;
	s20 =	sshll.u32 s6, $0x1;
	s6 =	sadd.s32 s21, s4  }
0x9e: {  	[timem:s8], [sflag:s22] =	dma.local [hbm:s6], s20  }
0x9f: {  	_ =	swait.ge [sflag:s22], s20  }
0xa0: {  	s5 =	ssub.s32 $0x0, s20;
	[sflag:s22] =	ssyncset.done $0x0  }
0xa1: {  	[sflag:s22] =	ssyncadd.s32 s5;
	_ =	sdelay $0x1  }
0xa2: {  	s23 =	simm.s32 $0x1B8B  }
0xa3: {  	_ =	swait.ge [sflag:s23], $0x1  }
0xa4: {  	[sflag:s23] =	ssyncset.done $0x0  }
0xa5: {  	s25 =	simm.s32 $0x1B8E;
	s24 =	sld [smem:$0x3FFE];
	[sflag:s23] =	ssyncadd.s32 $0xFFFFFFFF  }
0xa6: {  	s26 =	simm.s32 $execute0_lowered;
	[smem:$0x3FD2] =	sst s25  }
0xa7: {  	s6 =	sshll.u32 s26, $0x1;
	_ =	strace $0x80000046;
	[dreg:$0x1] =	wrdreg $0xFFFFFFFF  }
0xa8: {  	s28 =	simm.s32 $_size_execute0_lowered;
	s4 =	sadd.s32 s4, s6;
	[dreg:$0x0] =	wrdreg $0x0  }
0xa9: {  	s6 =	sshll.u32 s28, $0x1;
	[dreg:$0x2] =	wrdreg s4  }
0xaa: {  	[dreg:$0x3] =	wrdreg s6  }
0xab: {  	[dreg:$0x4] =	wrdreg $0xC0  }
0xac: {  	_ =	task [dreg:s8], $0x5FFFF  }
0xad: {  	[dreg:$0x1] =	wrdreg $0xFFFFFFFF  }
0xae: {  	[dreg:$0x0] =	wrdreg $0x60  }
0xaf: {  	[dreg:$0x2] =	wrdreg s2  }
0xb0: {  	[dreg:$0x3] =	wrdreg s24  }
0xb1: {  	[dreg:$0x4] =	wrdreg s18  }
0xb2: {  	[dreg:$0x5] =	wrdreg $0x9  }
0xb3: {  	_ =	task.clear_ibuf [dreg:s8], $0x6FFFF;
	_ =	strace $0x90000046  }
0xb4: {  	s29 =	simm.s32 $0x9;
	_ =	strace $0x80000048  }
0xb5: {  	_ =	swait.ge [sflag:s29], $0x1  }
0xb6: {  	[sflag:s29] =	ssyncadd.s32 $0xFFFFFFFF  }
0xb7: {  	_ =	strace $0x90000048  }
0xb8: {  	_ =	sfence  }
0xb9: {  	s30 =	sld [smem:$0x0];
	_ =	sdelay $0x2  }
0xba: {  	s31 =	sshll.u32 s1, $0xD;
	s1 =	sshrl.u32 s1, $0x2  }
0xbb: {  	s3 =	sand.u32 $0x4000, s31;
	s1 =	sadd.s32 s1, s30  }
0xbc: {  	s0 =	sor.u32 s3, s0;
	s1 =	sshll.u32 s1, $0x11  }
0xbd: {  	s0 =	sor.u32 s1, s0  }
0xbe: {  	s0 =	sadd.s32 $0x8F2B, s0  }
0xbf: {  	[sflag:s0] =	ssyncadd.remote.s32 $0x1  }
0xc0: {  	_ =	sfence.sel $0xFFFF  }
0xc1: {  	[dreg:$0x0] =	wrdreg $0xFFFFFFFF;
	(pc) =	sbr.abs _section_cstart, $3  }
0xc2: {  	[dreg:$0x1] =	wrdreg $0xFFFFFFFF  }
0xc3: {  	_ =	task.clear_ibuf [dreg:s8], $0x2FFFF;
	_ =	strace $0x9FFFFFFF  }
0xc4: {  	(tm) =	ssettm $0x7FFFFFFF  }
0xc5: {  	_ =	shalt  }
tec
execute0_lowered:
.L_overlay_start_1:
0x0: {  	(tag) =	ssettag $0x1  }
0x1: {  	s1 =	rddreg [dreg:$0x0]  }
0x2: {  	s4 =	rddreg [dreg:$0x1]  }
0x3: {  	s5 =	rddreg [dreg:$0x2]  }
0x4: {  	s0 =	rddreg [dreg:$0x3]  }
0x5: {  	s6 =	srdreg.scid;
	s2 =	stileid.u32;
	s3 =	simm.s32 $0x0  }
0x6: {  	s9 =	simm.s32 $0x80;
	s10 =	simm.s32 $0x0;
	s6 =	sand.u32 $0x1, s6  }
.Ltmp0:
0x7: {  	s7 =	sshll.u32 s2, $0x1;
	[smem:$0x7FF] =	sst s3;
	(pc) =	sbr.rel .LBB2_1-.Ltmp0, $4  }
0x8: {  	s7 =	sor.u32 s6, s7;
	s6 =	ssub.s32 $0x2, s6;
	_ =	strace $0x80000047  }
0x9: {  	s4 =	sadd.s32 s7, s4;
	s8 =	sshrl.u32 s6, $0x1;
	s7 =	sshll.u32 s7, $0x7  }
0xa: {  	s6 =	ssub.s32 s6, s8;
	s4 =	sadd.s32 $0x800, s4;
	s5 =	sadd.s32 s5, s7  }
0xb: {  	v0 =	vimm.f32 $-Inf;
	s7 =	simm.s32 $0x1;
	s8 =	simm.s32 $0x10080;
	s6 =	smax.u32 s6, $0x1  }
.LBB2_35:
0xc: {  	s10 =	sadd.s32 $0x1, s10  }
0xd: {  	p0 =	sne.s32 s10, s6  }
.Ltmp1:
0xe: {  	_ = 	snop;
	(pc) =	sbr.rel @!p0 .LBB2_36-.Ltmp1, $4  }
0xf: {  	[hbm4b:s5+s3] =	stream.linear.scatter [tilespmem:s8], [sflag:$0x1], $0x400, $0x38;
	[tilespmem:$0x10480] =	vst v63  }
0x10: {  	_ =	swait.ge [sflag:s7], $0x400  }
0x11: {  	[sflag:s7] =	ssyncset.done $0x0  }
0x12: {  	[sflag:s7] =	ssyncadd.s32 $0xFFFFFC00  }
.LBB2_1:
0x13: {  	[tilespmem:s3], [sflag:$0x1] =	stream.linear.gather [hbm4b:s4+s3], $0x10, $0x38;
	[tilespmem:$0x10480] =	vst v63  }
0x14: {  	_ =	swait.ge [sflag:s7], $0x10  }
0x15: {  	[sflag:s7] =	ssyncset.done $0x0  }
0x16: {  	[sflag:s7] =	ssyncadd.s32 $0xFFFFFFF0  }
0x17: {  	[tilespmem:$0x10080] =	vst v0  }
0x18: {  	[tilespmem:$0x10090] =	vst v0  }
0x19: {  	[tilespmem:$0x100A0] =	vst v0  }
0x1a: {  	[tilespmem:$0x100B0] =	vst v0  }
0x1b: {  	[tilespmem:$0x100C0] =	vst v0  }
0x1c: {  	[tilespmem:$0x100D0] =	vst v0  }
0x1d: {  	[tilespmem:$0x100E0] =	vst v0  }
0x1e: {  	[tilespmem:$0x100F0] =	vst v0  }
0x1f: {  	[tilespmem:$0x10100] =	vst v0  }
0x20: {  	[tilespmem:$0x10110] =	vst v0  }
0x21: {  	[tilespmem:$0x10120] =	vst v0  }
0x22: {  	[tilespmem:$0x10130] =	vst v0  }
0x23: {  	[tilespmem:$0x10140] =	vst v0  }
0x24: {  	[tilespmem:$0x10150] =	vst v0  }
0x25: {  	[tilespmem:$0x10160] =	vst v0  }
0x26: {  	[tilespmem:$0x10170] =	vst v0  }
0x27: {  	[tilespmem:$0x10180] =	vst v0  }
0x28: {  	[tilespmem:$0x10190] =	vst v0  }
0x29: {  	[tilespmem:$0x101A0] =	vst v0  }
0x2a: {  	[tilespmem:$0x101B0] =	vst v0  }
0x2b: {  	[tilespmem:$0x101C0] =	vst v0  }
0x2c: {  	[tilespmem:$0x101D0] =	vst v0  }
0x2d: {  	[tilespmem:$0x101E0] =	vst v0  }
0x2e: {  	[tilespmem:$0x101F0] =	vst v0  }
0x2f: {  	[tilespmem:$0x10200] =	vst v0  }
0x30: {  	[tilespmem:$0x10210] =	vst v0  }
0x31: {  	[tilespmem:$0x10220] =	vst v0;
	v1 =	vld [tilespmem:$0x0]  }
0x32: {  	[tilespmem:$0x10230] =	vst v0  }
0x33: {  	[tilespmem:$0x10240] =	vst v0  }
0x34: {  	[tilespmem:$0x10250] =	vst v0  }
0x35: {  	[tilespmem:$0x10260] =	vst v0  }
0x36: {  	[tilespmem:$0x10270] =	vst v0;
	(v2sf) =	vpush v1, $0x0  }
0x37: {  	[tilespmem:$0x10280] =	vst v0;
	(v2sf) =	vpush v1, $0x1  }
0x38: {  	[tilespmem:$0x10290] =	vst v0;
	(v2sf) =	vpush v1, $0x2  }
0x39: {  	[tilespmem:$0x102A0] =	vst v0;
	(v2sf) =	vpush v1, $0x3  }
0x3a: {  	[tilespmem:$0x102B0] =	vst v0;
	(v2sf) =	vpush v1, $0x4  }
0x3b: {  	[tilespmem:$0x102C0] =	vst v0;
	(v2sf) =	vpush v1, $0x5  }
0x3c: {  	[tilespmem:$0x102D0] =	vst v0;
	(v2sf) =	vpush v1, $0x6  }
0x3d: {  	[tilespmem:$0x102E0] =	vst v0;
	(v2sf) =	vpush v1, $0x7  }
0x3e: {  	[tilespmem:$0x102F0] =	vst v0;
	(v2sf) =	vpush v1, $0x8  }
0x3f: {  	[tilespmem:$0x10300] =	vst v0  }
0x40: {  	[tilespmem:$0x10310] =	vst v0  }
0x41: {  	[tilespmem:$0x10320] =	vst v0  }
0x42: {  	[tilespmem:$0x10330] =	vst v0  }
0x43: {  	[tilespmem:$0x10340] =	vst v0  }
0x44: {  	[tilespmem:$0x10350] =	vst v0  }
0x45: {  	[tilespmem:$0x10360] =	vst v0;
	s11 =	spop (v2sf)  }
0x46: {  	[tilespmem:$0x10370] =	vst v0;
	s12 =	spop (v2sf)  }
0x47: {  	[tilespmem:$0x10380] =	vst v0;
	s13 =	spop (v2sf)  }
0x48: {  	[tilespmem:$0x10390] =	vst v0;
	s14 =	spop (v2sf)  }
0x49: {  	[tilespmem:$0x103A0] =	vst v0;
	s15 =	spop (v2sf)  }
0x4a: {  	[tilespmem:$0x103B0] =	vst v0;
	s16 =	spop (v2sf)  }
0x4b: {  	[tilespmem:$0x103C0] =	vst v0;
	s17 =	spop (v2sf)  }
0x4c: {  	[tilespmem:$0x103D0] =	vst v0;
	s18 =	spop (v2sf)  }
0x4d: {  	[tilespmem:$0x103E0] =	vst v0;
	s19 =	spop (v2sf)  }
0x4e: {  	[tilespmem:$0x103F0] =	vst v0;
	s20 =	ssub.s32 s19, s11  }
0x4f: {  	[tilespmem:$0x10400] =	vst v0;
	s20 =	sadd.s32 $0x1FF, s20  }
0x50: {  	[tilespmem:$0x10410] =	vst v0;
	s20 =	sshrl.u32 s20, $0x9  }
0x51: {  	[tilespmem:$0x10420] =	vst v0;
	p0 =	seq.s32 s20, $0x0  }
.Ltmp2:
0x52: {  	[tilespmem:$0x10430] =	vst v0;
	(pc) =	sbr.rel @!p0 .LBB2_2-.Ltmp2, $4  }
.Ltmp3:
0x53: {  	[tilespmem:$0x10440] =	vst v0;
	(pc) =	sbr.rel @p0 .LBB2_35-.Ltmp3, $4  }
0x54: {  	[tilespmem:$0x10450] =	vst v0  }
0x55: {  	[tilespmem:$0x10460] =	vst v0  }
0x56: {  	s22 =	simm.s32 $0x0;
	[tilespmem:$0x10470] =	vst v0;
	s21 =	smov.u32 s11  }
0x57: {  	_ = 	snop  }
.LBB2_33:
0x58: {  	v8 =	vmax.f32 v8, v10;
	v6 =	vmax.f32 v6, v9  }
0x59: {  	v7 =	vmax.f32 v7, v11;
	v1 =	vmax.f32 v1, v12;
	v3 =	vmax.f32 v3, v13  }
.LBB2_34:
0x5a: {  	[tilespmem:$0x10400] =	vst v3  }
0x5b: {  	[tilespmem:$0x10410] =	vst v4;
	s22 =	sadd.s32 $0x1, s22  }
0x5c: {  	[tilespmem:$0x10420] =	vst v5;
	p0 =	sne.s32 s22, s20  }
.Ltmp4:
0x5d: {  	[tilespmem:$0x10430] =	vst v8;
	(pc) =	sbr.rel @!p0 .LBB2_35-.Ltmp4, $4  }
0x5e: {  	[tilespmem:$0x10440] =	vst v6  }
0x5f: {  	[tilespmem:$0x10450] =	vst v7  }
0x60: {  	[tilespmem:$0x10460] =	vst v1  }
0x61: {  	[tilespmem:$0x10470] =	vst v2;
	s21 =	sadd.s32 $0x200, s21  }
.LBB2_2:
0x62: {  	s23 =	sshll.u32 s22, $0x9  }
0x63: {  	s23 =	sadd.s32 s11, s23  }
0x64: {  	p0 =	slt.s32 s23, $0x4E000;
	s24 =	smov.u32 s23  }
0x65: {  	s24 =	simm.s32 @!p0 $0x4E000  }
0x66: {  	s25 =	sshll.u32 s24, $0x4  }
0x67: {  	s25 =	sand.u32 $0x1FFFFFF0, s25  }
0x68: {  	s26 =	sadd.s32 $0x200, s23;
	s25 =	sadd.s32 s1, s25  }
0x69: {  	[tilespmem:s9], [sflag:$0x1] =	stream.linear.gather [hbm4b:s25+s3], $0x10000, $0x38;
	[tilespmem:$0x10480] =	vst v63  }
0x6a: {  	p0 =	slt.s32 s26, s19;
	s25 =	smov.u32 s19  }
0x6b: {  	_ =	swait.ge [sflag:s7], $0x10000;
	s25 =	smov.u32 @p0 s26  }
0x6c: {  	p0 =	sgt.s32 s11, s23;
	s26 =	smov.u32 s23;
	[sflag:s7] =	ssyncset.done $0x0  }
0x6d: {  	p1 =	slt.s32 s12, s25;
	s28 =	smov.u32 s25;
	[sflag:s7] =	ssyncadd.s32 $0xFFFF0000  }
0x6e: {  	s30 =	smov.u32 s21;
	s26 =	smov.u32 @p0 s11;
	s28 =	smov.u32 @p1 s12;
	v3 =	vld [tilespmem:$0x10080]  }
0x6f: {  	p0 =	slt.s32 s21, $0x4E000;
	s29 =	ssub.s32 s26, s24;
	v5 =	vld [tilespmem:$0x10090];
	s28 =	ssub.s32 s28, s24  }
0x70: {  	s30 =	simm.s32 @!p0 $0x4E000;
	v6 =	vld [tilespmem:$0x100A0];
	p0 =	sge.s32 s29, s28  }
.Ltmp5:
0x71: {  	v7 =	vld [tilespmem:$0x100B0];
	(pc) =	sbr.rel @p0 .LBB2_6-.Ltmp5, $4  }
0x72: {  	v1 =	vld [tilespmem:$0x100C0]  }
0x73: {  	v8 =	vld [tilespmem:$0x100D0]  }
0x74: {  	v2 =	vld [tilespmem:$0x100E0]  }
0x75: {  	s26 =	sshll.u32 s30, $0x9;
	v4 =	vld [tilespmem:$0x100F0]  }
0x76: {  	p0 =	sgt.s32 s11, s21;
	s30 =	smov.u32 s21  }
0x77: {  	s30 =	smov.u32 @p0 s11  }
0x78: {  	s30 =	sshll.u32 s30, $0x9  }
0x79: {  	s30 =	ssub.s32 s30, s26  }
0x7a: {  	s30 =	sshra.s32 s30, $0x2  }
0x7b: {  	s30 =	sadd.s32 $0xC0, s30  }
0x7c: {  	v13 =	vld [tilespmem:s30+$0x30]  }
0x7d: {  	s29 =	sadd.s32 $0x1, s29;
	v14 =	vld [tilespmem:s30+$0xFFFFFFD0]  }
0x7e: {  	p0 =	slt.s32 s29, s28;
	v15 =	vld [tilespmem:s30+$0xFFFFFFE0]  }
.Ltmp6:
0x7f: {  	v10 =	vld [tilespmem:s30+$0xFFFFFFF0];
	(pc) =	sbr.rel @!p0 .LBB2_5-.Ltmp6, $4  }
0x80: {  	v9 =	vld [tilespmem:s30+$0x0]  }
0x81: {  	v11 =	vld [tilespmem:s30+$0x10]  }
0x82: {  	v12 =	vld [tilespmem:s30+$0x20]  }
0x83: {  	v4 =	vmax.f32 v4, v13;
	v5 =	vmax.f32 v5, v14;
	v13 =	vld [tilespmem:s30+$0xFFFFFFC0];
	v6 =	vmax.f32 v6, v15;
	s30 =	sadd.s32 $0x80, s30  }
.LBB2_4:
0x84: {  	v14 =	vld [tilespmem:s30+$0x30];
	s29 =	sadd.s32 $0x1, s29;
	v7 =	vmax.f32 v7, v10  }
0x85: {  	v15 =	vld [tilespmem:s30+$0xFFFFFFD0];
	p0 =	slt.s32 s29, s28;
	v1 =	vmax.f32 v1, v9  }
0x86: {  	v16 =	vld [tilespmem:s30+$0xFFFFFFE0];
	v8 =	vmax.f32 v8, v11  }
.Ltmp7:
0x87: {  	v10 =	vld [tilespmem:s30+$0xFFFFFFF0];
	v2 =	vmax.f32 v2, v12;
	(pc) =	sbr.rel @p0 .LBB2_4-.Ltmp7, $4  }
0x88: {  	v9 =	vld [tilespmem:s30+$0x0];
	v3 =	vmax.f32 v3, v13  }
0x89: {  	v11 =	vld [tilespmem:s30+$0x10];
	v4 =	vmax.f32 v4, v14  }
0x8a: {  	v5 =	vmax.f32 v5, v15;
	v12 =	vld [tilespmem:s30+$0x20]  }
0x8b: {  	v13 =	vld [tilespmem:s30+$0xFFFFFFC0];
	v6 =	vmax.f32 v6, v16;
	s30 =	sadd.s32 $0x80, s30  }
.LBB2_5:
0x8c: {  	_ =	sdelay $0x2  }
0x8d: {  	v7 =	vmax.f32 v7, v10;
	v1 =	vmax.f32 v1, v9  }
0x8e: {  	v8 =	vmax.f32 v8, v11;
	v2 =	vmax.f32 v2, v12;
	v3 =	vmax.f32 v3, v13  }
.LBB2_6:
0x8f: {  	p0 =	sgt.s32 s12, s23  }
0x90: {  	s28 =	smov.u32 s23;
	p1 =	slt.s32 s13, s25;
	s30 =	smov.u32 s25  }
0x91: {  	[tilespmem:$0x10080] =	vst v3;
	v3 =	vld [tilespmem:$0x10100];
	s28 =	smov.u32 @p0 s12;
	s30 =	smov.u32 @p1 s13  }
0x92: {  	[tilespmem:$0x10090] =	vst v5;
	v5 =	vld [tilespmem:$0x10110];
	s29 =	ssub.s32 s28, s24;
	s28 =	ssub.s32 s30, s24  }
0x93: {  	[tilespmem:$0x100A0] =	vst v6;
	v6 =	vld [tilespmem:$0x10120];
	p0 =	sge.s32 s29, s28  }
.Ltmp8:
0x94: {  	[tilespmem:$0x100B0] =	vst v7;
	v9 =	vld [tilespmem:$0x10130];
	(pc) =	sbr.rel @p0 .LBB2_10-.Ltmp8, $4  }
0x95: {  	v7 =	vld [tilespmem:$0x10140];
	[tilespmem:$0x100C0] =	vst v1  }
0x96: {  	[tilespmem:$0x100D0] =	vst v8;
	v8 =	vld [tilespmem:$0x10150]  }
0x97: {  	v1 =	vld [tilespmem:$0x10160];
	[tilespmem:$0x100E0] =	vst v2  }
0x98: {  	v2 =	vld [tilespmem:$0x10170];
	[tilespmem:$0x100F0] =	vst v4  }
0x99: {  	p0 =	sgt.s32 s12, s21;
	s30 =	smov.u32 s21  }
0x9a: {  	s30 =	smov.u32 @p0 s12  }
0x9b: {  	s30 =	sshll.u32 s30, $0x9  }
0x9c: {  	s30 =	ssub.s32 s30, s26  }
0x9d: {  	s30 =	sshra.s32 s30, $0x2  }
0x9e: {  	s30 =	sadd.s32 $0xC0, s30  }
0x9f: {  	v13 =	vld [tilespmem:s30+$0x30]  }
0xa0: {  	s29 =	sadd.s32 $0x1, s29;
	v14 =	vld [tilespmem:s30+$0xFFFFFFD0]  }
0xa1: {  	p0 =	slt.s32 s29, s28;
	v15 =	vld [tilespmem:s30+$0xFFFFFFE0]  }
.Ltmp9:
0xa2: {  	v10 =	vld [tilespmem:s30+$0xFFFFFFF0];
	(pc) =	sbr.rel @!p0 .LBB2_9-.Ltmp9, $4  }
0xa3: {  	v4 =	vld [tilespmem:s30+$0x0]  }
0xa4: {  	v11 =	vld [tilespmem:s30+$0x10]  }
0xa5: {  	v12 =	vld [tilespmem:s30+$0x20]  }
0xa6: {  	v2 =	vmax.f32 v2, v13;
	v5 =	vmax.f32 v5, v14;
	v13 =	vld [tilespmem:s30+$0xFFFFFFC0];
	v6 =	vmax.f32 v6, v15;
	s30 =	sadd.s32 $0x80, s30  }
.LBB2_8:
0xa7: {  	v14 =	vld [tilespmem:s30+$0x30];
	s29 =	sadd.s32 $0x1, s29;
	v9 =	vmax.f32 v9, v10  }
0xa8: {  	v15 =	vld [tilespmem:s30+$0xFFFFFFD0];
	p0 =	slt.s32 s29, s28;
	v7 =	vmax.f32 v7, v4  }
0xa9: {  	v16 =	vld [tilespmem:s30+$0xFFFFFFE0];
	v8 =	vmax.f32 v8, v11  }
.Ltmp10:
0xaa: {  	v10 =	vld [tilespmem:s30+$0xFFFFFFF0];
	v1 =	vmax.f32 v1, v12;
	(pc) =	sbr.rel @p0 .LBB2_8-.Ltmp10, $4  }
0xab: {  	v4 =	vld [tilespmem:s30+$0x0];
	v3 =	vmax.f32 v3, v13  }
0xac: {  	v11 =	vld [tilespmem:s30+$0x10];
	v2 =	vmax.f32 v2, v14  }
0xad: {  	v5 =	vmax.f32 v5, v15;
	v12 =	vld [tilespmem:s30+$0x20]  }
0xae: {  	v13 =	vld [tilespmem:s30+$0xFFFFFFC0];
	v6 =	vmax.f32 v6, v16;
	s30 =	sadd.s32 $0x80, s30  }
.LBB2_9:
0xaf: {  	_ =	sdelay $0x2  }
0xb0: {  	v9 =	vmax.f32 v9, v10;
	v7 =	vmax.f32 v7, v4  }
0xb1: {  	v8 =	vmax.f32 v8, v11;
	v1 =	vmax.f32 v1, v12;
	v3 =	vmax.f32 v3, v13  }
.LBB2_10:
0xb2: {  	p0 =	sgt.s32 s13, s23  }
0xb3: {  	s28 =	smov.u32 s23;
	p1 =	slt.s32 s14, s25;
	s30 =	smov.u32 s25  }
0xb4: {  	[tilespmem:$0x10100] =	vst v3;
	v3 =	vld [tilespmem:$0x10180];
	s28 =	smov.u32 @p0 s13;
	s30 =	smov.u32 @p1 s14  }
0xb5: {  	[tilespmem:$0x10110] =	vst v5;
	v4 =	vld [tilespmem:$0x10190];
	s29 =	ssub.s32 s28, s24;
	s28 =	ssub.s32 s30, s24  }
0xb6: {  	[tilespmem:$0x10120] =	vst v6;
	v5 =	vld [tilespmem:$0x101A0];
	p0 =	sge.s32 s29, s28  }
.Ltmp11:
0xb7: {  	[tilespmem:$0x10130] =	vst v9;
	v9 =	vld [tilespmem:$0x101B0];
	(pc) =	sbr.rel @p0 .LBB2_14-.Ltmp11, $4  }
0xb8: {  	v6 =	vld [tilespmem:$0x101C0];
	[tilespmem:$0x10140] =	vst v7  }
0xb9: {  	v7 =	vld [tilespmem:$0x101D0];
	[tilespmem:$0x10150] =	vst v8  }
0xba: {  	[tilespmem:$0x10160] =	vst v1;
	v1 =	vld [tilespmem:$0x101E0]  }
0xbb: {  	[tilespmem:$0x10170] =	vst v2;
	v2 =	vld [tilespmem:$0x101F0]  }
0xbc: {  	p0 =	sgt.s32 s13, s21;
	s30 =	smov.u32 s21  }
0xbd: {  	s30 =	smov.u32 @p0 s13  }
0xbe: {  	s30 =	sshll.u32 s30, $0x9  }
0xbf: {  	s30 =	ssub.s32 s30, s26  }
0xc0: {  	s30 =	sshra.s32 s30, $0x2  }
0xc1: {  	s30 =	sadd.s32 $0xC0, s30  }
0xc2: {  	v13 =	vld [tilespmem:s30+$0x30]  }
0xc3: {  	s29 =	sadd.s32 $0x1, s29;
	v14 =	vld [tilespmem:s30+$0xFFFFFFD0]  }
0xc4: {  	p0 =	slt.s32 s29, s28;
	v15 =	vld [tilespmem:s30+$0xFFFFFFE0]  }
.Ltmp12:
0xc5: {  	v10 =	vld [tilespmem:s30+$0xFFFFFFF0];
	(pc) =	sbr.rel @!p0 .LBB2_13-.Ltmp12, $4  }
0xc6: {  	v8 =	vld [tilespmem:s30+$0x0]  }
0xc7: {  	v11 =	vld [tilespmem:s30+$0x10]  }
0xc8: {  	v12 =	vld [tilespmem:s30+$0x20]  }
0xc9: {  	v2 =	vmax.f32 v2, v13;
	v4 =	vmax.f32 v4, v14;
	v13 =	vld [tilespmem:s30+$0xFFFFFFC0];
	v5 =	vmax.f32 v5, v15;
	s30 =	sadd.s32 $0x80, s30  }
.LBB2_12:
0xca: {  	v14 =	vld [tilespmem:s30+$0x30];
	s29 =	sadd.s32 $0x1, s29;
	v9 =	vmax.f32 v9, v10  }
0xcb: {  	v15 =	vld [tilespmem:s30+$0xFFFFFFD0];
	p0 =	slt.s32 s29, s28;
	v6 =	vmax.f32 v6, v8  }
0xcc: {  	v16 =	vld [tilespmem:s30+$0xFFFFFFE0];
	v7 =	vmax.f32 v7, v11  }
.Ltmp13:
0xcd: {  	v10 =	vld [tilespmem:s30+$0xFFFFFFF0];
	v1 =	vmax.f32 v1, v12;
	(pc) =	sbr.rel @p0 .LBB2_12-.Ltmp13, $4  }
0xce: {  	v8 =	vld [tilespmem:s30+$0x0];
	v3 =	vmax.f32 v3, v13  }
0xcf: {  	v11 =	vld [tilespmem:s30+$0x10];
	v2 =	vmax.f32 v2, v14  }
0xd0: {  	v4 =	vmax.f32 v4, v15;
	v12 =	vld [tilespmem:s30+$0x20]  }
0xd1: {  	v13 =	vld [tilespmem:s30+$0xFFFFFFC0];
	v5 =	vmax.f32 v5, v16;
	s30 =	sadd.s32 $0x80, s30  }
.LBB2_13:
0xd2: {  	_ =	sdelay $0x2  }
0xd3: {  	v9 =	vmax.f32 v9, v10;
	v6 =	vmax.f32 v6, v8  }
0xd4: {  	v7 =	vmax.f32 v7, v11;
	v1 =	vmax.f32 v1, v12;
	v3 =	vmax.f32 v3, v13  }
.LBB2_14:
0xd5: {  	p0 =	sgt.s32 s14, s23  }
0xd6: {  	s28 =	smov.u32 s23;
	p1 =	slt.s32 s15, s25;
	s30 =	smov.u32 s25  }
0xd7: {  	[tilespmem:$0x10180] =	vst v3;
	v3 =	vld [tilespmem:$0x10200];
	s28 =	smov.u32 @p0 s14;
	s30 =	smov.u32 @p1 s15  }
0xd8: {  	[tilespmem:$0x10190] =	vst v4;
	v4 =	vld [tilespmem:$0x10210];
	s29 =	ssub.s32 s28, s24;
	s28 =	ssub.s32 s30, s24  }
0xd9: {  	[tilespmem:$0x101A0] =	vst v5;
	v5 =	vld [tilespmem:$0x10220];
	p0 =	sge.s32 s29, s28  }
.Ltmp14:
0xda: {  	[tilespmem:$0x101B0] =	vst v9;
	v8 =	vld [tilespmem:$0x10230];
	(pc) =	sbr.rel @p0 .LBB2_18-.Ltmp14, $4  }
0xdb: {  	[tilespmem:$0x101C0] =	vst v6;
	v6 =	vld [tilespmem:$0x10240]  }
0xdc: {  	[tilespmem:$0x101D0] =	vst v7;
	v7 =	vld [tilespmem:$0x10250]  }
0xdd: {  	[tilespmem:$0x101E0] =	vst v1;
	v1 =	vld [tilespmem:$0x10260]  }
0xde: {  	[tilespmem:$0x101F0] =	vst v2;
	v2 =	vld [tilespmem:$0x10270]  }
0xdf: {  	p0 =	sgt.s32 s14, s21;
	s30 =	smov.u32 s21  }
0xe0: {  	s30 =	smov.u32 @p0 s14  }
0xe1: {  	s30 =	sshll.u32 s30, $0x9  }
0xe2: {  	s30 =	ssub.s32 s30, s26  }
0xe3: {  	s30 =	sshra.s32 s30, $0x2  }
0xe4: {  	s30 =	sadd.s32 $0xC0, s30  }
0xe5: {  	v13 =	vld [tilespmem:s30+$0x30]  }
0xe6: {  	s29 =	sadd.s32 $0x1, s29;
	v14 =	vld [tilespmem:s30+$0xFFFFFFD0]  }
0xe7: {  	p0 =	slt.s32 s29, s28;
	v15 =	vld [tilespmem:s30+$0xFFFFFFE0]  }
.Ltmp15:
0xe8: {  	v10 =	vld [tilespmem:s30+$0xFFFFFFF0];
	(pc) =	sbr.rel @!p0 .LBB2_17-.Ltmp15, $4  }
0xe9: {  	v9 =	vld [tilespmem:s30+$0x0]  }
0xea: {  	v11 =	vld [tilespmem:s30+$0x10]  }
0xeb: {  	v12 =	vld [tilespmem:s30+$0x20]  }
0xec: {  	v2 =	vmax.f32 v2, v13;
	v4 =	vmax.f32 v4, v14;
	v13 =	vld [tilespmem:s30+$0xFFFFFFC0];
	v5 =	vmax.f32 v5, v15;
	s30 =	sadd.s32 $0x80, s30  }
.LBB2_16:
0xed: {  	v14 =	vld [tilespmem:s30+$0x30];
	s29 =	sadd.s32 $0x1, s29;
	v8 =	vmax.f32 v8, v10  }
0xee: {  	v15 =	vld [tilespmem:s30+$0xFFFFFFD0];
	p0 =	slt.s32 s29, s28;
	v6 =	vmax.f32 v6, v9  }
0xef: {  	v16 =	vld [tilespmem:s30+$0xFFFFFFE0];
	v7 =	vmax.f32 v7, v11  }
.Ltmp16:
0xf0: {  	v10 =	vld [tilespmem:s30+$0xFFFFFFF0];
	v1 =	vmax.f32 v1, v12;
	(pc) =	sbr.rel @p0 .LBB2_16-.Ltmp16, $4  }
0xf1: {  	v9 =	vld [tilespmem:s30+$0x0];
	v3 =	vmax.f32 v3, v13  }
0xf2: {  	v11 =	vld [tilespmem:s30+$0x10];
	v2 =	vmax.f32 v2, v14  }
0xf3: {  	v4 =	vmax.f32 v4, v15;
	v12 =	vld [tilespmem:s30+$0x20]  }
0xf4: {  	v13 =	vld [tilespmem:s30+$0xFFFFFFC0];
	v5 =	vmax.f32 v5, v16;
	s30 =	sadd.s32 $0x80, s30  }
.LBB2_17:
0xf5: {  	_ =	sdelay $0x2  }
0xf6: {  	v8 =	vmax.f32 v8, v10;
	v6 =	vmax.f32 v6, v9  }
0xf7: {  	v7 =	vmax.f32 v7, v11;
	v1 =	vmax.f32 v1, v12;
	v3 =	vmax.f32 v3, v13  }
.LBB2_18:
0xf8: {  	p0 =	sgt.s32 s15, s23  }
0xf9: {  	s28 =	smov.u32 s23;
	p1 =	slt.s32 s16, s25;
	s30 =	smov.u32 s25  }
0xfa: {  	[tilespmem:$0x10200] =	vst v3;
	v3 =	vld [tilespmem:$0x10280];
	s28 =	smov.u32 @p0 s15;
	s30 =	smov.u32 @p1 s16  }
0xfb: {  	[tilespmem:$0x10210] =	vst v4;
	v4 =	vld [tilespmem:$0x10290];
	s29 =	ssub.s32 s28, s24;
	s28 =	ssub.s32 s30, s24  }
0xfc: {  	[tilespmem:$0x10220] =	vst v5;
	v5 =	vld [tilespmem:$0x102A0];
	p0 =	sge.s32 s29, s28  }
.Ltmp17:
0xfd: {  	[tilespmem:$0x10230] =	vst v8;
	v8 =	vld [tilespmem:$0x102B0];
	(pc) =	sbr.rel @p0 .LBB2_22-.Ltmp17, $4  }
0xfe: {  	[tilespmem:$0x10240] =	vst v6;
	v6 =	vld [tilespmem:$0x102C0]  }
0xff: {  	[tilespmem:$0x10250] =	vst v7;
	v7 =	vld [tilespmem:$0x102D0]  }
0x100: {  	[tilespmem:$0x10260] =	vst v1;
	v1 =	vld [tilespmem:$0x102E0]  }
0x101: {  	[tilespmem:$0x10270] =	vst v2;
	v2 =	vld [tilespmem:$0x102F0]  }
0x102: {  	p0 =	sgt.s32 s15, s21;
	s30 =	smov.u32 s21  }
0x103: {  	s30 =	smov.u32 @p0 s15  }
0x104: {  	s30 =	sshll.u32 s30, $0x9  }
0x105: {  	s30 =	ssub.s32 s30, s26  }
0x106: {  	s30 =	sshra.s32 s30, $0x2  }
0x107: {  	s30 =	sadd.s32 $0xC0, s30  }
0x108: {  	v13 =	vld [tilespmem:s30+$0x30]  }
0x109: {  	s29 =	sadd.s32 $0x1, s29;
	v14 =	vld [tilespmem:s30+$0xFFFFFFD0]  }
0x10a: {  	p0 =	slt.s32 s29, s28;
	v15 =	vld [tilespmem:s30+$0xFFFFFFE0]  }
.Ltmp18:
0x10b: {  	v10 =	vld [tilespmem:s30+$0xFFFFFFF0];
	(pc) =	sbr.rel @!p0 .LBB2_21-.Ltmp18, $4  }
0x10c: {  	v9 =	vld [tilespmem:s30+$0x0]  }
0x10d: {  	v11 =	vld [tilespmem:s30+$0x10]  }
0x10e: {  	v12 =	vld [tilespmem:s30+$0x20]  }
0x10f: {  	v2 =	vmax.f32 v2, v13;
	v4 =	vmax.f32 v4, v14;
	v13 =	vld [tilespmem:s30+$0xFFFFFFC0];
	v5 =	vmax.f32 v5, v15;
	s30 =	sadd.s32 $0x80, s30  }
.LBB2_20:
0x110: {  	v14 =	vld [tilespmem:s30+$0x30];
	s29 =	sadd.s32 $0x1, s29;
	v8 =	vmax.f32 v8, v10  }
0x111: {  	v15 =	vld [tilespmem:s30+$0xFFFFFFD0];
	p0 =	slt.s32 s29, s28;
	v6 =	vmax.f32 v6, v9  }
0x112: {  	v16 =	vld [tilespmem:s30+$0xFFFFFFE0];
	v7 =	vmax.f32 v7, v11  }
.Ltmp19:
0x113: {  	v10 =	vld [tilespmem:s30+$0xFFFFFFF0];
	v1 =	vmax.f32 v1, v12;
	(pc) =	sbr.rel @p0 .LBB2_20-.Ltmp19, $4  }
0x114: {  	v9 =	vld [tilespmem:s30+$0x0];
	v3 =	vmax.f32 v3, v13  }
0x115: {  	v11 =	vld [tilespmem:s30+$0x10];
	v2 =	vmax.f32 v2, v14  }
0x116: {  	v4 =	vmax.f32 v4, v15;
	v12 =	vld [tilespmem:s30+$0x20]  }
0x117: {  	v13 =	vld [tilespmem:s30+$0xFFFFFFC0];
	v5 =	vmax.f32 v5, v16;
	s30 =	sadd.s32 $0x80, s30  }
.LBB2_21:
0x118: {  	_ =	sdelay $0x2  }
0x119: {  	v8 =	vmax.f32 v8, v10;
	v6 =	vmax.f32 v6, v9  }
0x11a: {  	v7 =	vmax.f32 v7, v11;
	v1 =	vmax.f32 v1, v12;
	v3 =	vmax.f32 v3, v13  }
.LBB2_22:
0x11b: {  	p0 =	sgt.s32 s16, s23  }
0x11c: {  	s28 =	smov.u32 s23;
	p1 =	slt.s32 s17, s25;
	s30 =	smov.u32 s25  }
0x11d: {  	[tilespmem:$0x10280] =	vst v3;
	v3 =	vld [tilespmem:$0x10300];
	s28 =	smov.u32 @p0 s16;
	s30 =	smov.u32 @p1 s17  }
0x11e: {  	[tilespmem:$0x10290] =	vst v4;
	v4 =	vld [tilespmem:$0x10310];
	s29 =	ssub.s32 s28, s24;
	s28 =	ssub.s32 s30, s24  }
0x11f: {  	[tilespmem:$0x102A0] =	vst v5;
	v5 =	vld [tilespmem:$0x10320];
	p0 =	sge.s32 s29, s28  }
.Ltmp20:
0x120: {  	[tilespmem:$0x102B0] =	vst v8;
	v8 =	vld [tilespmem:$0x10330];
	(pc) =	sbr.rel @p0 .LBB2_26-.Ltmp20, $4  }
0x121: {  	[tilespmem:$0x102C0] =	vst v6;
	v6 =	vld [tilespmem:$0x10340]  }
0x122: {  	[tilespmem:$0x102D0] =	vst v7;
	v7 =	vld [tilespmem:$0x10350]  }
0x123: {  	[tilespmem:$0x102E0] =	vst v1;
	v1 =	vld [tilespmem:$0x10360]  }
0x124: {  	[tilespmem:$0x102F0] =	vst v2;
	v2 =	vld [tilespmem:$0x10370]  }
0x125: {  	p0 =	sgt.s32 s16, s21;
	s30 =	smov.u32 s21  }
0x126: {  	s30 =	smov.u32 @p0 s16  }
0x127: {  	s30 =	sshll.u32 s30, $0x9  }
0x128: {  	s30 =	ssub.s32 s30, s26  }
0x129: {  	s30 =	sshra.s32 s30, $0x2  }
0x12a: {  	s30 =	sadd.s32 $0xC0, s30  }
0x12b: {  	v13 =	vld [tilespmem:s30+$0x30]  }
0x12c: {  	s29 =	sadd.s32 $0x1, s29;
	v14 =	vld [tilespmem:s30+$0xFFFFFFD0]  }
0x12d: {  	p0 =	slt.s32 s29, s28;
	v15 =	vld [tilespmem:s30+$0xFFFFFFE0]  }
.Ltmp21:
0x12e: {  	v10 =	vld [tilespmem:s30+$0xFFFFFFF0];
	(pc) =	sbr.rel @!p0 .LBB2_25-.Ltmp21, $4  }
0x12f: {  	v9 =	vld [tilespmem:s30+$0x0]  }
0x130: {  	v11 =	vld [tilespmem:s30+$0x10]  }
0x131: {  	v12 =	vld [tilespmem:s30+$0x20]  }
0x132: {  	v2 =	vmax.f32 v2, v13;
	v4 =	vmax.f32 v4, v14;
	v13 =	vld [tilespmem:s30+$0xFFFFFFC0];
	v5 =	vmax.f32 v5, v15;
	s30 =	sadd.s32 $0x80, s30  }
.LBB2_24:
0x133: {  	v14 =	vld [tilespmem:s30+$0x30];
	s29 =	sadd.s32 $0x1, s29;
	v8 =	vmax.f32 v8, v10  }
0x134: {  	v15 =	vld [tilespmem:s30+$0xFFFFFFD0];
	p0 =	slt.s32 s29, s28;
	v6 =	vmax.f32 v6, v9  }
0x135: {  	v16 =	vld [tilespmem:s30+$0xFFFFFFE0];
	v7 =	vmax.f32 v7, v11  }
.Ltmp22:
0x136: {  	v10 =	vld [tilespmem:s30+$0xFFFFFFF0];
	v1 =	vmax.f32 v1, v12;
	(pc) =	sbr.rel @p0 .LBB2_24-.Ltmp22, $4  }
0x137: {  	v9 =	vld [tilespmem:s30+$0x0];
	v3 =	vmax.f32 v3, v13  }
0x138: {  	v11 =	vld [tilespmem:s30+$0x10];
	v2 =	vmax.f32 v2, v14  }
0x139: {  	v4 =	vmax.f32 v4, v15;
	v12 =	vld [tilespmem:s30+$0x20]  }
0x13a: {  	v13 =	vld [tilespmem:s30+$0xFFFFFFC0];
	v5 =	vmax.f32 v5, v16;
	s30 =	sadd.s32 $0x80, s30  }
.LBB2_25:
0x13b: {  	_ =	sdelay $0x2  }
0x13c: {  	v8 =	vmax.f32 v8, v10;
	v6 =	vmax.f32 v6, v9  }
0x13d: {  	v7 =	vmax.f32 v7, v11;
	v1 =	vmax.f32 v1, v12;
	v3 =	vmax.f32 v3, v13  }
.LBB2_26:
0x13e: {  	p0 =	sgt.s32 s17, s23  }
0x13f: {  	s28 =	smov.u32 s23;
	p1 =	slt.s32 s18, s25;
	s30 =	smov.u32 s25  }
0x140: {  	[tilespmem:$0x10300] =	vst v3;
	v3 =	vld [tilespmem:$0x10380];
	s28 =	smov.u32 @p0 s17;
	s30 =	smov.u32 @p1 s18  }
0x141: {  	[tilespmem:$0x10310] =	vst v4;
	v4 =	vld [tilespmem:$0x10390];
	s29 =	ssub.s32 s28, s24;
	s28 =	ssub.s32 s30, s24  }
0x142: {  	[tilespmem:$0x10320] =	vst v5;
	v5 =	vld [tilespmem:$0x103A0];
	p0 =	sge.s32 s29, s28  }
.Ltmp23:
0x143: {  	[tilespmem:$0x10330] =	vst v8;
	v8 =	vld [tilespmem:$0x103B0];
	(pc) =	sbr.rel @p0 .LBB2_30-.Ltmp23, $4  }
0x144: {  	[tilespmem:$0x10340] =	vst v6;
	v6 =	vld [tilespmem:$0x103C0]  }
0x145: {  	[tilespmem:$0x10350] =	vst v7;
	v7 =	vld [tilespmem:$0x103D0]  }
0x146: {  	[tilespmem:$0x10360] =	vst v1;
	v1 =	vld [tilespmem:$0x103E0]  }
0x147: {  	[tilespmem:$0x10370] =	vst v2;
	v2 =	vld [tilespmem:$0x103F0]  }
0x148: {  	p0 =	sgt.s32 s17, s21;
	s30 =	smov.u32 s21  }
0x149: {  	s30 =	smov.u32 @p0 s17  }
0x14a: {  	s30 =	sshll.u32 s30, $0x9  }
0x14b: {  	s30 =	ssub.s32 s30, s26  }
0x14c: {  	s30 =	sshra.s32 s30, $0x2  }
0x14d: {  	s30 =	sadd.s32 $0xC0, s30  }
0x14e: {  	v13 =	vld [tilespmem:s30+$0x30]  }
0x14f: {  	s29 =	sadd.s32 $0x1, s29;
	v14 =	vld [tilespmem:s30+$0xFFFFFFD0]  }
0x150: {  	p0 =	slt.s32 s29, s28;
	v15 =	vld [tilespmem:s30+$0xFFFFFFE0]  }
.Ltmp24:
0x151: {  	v10 =	vld [tilespmem:s30+$0xFFFFFFF0];
	(pc) =	sbr.rel @!p0 .LBB2_29-.Ltmp24, $4  }
0x152: {  	v9 =	vld [tilespmem:s30+$0x0]  }
0x153: {  	v11 =	vld [tilespmem:s30+$0x10]  }
0x154: {  	v12 =	vld [tilespmem:s30+$0x20]  }
0x155: {  	v2 =	vmax.f32 v2, v13;
	v4 =	vmax.f32 v4, v14;
	v13 =	vld [tilespmem:s30+$0xFFFFFFC0];
	v5 =	vmax.f32 v5, v15;
	s30 =	sadd.s32 $0x80, s30  }
.LBB2_28:
0x156: {  	v14 =	vld [tilespmem:s30+$0x30];
	s29 =	sadd.s32 $0x1, s29;
	v8 =	vmax.f32 v8, v10  }
0x157: {  	v15 =	vld [tilespmem:s30+$0xFFFFFFD0];
	p0 =	slt.s32 s29, s28;
	v6 =	vmax.f32 v6, v9  }
0x158: {  	v16 =	vld [tilespmem:s30+$0xFFFFFFE0];
	v7 =	vmax.f32 v7, v11  }
.Ltmp25:
0x159: {  	v10 =	vld [tilespmem:s30+$0xFFFFFFF0];
	v1 =	vmax.f32 v1, v12;
	(pc) =	sbr.rel @p0 .LBB2_28-.Ltmp25, $4  }
0x15a: {  	v9 =	vld [tilespmem:s30+$0x0];
	v3 =	vmax.f32 v3, v13  }
0x15b: {  	v11 =	vld [tilespmem:s30+$0x10];
	v2 =	vmax.f32 v2, v14  }
0x15c: {  	v4 =	vmax.f32 v4, v15;
	v12 =	vld [tilespmem:s30+$0x20]  }
0x15d: {  	v13 =	vld [tilespmem:s30+$0xFFFFFFC0];
	v5 =	vmax.f32 v5, v16;
	s30 =	sadd.s32 $0x80, s30  }
.LBB2_29:
0x15e: {  	_ =	sdelay $0x2  }
0x15f: {  	v8 =	vmax.f32 v8, v10;
	v6 =	vmax.f32 v6, v9  }
0x160: {  	v7 =	vmax.f32 v7, v11;
	v1 =	vmax.f32 v1, v12;
	v3 =	vmax.f32 v3, v13  }
.LBB2_30:
0x161: {  	p0 =	sgt.s32 s18, s23  }
0x162: {  	[tilespmem:$0x10380] =	vst v3;
	v3 =	vld [tilespmem:$0x10400];
	s23 =	smov.u32 @p0 s18  }
0x163: {  	[tilespmem:$0x10390] =	vst v4;
	v4 =	vld [tilespmem:$0x10410];
	s28 =	ssub.s32 s23, s24;
	s23 =	ssub.s32 s25, s24  }
0x164: {  	[tilespmem:$0x103A0] =	vst v5;
	v5 =	vld [tilespmem:$0x10420];
	p0 =	sge.s32 s28, s23  }
.Ltmp26:
0x165: {  	[tilespmem:$0x103B0] =	vst v8;
	v8 =	vld [tilespmem:$0x10430];
	(pc) =	sbr.rel @p0 .LBB2_34-.Ltmp26, $4  }
0x166: {  	[tilespmem:$0x103C0] =	vst v6;
	v6 =	vld [tilespmem:$0x10440]  }
0x167: {  	[tilespmem:$0x103D0] =	vst v7;
	v7 =	vld [tilespmem:$0x10450]  }
0x168: {  	[tilespmem:$0x103E0] =	vst v1;
	v1 =	vld [tilespmem:$0x10460]  }
0x169: {  	[tilespmem:$0x103F0] =	vst v2;
	v2 =	vld [tilespmem:$0x10470]  }
0x16a: {  	p0 =	sgt.s32 s18, s21;
	s24 =	smov.u32 s21  }
0x16b: {  	s24 =	smov.u32 @p0 s18  }
0x16c: {  	s24 =	sshll.u32 s24, $0x9  }
0x16d: {  	s24 =	ssub.s32 s24, s26  }
0x16e: {  	s24 =	sshra.s32 s24, $0x2  }
0x16f: {  	s25 =	sadd.s32 $0xC0, s24  }
0x170: {  	v13 =	vld [tilespmem:s25+$0x30]  }
0x171: {  	v14 =	vld [tilespmem:s25+$0xFFFFFFD0]  }
0x172: {  	v15 =	vld [tilespmem:s25+$0xFFFFFFE0]  }
0x173: {  	v10 =	vld [tilespmem:s25+$0xFFFFFFF0]  }
0x174: {  	s24 =	sadd.s32 $0x1, s28;
	v9 =	vld [tilespmem:s25+$0x0]  }
0x175: {  	v11 =	vld [tilespmem:s25+$0x10];
	p0 =	slt.s32 s24, s23  }
.Ltmp27:
0x176: {  	v12 =	vld [tilespmem:s25+$0x20];
	(pc) =	sbr.rel @!p0 .LBB2_33-.Ltmp27, $2  }
0x177: {  	v2 =	vmax.f32 v2, v13;
	v13 =	vld [tilespmem:s25+$0xFFFFFFC0];
	_ =	sdelay $0x2  }
0x178: {  	v4 =	vmax.f32 v4, v14;
	v5 =	vmax.f32 v5, v15;
	s25 =	sadd.s32 $0x80, s25  }
.LBB2_32:
0x179: {  	v14 =	vld [tilespmem:s25+$0x30];
	s24 =	sadd.s32 $0x1, s24;
	v8 =	vmax.f32 v8, v10  }
0x17a: {  	v6 =	vmax.f32 v6, v9;
	v15 =	vld [tilespmem:s25+$0xFFFFFFD0];
	p0 =	slt.s32 s24, s23  }
0x17b: {  	v7 =	vmax.f32 v7, v11;
	v16 =	vld [tilespmem:s25+$0xFFFFFFE0]  }
.Ltmp28:
0x17c: {  	v1 =	vmax.f32 v1, v12;
	v10 =	vld [tilespmem:s25+$0xFFFFFFF0];
	(pc) =	sbr.rel @p0 .LBB2_32-.Ltmp28, $4  }
0x17d: {  	v3 =	vmax.f32 v3, v13;
	v9 =	vld [tilespmem:s25+$0x0]  }
0x17e: {  	v11 =	vld [tilespmem:s25+$0x10];
	v2 =	vmax.f32 v2, v14  }
0x17f: {  	v4 =	vmax.f32 v4, v15;
	v12 =	vld [tilespmem:s25+$0x20]  }
0x180: {  	v13 =	vld [tilespmem:s25+$0xFFFFFFC0];
	v5 =	vmax.f32 v5, v16;
	s25 =	sadd.s32 $0x80, s25  }
.Ltmp29:
0x181: {  	_ = 	snop;
	(pc) =	sbr.rel .LBB2_33-.Ltmp29, $1  }
0x182: {  	_ =	sdelay $0x3  }
.LBB2_36:
0x183: {  	_ =	sfence.sel $0x180000  }
0x184: {  	[bflag:$0x0] =	sbarrier.arrive $0xFFFF  }
0x185: {  	p0 =	sne.s32 s2, $0x0;
	_ =	strace $0x90000047  }
0x186: {  	s0 =	sadd.s32 @!p0 $0x100000, s0;
	[bflag:$0x2] =	sbarrier.arrive $0xFFFF  }
0x187: {  	[sflag:s0] =	ssyncadd.tile.s32 @!p0 $0x1;
	_ =	shalt  }
.Lfunc_end2:
_tile_overlayer_lowered:
.L_overlay_start_2:
0x188: {  	(tag) =	ssettag $0x2  }
0x189: {  	s0 =	rddreg [dreg:$0x0];
	s2 =	stileid.u32  }
0x18a: {  	s1 =	rddreg [dreg:$0x1];
	p0 =	sne.s32 s2, $0x0  }
0x18b: {  	s3 =	rddreg [dreg:$0x2];
	[bflag:$0x3] =	sbarrier.arrive $0xFFFF;
	s2 =	simm.s32 @!p0 $0x1C01  }
0x18c: {  	[timem:s3], [sflag:s2] =	dma.local @!p0 [hbm:s0], s1  }
0x18d: {  	s0 =	simm.s32 @!p0 $0x1  }
0x18e: {  	_ =	swait.ge @!p0 [sflag:s0], s1  }
0x18f: {  	s1 =	ssub.s32 @!p0 $0x0, s1;
	[sflag:s0] =	ssyncset.done @!p0 $0x0  }
0x190: {  	[sflag:s0] =	ssyncadd.s32 @!p0 s1  }
0x191: {  	[bflag:$0x3] =	sbarrier.arrive $0xFFFF  }
0x192: {  	_ =	shalt  }

</sc_bundles>
